<compile_context>
chip_gen: v7x
topology: tpu7x:2x2x1
jax: 0.10.2.dev20260603
libtpu: 0.0.44.dev20260713+nightly
codegen_flags: <defaults>
</compile_context>

<pallas_src>
import functools

import jax
import jax.numpy as jnp
from jax import lax
from jax.experimental import pallas as pl
from jax.experimental.pallas import tpu as pltpu
from jax.experimental.pallas import tpu_sc as plsc

NP_, NU_, NB_, NC_, NS_ = 50000, 20000, 2000, 500, 5000
N_ = NP_ + NU_ + NB_ + NC_ + NS_
NE_ = NU_ + NB_ + NC_ + NS_
NEPAD = 27504
H_, OUT_, DIN_ = 64, 32, 384

E_REAL = 470000
NMAC = 115
MAC = 256
EPT = NMAC * MAC
E_SIDE = 16 * EPT
ACC_ROWS = 50176
TRASH = 50000
ROWS_PT = ACC_ROWS // 16
ZROWS = 56
NM_ALL = 2 * 16 * NMAC

_MESH = plsc.VectorSubcoreMesh(
    core_axis_name="c", subcore_axis_name="s", num_cores=2, num_subcores=16)
_SDS = jax.ShapeDtypeStruct



def _zero_zbuf(zbuf):
    def zrow(i, _):
        zbuf[i, pl.ds(0, 16)] = jnp.zeros((16,), jnp.float32)
        zbuf[i, pl.ds(16, 16)] = jnp.zeros((16,), jnp.float32)
        return 0
    lax.fori_loop(0, ZROWS, zrow, 0)


def _zero_acc(acc, zbuf, s):
    def zblk(k, _):
        pltpu.sync_copy(zbuf, acc.at[pl.ds(s * ROWS_PT + k * ZROWS, ZROWS)])
        return 0
    lax.fori_loop(0, ROWS_PT // ZROWS, zblk, 0)


def _drain(acc, outP, outE, c, s):
    @pl.when((c == 0) & (s < 15))
    def _():
        pltpu.sync_copy(acc.at[pl.ds(s * 3128, 3128)],
                        outP.at[pl.ds(s * 3128, 3128)])

    @pl.when((c == 0) & (s == 15))
    def _():
        pltpu.sync_copy(acc.at[pl.ds(15 * 3128, 3080)],
                        outP.at[pl.ds(15 * 3128, 3080)])

    @pl.when((c == 1) & (s < 15))
    def _():
        pltpu.sync_copy(acc.at[pl.ds(s * 1720, 1720)],
                        outE.at[pl.ds(s * 1720, 1720)])

    @pl.when((c == 1) & (s == 15))
    def _():
        pltpu.sync_copy(acc.at[pl.ds(15 * 1720, 1704)],
                        outE.at[pl.ds(15 * 1720, 1704)])


def _make_segsum():
    scratch = [
        pltpu.VMEM((2, 2, 128), jnp.int32),
        pltpu.VMEM((2, 2, 128), jnp.int32),
        pltpu.VMEM((2, 2, 128), jnp.int32),
        pltpu.VMEM((2, 128, 32), jnp.float32),
        pltpu.VMEM((2, 128, 32), jnp.float32),
        pltpu.VMEM((2, 128, 32), jnp.float32),
        pltpu.VMEM_SHARED((ACC_ROWS, 32), jnp.float32),
        pltpu.VMEM((ZROWS, 32), jnp.float32),
        pltpu.SemaphoreType.DMA,
        pltpu.SemaphoreType.DMA,
        pltpu.SemaphoreType.DMA,
    ]

    def body(tableP, tableE, esrc, edst, zd, outP, outE, mbuf0, mbuf1,
             mbuf2, rows0, rows1, rows2, acc, zbuf, isem, gsem, ssem):
        c = lax.axis_index("c")
        s = lax.axis_index("s")
        mbufs = (mbuf0, mbuf1, mbuf2)
        rows = (rows0, rows1, rows2)
        _zero_zbuf(zbuf)
        _zero_acc(acc, zbuf, s)
        plsc.subcore_barrier()
        mbase = (c * 16 + s) * NMAC
        pltpu.sync_copy(esrc.at[mbase], mbuf0.at[0])
        pltpu.sync_copy(edst.at[mbase], mbuf0.at[1])

        def step(g, p):
            mb, rw = mbufs[p], rows[p]
            omb, orw = mbufs[(p + 2) % 3], rows[(p + 2) % 3]

            @pl.when(g >= 2)
            def _():
                pltpu.make_async_copy(zd, rows[(p + 1) % 3], ssem).wait()

            @pl.when(g >= 1)
            def _():
                pltpu.make_async_copy(esrc.at[0], mb.at[0], isem).wait()
                pltpu.make_async_copy(edst.at[0], mb.at[1], isem).wait()

            @pl.when(g < NMAC - 1)
            def _():
                pltpu.async_copy(esrc.at[mbase + g + 1],
                                 mbufs[(p + 1) % 3].at[0], isem)
                pltpu.async_copy(edst.at[mbase + g + 1],
                                 mbufs[(p + 1) % 3].at[1], isem)

            @pl.when(c == 0)
            def _():
                for j in range(2):
                    pltpu.async_copy(tableE.at[mb.at[0, j]], rw.at[j], gsem)

            @pl.when(c == 1)
            def _():
                for j in range(2):
                    pltpu.async_copy(tableP.at[mb.at[0, j]], rw.at[j], gsem)

            @pl.when(g >= 1)
            def _():
                pltpu.make_async_copy(zd, orw, gsem).wait()
                for j in range(2):
                    pltpu.async_copy(orw.at[j], acc.at[omb.at[1, j]],
                                     ssem, add=True)

        def chunk(g, _):
            for p in range(3):
                @pl.when(g % 3 == p)
                def _(p=p):
                    step(g, p)
            return 0

        lax.fori_loop(0, NMAC, chunk, 0)
        pltpu.make_async_copy(zd, rows0, gsem).wait()
        for j in range(2):
            pltpu.async_copy(rows0.at[j], acc.at[mbuf0.at[1, j]], ssem,
                             add=True)
        pltpu.make_async_copy(zd, rows2, ssem).wait()
        pltpu.make_async_copy(zd, rows0, ssem).wait()
        plsc.subcore_barrier()
        _drain(acc, outP, outE, c, s)

    return pl.kernel(
        body,
        out_type=(_SDS((NP_, 32), jnp.float32),
                  _SDS((NEPAD, 32), jnp.float32)),
        mesh=_MESH,
        compiler_params=pltpu.CompilerParams(use_tc_tiling_on_sc=False),
        scratch_types=scratch,
    )


def _make_degree():
    scratch = [
        pltpu.VMEM((2, 128), jnp.int32),
        pltpu.VMEM((2, 128), jnp.int32),
        pltpu.VMEM((2, 128, 16), jnp.float32),
        pltpu.VMEM_SHARED((ACC_ROWS, 16), jnp.float32),
        pltpu.VMEM((ZROWS, 16), jnp.float32),
        pltpu.SemaphoreType.DMA,
    ]

    def body(edst, zd16, outP, outE, dbufA, dbufB, ones16, acc, zbuf16,
             dsem):
        c = lax.axis_index("c")
        s = lax.axis_index("s")

        def zrow(i, _):
            zbuf16[i, pl.ds(0, 16)] = jnp.zeros((16,), jnp.float32)
            return 0
        lax.fori_loop(0, ZROWS, zrow, 0)

        def orow(i, _):
            ones16[i // 128, i % 128, pl.ds(0, 16)] = \
                jnp.ones((16,), jnp.float32)
            return 0
        lax.fori_loop(0, 256, orow, 0)
        _zero_acc(acc, zbuf16, s)
        plsc.subcore_barrier()
        mbase = (c * 16 + s) * NMAC

        def step(g, dbuf):
            @pl.when(g >= 2)
            def _():
                pltpu.make_async_copy(zd16, ones16, dsem).wait()

            pltpu.sync_copy(edst.at[mbase + g], dbuf)
            for j in range(2):
                pltpu.async_copy(ones16.at[j], acc.at[dbuf.at[j]], dsem,
                                 add=True)

        def chunk(g, _):
            @pl.when(g % 2 == 0)
            def _():
                step(g, dbufA)

            @pl.when(g % 2 == 1)
            def _():
                step(g, dbufB)
            return 0

        lax.fori_loop(0, NMAC, chunk, 0)
        pltpu.make_async_copy(zd16, ones16, dsem).wait()
        pltpu.make_async_copy(zd16, ones16, dsem).wait()
        plsc.subcore_barrier()
        _drain(acc, outP, outE, c, s)

    return pl.kernel(
        body,
        out_type=(_SDS((NP_, 16), jnp.float32),
                  _SDS((NEPAD, 16), jnp.float32)),
        mesh=_MESH,
        compiler_params=pltpu.CompilerParams(use_tc_tiling_on_sc=False),
        scratch_types=scratch,
    )


_segsum = _make_segsum()
_sc_degree = _make_degree()



def _k1_body(xp, wp, bp, out):
    out[...] = jax.nn.relu(
        jnp.dot(xp[...], wp[...], preferred_element_type=jnp.float32)
        + bp[...])


def _tc_prod(x_product, Wp, bp):
    R, G = 2000, 25
    return pl.pallas_call(
        _k1_body,
        grid=(G,),
        in_specs=[
            pl.BlockSpec((R, DIN_), lambda i: (i, 0)),
            pl.BlockSpec((DIN_, H_), lambda i: (0, 0)),
            pl.BlockSpec((1, H_), lambda i: (0, 0)),
        ],
        out_specs=pl.BlockSpec((R, H_), lambda i: (i, 0)),
        out_shape=_SDS((NP_, H_), jnp.float32),
    )(x_product, Wp, bp.reshape(1, H_))


def _k2_body(x, w1l, w1r, b1, outa, outb, outr):
    xb = x[...]
    xl = jnp.dot(xb, w1l[...], preferred_element_type=jnp.float32)
    outa[...] = xl[:, :32]
    outb[...] = xl[:, 32:]
    outr[...] = jnp.dot(xb, w1r[...], preferred_element_type=jnp.float32) \
        + b1[...]


def _tc_lin1(x, W1l, W1r, b1, R, G):
    n = R * G
    return pl.pallas_call(
        _k2_body,
        grid=(G,),
        in_specs=[
            pl.BlockSpec((R, H_), lambda i: (i, 0)),
            pl.BlockSpec((H_, H_), lambda i: (0, 0)),
            pl.BlockSpec((H_, H_), lambda i: (0, 0)),
            pl.BlockSpec((1, H_), lambda i: (0, 0)),
        ],
        out_specs=[
            pl.BlockSpec((R, 32), lambda i: (i, 0)),
            pl.BlockSpec((R, 32), lambda i: (i, 0)),
            pl.BlockSpec((R, H_), lambda i: (i, 0)),
        ],
        out_shape=[
            _SDS((n, 32), jnp.float32),
            _SDS((n, 32), jnp.float32),
            _SDS((n, H_), jnp.float32),
        ],
    )(x, W1l, W1r, b1.reshape(1, H_))


def _k3_body(agga, aggb, deg, xrb, w2l, w2r, b2, outl, outr):
    inv = 1.0 / jnp.maximum(deg[...][:, :1], 1.0)
    h = jax.nn.relu(
        jnp.concatenate([agga[...] * inv, aggb[...] * inv], axis=1)
        + xrb[...])
    outl[...] = jnp.dot(h, w2l[...], preferred_element_type=jnp.float32)
    outr[...] = jnp.dot(h, w2r[...], preferred_element_type=jnp.float32) \
        + b2[...]


def _tc_layer2in(aggA, aggB, deg16, xrb, W2l, W2r, b2, R, G):
    n = R * G
    return pl.pallas_call(
        _k3_body,
        grid=(G,),
        in_specs=[
            pl.BlockSpec((R, 32), lambda i: (i, 0)),
            pl.BlockSpec((R, 32), lambda i: (i, 0)),
            pl.BlockSpec((R, 16), lambda i: (i, 0)),
            pl.BlockSpec((R, H_), lambda i: (i, 0)),
            pl.BlockSpec((H_, OUT_), lambda i: (0, 0)),
            pl.BlockSpec((H_, OUT_), lambda i: (0, 0)),
            pl.BlockSpec((1, OUT_), lambda i: (0, 0)),
        ],
        out_specs=[
            pl.BlockSpec((R, OUT_), lambda i: (i, 0)),
            pl.BlockSpec((R, OUT_), lambda i: (i, 0)),
        ],
        out_shape=[
            _SDS((n, OUT_), jnp.float32),
            _SDS((n, OUT_), jnp.float32),
        ],
    )(aggA, aggB, deg16, xrb, W2l, W2r, b2.reshape(1, OUT_))


def _k4_body(agg2, deg, hrb, out):
    inv = 1.0 / jnp.maximum(deg[...][:, :1], 1.0)
    out[...] = agg2[...] * inv + hrb[...]


def _tc_final(agg2, deg16, hrb2, R, G):
    return pl.pallas_call(
        _k4_body,
        grid=(G,),
        in_specs=[
            pl.BlockSpec((R, OUT_), lambda i: (i, 0)),
            pl.BlockSpec((R, 16), lambda i: (i, 0)),
            pl.BlockSpec((R, OUT_), lambda i: (i, 0)),
        ],
        out_specs=pl.BlockSpec((R, OUT_), lambda i: (i, 0)),
        out_shape=_SDS((R * G, OUT_), jnp.float32),
    )(agg2, deg16, hrb2)



def _edges(edge_pb, edge_pc, edge_ps, edge_up):
    i32 = jnp.int32
    npad = E_SIDE - E_REAL
    padz = jnp.zeros((npad,), i32)
    padt = jnp.full((npad,), TRASH, i32)
    srcA = jnp.concatenate([
        edge_pb[1] + NU_, edge_pc[1] + (NU_ + NB_),
        edge_ps[1] + (NU_ + NB_ + NC_), edge_up[0], padz])
    dstA = jnp.concatenate([
        edge_pb[0], edge_pc[0], edge_ps[0], edge_up[1], padt])
    srcB = jnp.concatenate([
        edge_pb[0], edge_pc[0], edge_ps[0], edge_up[1], padz])
    dstB = jnp.concatenate([
        edge_pb[1] + NU_, edge_pc[1] + (NU_ + NB_),
        edge_ps[1] + (NU_ + NB_ + NC_), edge_up[0], padt])
    sr = jnp.concatenate([srcA, srcB]).astype(i32).reshape(NM_ALL, 2, 128)
    dr = jnp.concatenate([dstA, dstB]).astype(i32).reshape(NM_ALL, 2, 128)
    return sr, dr



def kernel(x_product, edge_pb, edge_pc, edge_ps, edge_up, user_emb,
           brand_emb, category_emb, shop_emb, Wp, bp, W1l, W1r, b1,
           W2l, W2r, b2):
    esrc, edst = _edges(edge_pb, edge_pc, edge_ps, edge_up)
    (esrc, edst, x_product, user_emb, brand_emb, category_emb, shop_emb) = \
        lax.optimization_barrier(
            (esrc, edst, x_product, user_emb, brand_emb, category_emb,
             shop_emb))
    zd = jnp.zeros((2, 128, 32), jnp.float32)
    zd16 = jnp.zeros((2, 128, 16), jnp.float32)
    degP, degE = _sc_degree(edst, zd16)
    degP, degE, zd = lax.optimization_barrier((degP, degE, zd))

    xE = jnp.concatenate([user_emb, brand_emb, category_emb, shop_emb,
                          jnp.zeros((NEPAD - NE_, H_), jnp.float32)], axis=0)
    xlAE, xlBE, xrbE = _tc_lin1(xE, W1l, W1r, b1, 3056, 9)

    prod = _tc_prod(x_product, Wp, bp)
    xlAP, xlBP, xrbP = _tc_lin1(prod, W1l, W1r, b1, 2000, 25)

    aggAP, aggAE = _segsum(xlAP, xlAE, esrc, edst, zd)
    aggBP, aggBE = _segsum(xlBP, xlBE, esrc, edst, zd)
    hlP, hrbP = _tc_layer2in(aggAP, aggBP, degP, xrbP, W2l, W2r, b2,
                             2000, 25)
    hlE, hrbE = _tc_layer2in(aggAE, aggBE, degE, xrbE, W2l, W2r, b2,
                             3056, 9)
    agg2P, agg2E = _segsum(hlP, hlE, esrc, edst, zd)
    outP = _tc_final(agg2P, degP, hrbP, 2000, 25)
    outE = _tc_final(agg2E, degE, hrbE, 3056, 9)
    return (outP, outE[:NU_], outE[NU_:NU_ + NB_],
            outE[NU_ + NB_:NU_ + NB_ + NC_],
            outE[NU_ + NB_ + NC_:NE_])

# --- scband reference (transcript-rebuilt; emitter-appended) ---
"""Pipeline reference for scband-personalized-hetero-gnn-8658654069109 (READ-ONLY COPY).

The authoritative reference and input builder live on the scoring server;
editing this copy changes nothing except your own understanding.
"""

import jax, jax.numpy as jnp
import numpy as np

NP, NU, NB, NC, NS = 50000, 20000, 2000, 500, 5000
H, OUT, DIN = 64, 32, 384


def setup_inputs(seed: int = 0):
    key = jax.random.key(seed)
    ks = jax.random.split(key, 18)
    inp = {}
    inp['x_product'] = jax.random.normal(ks[0], (NP, DIN), dtype=jnp.float32)
    inp['edge_pb'] = jax.random.randint(ks[1], (2, 50000), 0, 2000).astype(jnp.int32)
    inp['edge_pc'] = jax.random.randint(ks[2], (2, 50000), 0, 500).astype(jnp.int32)
    inp['edge_ps'] = jax.random.randint(ks[3], (2, 50000), 0, 5000).astype(jnp.int32)
    inp['edge_up'] = jax.random.randint(ks[4], (2, 320000), 0, 20000).astype(jnp.int32)
    inp['user_emb'] = jax.random.normal(ks[5], (NU, H), dtype=jnp.float32) * 0.05
    inp['brand_emb'] = jax.random.normal(ks[6], (NB, H), dtype=jnp.float32) * 0.05
    inp['category_emb'] = jax.random.normal(ks[7], (NC, H), dtype=jnp.float32) * 0.05
    inp['shop_emb'] = jax.random.normal(ks[8], (NS, H), dtype=jnp.float32) * 0.05
    inp['Wp'] = jax.random.normal(ks[9], (DIN, H), dtype=jnp.float32) * 0.05
    inp['bp'] = jnp.zeros((H,), dtype=jnp.float32)
    inp['W1l'] = jax.random.normal(ks[10], (H, H), dtype=jnp.float32) * 0.05
    inp['W1r'] = jax.random.normal(ks[11], (H, H), dtype=jnp.float32) * 0.05
    inp['b1'] = jnp.zeros((H,), dtype=jnp.float32)
    inp['W2l'] = jax.random.normal(ks[12], (H, OUT), dtype=jnp.float32) * 0.05
    inp['W2r'] = jax.random.normal(ks[13], (H, OUT), dtype=jnp.float32) * 0.05
    inp['b2'] = jnp.zeros((OUT,), dtype=jnp.float32)
    return inp


def _sage(x, src, dst, Wl, Wr, b):
    # PyG SAGEConv, aggr='mean': out = lin_l(mean_{j in N(i)} x_j) + lin_r(x_i); bias lives in lin_l
    N = x.shape[0]
    agg = jax.ops.segment_sum(x[src], dst, num_segments=N)
    deg = jax.ops.segment_sum(jnp.ones(src.shape[0], dtype=x.dtype), dst, num_segments=N)
    mean = agg / jnp.clip(deg, 1.0)[:, None]
    return mean @ Wl + x @ Wr + b


def _build_edges(edge_pb, edge_pc, edge_ps, edge_up):
    off_b = NP + NU
    off_c = off_b + NB
    off_s = off_c + NC
    pb = edge_pb.at[1].add(off_b)
    pc = edge_pc.at[1].add(off_c)
    ps = edge_ps.at[1].add(off_s)
    up = edge_up.at[0].add(NP)
    edges = [pb, jnp.stack([pb[1], pb[0]]),
             pc, jnp.stack([pc[1], pc[0]]),
             ps, jnp.stack([ps[1], ps[0]]),
             up, jnp.stack([up[1], up[0]])]
    return jnp.concatenate(edges, axis=1)


def reference(x_product, edge_pb, edge_pc, edge_ps, edge_up, user_emb, brand_emb, category_emb, shop_emb, Wp, bp, W1l, W1r, b1, W2l, W2r, b2):
    prod = jax.nn.relu(x_product @ Wp + bp)
    x = jnp.concatenate([prod, user_emb, brand_emb, category_emb, shop_emb], axis=0)
    ei = _build_edges(edge_pb, edge_pc, edge_ps, edge_up)
    src, dst = ei[0], ei[1]
    h = _sage(x, src, dst, W1l, W1r, b1)
    h = jax.nn.relu(h)
    # dropout p=0.2 is identity in eval/inference mode
    h = _sage(h, src, dst, W2l, W2r, b2)
    out_product = h[:NP]
    out_user = h[NP:NP + NU]
    out_brand = h[NP + NU:NP + NU + NB]
    out_category = h[NP + NU + NB:NP + NU + NB + NC]
    out_shop = h[NP + NU + NB + NC:]
    return (out_product, out_user, out_brand, out_category, out_shop)

if __name__ == "__main__":
    import jax
    _d = setup_inputs()
    print(jax.jit(kernel)(*tuple(_d.values())))

</pallas_src>

<mosaic_0001>
#map = affine_map<(d0, d1) -> (0, 0)>
#map1 = affine_map<(d0, d1) -> (0, 0, 0)>
module attributes {stable_mosaic.version = 14 : i64} {
  func.func @body(%arg0: i32, %arg1: i32, %arg2: memref<50000x32xf32, #tpu.memory_space<hbm>>, %arg3: memref<27504x32xf32, #tpu.memory_space<hbm>>, %arg4: memref<3680x2x128xi32, #tpu.memory_space<hbm>>, %arg5: memref<3680x2x128xi32, #tpu.memory_space<hbm>>, %arg6: memref<2x128x32xf32, #tpu.memory_space<hbm>>, %arg7: memref<50000x32xf32, #tpu.memory_space<hbm>>, %arg8: memref<27504x32xf32, #tpu.memory_space<hbm>>, %arg9: memref<2x2x128xi32, #tpu.memory_space<vmem>>, %arg10: memref<2x2x128xi32, #tpu.memory_space<vmem>>, %arg11: memref<2x2x128xi32, #tpu.memory_space<vmem>>, %arg12: memref<2x128x32xf32, #tpu.memory_space<vmem>>, %arg13: memref<2x128x32xf32, #tpu.memory_space<vmem>>, %arg14: memref<2x128x32xf32, #tpu.memory_space<vmem>>, %arg15: memref<50176x32xf32, #tpu.memory_space<vmem_shared>>, %arg16: memref<56x32xf32, #tpu.memory_space<vmem>>, %arg17: memref<!tpu.dma_semaphore, #tpu.memory_space<semaphore_mem>>, %arg18: memref<!tpu.dma_semaphore, #tpu.memory_space<semaphore_mem>>, %arg19: memref<!tpu.dma_semaphore, #tpu.memory_space<semaphore_mem>>) attributes {dimension_semantics = [#tpu.dimension_semantics<core_parallel>, #tpu.dimension_semantics<subcore_parallel>], iteration_bounds = array<i64: 2, 16>, scalar_prefetch = 0 : i64, scratch_operands = 11 : i64, tpu.core_type = #tpu.core_type<sc_vector_subcore>, window_params = [{transform_indices = #map}, {transform_indices = #map}, {transform_indices = #map1}, {transform_indices = #map1}, {transform_indices = #map1}, {transform_indices = #map}, {transform_indices = #map}]} {
    %scan3A = arith.constant 0 : i32
    %scan3A_0 = arith.constant 0 : i32
    %scan3A_1 = arith.constant 56 : i32
    %scan3A_2 = arith.addi %scan3A_0, %scan3A_1 : i32
    %scan3A_3 = arith.constant 1 : i32
    %scan3A_4 = scf.for %scan3A_77 = %scan3A_0 to %scan3A_2 step %scan3A_3 iter_args(%scan3A_78 = %scan3A) -> (i32)  : i32 {
      %broadcast_in_dim3A = arith.constant 0.000000e+00 : f32
      %broadcast_in_dim3A_79 = vector.broadcast %broadcast_in_dim3A : f32 to vector<16xf32>
      %swap3A = arith.index_cast %scan3A_77 : i32 to index
      %swap3A_80 = arith.constant 0 : index
      %swap3A_81 = tpu.vector_load %arg16[%swap3A, %swap3A_80] {strides = array<i32>} : memref<56x32xf32, #tpu.memory_space<vmem>>, vector<1x16xf32>,
      %swap3A_82 = vector.shape_cast %swap3A_81 : vector<1x16xf32> to vector<16xf32>
      %swap3A_83 = vector.shape_cast %broadcast_in_dim3A_79 : vector<16xf32> to vector<1x16xf32>
      tpu.vector_store %arg16[%swap3A, %swap3A_80], %swap3A_83 {strides = array<i32>} : memref<56x32xf32, #tpu.memory_space<vmem>>, vector<1x16xf32>,
      %broadcast_in_dim3A_84 = arith.constant 0.000000e+00 : f32
      %broadcast_in_dim3A_85 = vector.broadcast %broadcast_in_dim3A_84 : f32 to vector<16xf32>
      %swap3A_86 = arith.index_cast %scan3A_77 : i32 to index
      %swap3A_87 = arith.constant 16 : index
      %swap3A_88 = tpu.vector_load %arg16[%swap3A_86, %swap3A_87] {strides = array<i32>} : memref<56x32xf32, #tpu.memory_space<vmem>>, vector<1x16xf32>,
      %swap3A_89 = vector.shape_cast %swap3A_88 : vector<1x16xf32> to vector<16xf32>
      %swap3A_90 = vector.shape_cast %broadcast_in_dim3A_85 : vector<16xf32> to vector<1x16xf32>
      tpu.vector_store %arg16[%swap3A_86, %swap3A_87], %swap3A_90 {strides = array<i32>} : memref<56x32xf32, #tpu.memory_space<vmem>>, vector<1x16xf32>,
      %scan3A_91 = arith.constant 0 : i32
      scf.yield %scan3A_91 : i32
    }
    %scan3A_5 = arith.constant 56 : i32
    %scan3A_6 = arith.constant 0 : i32
    %scan3A_7 = arith.constant 0 : i32
    %scan3A_8 = arith.constant 56 : i32
    %scan3A_9 = arith.addi %scan3A_7, %scan3A_8 : i32
    %scan3A_10 = arith.constant 1 : i32
    %scan3A_11 = scf.for %scan3A_77 = %scan3A_7 to %scan3A_9 step %scan3A_10 iter_args(%scan3A_78 = %scan3A_6) -> (i32)  : i32 {
      %mul3A_79 = arith.constant 3136 : i32
      %mul3A_80 = arith.muli %arg1, %mul3A_79 : i32
      %mul3A_81 = arith.constant 56 : i32
      %mul3A_82 = arith.muli %scan3A_77, %mul3A_81 : i32
      %add3A_83 = arith.addi %mul3A_80, %mul3A_82 : i32
      "tpu.region"() ({
        %run_scoped3A_85 = tpu.sem_alloc : memref<!tpu.dma_semaphore, #tpu.memory_space<semaphore_mem>>
        %dma_start3A_86 = arith.constant 0 : i32
        %dma_start3A_87 = tpu.memref_slice %arg15[%add3A_83, %dma_start3A_86] : memref<50176x32xf32, #tpu.memory_space<vmem_shared>> -> memref<56x32xf32, #tpu.memory_space<vmem_shared>>
        %dma_start3A_88 = arith.constant 0 : i32
        %dma_start3A_89 = tpu.memref_slice %arg15[%add3A_83, %dma_start3A_88] : memref<50176x32xf32, #tpu.memory_space<vmem_shared>> -> memref<56x32xf32, #tpu.memory_space<vmem_shared>>
        tpu.enqueue_dma source(%arg16 : memref<56x32xf32, #tpu.memory_space<vmem>>) target(%dma_start3A_89 : memref<56x32xf32, #tpu.memory_space<vmem_shared>>) target_semaphore(%run_scoped3A_85 : memref<!tpu.dma_semaphore, #tpu.memory_space<semaphore_mem>>)
        %dma_wait3A = arith.constant 0 : i32
        %dma_wait3A_90 = tpu.memref_slice %arg15[%add3A_83, %dma_wait3A] : memref<50176x32xf32, #tpu.memory_space<vmem_shared>> -> memref<56x32xf32, #tpu.memory_space<vmem_shared>>
        %dma_wait3A_91 = arith.constant 0 : i32
        %dma_wait3A_92 = tpu.memref_slice %arg15[%add3A_83, %dma_wait3A_91] : memref<50176x32xf32, #tpu.memory_space<vmem_shared>> -> memref<56x32xf32, #tpu.memory_space<vmem_shared>>
        tpu.wait_dma2 semaphore(%run_scoped3A_85 : memref<!tpu.dma_semaphore, #tpu.memory_space<semaphore_mem>>) src(%arg16 : memref<56x32xf32, #tpu.memory_space<vmem>>) dst(%dma_wait3A_92 : memref<56x32xf32, #tpu.memory_space<vmem_shared>>)
        tpu.yield
      }) : () -> ()
      %scan3A_84 = arith.constant 0 : i32
      scf.yield %scan3A_84 : i32
    }
    %scan3A_12 = arith.constant 56 : i32
    %barrier3A = arith.constant 0 : index
    tpu.barrier barrier_id(%barrier3A)
    %mul3A = arith.constant 16 : i32
    %mul3A_13 = arith.muli %arg0, %mul3A : i32
    %add3A = arith.addi %mul3A_13, %arg1 : i32
    %mul3A_14 = arith.constant 115 : i32
    %mul3A_15 = arith.muli %add3A, %mul3A_14 : i32
    %run_scoped3A = arith.constant 0 : i32
    "tpu.region"() ({
      %run_scoped3A_77 = tpu.sem_alloc : memref<!tpu.dma_semaphore, #tpu.memory_space<semaphore_mem>>
      %dma_start3A_78 = arith.constant 0 : i32
      %dma_start3A_79 = arith.constant 0 : i32
      %dma_start3A_80 = tpu.memref_slice %arg9[%run_scoped3A, %dma_start3A_78, %dma_start3A_79] : memref<2x2x128xi32, #tpu.memory_space<vmem>> -> memref<1x2x128xi32, #tpu.memory_space<vmem>>
      %dma_start3A_81 = tpu.memref_squeeze %dma_start3A_80 : memref<1x2x128xi32, #tpu.memory_space<vmem>> -> memref<2x128xi32, #tpu.memory_space<vmem>>
      %dma_start3A_82 = arith.constant 0 : i32
      %dma_start3A_83 = arith.constant 0 : i32
      %dma_start3A_84 = tpu.memref_slice %arg4[%mul3A_15, %dma_start3A_82, %dma_start3A_83] : memref<3680x2x128xi32, #tpu.memory_space<hbm>> -> memref<1x2x128xi32, #tpu.memory_space<hbm>>
      %dma_start3A_85 = tpu.memref_squeeze %dma_start3A_84 : memref<1x2x128xi32, #tpu.memory_space<hbm>> -> memref<2x128xi32, #tpu.memory_space<hbm>>
      %dma_start3A_86 = arith.constant 0 : i32
      %dma_start3A_87 = arith.constant 0 : i32
      %dma_start3A_88 = tpu.memref_slice %arg9[%run_scoped3A, %dma_start3A_86, %dma_start3A_87] : memref<2x2x128xi32, #tpu.memory_space<vmem>> -> memref<1x2x128xi32, #tpu.memory_space<vmem>>
      %dma_start3A_89 = tpu.memref_squeeze %dma_start3A_88 : memref<1x2x128xi32, #tpu.memory_space<vmem>> -> memref<2x128xi32, #tpu.memory_space<vmem>>
      %dma_start3A_90 = arith.constant 0 : i32
      %dma_start3A_91 = arith.constant 0 : i32
      %dma_start3A_92 = tpu.memref_slice %arg4[%mul3A_15, %dma_start3A_90, %dma_start3A_91] : memref<3680x2x128xi32, #tpu.memory_space<hbm>> -> memref<1x2x128xi32, #tpu.memory_space<hbm>>
      %dma_start3A_93 = tpu.memref_squeeze %dma_start3A_92 : memref<1x2x128xi32, #tpu.memory_space<hbm>> -> memref<2x128xi32, #tpu.memory_space<hbm>>
      tpu.enqueue_dma source(%dma_start3A_93 : memref<2x128xi32, #tpu.memory_space<hbm>>) target(%dma_start3A_89 : memref<2x128xi32, #tpu.memory_space<vmem>>) target_semaphore(%run_scoped3A_77 : memref<!tpu.dma_semaphore, #tpu.memory_space<semaphore_mem>>)
      %dma_wait3A = arith.constant 0 : i32
      %dma_wait3A_94 = arith.constant 0 : i32
      %dma_wait3A_95 = tpu.memref_slice %arg9[%run_scoped3A, %dma_wait3A, %dma_wait3A_94] : memref<2x2x128xi32, #tpu.memory_space<vmem>> -> memref<1x2x128xi32, #tpu.memory_space<vmem>>
      %dma_wait3A_96 = tpu.memref_squeeze %dma_wait3A_95 : memref<1x2x128xi32, #tpu.memory_space<vmem>> -> memref<2x128xi32, #tpu.memory_space<vmem>>
      %dma_wait3A_97 = arith.constant 0 : i32
      %dma_wait3A_98 = arith.constant 0 : i32
      %dma_wait3A_99 = tpu.memref_slice %arg4[%mul3A_15, %dma_wait3A_97, %dma_wait3A_98] : memref<3680x2x128xi32, #tpu.memory_space<hbm>> -> memref<1x2x128xi32, #tpu.memory_space<hbm>>
      %dma_wait3A_100 = tpu.memref_squeeze %dma_wait3A_99 : memref<1x2x128xi32, #tpu.memory_space<hbm>> -> memref<2x128xi32, #tpu.memory_space<hbm>>
      %dma_wait3A_101 = arith.constant 0 : i32
      %dma_wait3A_102 = arith.constant 0 : i32
      %dma_wait3A_103 = tpu.memref_slice %arg9[%run_scoped3A, %dma_wait3A_101, %dma_wait3A_102] : memref<2x2x128xi32, #tpu.memory_space<vmem>> -> memref<1x2x128xi32, #tpu.memory_space<vmem>>
      %dma_wait3A_104 = tpu.memref_squeeze %dma_wait3A_103 : memref<1x2x128xi32, #tpu.memory_space<vmem>> -> memref<2x128xi32, #tpu.memory_space<vmem>>
      %dma_wait3A_105 = arith.constant 0 : i32
      %dma_wait3A_106 = arith.constant 0 : i32
      %dma_wait3A_107 = tpu.memref_slice %arg4[%mul3A_15, %dma_wait3A_105, %dma_wait3A_106] : memref<3680x2x128xi32, #tpu.memory_space<hbm>> -> memref<1x2x128xi32, #tpu.memory_space<hbm>>
      %dma_wait3A_108 = tpu.memref_squeeze %dma_wait3A_107 : memref<1x2x128xi32, #tpu.memory_space<hbm>> -> memref<2x128xi32, #tpu.memory_space<hbm>>
      tpu.wait_dma2 semaphore(%run_scoped3A_77 : memref<!tpu.dma_semaphore, #tpu.memory_space<semaphore_mem>>) src(%dma_wait3A_108 : memref<2x128xi32, #tpu.memory_space<hbm>>) dst(%dma_wait3A_104 : memref<2x128xi32, #tpu.memory_space<vmem>>)
      tpu.yield
    }) : () -> ()
    %run_scoped3A_16 = arith.constant 1 : i32
    "tpu.region"() ({
      %run_scoped3A_77 = tpu.sem_alloc : memref<!tpu.dma_semaphore, #tpu.memory_space<semaphore_mem>>
      %dma_start3A_78 = arith.constant 0 : i32
      %dma_start3A_79 = arith.constant 0 : i32
      %dma_start3A_80 = tpu.memref_slice %arg9[%run_scoped3A_16, %dma_start3A_78, %dma_start3A_79] : memref<2x2x128xi32, #tpu.memory_space<vmem>> -> memref<1x2x128xi32, #tpu.memory_space<vmem>>
      %dma_start3A_81 = tpu.memref_squeeze %dma_start3A_80 : memref<1x2x128xi32, #tpu.memory_space<vmem>> -> memref<2x128xi32, #tpu.memory_space<vmem>>
      %dma_start3A_82 = arith.constant 0 : i32
      %dma_start3A_83 = arith.constant 0 : i32
      %dma_start3A_84 = tpu.memref_slice %arg5[%mul3A_15, %dma_start3A_82, %dma_start3A_83] : memref<3680x2x128xi32, #tpu.memory_space<hbm>> -> memref<1x2x128xi32, #tpu.memory_space<hbm>>
      %dma_start3A_85 = tpu.memref_squeeze %dma_start3A_84 : memref<1x2x128xi32, #tpu.memory_space<hbm>> -> memref<2x128xi32, #tpu.memory_space<hbm>>
      %dma_start3A_86 = arith.constant 0 : i32
      %dma_start3A_87 = arith.constant 0 : i32
      %dma_start3A_88 = tpu.memref_slice %arg9[%run_scoped3A_16, %dma_start3A_86, %dma_start3A_87] : memref<2x2x128xi32, #tpu.memory_space<vmem>> -> memref<1x2x128xi32, #tpu.memory_space<vmem>>
      %dma_start3A_89 = tpu.memref_squeeze %dma_start3A_88 : memref<1x2x128xi32, #tpu.memory_space<vmem>> -> memref<2x128xi32, #tpu.memory_space<vmem>>
      %dma_start3A_90 = arith.constant 0 : i32
      %dma_start3A_91 = arith.constant 0 : i32
      %dma_start3A_92 = tpu.memref_slice %arg5[%mul3A_15, %dma_start3A_90, %dma_start3A_91] : memref<3680x2x128xi32, #tpu.memory_space<hbm>> -> memref<1x2x128xi32, #tpu.memory_space<hbm>>
      %dma_start3A_93 = tpu.memref_squeeze %dma_start3A_92 : memref<1x2x128xi32, #tpu.memory_space<hbm>> -> memref<2x128xi32, #tpu.memory_space<hbm>>
      tpu.enqueue_dma source(%dma_start3A_93 : memref<2x128xi32, #tpu.memory_space<hbm>>) target(%dma_start3A_89 : memref<2x128xi32, #tpu.memory_space<vmem>>) target_semaphore(%run_scoped3A_77 : memref<!tpu.dma_semaphore, #tpu.memory_space<semaphore_mem>>)
      %dma_wait3A = arith.constant 0 : i32
      %dma_wait3A_94 = arith.constant 0 : i32
      %dma_wait3A_95 = tpu.memref_slice %arg9[%run_scoped3A_16, %dma_wait3A, %dma_wait3A_94] : memref<2x2x128xi32, #tpu.memory_space<vmem>> -> memref<1x2x128xi32, #tpu.memory_space<vmem>>
      %dma_wait3A_96 = tpu.memref_squeeze %dma_wait3A_95 : memref<1x2x128xi32, #tpu.memory_space<vmem>> -> memref<2x128xi32, #tpu.memory_space<vmem>>
      %dma_wait3A_97 = arith.constant 0 : i32
      %dma_wait3A_98 = arith.constant 0 : i32
      %dma_wait3A_99 = tpu.memref_slice %arg5[%mul3A_15, %dma_wait3A_97, %dma_wait3A_98] : memref<3680x2x128xi32, #tpu.memory_space<hbm>> -> memref<1x2x128xi32, #tpu.memory_space<hbm>>
      %dma_wait3A_100 = tpu.memref_squeeze %dma_wait3A_99 : memref<1x2x128xi32, #tpu.memory_space<hbm>> -> memref<2x128xi32, #tpu.memory_space<hbm>>
      %dma_wait3A_101 = arith.constant 0 : i32
      %dma_wait3A_102 = arith.constant 0 : i32
      %dma_wait3A_103 = tpu.memref_slice %arg9[%run_scoped3A_16, %dma_wait3A_101, %dma_wait3A_102] : memref<2x2x128xi32, #tpu.memory_space<vmem>> -> memref<1x2x128xi32, #tpu.memory_space<vmem>>
      %dma_wait3A_104 = tpu.memref_squeeze %dma_wait3A_103 : memref<1x2x128xi32, #tpu.memory_space<vmem>> -> memref<2x128xi32, #tpu.memory_space<vmem>>
      %dma_wait3A_105 = arith.constant 0 : i32
      %dma_wait3A_106 = arith.constant 0 : i32
      %dma_wait3A_107 = tpu.memref_slice %arg5[%mul3A_15, %dma_wait3A_105, %dma_wait3A_106] : memref<3680x2x128xi32, #tpu.memory_space<hbm>> -> memref<1x2x128xi32, #tpu.memory_space<hbm>>
      %dma_wait3A_108 = tpu.memref_squeeze %dma_wait3A_107 : memref<1x2x128xi32, #tpu.memory_space<hbm>> -> memref<2x128xi32, #tpu.memory_space<hbm>>
      tpu.wait_dma2 semaphore(%run_scoped3A_77 : memref<!tpu.dma_semaphore, #tpu.memory_space<semaphore_mem>>) src(%dma_wait3A_108 : memref<2x128xi32, #tpu.memory_space<hbm>>) dst(%dma_wait3A_104 : memref<2x128xi32, #tpu.memory_space<vmem>>)
      tpu.yield
    }) : () -> ()
    %scan3A_17 = arith.constant 0 : i32
    %scan3A_18 = arith.constant 0 : i32
    %scan3A_19 = arith.constant 115 : i32
    %scan3A_20 = arith.addi %scan3A_18, %scan3A_19 : i32
    %scan3A_21 = arith.constant 1 : i32
    %scan3A_22 = scf.for %scan3A_77 = %scan3A_18 to %scan3A_20 step %scan3A_21 iter_args(%scan3A_78 = %scan3A_17) -> (i32)  : i32 {
      %jit3A = arith.constant 3 : i32
      %eq3A_79 = arith.constant 0 : i32
      %eq3A_80 = arith.cmpi eq, %jit3A, %eq3A_79 : i32
      %jit3A_81 = arith.constant 1 : i32
      %select_n3A = arith.select %eq3A_80, %jit3A_81, %jit3A : i32
      %rem3A = arith.remsi %scan3A_77, %select_n3A : i32
      %ne3A = arith.constant 0 : i32
      %ne3A_82 = arith.cmpi ne, %rem3A, %ne3A : i32
      %lt3A_83 = arith.constant 0 : i32
      %lt3A_84 = arith.cmpi slt, %rem3A, %lt3A_83 : i32
      %lt3A_85 = arith.constant 0 : i32
      %lt3A_86 = arith.cmpi slt, %select_n3A, %lt3A_85 : i32
      %ne3A_87 = arith.xori %lt3A_84, %lt3A_86 : i1
      %and3A_88 = arith.andi %ne3A_87, %ne3A_82 : i1
      %add3A_89 = arith.addi %rem3A, %select_n3A : i32
      %select_n3A_90 = arith.select %and3A_88, %add3A_89, %rem3A : i32
      %eq3A_91 = arith.constant 0 : i32
      %eq3A_92 = arith.cmpi eq, %select_n3A_90, %eq3A_91 : i32
      %convert_element_type3A_93 = arith.extui %eq3A_92 : i1 to i32
      %cond3A_94 = arith.constant 0 : i32
      %cond3A_95 = arith.cmpi ne, %convert_element_type3A_93, %cond3A_94 : i32
      scf.if %cond3A_95 {
        %ge3A = arith.constant 2 : i32
        %ge3A_139 = arith.cmpi sge, %scan3A_77, %ge3A : i32
        %convert_element_type3A_140 = arith.extui %ge3A_139 : i1 to i32
        %cond3A_141 = arith.constant 0 : i32
        %cond3A_142 = arith.cmpi ne, %convert_element_type3A_140, %cond3A_141 : i32
        scf.if %cond3A_142 {
          tpu.wait_dma2 semaphore(%arg19 : memref<!tpu.dma_semaphore, #tpu.memory_space<semaphore_mem>>) src(%arg6 : memref<2x128x32xf32, #tpu.memory_space<hbm>>) dst(%arg13 : memref<2x128x32xf32, #tpu.memory_space<vmem>>)
        } else {
        }
        %ge3A_143 = arith.constant 1 : i32
        %ge3A_144 = arith.cmpi sge, %scan3A_77, %ge3A_143 : i32
        %convert_element_type3A_145 = arith.extui %ge3A_144 : i1 to i32
        %cond3A_146 = arith.constant 0 : i32
        %cond3A_147 = arith.cmpi ne, %convert_element_type3A_145, %cond3A_146 : i32
        scf.if %cond3A_147 {
          %dma_wait3A = arith.constant 0 : i32
          %dma_wait3A_168 = arith.constant 0 : i32
          %dma_wait3A_169 = arith.constant 0 : i32
          %dma_wait3A_170 = arith.constant 0 : i32
          %dma_wait3A_171 = tpu.memref_slice %arg9[%dma_wait3A_168, %dma_wait3A_169, %dma_wait3A_170] : memref<2x2x128xi32, #tpu.memory_space<vmem>> -> memref<1x2x128xi32, #tpu.memory_space<vmem>>
          %dma_wait3A_172 = tpu.memref_squeeze %dma_wait3A_171 : memref<1x2x128xi32, #tpu.memory_space<vmem>> -> memref<2x128xi32, #tpu.memory_space<vmem>>
          %dma_wait3A_173 = arith.constant 0 : i32
          %dma_wait3A_174 = arith.constant 0 : i32
          %dma_wait3A_175 = tpu.memref_slice %arg4[%dma_wait3A, %dma_wait3A_173, %dma_wait3A_174] : memref<3680x2x128xi32, #tpu.memory_space<hbm>> -> memref<1x2x128xi32, #tpu.memory_space<hbm>>
          %dma_wait3A_176 = tpu.memref_squeeze %dma_wait3A_175 : memref<1x2x128xi32, #tpu.memory_space<hbm>> -> memref<2x128xi32, #tpu.memory_space<hbm>>
          %dma_wait3A_177 = arith.constant 0 : i32
          %dma_wait3A_178 = arith.constant 0 : i32
          %dma_wait3A_179 = tpu.memref_slice %arg9[%dma_wait3A_168, %dma_wait3A_177, %dma_wait3A_178] : memref<2x2x128xi32, #tpu.memory_space<vmem>> -> memref<1x2x128xi32, #tpu.memory_space<vmem>>
          %dma_wait3A_180 = tpu.memref_squeeze %dma_wait3A_179 : memref<1x2x128xi32, #tpu.memory_space<vmem>> -> memref<2x128xi32, #tpu.memory_space<vmem>>
          %dma_wait3A_181 = arith.constant 0 : i32
          %dma_wait3A_182 = arith.constant 0 : i32
          %dma_wait3A_183 = tpu.memref_slice %arg4[%dma_wait3A, %dma_wait3A_181, %dma_wait3A_182] : memref<3680x2x128xi32, #tpu.memory_space<hbm>> -> memref<1x2x128xi32, #tpu.memory_space<hbm>>
          %dma_wait3A_184 = tpu.memref_squeeze %dma_wait3A_183 : memref<1x2x128xi32, #tpu.memory_space<hbm>> -> memref<2x128xi32, #tpu.memory_space<hbm>>
          tpu.wait_dma2 semaphore(%arg17 : memref<!tpu.dma_semaphore, #tpu.memory_space<semaphore_mem>>) src(%dma_wait3A_184 : memref<2x128xi32, #tpu.memory_space<hbm>>) dst(%dma_wait3A_180 : memref<2x128xi32, #tpu.memory_space<vmem>>)
          %dma_wait3A_185 = arith.constant 0 : i32
          %dma_wait3A_186 = arith.constant 1 : i32
          %dma_wait3A_187 = arith.constant 0 : i32
          %dma_wait3A_188 = arith.constant 0 : i32
          %dma_wait3A_189 = tpu.memref_slice %arg9[%dma_wait3A_186, %dma_wait3A_187, %dma_wait3A_188] : memref<2x2x128xi32, #tpu.memory_space<vmem>> -> memref<1x2x128xi32, #tpu.memory_space<vmem>>
          %dma_wait3A_190 = tpu.memref_squeeze %dma_wait3A_189 : memref<1x2x128xi32, #tpu.memory_space<vmem>> -> memref<2x128xi32, #tpu.memory_space<vmem>>
          %dma_wait3A_191 = arith.constant 0 : i32
          %dma_wait3A_192 = arith.constant 0 : i32
          %dma_wait3A_193 = tpu.memref_slice %arg5[%dma_wait3A_185, %dma_wait3A_191, %dma_wait3A_192] : memref<3680x2x128xi32, #tpu.memory_space<hbm>> -> memref<1x2x128xi32, #tpu.memory_space<hbm>>
          %dma_wait3A_194 = tpu.memref_squeeze %dma_wait3A_193 : memref<1x2x128xi32, #tpu.memory_space<hbm>> -> memref<2x128xi32, #tpu.memory_space<hbm>>
          %dma_wait3A_195 = arith.constant 0 : i32
          %dma_wait3A_196 = arith.constant 0 : i32
          %dma_wait3A_197 = tpu.memref_slice %arg9[%dma_wait3A_186, %dma_wait3A_195, %dma_wait3A_196] : memref<2x2x128xi32, #tpu.memory_space<vmem>> -> memref<1x2x128xi32, #tpu.memory_space<vmem>>
          %dma_wait3A_198 = tpu.memref_squeeze %dma_wait3A_197 : memref<1x2x128xi32, #tpu.memory_space<vmem>> -> memref<2x128xi32, #tpu.memory_space<vmem>>
          %dma_wait3A_199 = arith.constant 0 : i32
          %dma_wait3A_200 = arith.constant 0 : i32
          %dma_wait3A_201 = tpu.memref_slice %arg5[%dma_wait3A_185, %dma_wait3A_199, %dma_wait3A_200] : memref<3680x2x128xi32, #tpu.memory_space<hbm>> -> memref<1x2x128xi32, #tpu.memory_space<hbm>>
          %dma_wait3A_202 = tpu.memref_squeeze %dma_wait3A_201 : memref<1x2x128xi32, #tpu.memory_space<hbm>> -> memref<2x128xi32, #tpu.memory_space<hbm>>
          tpu.wait_dma2 semaphore(%arg17 : memref<!tpu.dma_semaphore, #tpu.memory_space<semaphore_mem>>) src(%dma_wait3A_202 : memref<2x128xi32, #tpu.memory_space<hbm>>) dst(%dma_wait3A_198 : memref<2x128xi32, #tpu.memory_space<vmem>>)
        } else {
        }
        %lt3A_148 = arith.constant 114 : i32
        %lt3A_149 = arith.cmpi slt, %scan3A_77, %lt3A_148 : i32
        %convert_element_type3A_150 = arith.extui %lt3A_149 : i1 to i32
        %cond3A_151 = arith.constant 0 : i32
        %cond3A_152 = arith.cmpi ne, %convert_element_type3A_150, %cond3A_151 : i32
        scf.if %cond3A_152 {
          %add3A_168 = arith.addi %mul3A_15, %scan3A_77 : i32
          %add3A_169 = arith.constant 1 : i32
          %add3A_170 = arith.addi %add3A_168, %add3A_169 : i32
          %dma_start3A_171 = arith.constant 0 : i32
          %dma_start3A_172 = arith.constant 0 : i32
          %dma_start3A_173 = arith.constant 0 : i32
          %dma_start3A_174 = tpu.memref_slice %arg10[%dma_start3A_171, %dma_start3A_172, %dma_start3A_173] : memref<2x2x128xi32, #tpu.memory_space<vmem>> -> memref<1x2x128xi32, #tpu.memory_space<vmem>>
          %dma_start3A_175 = tpu.memref_squeeze %dma_start3A_174 : memref<1x2x128xi32, #tpu.memory_space<vmem>> -> memref<2x128xi32, #tpu.memory_space<vmem>>
          %dma_start3A_176 = arith.constant 0 : i32
          %dma_start3A_177 = arith.constant 0 : i32
          %dma_start3A_178 = tpu.memref_slice %arg4[%add3A_170, %dma_start3A_176, %dma_start3A_177] : memref<3680x2x128xi32, #tpu.memory_space<hbm>> -> memref<1x2x128xi32, #tpu.memory_space<hbm>>
          %dma_start3A_179 = tpu.memref_squeeze %dma_start3A_178 : memref<1x2x128xi32, #tpu.memory_space<hbm>> -> memref<2x128xi32, #tpu.memory_space<hbm>>
          %dma_start3A_180 = arith.constant 0 : i32
          %dma_start3A_181 = arith.constant 0 : i32
          %dma_start3A_182 = tpu.memref_slice %arg10[%dma_start3A_171, %dma_start3A_180, %dma_start3A_181] : memref<2x2x128xi32, #tpu.memory_space<vmem>> -> memref<1x2x128xi32, #tpu.memory_space<vmem>>
          %dma_start3A_183 = tpu.memref_squeeze %dma_start3A_182 : memref<1x2x128xi32, #tpu.memory_space<vmem>> -> memref<2x128xi32, #tpu.memory_space<vmem>>
          %dma_start3A_184 = arith.constant 0 : i32
          %dma_start3A_185 = arith.constant 0 : i32
          %dma_start3A_186 = tpu.memref_slice %arg4[%add3A_170, %dma_start3A_184, %dma_start3A_185] : memref<3680x2x128xi32, #tpu.memory_space<hbm>> -> memref<1x2x128xi32, #tpu.memory_space<hbm>>
          %dma_start3A_187 = tpu.memref_squeeze %dma_start3A_186 : memref<1x2x128xi32, #tpu.memory_space<hbm>> -> memref<2x128xi32, #tpu.memory_space<hbm>>
          tpu.enqueue_dma source(%dma_start3A_187 : memref<2x128xi32, #tpu.memory_space<hbm>>) target(%dma_start3A_183 : memref<2x128xi32, #tpu.memory_space<vmem>>) target_semaphore(%arg17 : memref<!tpu.dma_semaphore, #tpu.memory_space<semaphore_mem>>)
          %add3A_188 = arith.addi %mul3A_15, %scan3A_77 : i32
          %add3A_189 = arith.constant 1 : i32
          %add3A_190 = arith.addi %add3A_188, %add3A_189 : i32
          %dma_start3A_191 = arith.constant 1 : i32
          %dma_start3A_192 = arith.constant 0 : i32
          %dma_start3A_193 = arith.constant 0 : i32
          %dma_start3A_194 = tpu.memref_slice %arg10[%dma_start3A_191, %dma_start3A_192, %dma_start3A_193] : memref<2x2x128xi32, #tpu.memory_space<vmem>> -> memref<1x2x128xi32, #tpu.memory_space<vmem>>
          %dma_start3A_195 = tpu.memref_squeeze %dma_start3A_194 : memref<1x2x128xi32, #tpu.memory_space<vmem>> -> memref<2x128xi32, #tpu.memory_space<vmem>>
          %dma_start3A_196 = arith.constant 0 : i32
          %dma_start3A_197 = arith.constant 0 : i32
          %dma_start3A_198 = tpu.memref_slice %arg5[%add3A_190, %dma_start3A_196, %dma_start3A_197] : memref<3680x2x128xi32, #tpu.memory_space<hbm>> -> memref<1x2x128xi32, #tpu.memory_space<hbm>>
          %dma_start3A_199 = tpu.memref_squeeze %dma_start3A_198 : memref<1x2x128xi32, #tpu.memory_space<hbm>> -> memref<2x128xi32, #tpu.memory_space<hbm>>
          %dma_start3A_200 = arith.constant 0 : i32
          %dma_start3A_201 = arith.constant 0 : i32
          %dma_start3A_202 = tpu.memref_slice %arg10[%dma_start3A_191, %dma_start3A_200, %dma_start3A_201] : memref<2x2x128xi32, #tpu.memory_space<vmem>> -> memref<1x2x128xi32, #tpu.memory_space<vmem>>
          %dma_start3A_203 = tpu.memref_squeeze %dma_start3A_202 : memref<1x2x128xi32, #tpu.memory_space<vmem>> -> memref<2x128xi32, #tpu.memory_space<vmem>>
          %dma_start3A_204 = arith.constant 0 : i32
          %dma_start3A_205 = arith.constant 0 : i32
          %dma_start3A_206 = tpu.memref_slice %arg5[%add3A_190, %dma_start3A_204, %dma_start3A_205] : memref<3680x2x128xi32, #tpu.memory_space<hbm>> -> memref<1x2x128xi32, #tpu.memory_space<hbm>>
          %dma_start3A_207 = tpu.memref_squeeze %dma_start3A_206 : memref<1x2x128xi32, #tpu.memory_space<hbm>> -> memref<2x128xi32, #tpu.memory_space<hbm>>
          tpu.enqueue_dma source(%dma_start3A_207 : memref<2x128xi32, #tpu.memory_space<hbm>>) target(%dma_start3A_203 : memref<2x128xi32, #tpu.memory_space<vmem>>) target_semaphore(%arg17 : memref<!tpu.dma_semaphore, #tpu.memory_space<semaphore_mem>>)
        } else {
        }
        %eq3A_153 = arith.constant 0 : i32
        %eq3A_154 = arith.cmpi eq, %arg0, %eq3A_153 : i32
        %convert_element_type3A_155 = arith.extui %eq3A_154 : i1 to i32
        %cond3A_156 = arith.constant 0 : i32
        %cond3A_157 = arith.cmpi ne, %convert_element_type3A_155, %cond3A_156 : i32
        scf.if %cond3A_157 {
          %dma_start3A_168 = arith.constant 0 : i32
          %dma_start3A_169 = arith.constant 0 : i32
          %dma_start3A_170 = arith.constant 0 : i32
          %dma_start3A_171 = arith.constant 0 : i32
          %dma_start3A_172 = arith.constant 0 : i32
          %dma_start3A_173 = tpu.memref_slice %arg12[%dma_start3A_170, %dma_start3A_171, %dma_start3A_172] : memref<2x128x32xf32, #tpu.memory_space<vmem>> -> memref<1x128x32xf32, #tpu.memory_space<vmem>>
          %dma_start3A_174 = tpu.memref_squeeze %dma_start3A_173 : memref<1x128x32xf32, #tpu.memory_space<vmem>> -> memref<128x32xf32, #tpu.memory_space<vmem>>
          %dma_start3A_175 = arith.constant 0 : i32
          %dma_start3A_176 = tpu.memref_slice %arg9[%dma_start3A_168, %dma_start3A_169, %dma_start3A_175] : memref<2x2x128xi32, #tpu.memory_space<vmem>> -> memref<1x1x128xi32, #tpu.memory_space<vmem>>
          %dma_start3A_177 = tpu.memref_squeeze %dma_start3A_176 : memref<1x1x128xi32, #tpu.memory_space<vmem>> -> memref<128xi32, #tpu.memory_space<vmem>>
          %dma_start3A_178 = arith.constant 0 : i32
          %dma_start3A_179 = arith.constant 0 : i32
          %dma_start3A_180 = tpu.memref_slice %arg3[%dma_start3A_178, %dma_start3A_179] : memref<27504x32xf32, #tpu.memory_space<hbm>> -> memref<27504x32xf32, #tpu.memory_space<hbm>>
          tpu.enqueue_indirect_dma source(%dma_start3A_180 : memref<27504x32xf32, #tpu.memory_space<hbm>>) target(%dma_start3A_174 : memref<128x32xf32, #tpu.memory_space<vmem>>) offsets(%dma_start3A_177 : memref<128xi32, #tpu.memory_space<vmem>>) semaphore(%arg18 : memref<!tpu.dma_semaphore, #tpu.memory_space<semaphore_mem>>)
          %dma_start3A_181 = arith.constant 0 : i32
          %dma_start3A_182 = arith.constant 1 : i32
          %dma_start3A_183 = arith.constant 1 : i32
          %dma_start3A_184 = arith.constant 0 : i32
          %dma_start3A_185 = arith.constant 0 : i32
          %dma_start3A_186 = tpu.memref_slice %arg12[%dma_start3A_183, %dma_start3A_184, %dma_start3A_185] : memref<2x128x32xf32, #tpu.memory_space<vmem>> -> memref<1x128x32xf32, #tpu.memory_space<vmem>>
          %dma_start3A_187 = tpu.memref_squeeze %dma_start3A_186 : memref<1x128x32xf32, #tpu.memory_space<vmem>> -> memref<128x32xf32, #tpu.memory_space<vmem>>
          %dma_start3A_188 = arith.constant 0 : i32
          %dma_start3A_189 = tpu.memref_slice %arg9[%dma_start3A_181, %dma_start3A_182, %dma_start3A_188] : memref<2x2x128xi32, #tpu.memory_space<vmem>> -> memref<1x1x128xi32, #tpu.memory_space<vmem>>
          %dma_start3A_190 = tpu.memref_squeeze %dma_start3A_189 : memref<1x1x128xi32, #tpu.memory_space<vmem>> -> memref<128xi32, #tpu.memory_space<vmem>>
          %dma_start3A_191 = arith.constant 0 : i32
          %dma_start3A_192 = arith.constant 0 : i32
          %dma_start3A_193 = tpu.memref_slice %arg3[%dma_start3A_191, %dma_start3A_192] : memref<27504x32xf32, #tpu.memory_space<hbm>> -> memref<27504x32xf32, #tpu.memory_space<hbm>>
          tpu.enqueue_indirect_dma source(%dma_start3A_193 : memref<27504x32xf32, #tpu.memory_space<hbm>>) target(%dma_start3A_187 : memref<128x32xf32, #tpu.memory_space<vmem>>) offsets(%dma_start3A_190 : memref<128xi32, #tpu.memory_space<vmem>>) semaphore(%arg18 : memref<!tpu.dma_semaphore, #tpu.memory_space<semaphore_mem>>)
        } else {
        }
        %eq3A_158 = arith.constant 1 : i32
        %eq3A_159 = arith.cmpi eq, %arg0, %eq3A_158 : i32
        %convert_element_type3A_160 = arith.extui %eq3A_159 : i1 to i32
        %cond3A_161 = arith.constant 0 : i32
        %cond3A_162 = arith.cmpi ne, %convert_element_type3A_160, %cond3A_161 : i32
        scf.if %cond3A_162 {
          %dma_start3A_168 = arith.constant 0 : i32
          %dma_start3A_169 = arith.constant 0 : i32
          %dma_start3A_170 = arith.constant 0 : i32
          %dma_start3A_171 = arith.constant 0 : i32
          %dma_start3A_172 = arith.constant 0 : i32
          %dma_start3A_173 = tpu.memref_slice %arg12[%dma_start3A_170, %dma_start3A_171, %dma_start3A_172] : memref<2x128x32xf32, #tpu.memory_space<vmem>> -> memref<1x128x32xf32, #tpu.memory_space<vmem>>
          %dma_start3A_174 = tpu.memref_squeeze %dma_start3A_173 : memref<1x128x32xf32, #tpu.memory_space<vmem>> -> memref<128x32xf32, #tpu.memory_space<vmem>>
          %dma_start3A_175 = arith.constant 0 : i32
          %dma_start3A_176 = tpu.memref_slice %arg9[%dma_start3A_168, %dma_start3A_169, %dma_start3A_175] : memref<2x2x128xi32, #tpu.memory_space<vmem>> -> memref<1x1x128xi32, #tpu.memory_space<vmem>>
          %dma_start3A_177 = tpu.memref_squeeze %dma_start3A_176 : memref<1x1x128xi32, #tpu.memory_space<vmem>> -> memref<128xi32, #tpu.memory_space<vmem>>
          %dma_start3A_178 = arith.constant 0 : i32
          %dma_start3A_179 = arith.constant 0 : i32
          %dma_start3A_180 = tpu.memref_slice %arg2[%dma_start3A_178, %dma_start3A_179] : memref<50000x32xf32, #tpu.memory_space<hbm>> -> memref<50000x32xf32, #tpu.memory_space<hbm>>
          tpu.enqueue_indirect_dma source(%dma_start3A_180 : memref<50000x32xf32, #tpu.memory_space<hbm>>) target(%dma_start3A_174 : memref<128x32xf32, #tpu.memory_space<vmem>>) offsets(%dma_start3A_177 : memref<128xi32, #tpu.memory_space<vmem>>) semaphore(%arg18 : memref<!tpu.dma_semaphore, #tpu.memory_space<semaphore_mem>>)
          %dma_start3A_181 = arith.constant 0 : i32
          %dma_start3A_182 = arith.constant 1 : i32
          %dma_start3A_183 = arith.constant 1 : i32
          %dma_start3A_184 = arith.constant 0 : i32
          %dma_start3A_185 = arith.constant 0 : i32
          %dma_start3A_186 = tpu.memref_slice %arg12[%dma_start3A_183, %dma_start3A_184, %dma_start3A_185] : memref<2x128x32xf32, #tpu.memory_space<vmem>> -> memref<1x128x32xf32, #tpu.memory_space<vmem>>
          %dma_start3A_187 = tpu.memref_squeeze %dma_start3A_186 : memref<1x128x32xf32, #tpu.memory_space<vmem>> -> memref<128x32xf32, #tpu.memory_space<vmem>>
          %dma_start3A_188 = arith.constant 0 : i32
          %dma_start3A_189 = tpu.memref_slice %arg9[%dma_start3A_181, %dma_start3A_182, %dma_start3A_188] : memref<2x2x128xi32, #tpu.memory_space<vmem>> -> memref<1x1x128xi32, #tpu.memory_space<vmem>>
          %dma_start3A_190 = tpu.memref_squeeze %dma_start3A_189 : memref<1x1x128xi32, #tpu.memory_space<vmem>> -> memref<128xi32, #tpu.memory_space<vmem>>
          %dma_start3A_191 = arith.constant 0 : i32
          %dma_start3A_192 = arith.constant 0 : i32
          %dma_start3A_193 = tpu.memref_slice %arg2[%dma_start3A_191, %dma_start3A_192] : memref<50000x32xf32, #tpu.memory_space<hbm>> -> memref<50000x32xf32, #tpu.memory_space<hbm>>
          tpu.enqueue_indirect_dma source(%dma_start3A_193 : memref<50000x32xf32, #tpu.memory_space<hbm>>) target(%dma_start3A_187 : memref<128x32xf32, #tpu.memory_space<vmem>>) offsets(%dma_start3A_190 : memref<128xi32, #tpu.memory_space<vmem>>) semaphore(%arg18 : memref<!tpu.dma_semaphore, #tpu.memory_space<semaphore_mem>>)
        } else {
        }
        %ge3A_163 = arith.constant 1 : i32
        %ge3A_164 = arith.cmpi sge, %scan3A_77, %ge3A_163 : i32
        %convert_element_type3A_165 = arith.extui %ge3A_164 : i1 to i32
        %cond3A_166 = arith.constant 0 : i32
        %cond3A_167 = arith.cmpi ne, %convert_element_type3A_165, %cond3A_166 : i32
        scf.if %cond3A_167 {
          tpu.wait_dma2 semaphore(%arg18 : memref<!tpu.dma_semaphore, #tpu.memory_space<semaphore_mem>>) src(%arg6 : memref<2x128x32xf32, #tpu.memory_space<hbm>>) dst(%arg14 : memref<2x128x32xf32, #tpu.memory_space<vmem>>)
          %dma_start3A_168 = arith.constant 0 : i32
          %dma_start3A_169 = arith.constant 1 : i32
          %dma_start3A_170 = arith.constant 0 : i32
          %dma_start3A_171 = arith.constant 0 : i32
          %dma_start3A_172 = arith.constant 0 : i32
          %dma_start3A_173 = tpu.memref_slice %arg14[%dma_start3A_168, %dma_start3A_171, %dma_start3A_172] : memref<2x128x32xf32, #tpu.memory_space<vmem>> -> memref<1x128x32xf32, #tpu.memory_space<vmem>>
          %dma_start3A_174 = tpu.memref_squeeze %dma_start3A_173 : memref<1x128x32xf32, #tpu.memory_space<vmem>> -> memref<128x32xf32, #tpu.memory_space<vmem>>
          %dma_start3A_175 = arith.constant 0 : i32
          %dma_start3A_176 = tpu.memref_slice %arg11[%dma_start3A_169, %dma_start3A_170, %dma_start3A_175] : memref<2x2x128xi32, #tpu.memory_space<vmem>> -> memref<1x1x128xi32, #tpu.memory_space<vmem>>
          %dma_start3A_177 = tpu.memref_squeeze %dma_start3A_176 : memref<1x1x128xi32, #tpu.memory_space<vmem>> -> memref<128xi32, #tpu.memory_space<vmem>>
          %dma_start3A_178 = arith.constant 0 : i32
          %dma_start3A_179 = arith.constant 0 : i32
          %dma_start3A_180 = tpu.memref_slice %arg15[%dma_start3A_178, %dma_start3A_179] : memref<50176x32xf32, #tpu.memory_space<vmem_shared>> -> memref<50176x32xf32, #tpu.memory_space<vmem_shared>>
          tpu.enqueue_indirect_dma source(%dma_start3A_174 : memref<128x32xf32, #tpu.memory_space<vmem>>) target(%dma_start3A_180 : memref<50176x32xf32, #tpu.memory_space<vmem_shared>>) offsets(%dma_start3A_177 : memref<128xi32, #tpu.memory_space<vmem>>) semaphore(%arg19 : memref<!tpu.dma_semaphore, #tpu.memory_space<semaphore_mem>>) {add = true}
          %dma_start3A_181 = arith.constant 1 : i32
          %dma_start3A_182 = arith.constant 1 : i32
          %dma_start3A_183 = arith.constant 1 : i32
          %dma_start3A_184 = arith.constant 0 : i32
          %dma_start3A_185 = arith.constant 0 : i32
          %dma_start3A_186 = tpu.memref_slice %arg14[%dma_start3A_181, %dma_start3A_184, %dma_start3A_185] : memref<2x128x32xf32, #tpu.memory_space<vmem>> -> memref<1x128x32xf32, #tpu.memory_space<vmem>>
          %dma_start3A_187 = tpu.memref_squeeze %dma_start3A_186 : memref<1x128x32xf32, #tpu.memory_space<vmem>> -> memref<128x32xf32, #tpu.memory_space<vmem>>
          %dma_start3A_188 = arith.constant 0 : i32
          %dma_start3A_189 = tpu.memref_slice %arg11[%dma_start3A_182, %dma_start3A_183, %dma_start3A_188] : memref<2x2x128xi32, #tpu.memory_space<vmem>> -> memref<1x1x128xi32, #tpu.memory_space<vmem>>
          %dma_start3A_190 = tpu.memref_squeeze %dma_start3A_189 : memref<1x1x128xi32, #tpu.memory_space<vmem>> -> memref<128xi32, #tpu.memory_space<vmem>>
          %dma_start3A_191 = arith.constant 0 : i32
          %dma_start3A_192 = arith.constant 0 : i32
          %dma_start3A_193 = tpu.memref_slice %arg15[%dma_start3A_191, %dma_start3A_192] : memref<50176x32xf32, #tpu.memory_space<vmem_shared>> -> memref<50176x32xf32, #tpu.memory_space<vmem_shared>>
          tpu.enqueue_indirect_dma source(%dma_start3A_187 : memref<128x32xf32, #tpu.memory_space<vmem>>) target(%dma_start3A_193 : memref<50176x32xf32, #tpu.memory_space<vmem_shared>>) offsets(%dma_start3A_190 : memref<128xi32, #tpu.memory_space<vmem>>) semaphore(%arg19 : memref<!tpu.dma_semaphore, #tpu.memory_space<semaphore_mem>>) {add = true}
        } else {
        }
      } else {
      }
      %jit3A_96 = arith.constant 3 : i32
      %eq3A_97 = arith.constant 0 : i32
      %eq3A_98 = arith.cmpi eq, %jit3A_96, %eq3A_97 : i32
      %jit3A_99 = arith.constant 1 : i32
      %select_n3A_100 = arith.select %eq3A_98, %jit3A_99, %jit3A_96 : i32
      %rem3A_101 = arith.remsi %scan3A_77, %select_n3A_100 : i32
      %ne3A_102 = arith.constant 0 : i32
      %ne3A_103 = arith.cmpi ne, %rem3A_101, %ne3A_102 : i32
      %lt3A_104 = arith.constant 0 : i32
      %lt3A_105 = arith.cmpi slt, %rem3A_101, %lt3A_104 : i32
      %lt3A_106 = arith.constant 0 : i32
      %lt3A_107 = arith.cmpi slt, %select_n3A_100, %lt3A_106 : i32
      %ne3A_108 = arith.xori %lt3A_105, %lt3A_107 : i1
      %and3A_109 = arith.andi %ne3A_108, %ne3A_103 : i1
      %add3A_110 = arith.addi %rem3A_101, %select_n3A_100 : i32
      %select_n3A_111 = arith.select %and3A_109, %add3A_110, %rem3A_101 : i32
      %eq3A_112 = arith.constant 1 : i32
      %eq3A_113 = arith.cmpi eq, %select_n3A_111, %eq3A_112 : i32
      %convert_element_type3A_114 = arith.extui %eq3A_113 : i1 to i32
      %cond3A_115 = arith.constant 0 : i32
      %cond3A_116 = arith.cmpi ne, %convert_element_type3A_114, %cond3A_115 : i32
      scf.if %cond3A_116 {
        %ge3A = arith.constant 2 : i32
        %ge3A_139 = arith.cmpi sge, %scan3A_77, %ge3A : i32
        %convert_element_type3A_140 = arith.extui %ge3A_139 : i1 to i32
        %cond3A_141 = arith.constant 0 : i32
        %cond3A_142 = arith.cmpi ne, %convert_element_type3A_140, %cond3A_141 : i32
        scf.if %cond3A_142 {
          tpu.wait_dma2 semaphore(%arg19 : memref<!tpu.dma_semaphore, #tpu.memory_space<semaphore_mem>>) src(%arg6 : memref<2x128x32xf32, #tpu.memory_space<hbm>>) dst(%arg14 : memref<2x128x32xf32, #tpu.memory_space<vmem>>)
        } else {
        }
        %ge3A_143 = arith.constant 1 : i32
        %ge3A_144 = arith.cmpi sge, %scan3A_77, %ge3A_143 : i32
        %convert_element_type3A_145 = arith.extui %ge3A_144 : i1 to i32
        %cond3A_146 = arith.constant 0 : i32
        %cond3A_147 = arith.cmpi ne, %convert_element_type3A_145, %cond3A_146 : i32
        scf.if %cond3A_147 {
          %dma_wait3A = arith.constant 0 : i32
          %dma_wait3A_168 = arith.constant 0 : i32
          %dma_wait3A_169 = arith.constant 0 : i32
          %dma_wait3A_170 = arith.constant 0 : i32
          %dma_wait3A_171 = tpu.memref_slice %arg10[%dma_wait3A_168, %dma_wait3A_169, %dma_wait3A_170] : memref<2x2x128xi32, #tpu.memory_space<vmem>> -> memref<1x2x128xi32, #tpu.memory_space<vmem>>
          %dma_wait3A_172 = tpu.memref_squeeze %dma_wait3A_171 : memref<1x2x128xi32, #tpu.memory_space<vmem>> -> memref<2x128xi32, #tpu.memory_space<vmem>>
          %dma_wait3A_173 = arith.constant 0 : i32
          %dma_wait3A_174 = arith.constant 0 : i32
          %dma_wait3A_175 = tpu.memref_slice %arg4[%dma_wait3A, %dma_wait3A_173, %dma_wait3A_174] : memref<3680x2x128xi32, #tpu.memory_space<hbm>> -> memref<1x2x128xi32, #tpu.memory_space<hbm>>
          %dma_wait3A_176 = tpu.memref_squeeze %dma_wait3A_175 : memref<1x2x128xi32, #tpu.memory_space<hbm>> -> memref<2x128xi32, #tpu.memory_space<hbm>>
          %dma_wait3A_177 = arith.constant 0 : i32
          %dma_wait3A_178 = arith.constant 0 : i32
          %dma_wait3A_179 = tpu.memref_slice %arg10[%dma_wait3A_168, %dma_wait3A_177, %dma_wait3A_178] : memref<2x2x128xi32, #tpu.memory_space<vmem>> -> memref<1x2x128xi32, #tpu.memory_space<vmem>>
          %dma_wait3A_180 = tpu.memref_squeeze %dma_wait3A_179 : memref<1x2x128xi32, #tpu.memory_space<vmem>> -> memref<2x128xi32, #tpu.memory_space<vmem>>
          %dma_wait3A_181 = arith.constant 0 : i32
          %dma_wait3A_182 = arith.constant 0 : i32
          %dma_wait3A_183 = tpu.memref_slice %arg4[%dma_wait3A, %dma_wait3A_181, %dma_wait3A_182] : memref<3680x2x128xi32, #tpu.memory_space<hbm>> -> memref<1x2x128xi32, #tpu.memory_space<hbm>>
          %dma_wait3A_184 = tpu.memref_squeeze %dma_wait3A_183 : memref<1x2x128xi32, #tpu.memory_space<hbm>> -> memref<2x128xi32, #tpu.memory_space<hbm>>
          tpu.wait_dma2 semaphore(%arg17 : memref<!tpu.dma_semaphore, #tpu.memory_space<semaphore_mem>>) src(%dma_wait3A_184 : memref<2x128xi32, #tpu.memory_space<hbm>>) dst(%dma_wait3A_180 : memref<2x128xi32, #tpu.memory_space<vmem>>)
          %dma_wait3A_185 = arith.constant 0 : i32
          %dma_wait3A_186 = arith.constant 1 : i32
          %dma_wait3A_187 = arith.constant 0 : i32
          %dma_wait3A_188 = arith.constant 0 : i32
          %dma_wait3A_189 = tpu.memref_slice %arg10[%dma_wait3A_186, %dma_wait3A_187, %dma_wait3A_188] : memref<2x2x128xi32, #tpu.memory_space<vmem>> -> memref<1x2x128xi32, #tpu.memory_space<vmem>>
          %dma_wait3A_190 = tpu.memref_squeeze %dma_wait3A_189 : memref<1x2x128xi32, #tpu.memory_space<vmem>> -> memref<2x128xi32, #tpu.memory_space<vmem>>
          %dma_wait3A_191 = arith.constant 0 : i32
          %dma_wait3A_192 = arith.constant 0 : i32
          %dma_wait3A_193 = tpu.memref_slice %arg5[%dma_wait3A_185, %dma_wait3A_191, %dma_wait3A_192] : memref<3680x2x128xi32, #tpu.memory_space<hbm>> -> memref<1x2x128xi32, #tpu.memory_space<hbm>>
          %dma_wait3A_194 = tpu.memref_squeeze %dma_wait3A_193 : memref<1x2x128xi32, #tpu.memory_space<hbm>> -> memref<2x128xi32, #tpu.memory_space<hbm>>
          %dma_wait3A_195 = arith.constant 0 : i32
          %dma_wait3A_196 = arith.constant 0 : i32
          %dma_wait3A_197 = tpu.memref_slice %arg10[%dma_wait3A_186, %dma_wait3A_195, %dma_wait3A_196] : memref<2x2x128xi32, #tpu.memory_space<vmem>> -> memref<1x2x128xi32, #tpu.memory_space<vmem>>
          %dma_wait3A_198 = tpu.memref_squeeze %dma_wait3A_197 : memref<1x2x128xi32, #tpu.memory_space<vmem>> -> memref<2x128xi32, #tpu.memory_space<vmem>>
          %dma_wait3A_199 = arith.constant 0 : i32
          %dma_wait3A_200 = arith.constant 0 : i32
          %dma_wait3A_201 = tpu.memref_slice %arg5[%dma_wait3A_185, %dma_wait3A_199, %dma_wait3A_200] : memref<3680x2x128xi32, #tpu.memory_space<hbm>> -> memref<1x2x128xi32, #tpu.memory_space<hbm>>
          %dma_wait3A_202 = tpu.memref_squeeze %dma_wait3A_201 : memref<1x2x128xi32, #tpu.memory_space<hbm>> -> memref<2x128xi32, #tpu.memory_space<hbm>>
          tpu.wait_dma2 semaphore(%arg17 : memref<!tpu.dma_semaphore, #tpu.memory_space<semaphore_mem>>) src(%dma_wait3A_202 : memref<2x128xi32, #tpu.memory_space<hbm>>) dst(%dma_wait3A_198 : memref<2x128xi32, #tpu.memory_space<vmem>>)
        } else {
        }
        %lt3A_148 = arith.constant 114 : i32
        %lt3A_149 = arith.cmpi slt, %scan3A_77, %lt3A_148 : i32
        %convert_element_type3A_150 = arith.extui %lt3A_149 : i1 to i32
        %cond3A_151 = arith.constant 0 : i32
        %cond3A_152 = arith.cmpi ne, %convert_element_type3A_150, %cond3A_151 : i32
        scf.if %cond3A_152 {
          %add3A_168 = arith.addi %mul3A_15, %scan3A_77 : i32
          %add3A_169 = arith.constant 1 : i32
          %add3A_170 = arith.addi %add3A_168, %add3A_169 : i32
          %dma_start3A_171 = arith.constant 0 : i32
          %dma_start3A_172 = arith.constant 0 : i32
          %dma_start3A_173 = arith.constant 0 : i32
          %dma_start3A_174 = tpu.memref_slice %arg11[%dma_start3A_171, %dma_start3A_172, %dma_start3A_173] : memref<2x2x128xi32, #tpu.memory_space<vmem>> -> memref<1x2x128xi32, #tpu.memory_space<vmem>>
          %dma_start3A_175 = tpu.memref_squeeze %dma_start3A_174 : memref<1x2x128xi32, #tpu.memory_space<vmem>> -> memref<2x128xi32, #tpu.memory_space<vmem>>
          %dma_start3A_176 = arith.constant 0 : i32
          %dma_start3A_177 = arith.constant 0 : i32
          %dma_start3A_178 = tpu.memref_slice %arg4[%add3A_170, %dma_start3A_176, %dma_start3A_177] : memref<3680x2x128xi32, #tpu.memory_space<hbm>> -> memref<1x2x128xi32, #tpu.memory_space<hbm>>
          %dma_start3A_179 = tpu.memref_squeeze %dma_start3A_178 : memref<1x2x128xi32, #tpu.memory_space<hbm>> -> memref<2x128xi32, #tpu.memory_space<hbm>>
          %dma_start3A_180 = arith.constant 0 : i32
          %dma_start3A_181 = arith.constant 0 : i32
          %dma_start3A_182 = tpu.memref_slice %arg11[%dma_start3A_171, %dma_start3A_180, %dma_start3A_181] : memref<2x2x128xi32, #tpu.memory_space<vmem>> -> memref<1x2x128xi32, #tpu.memory_space<vmem>>
          %dma_start3A_183 = tpu.memref_squeeze %dma_start3A_182 : memref<1x2x128xi32, #tpu.memory_space<vmem>> -> memref<2x128xi32, #tpu.memory_space<vmem>>
          %dma_start3A_184 = arith.constant 0 : i32
          %dma_start3A_185 = arith.constant 0 : i32
          %dma_start3A_186 = tpu.memref_slice %arg4[%add3A_170, %dma_start3A_184, %dma_start3A_185] : memref<3680x2x128xi32, #tpu.memory_space<hbm>> -> memref<1x2x128xi32, #tpu.memory_space<hbm>>
          %dma_start3A_187 = tpu.memref_squeeze %dma_start3A_186 : memref<1x2x128xi32, #tpu.memory_space<hbm>> -> memref<2x128xi32, #tpu.memory_space<hbm>>
          tpu.enqueue_dma source(%dma_start3A_187 : memref<2x128xi32, #tpu.memory_space<hbm>>) target(%dma_start3A_183 : memref<2x128xi32, #tpu.memory_space<vmem>>) target_semaphore(%arg17 : memref<!tpu.dma_semaphore, #tpu.memory_space<semaphore_mem>>)
          %add3A_188 = arith.addi %mul3A_15, %scan3A_77 : i32
          %add3A_189 = arith.constant 1 : i32
          %add3A_190 = arith.addi %add3A_188, %add3A_189 : i32
          %dma_start3A_191 = arith.constant 1 : i32
          %dma_start3A_192 = arith.constant 0 : i32
          %dma_start3A_193 = arith.constant 0 : i32
          %dma_start3A_194 = tpu.memref_slice %arg11[%dma_start3A_191, %dma_start3A_192, %dma_start3A_193] : memref<2x2x128xi32, #tpu.memory_space<vmem>> -> memref<1x2x128xi32, #tpu.memory_space<vmem>>
          %dma_start3A_195 = tpu.memref_squeeze %dma_start3A_194 : memref<1x2x128xi32, #tpu.memory_space<vmem>> -> memref<2x128xi32, #tpu.memory_space<vmem>>
          %dma_start3A_196 = arith.constant 0 : i32
          %dma_start3A_197 = arith.constant 0 : i32
          %dma_start3A_198 = tpu.memref_slice %arg5[%add3A_190, %dma_start3A_196, %dma_start3A_197] : memref<3680x2x128xi32, #tpu.memory_space<hbm>> -> memref<1x2x128xi32, #tpu.memory_space<hbm>>
          %dma_start3A_199 = tpu.memref_squeeze %dma_start3A_198 : memref<1x2x128xi32, #tpu.memory_space<hbm>> -> memref<2x128xi32, #tpu.memory_space<hbm>>
          %dma_start3A_200 = arith.constant 0 : i32
          %dma_start3A_201 = arith.constant 0 : i32
          %dma_start3A_202 = tpu.memref_slice %arg11[%dma_start3A_191, %dma_start3A_200, %dma_start3A_201] : memref<2x2x128xi32, #tpu.memory_space<vmem>> -> memref<1x2x128xi32, #tpu.memory_space<vmem>>
          %dma_start3A_203 = tpu.memref_squeeze %dma_start3A_202 : memref<1x2x128xi32, #tpu.memory_space<vmem>> -> memref<2x128xi32, #tpu.memory_space<vmem>>
          %dma_start3A_204 = arith.constant 0 : i32
          %dma_start3A_205 = arith.constant 0 : i32
          %dma_start3A_206 = tpu.memref_slice %arg5[%add3A_190, %dma_start3A_204, %dma_start3A_205] : memref<3680x2x128xi32, #tpu.memory_space<hbm>> -> memref<1x2x128xi32, #tpu.memory_space<hbm>>
          %dma_start3A_207 = tpu.memref_squeeze %dma_start3A_206 : memref<1x2x128xi32, #tpu.memory_space<hbm>> -> memref<2x128xi32, #tpu.memory_space<hbm>>
          tpu.enqueue_dma source(%dma_start3A_207 : memref<2x128xi32, #tpu.memory_space<hbm>>) target(%dma_start3A_203 : memref<2x128xi32, #tpu.memory_space<vmem>>) target_semaphore(%arg17 : memref<!tpu.dma_semaphore, #tpu.memory_space<semaphore_mem>>)
        } else {
        }
        %eq3A_153 = arith.constant 0 : i32
        %eq3A_154 = arith.cmpi eq, %arg0, %eq3A_153 : i32
        %convert_element_type3A_155 = arith.extui %eq3A_154 : i1 to i32
        %cond3A_156 = arith.constant 0 : i32
        %cond3A_157 = arith.cmpi ne, %convert_element_type3A_155, %cond3A_156 : i32
        scf.if %cond3A_157 {
          %dma_start3A_168 = arith.constant 0 : i32
          %dma_start3A_169 = arith.constant 0 : i32
          %dma_start3A_170 = arith.constant 0 : i32
          %dma_start3A_171 = arith.constant 0 : i32
          %dma_start3A_172 = arith.constant 0 : i32
          %dma_start3A_173 = tpu.memref_slice %arg13[%dma_start3A_170, %dma_start3A_171, %dma_start3A_172] : memref<2x128x32xf32, #tpu.memory_space<vmem>> -> memref<1x128x32xf32, #tpu.memory_space<vmem>>
          %dma_start3A_174 = tpu.memref_squeeze %dma_start3A_173 : memref<1x128x32xf32, #tpu.memory_space<vmem>> -> memref<128x32xf32, #tpu.memory_space<vmem>>
          %dma_start3A_175 = arith.constant 0 : i32
          %dma_start3A_176 = tpu.memref_slice %arg10[%dma_start3A_168, %dma_start3A_169, %dma_start3A_175] : memref<2x2x128xi32, #tpu.memory_space<vmem>> -> memref<1x1x128xi32, #tpu.memory_space<vmem>>
          %dma_start3A_177 = tpu.memref_squeeze %dma_start3A_176 : memref<1x1x128xi32, #tpu.memory_space<vmem>> -> memref<128xi32, #tpu.memory_space<vmem>>
          %dma_start3A_178 = arith.constant 0 : i32
          %dma_start3A_179 = arith.constant 0 : i32
          %dma_start3A_180 = tpu.memref_slice %arg3[%dma_start3A_178, %dma_start3A_179] : memref<27504x32xf32, #tpu.memory_space<hbm>> -> memref<27504x32xf32, #tpu.memory_space<hbm>>
          tpu.enqueue_indirect_dma source(%dma_start3A_180 : memref<27504x32xf32, #tpu.memory_space<hbm>>) target(%dma_start3A_174 : memref<128x32xf32, #tpu.memory_space<vmem>>) offsets(%dma_start3A_177 : memref<128xi32, #tpu.memory_space<vmem>>) semaphore(%arg18 : memref<!tpu.dma_semaphore, #tpu.memory_space<semaphore_mem>>)
          %dma_start3A_181 = arith.constant 0 : i32
          %dma_start3A_182 = arith.constant 1 : i32
          %dma_start3A_183 = arith.constant 1 : i32
          %dma_start3A_184 = arith.constant 0 : i32
          %dma_start3A_185 = arith.constant 0 : i32
          %dma_start3A_186 = tpu.memref_slice %arg13[%dma_start3A_183, %dma_start3A_184, %dma_start3A_185] : memref<2x128x32xf32, #tpu.memory_space<vmem>> -> memref<1x128x32xf32, #tpu.memory_space<vmem>>
          %dma_start3A_187 = tpu.memref_squeeze %dma_start3A_186 : memref<1x128x32xf32, #tpu.memory_space<vmem>> -> memref<128x32xf32, #tpu.memory_space<vmem>>
          %dma_start3A_188 = arith.constant 0 : i32
          %dma_start3A_189 = tpu.memref_slice %arg10[%dma_start3A_181, %dma_start3A_182, %dma_start3A_188] : memref<2x2x128xi32, #tpu.memory_space<vmem>> -> memref<1x1x128xi32, #tpu.memory_space<vmem>>
          %dma_start3A_190 = tpu.memref_squeeze %dma_start3A_189 : memref<1x1x128xi32, #tpu.memory_space<vmem>> -> memref<128xi32, #tpu.memory_space<vmem>>
          %dma_start3A_191 = arith.constant 0 : i32
          %dma_start3A_192 = arith.constant 0 : i32
          %dma_start3A_193 = tpu.memref_slice %arg3[%dma_start3A_191, %dma_start3A_192] : memref<27504x32xf32, #tpu.memory_space<hbm>> -> memref<27504x32xf32, #tpu.memory_space<hbm>>
          tpu.enqueue_indirect_dma source(%dma_start3A_193 : memref<27504x32xf32, #tpu.memory_space<hbm>>) target(%dma_start3A_187 : memref<128x32xf32, #tpu.memory_space<vmem>>) offsets(%dma_start3A_190 : memref<128xi32, #tpu.memory_space<vmem>>) semaphore(%arg18 : memref<!tpu.dma_semaphore, #tpu.memory_space<semaphore_mem>>)
        } else {
        }
        %eq3A_158 = arith.constant 1 : i32
        %eq3A_159 = arith.cmpi eq, %arg0, %eq3A_158 : i32
        %convert_element_type3A_160 = arith.extui %eq3A_159 : i1 to i32
        %cond3A_161 = arith.constant 0 : i32
        %cond3A_162 = arith.cmpi ne, %convert_element_type3A_160, %cond3A_161 : i32
        scf.if %cond3A_162 {
          %dma_start3A_168 = arith.constant 0 : i32
          %dma_start3A_169 = arith.constant 0 : i32
          %dma_start3A_170 = arith.constant 0 : i32
          %dma_start3A_171 = arith.constant 0 : i32
          %dma_start3A_172 = arith.constant 0 : i32
          %dma_start3A_173 = tpu.memref_slice %arg13[%dma_start3A_170, %dma_start3A_171, %dma_start3A_172] : memref<2x128x32xf32, #tpu.memory_space<vmem>> -> memref<1x128x32xf32, #tpu.memory_space<vmem>>
          %dma_start3A_174 = tpu.memref_squeeze %dma_start3A_173 : memref<1x128x32xf32, #tpu.memory_space<vmem>> -> memref<128x32xf32, #tpu.memory_space<vmem>>
          %dma_start3A_175 = arith.constant 0 : i32
          %dma_start3A_176 = tpu.memref_slice %arg10[%dma_start3A_168, %dma_start3A_169, %dma_start3A_175] : memref<2x2x128xi32, #tpu.memory_space<vmem>> -> memref<1x1x128xi32, #tpu.memory_space<vmem>>
          %dma_start3A_177 = tpu.memref_squeeze %dma_start3A_176 : memref<1x1x128xi32, #tpu.memory_space<vmem>> -> memref<128xi32, #tpu.memory_space<vmem>>
          %dma_start3A_178 = arith.constant 0 : i32
          %dma_start3A_179 = arith.constant 0 : i32
          %dma_start3A_180 = tpu.memref_slice %arg2[%dma_start3A_178, %dma_start3A_179] : memref<50000x32xf32, #tpu.memory_space<hbm>> -> memref<50000x32xf32, #tpu.memory_space<hbm>>
          tpu.enqueue_indirect_dma source(%dma_start3A_180 : memref<50000x32xf32, #tpu.memory_space<hbm>>) target(%dma_start3A_174 : memref<128x32xf32, #tpu.memory_space<vmem>>) offsets(%dma_start3A_177 : memref<128xi32, #tpu.memory_space<vmem>>) semaphore(%arg18 : memref<!tpu.dma_semaphore, #tpu.memory_space<semaphore_mem>>)
          %dma_start3A_181 = arith.constant 0 : i32
          %dma_start3A_182 = arith.constant 1 : i32
          %dma_start3A_183 = arith.constant 1 : i32
          %dma_start3A_184 = arith.constant 0 : i32
          %dma_start3A_185 = arith.constant 0 : i32
          %dma_start3A_186 = tpu.memref_slice %arg13[%dma_start3A_183, %dma_start3A_184, %dma_start3A_185] : memref<2x128x32xf32, #tpu.memory_space<vmem>> -> memref<1x128x32xf32, #tpu.memory_space<vmem>>
          %dma_start3A_187 = tpu.memref_squeeze %dma_start3A_186 : memref<1x128x32xf32, #tpu.memory_space<vmem>> -> memref<128x32xf32, #tpu.memory_space<vmem>>
          %dma_start3A_188 = arith.constant 0 : i32
          %dma_start3A_189 = tpu.memref_slice %arg10[%dma_start3A_181, %dma_start3A_182, %dma_start3A_188] : memref<2x2x128xi32, #tpu.memory_space<vmem>> -> memref<1x1x128xi32, #tpu.memory_space<vmem>>
          %dma_start3A_190 = tpu.memref_squeeze %dma_start3A_189 : memref<1x1x128xi32, #tpu.memory_space<vmem>> -> memref<128xi32, #tpu.memory_space<vmem>>
          %dma_start3A_191 = arith.constant 0 : i32
          %dma_start3A_192 = arith.constant 0 : i32
          %dma_start3A_193 = tpu.memref_slice %arg2[%dma_start3A_191, %dma_start3A_192] : memref<50000x32xf32, #tpu.memory_space<hbm>> -> memref<50000x32xf32, #tpu.memory_space<hbm>>
          tpu.enqueue_indirect_dma source(%dma_start3A_193 : memref<50000x32xf32, #tpu.memory_space<hbm>>) target(%dma_start3A_187 : memref<128x32xf32, #tpu.memory_space<vmem>>) offsets(%dma_start3A_190 : memref<128xi32, #tpu.memory_space<vmem>>) semaphore(%arg18 : memref<!tpu.dma_semaphore, #tpu.memory_space<semaphore_mem>>)
        } else {
        }
        %ge3A_163 = arith.constant 1 : i32
        %ge3A_164 = arith.cmpi sge, %scan3A_77, %ge3A_163 : i32
        %convert_element_type3A_165 = arith.extui %ge3A_164 : i1 to i32
        %cond3A_166 = arith.constant 0 : i32
        %cond3A_167 = arith.cmpi ne, %convert_element_type3A_165, %cond3A_166 : i32
        scf.if %cond3A_167 {
          tpu.wait_dma2 semaphore(%arg18 : memref<!tpu.dma_semaphore, #tpu.memory_space<semaphore_mem>>) src(%arg6 : memref<2x128x32xf32, #tpu.memory_space<hbm>>) dst(%arg12 : memref<2x128x32xf32, #tpu.memory_space<vmem>>)
          %dma_start3A_168 = arith.constant 0 : i32
          %dma_start3A_169 = arith.constant 1 : i32
          %dma_start3A_170 = arith.constant 0 : i32
          %dma_start3A_171 = arith.constant 0 : i32
          %dma_start3A_172 = arith.constant 0 : i32
          %dma_start3A_173 = tpu.memref_slice %arg12[%dma_start3A_168, %dma_start3A_171, %dma_start3A_172] : memref<2x128x32xf32, #tpu.memory_space<vmem>> -> memref<1x128x32xf32, #tpu.memory_space<vmem>>
          %dma_start3A_174 = tpu.memref_squeeze %dma_start3A_173 : memref<1x128x32xf32, #tpu.memory_space<vmem>> -> memref<128x32xf32, #tpu.memory_space<vmem>>
          %dma_start3A_175 = arith.constant 0 : i32
          %dma_start3A_176 = tpu.memref_slice %arg9[%dma_start3A_169, %dma_start3A_170, %dma_start3A_175] : memref<2x2x128xi32, #tpu.memory_space<vmem>> -> memref<1x1x128xi32, #tpu.memory_space<vmem>>
          %dma_start3A_177 = tpu.memref_squeeze %dma_start3A_176 : memref<1x1x128xi32, #tpu.memory_space<vmem>> -> memref<128xi32, #tpu.memory_space<vmem>>
          %dma_start3A_178 = arith.constant 0 : i32
          %dma_start3A_179 = arith.constant 0 : i32
          %dma_start3A_180 = tpu.memref_slice %arg15[%dma_start3A_178, %dma_start3A_179] : memref<50176x32xf32, #tpu.memory_space<vmem_shared>> -> memref<50176x32xf32, #tpu.memory_space<vmem_shared>>
          tpu.enqueue_indirect_dma source(%dma_start3A_174 : memref<128x32xf32, #tpu.memory_space<vmem>>) target(%dma_start3A_180 : memref<50176x32xf32, #tpu.memory_space<vmem_shared>>) offsets(%dma_start3A_177 : memref<128xi32, #tpu.memory_space<vmem>>) semaphore(%arg19 : memref<!tpu.dma_semaphore, #tpu.memory_space<semaphore_mem>>) {add = true}
          %dma_start3A_181 = arith.constant 1 : i32
          %dma_start3A_182 = arith.constant 1 : i32
          %dma_start3A_183 = arith.constant 1 : i32
          %dma_start3A_184 = arith.constant 0 : i32
          %dma_start3A_185 = arith.constant 0 : i32
          %dma_start3A_186 = tpu.memref_slice %arg12[%dma_start3A_181, %dma_start3A_184, %dma_start3A_185] : memref<2x128x32xf32, #tpu.memory_space<vmem>> -> memref<1x128x32xf32, #tpu.memory_space<vmem>>
          %dma_start3A_187 = tpu.memref_squeeze %dma_start3A_186 : memref<1x128x32xf32, #tpu.memory_space<vmem>> -> memref<128x32xf32, #tpu.memory_space<vmem>>
          %dma_start3A_188 = arith.constant 0 : i32
          %dma_start3A_189 = tpu.memref_slice %arg9[%dma_start3A_182, %dma_start3A_183, %dma_start3A_188] : memref<2x2x128xi32, #tpu.memory_space<vmem>> -> memref<1x1x128xi32, #tpu.memory_space<vmem>>
          %dma_start3A_190 = tpu.memref_squeeze %dma_start3A_189 : memref<1x1x128xi32, #tpu.memory_space<vmem>> -> memref<128xi32, #tpu.memory_space<vmem>>
          %dma_start3A_191 = arith.constant 0 : i32
          %dma_start3A_192 = arith.constant 0 : i32
          %dma_start3A_193 = tpu.memref_slice %arg15[%dma_start3A_191, %dma_start3A_192] : memref<50176x32xf32, #tpu.memory_space<vmem_shared>> -> memref<50176x32xf32, #tpu.memory_space<vmem_shared>>
          tpu.enqueue_indirect_dma source(%dma_start3A_187 : memref<128x32xf32, #tpu.memory_space<vmem>>) target(%dma_start3A_193 : memref<50176x32xf32, #tpu.memory_space<vmem_shared>>) offsets(%dma_start3A_190 : memref<128xi32, #tpu.memory_space<vmem>>) semaphore(%arg19 : memref<!tpu.dma_semaphore, #tpu.memory_space<semaphore_mem>>) {add = true}
        } else {
        }
      } else {
      }
      %jit3A_117 = arith.constant 3 : i32
      %eq3A_118 = arith.constant 0 : i32
      %eq3A_119 = arith.cmpi eq, %jit3A_117, %eq3A_118 : i32
      %jit3A_120 = arith.constant 1 : i32
      %select_n3A_121 = arith.select %eq3A_119, %jit3A_120, %jit3A_117 : i32
      %rem3A_122 = arith.remsi %scan3A_77, %select_n3A_121 : i32
      %ne3A_123 = arith.constant 0 : i32
      %ne3A_124 = arith.cmpi ne, %rem3A_122, %ne3A_123 : i32
      %lt3A_125 = arith.constant 0 : i32
      %lt3A_126 = arith.cmpi slt, %rem3A_122, %lt3A_125 : i32
      %lt3A_127 = arith.constant 0 : i32
      %lt3A_128 = arith.cmpi slt, %select_n3A_121, %lt3A_127 : i32
      %ne3A_129 = arith.xori %lt3A_126, %lt3A_128 : i1
      %and3A_130 = arith.andi %ne3A_129, %ne3A_124 : i1
      %add3A_131 = arith.addi %rem3A_122, %select_n3A_121 : i32
      %select_n3A_132 = arith.select %and3A_130, %add3A_131, %rem3A_122 : i32
      %eq3A_133 = arith.constant 2 : i32
      %eq3A_134 = arith.cmpi eq, %select_n3A_132, %eq3A_133 : i32
      %convert_element_type3A_135 = arith.extui %eq3A_134 : i1 to i32
      %cond3A_136 = arith.constant 0 : i32
      %cond3A_137 = arith.cmpi ne, %convert_element_type3A_135, %cond3A_136 : i32
      scf.if %cond3A_137 {
        %ge3A = arith.constant 2 : i32
        %ge3A_139 = arith.cmpi sge, %scan3A_77, %ge3A : i32
        %convert_element_type3A_140 = arith.extui %ge3A_139 : i1 to i32
        %cond3A_141 = arith.constant 0 : i32
        %cond3A_142 = arith.cmpi ne, %convert_element_type3A_140, %cond3A_141 : i32
        scf.if %cond3A_142 {
          tpu.wait_dma2 semaphore(%arg19 : memref<!tpu.dma_semaphore, #tpu.memory_space<semaphore_mem>>) src(%arg6 : memref<2x128x32xf32, #tpu.memory_space<hbm>>) dst(%arg12 : memref<2x128x32xf32, #tpu.memory_space<vmem>>)
        } else {
        }
        %ge3A_143 = arith.constant 1 : i32
        %ge3A_144 = arith.cmpi sge, %scan3A_77, %ge3A_143 : i32
        %convert_element_type3A_145 = arith.extui %ge3A_144 : i1 to i32
        %cond3A_146 = arith.constant 0 : i32
        %cond3A_147 = arith.cmpi ne, %convert_element_type3A_145, %cond3A_146 : i32
        scf.if %cond3A_147 {
          %dma_wait3A = arith.constant 0 : i32
          %dma_wait3A_168 = arith.constant 0 : i32
          %dma_wait3A_169 = arith.constant 0 : i32
          %dma_wait3A_170 = arith.constant 0 : i32
          %dma_wait3A_171 = tpu.memref_slice %arg11[%dma_wait3A_168, %dma_wait3A_169, %dma_wait3A_170] : memref<2x2x128xi32, #tpu.memory_space<vmem>> -> memref<1x2x128xi32, #tpu.memory_space<vmem>>
          %dma_wait3A_172 = tpu.memref_squeeze %dma_wait3A_171 : memref<1x2x128xi32, #tpu.memory_space<vmem>> -> memref<2x128xi32, #tpu.memory_space<vmem>>
          %dma_wait3A_173 = arith.constant 0 : i32
          %dma_wait3A_174 = arith.constant 0 : i32
          %dma_wait3A_175 = tpu.memref_slice %arg4[%dma_wait3A, %dma_wait3A_173, %dma_wait3A_174] : memref<3680x2x128xi32, #tpu.memory_space<hbm>> -> memref<1x2x128xi32, #tpu.memory_space<hbm>>
          %dma_wait3A_176 = tpu.memref_squeeze %dma_wait3A_175 : memref<1x2x128xi32, #tpu.memory_space<hbm>> -> memref<2x128xi32, #tpu.memory_space<hbm>>
          %dma_wait3A_177 = arith.constant 0 : i32
          %dma_wait3A_178 = arith.constant 0 : i32
          %dma_wait3A_179 = tpu.memref_slice %arg11[%dma_wait3A_168, %dma_wait3A_177, %dma_wait3A_178] : memref<2x2x128xi32, #tpu.memory_space<vmem>> -> memref<1x2x128xi32, #tpu.memory_space<vmem>>
          %dma_wait3A_180 = tpu.memref_squeeze %dma_wait3A_179 : memref<1x2x128xi32, #tpu.memory_space<vmem>> -> memref<2x128xi32, #tpu.memory_space<vmem>>
          %dma_wait3A_181 = arith.constant 0 : i32
          %dma_wait3A_182 = arith.constant 0 : i32
          %dma_wait3A_183 = tpu.memref_slice %arg4[%dma_wait3A, %dma_wait3A_181, %dma_wait3A_182] : memref<3680x2x128xi32, #tpu.memory_space<hbm>> -> memref<1x2x128xi32, #tpu.memory_space<hbm>>
          %dma_wait3A_184 = tpu.memref_squeeze %dma_wait3A_183 : memref<1x2x128xi32, #tpu.memory_space<hbm>> -> memref<2x128xi32, #tpu.memory_space<hbm>>
          tpu.wait_dma2 semaphore(%arg17 : memref<!tpu.dma_semaphore, #tpu.memory_space<semaphore_mem>>) src(%dma_wait3A_184 : memref<2x128xi32, #tpu.memory_space<hbm>>) dst(%dma_wait3A_180 : memref<2x128xi32, #tpu.memory_space<vmem>>)
          %dma_wait3A_185 = arith.constant 0 : i32
          %dma_wait3A_186 = arith.constant 1 : i32
          %dma_wait3A_187 = arith.constant 0 : i32
          %dma_wait3A_188 = arith.constant 0 : i32
          %dma_wait3A_189 = tpu.memref_slice %arg11[%dma_wait3A_186, %dma_wait3A_187, %dma_wait3A_188] : memref<2x2x128xi32, #tpu.memory_space<vmem>> -> memref<1x2x128xi32, #tpu.memory_space<vmem>>
          %dma_wait3A_190 = tpu.memref_squeeze %dma_wait3A_189 : memref<1x2x128xi32, #tpu.memory_space<vmem>> -> memref<2x128xi32, #tpu.memory_space<vmem>>
          %dma_wait3A_191 = arith.constant 0 : i32
          %dma_wait3A_192 = arith.constant 0 : i32
          %dma_wait3A_193 = tpu.memref_slice %arg5[%dma_wait3A_185, %dma_wait3A_191, %dma_wait3A_192] : memref<3680x2x128xi32, #tpu.memory_space<hbm>> -> memref<1x2x128xi32, #tpu.memory_space<hbm>>
          %dma_wait3A_194 = tpu.memref_squeeze %dma_wait3A_193 : memref<1x2x128xi32, #tpu.memory_space<hbm>> -> memref<2x128xi32, #tpu.memory_space<hbm>>
          %dma_wait3A_195 = arith.constant 0 : i32
          %dma_wait3A_196 = arith.constant 0 : i32
          %dma_wait3A_197 = tpu.memref_slice %arg11[%dma_wait3A_186, %dma_wait3A_195, %dma_wait3A_196] : memref<2x2x128xi32, #tpu.memory_space<vmem>> -> memref<1x2x128xi32, #tpu.memory_space<vmem>>
          %dma_wait3A_198 = tpu.memref_squeeze %dma_wait3A_197 : memref<1x2x128xi32, #tpu.memory_space<vmem>> -> memref<2x128xi32, #tpu.memory_space<vmem>>
          %dma_wait3A_199 = arith.constant 0 : i32
          %dma_wait3A_200 = arith.constant 0 : i32
          %dma_wait3A_201 = tpu.memref_slice %arg5[%dma_wait3A_185, %dma_wait3A_199, %dma_wait3A_200] : memref<3680x2x128xi32, #tpu.memory_space<hbm>> -> memref<1x2x128xi32, #tpu.memory_space<hbm>>
          %dma_wait3A_202 = tpu.memref_squeeze %dma_wait3A_201 : memref<1x2x128xi32, #tpu.memory_space<hbm>> -> memref<2x128xi32, #tpu.memory_space<hbm>>
          tpu.wait_dma2 semaphore(%arg17 : memref<!tpu.dma_semaphore, #tpu.memory_space<semaphore_mem>>) src(%dma_wait3A_202 : memref<2x128xi32, #tpu.memory_space<hbm>>) dst(%dma_wait3A_198 : memref<2x128xi32, #tpu.memory_space<vmem>>)
        } else {
        }
        %lt3A_148 = arith.constant 114 : i32
        %lt3A_149 = arith.cmpi slt, %scan3A_77, %lt3A_148 : i32
        %convert_element_type3A_150 = arith.extui %lt3A_149 : i1 to i32
        %cond3A_151 = arith.constant 0 : i32
        %cond3A_152 = arith.cmpi ne, %convert_element_type3A_150, %cond3A_151 : i32
        scf.if %cond3A_152 {
          %add3A_168 = arith.addi %mul3A_15, %scan3A_77 : i32
          %add3A_169 = arith.constant 1 : i32
          %add3A_170 = arith.addi %add3A_168, %add3A_169 : i32
          %dma_start3A_171 = arith.constant 0 : i32
          %dma_start3A_172 = arith.constant 0 : i32
          %dma_start3A_173 = arith.constant 0 : i32
          %dma_start3A_174 = tpu.memref_slice %arg9[%dma_start3A_171, %dma_start3A_172, %dma_start3A_173] : memref<2x2x128xi32, #tpu.memory_space<vmem>> -> memref<1x2x128xi32, #tpu.memory_space<vmem>>
          %dma_start3A_175 = tpu.memref_squeeze %dma_start3A_174 : memref<1x2x128xi32, #tpu.memory_space<vmem>> -> memref<2x128xi32, #tpu.memory_space<vmem>>
          %dma_start3A_176 = arith.constant 0 : i32
          %dma_start3A_177 = arith.constant 0 : i32
          %dma_start3A_178 = tpu.memref_slice %arg4[%add3A_170, %dma_start3A_176, %dma_start3A_177] : memref<3680x2x128xi32, #tpu.memory_space<hbm>> -> memref<1x2x128xi32, #tpu.memory_space<hbm>>
          %dma_start3A_179 = tpu.memref_squeeze %dma_start3A_178 : memref<1x2x128xi32, #tpu.memory_space<hbm>> -> memref<2x128xi32, #tpu.memory_space<hbm>>
          %dma_start3A_180 = arith.constant 0 : i32
          %dma_start3A_181 = arith.constant 0 : i32
          %dma_start3A_182 = tpu.memref_slice %arg9[%dma_start3A_171, %dma_start3A_180, %dma_start3A_181] : memref<2x2x128xi32, #tpu.memory_space<vmem>> -> memref<1x2x128xi32, #tpu.memory_space<vmem>>
          %dma_start3A_183 = tpu.memref_squeeze %dma_start3A_182 : memref<1x2x128xi32, #tpu.memory_space<vmem>> -> memref<2x128xi32, #tpu.memory_space<vmem>>
          %dma_start3A_184 = arith.constant 0 : i32
          %dma_start3A_185 = arith.constant 0 : i32
          %dma_start3A_186 = tpu.memref_slice %arg4[%add3A_170, %dma_start3A_184, %dma_start3A_185] : memref<3680x2x128xi32, #tpu.memory_space<hbm>> -> memref<1x2x128xi32, #tpu.memory_space<hbm>>
          %dma_start3A_187 = tpu.memref_squeeze %dma_start3A_186 : memref<1x2x128xi32, #tpu.memory_space<hbm>> -> memref<2x128xi32, #tpu.memory_space<hbm>>
          tpu.enqueue_dma source(%dma_start3A_187 : memref<2x128xi32, #tpu.memory_space<hbm>>) target(%dma_start3A_183 : memref<2x128xi32, #tpu.memory_space<vmem>>) target_semaphore(%arg17 : memref<!tpu.dma_semaphore, #tpu.memory_space<semaphore_mem>>)
          %add3A_188 = arith.addi %mul3A_15, %scan3A_77 : i32
          %add3A_189 = arith.constant 1 : i32
          %add3A_190 = arith.addi %add3A_188, %add3A_189 : i32
          %dma_start3A_191 = arith.constant 1 : i32
          %dma_start3A_192 = arith.constant 0 : i32
          %dma_start3A_193 = arith.constant 0 : i32
          %dma_start3A_194 = tpu.memref_slice %arg9[%dma_start3A_191, %dma_start3A_192, %dma_start3A_193] : memref<2x2x128xi32, #tpu.memory_space<vmem>> -> memref<1x2x128xi32, #tpu.memory_space<vmem>>
          %dma_start3A_195 = tpu.memref_squeeze %dma_start3A_194 : memref<1x2x128xi32, #tpu.memory_space<vmem>> -> memref<2x128xi32, #tpu.memory_space<vmem>>
          %dma_start3A_196 = arith.constant 0 : i32
          %dma_start3A_197 = arith.constant 0 : i32
          %dma_start3A_198 = tpu.memref_slice %arg5[%add3A_190, %dma_start3A_196, %dma_start3A_197] : memref<3680x2x128xi32, #tpu.memory_space<hbm>> -> memref<1x2x128xi32, #tpu.memory_space<hbm>>
          %dma_start3A_199 = tpu.memref_squeeze %dma_start3A_198 : memref<1x2x128xi32, #tpu.memory_space<hbm>> -> memref<2x128xi32, #tpu.memory_space<hbm>>
          %dma_start3A_200 = arith.constant 0 : i32
          %dma_start3A_201 = arith.constant 0 : i32
          %dma_start3A_202 = tpu.memref_slice %arg9[%dma_start3A_191, %dma_start3A_200, %dma_start3A_201] : memref<2x2x128xi32, #tpu.memory_space<vmem>> -> memref<1x2x128xi32, #tpu.memory_space<vmem>>
          %dma_start3A_203 = tpu.memref_squeeze %dma_start3A_202 : memref<1x2x128xi32, #tpu.memory_space<vmem>> -> memref<2x128xi32, #tpu.memory_space<vmem>>
          %dma_start3A_204 = arith.constant 0 : i32
          %dma_start3A_205 = arith.constant 0 : i32
          %dma_start3A_206 = tpu.memref_slice %arg5[%add3A_190, %dma_start3A_204, %dma_start3A_205] : memref<3680x2x128xi32, #tpu.memory_space<hbm>> -> memref<1x2x128xi32, #tpu.memory_space<hbm>>
          %dma_start3A_207 = tpu.memref_squeeze %dma_start3A_206 : memref<1x2x128xi32, #tpu.memory_space<hbm>> -> memref<2x128xi32, #tpu.memory_space<hbm>>
          tpu.enqueue_dma source(%dma_start3A_207 : memref<2x128xi32, #tpu.memory_space<hbm>>) target(%dma_start3A_203 : memref<2x128xi32, #tpu.memory_space<vmem>>) target_semaphore(%arg17 : memref<!tpu.dma_semaphore, #tpu.memory_space<semaphore_mem>>)
        } else {
        }
        %eq3A_153 = arith.constant 0 : i32
        %eq3A_154 = arith.cmpi eq, %arg0, %eq3A_153 : i32
        %convert_element_type3A_155 = arith.extui %eq3A_154 : i1 to i32
        %cond3A_156 = arith.constant 0 : i32
        %cond3A_157 = arith.cmpi ne, %convert_element_type3A_155, %cond3A_156 : i32
        scf.if %cond3A_157 {
          %dma_start3A_168 = arith.constant 0 : i32
          %dma_start3A_169 = arith.constant 0 : i32
          %dma_start3A_170 = arith.constant 0 : i32
          %dma_start3A_171 = arith.constant 0 : i32
          %dma_start3A_172 = arith.constant 0 : i32
          %dma_start3A_173 = tpu.memref_slice %arg14[%dma_start3A_170, %dma_start3A_171, %dma_start3A_172] : memref<2x128x32xf32, #tpu.memory_space<vmem>> -> memref<1x128x32xf32, #tpu.memory_space<vmem>>
          %dma_start3A_174 = tpu.memref_squeeze %dma_start3A_173 : memref<1x128x32xf32, #tpu.memory_space<vmem>> -> memref<128x32xf32, #tpu.memory_space<vmem>>
          %dma_start3A_175 = arith.constant 0 : i32
          %dma_start3A_176 = tpu.memref_slice %arg11[%dma_start3A_168, %dma_start3A_169, %dma_start3A_175] : memref<2x2x128xi32, #tpu.memory_space<vmem>> -> memref<1x1x128xi32, #tpu.memory_space<vmem>>
          %dma_start3A_177 = tpu.memref_squeeze %dma_start3A_176 : memref<1x1x128xi32, #tpu.memory_space<vmem>> -> memref<128xi32, #tpu.memory_space<vmem>>
          %dma_start3A_178 = arith.constant 0 : i32
          %dma_start3A_179 = arith.constant 0 : i32
          %dma_start3A_180 = tpu.memref_slice %arg3[%dma_start3A_178, %dma_start3A_179] : memref<27504x32xf32, #tpu.memory_space<hbm>> -> memref<27504x32xf32, #tpu.memory_space<hbm>>
          tpu.enqueue_indirect_dma source(%dma_start3A_180 : memref<27504x32xf32, #tpu.memory_space<hbm>>) target(%dma_start3A_174 : memref<128x32xf32, #tpu.memory_space<vmem>>) offsets(%dma_start3A_177 : memref<128xi32, #tpu.memory_space<vmem>>) semaphore(%arg18 : memref<!tpu.dma_semaphore, #tpu.memory_space<semaphore_mem>>)
          %dma_start3A_181 = arith.constant 0 : i32
          %dma_start3A_182 = arith.constant 1 : i32
          %dma_start3A_183 = arith.constant 1 : i32
          %dma_start3A_184 = arith.constant 0 : i32
          %dma_start3A_185 = arith.constant 0 : i32
          %dma_start3A_186 = tpu.memref_slice %arg14[%dma_start3A_183, %dma_start3A_184, %dma_start3A_185] : memref<2x128x32xf32, #tpu.memory_space<vmem>> -> memref<1x128x32xf32, #tpu.memory_space<vmem>>
          %dma_start3A_187 = tpu.memref_squeeze %dma_start3A_186 : memref<1x128x32xf32, #tpu.memory_space<vmem>> -> memref<128x32xf32, #tpu.memory_space<vmem>>
          %dma_start3A_188 = arith.constant 0 : i32
          %dma_start3A_189 = tpu.memref_slice %arg11[%dma_start3A_181, %dma_start3A_182, %dma_start3A_188] : memref<2x2x128xi32, #tpu.memory_space<vmem>> -> memref<1x1x128xi32, #tpu.memory_space<vmem>>
          %dma_start3A_190 = tpu.memref_squeeze %dma_start3A_189 : memref<1x1x128xi32, #tpu.memory_space<vmem>> -> memref<128xi32, #tpu.memory_space<vmem>>
          %dma_start3A_191 = arith.constant 0 : i32
          %dma_start3A_192 = arith.constant 0 : i32
          %dma_start3A_193 = tpu.memref_slice %arg3[%dma_start3A_191, %dma_start3A_192] : memref<27504x32xf32, #tpu.memory_space<hbm>> -> memref<27504x32xf32, #tpu.memory_space<hbm>>
          tpu.enqueue_indirect_dma source(%dma_start3A_193 : memref<27504x32xf32, #tpu.memory_space<hbm>>) target(%dma_start3A_187 : memref<128x32xf32, #tpu.memory_space<vmem>>) offsets(%dma_start3A_190 : memref<128xi32, #tpu.memory_space<vmem>>) semaphore(%arg18 : memref<!tpu.dma_semaphore, #tpu.memory_space<semaphore_mem>>)
        } else {
        }
        %eq3A_158 = arith.constant 1 : i32
        %eq3A_159 = arith.cmpi eq, %arg0, %eq3A_158 : i32
        %convert_element_type3A_160 = arith.extui %eq3A_159 : i1 to i32
        %cond3A_161 = arith.constant 0 : i32
        %cond3A_162 = arith.cmpi ne, %convert_element_type3A_160, %cond3A_161 : i32
        scf.if %cond3A_162 {
          %dma_start3A_168 = arith.constant 0 : i32
          %dma_start3A_169 = arith.constant 0 : i32
          %dma_start3A_170 = arith.constant 0 : i32
          %dma_start3A_171 = arith.constant 0 : i32
          %dma_start3A_172 = arith.constant 0 : i32
          %dma_start3A_173 = tpu.memref_slice %arg14[%dma_start3A_170, %dma_start3A_171, %dma_start3A_172] : memref<2x128x32xf32, #tpu.memory_space<vmem>> -> memref<1x128x32xf32, #tpu.memory_space<vmem>>
          %dma_start3A_174 = tpu.memref_squeeze %dma_start3A_173 : memref<1x128x32xf32, #tpu.memory_space<vmem>> -> memref<128x32xf32, #tpu.memory_space<vmem>>
          %dma_start3A_175 = arith.constant 0 : i32
          %dma_start3A_176 = tpu.memref_slice %arg11[%dma_start3A_168, %dma_start3A_169, %dma_start3A_175] : memref<2x2x128xi32, #tpu.memory_space<vmem>> -> memref<1x1x128xi32, #tpu.memory_space<vmem>>
          %dma_start3A_177 = tpu.memref_squeeze %dma_start3A_176 : memref<1x1x128xi32, #tpu.memory_space<vmem>> -> memref<128xi32, #tpu.memory_space<vmem>>
          %dma_start3A_178 = arith.constant 0 : i32
          %dma_start3A_179 = arith.constant 0 : i32
          %dma_start3A_180 = tpu.memref_slice %arg2[%dma_start3A_178, %dma_start3A_179] : memref<50000x32xf32, #tpu.memory_space<hbm>> -> memref<50000x32xf32, #tpu.memory_space<hbm>>
          tpu.enqueue_indirect_dma source(%dma_start3A_180 : memref<50000x32xf32, #tpu.memory_space<hbm>>) target(%dma_start3A_174 : memref<128x32xf32, #tpu.memory_space<vmem>>) offsets(%dma_start3A_177 : memref<128xi32, #tpu.memory_space<vmem>>) semaphore(%arg18 : memref<!tpu.dma_semaphore, #tpu.memory_space<semaphore_mem>>)
          %dma_start3A_181 = arith.constant 0 : i32
          %dma_start3A_182 = arith.constant 1 : i32
          %dma_start3A_183 = arith.constant 1 : i32
          %dma_start3A_184 = arith.constant 0 : i32
          %dma_start3A_185 = arith.constant 0 : i32
          %dma_start3A_186 = tpu.memref_slice %arg14[%dma_start3A_183, %dma_start3A_184, %dma_start3A_185] : memref<2x128x32xf32, #tpu.memory_space<vmem>> -> memref<1x128x32xf32, #tpu.memory_space<vmem>>
          %dma_start3A_187 = tpu.memref_squeeze %dma_start3A_186 : memref<1x128x32xf32, #tpu.memory_space<vmem>> -> memref<128x32xf32, #tpu.memory_space<vmem>>
          %dma_start3A_188 = arith.constant 0 : i32
          %dma_start3A_189 = tpu.memref_slice %arg11[%dma_start3A_181, %dma_start3A_182, %dma_start3A_188] : memref<2x2x128xi32, #tpu.memory_space<vmem>> -> memref<1x1x128xi32, #tpu.memory_space<vmem>>
          %dma_start3A_190 = tpu.memref_squeeze %dma_start3A_189 : memref<1x1x128xi32, #tpu.memory_space<vmem>> -> memref<128xi32, #tpu.memory_space<vmem>>
          %dma_start3A_191 = arith.constant 0 : i32
          %dma_start3A_192 = arith.constant 0 : i32
          %dma_start3A_193 = tpu.memref_slice %arg2[%dma_start3A_191, %dma_start3A_192] : memref<50000x32xf32, #tpu.memory_space<hbm>> -> memref<50000x32xf32, #tpu.memory_space<hbm>>
          tpu.enqueue_indirect_dma source(%dma_start3A_193 : memref<50000x32xf32, #tpu.memory_space<hbm>>) target(%dma_start3A_187 : memref<128x32xf32, #tpu.memory_space<vmem>>) offsets(%dma_start3A_190 : memref<128xi32, #tpu.memory_space<vmem>>) semaphore(%arg18 : memref<!tpu.dma_semaphore, #tpu.memory_space<semaphore_mem>>)
        } else {
        }
        %ge3A_163 = arith.constant 1 : i32
        %ge3A_164 = arith.cmpi sge, %scan3A_77, %ge3A_163 : i32
        %convert_element_type3A_165 = arith.extui %ge3A_164 : i1 to i32
        %cond3A_166 = arith.constant 0 : i32
        %cond3A_167 = arith.cmpi ne, %convert_element_type3A_165, %cond3A_166 : i32
        scf.if %cond3A_167 {
          tpu.wait_dma2 semaphore(%arg18 : memref<!tpu.dma_semaphore, #tpu.memory_space<semaphore_mem>>) src(%arg6 : memref<2x128x32xf32, #tpu.memory_space<hbm>>) dst(%arg13 : memref<2x128x32xf32, #tpu.memory_space<vmem>>)
          %dma_start3A_168 = arith.constant 0 : i32
          %dma_start3A_169 = arith.constant 1 : i32
          %dma_start3A_170 = arith.constant 0 : i32
          %dma_start3A_171 = arith.constant 0 : i32
          %dma_start3A_172 = arith.constant 0 : i32
          %dma_start3A_173 = tpu.memref_slice %arg13[%dma_start3A_168, %dma_start3A_171, %dma_start3A_172] : memref<2x128x32xf32, #tpu.memory_space<vmem>> -> memref<1x128x32xf32, #tpu.memory_space<vmem>>
          %dma_start3A_174 = tpu.memref_squeeze %dma_start3A_173 : memref<1x128x32xf32, #tpu.memory_space<vmem>> -> memref<128x32xf32, #tpu.memory_space<vmem>>
          %dma_start3A_175 = arith.constant 0 : i32
          %dma_start3A_176 = tpu.memref_slice %arg10[%dma_start3A_169, %dma_start3A_170, %dma_start3A_175] : memref<2x2x128xi32, #tpu.memory_space<vmem>> -> memref<1x1x128xi32, #tpu.memory_space<vmem>>
          %dma_start3A_177 = tpu.memref_squeeze %dma_start3A_176 : memref<1x1x128xi32, #tpu.memory_space<vmem>> -> memref<128xi32, #tpu.memory_space<vmem>>
          %dma_start3A_178 = arith.constant 0 : i32
          %dma_start3A_179 = arith.constant 0 : i32
          %dma_start3A_180 = tpu.memref_slice %arg15[%dma_start3A_178, %dma_start3A_179] : memref<50176x32xf32, #tpu.memory_space<vmem_shared>> -> memref<50176x32xf32, #tpu.memory_space<vmem_shared>>
          tpu.enqueue_indirect_dma source(%dma_start3A_174 : memref<128x32xf32, #tpu.memory_space<vmem>>) target(%dma_start3A_180 : memref<50176x32xf32, #tpu.memory_space<vmem_shared>>) offsets(%dma_start3A_177 : memref<128xi32, #tpu.memory_space<vmem>>) semaphore(%arg19 : memref<!tpu.dma_semaphore, #tpu.memory_space<semaphore_mem>>) {add = true}
          %dma_start3A_181 = arith.constant 1 : i32
          %dma_start3A_182 = arith.constant 1 : i32
          %dma_start3A_183 = arith.constant 1 : i32
          %dma_start3A_184 = arith.constant 0 : i32
          %dma_start3A_185 = arith.constant 0 : i32
          %dma_start3A_186 = tpu.memref_slice %arg13[%dma_start3A_181, %dma_start3A_184, %dma_start3A_185] : memref<2x128x32xf32, #tpu.memory_space<vmem>> -> memref<1x128x32xf32, #tpu.memory_space<vmem>>
          %dma_start3A_187 = tpu.memref_squeeze %dma_start3A_186 : memref<1x128x32xf32, #tpu.memory_space<vmem>> -> memref<128x32xf32, #tpu.memory_space<vmem>>
          %dma_start3A_188 = arith.constant 0 : i32
          %dma_start3A_189 = tpu.memref_slice %arg10[%dma_start3A_182, %dma_start3A_183, %dma_start3A_188] : memref<2x2x128xi32, #tpu.memory_space<vmem>> -> memref<1x1x128xi32, #tpu.memory_space<vmem>>
          %dma_start3A_190 = tpu.memref_squeeze %dma_start3A_189 : memref<1x1x128xi32, #tpu.memory_space<vmem>> -> memref<128xi32, #tpu.memory_space<vmem>>
          %dma_start3A_191 = arith.constant 0 : i32
          %dma_start3A_192 = arith.constant 0 : i32
          %dma_start3A_193 = tpu.memref_slice %arg15[%dma_start3A_191, %dma_start3A_192] : memref<50176x32xf32, #tpu.memory_space<vmem_shared>> -> memref<50176x32xf32, #tpu.memory_space<vmem_shared>>
          tpu.enqueue_indirect_dma source(%dma_start3A_187 : memref<128x32xf32, #tpu.memory_space<vmem>>) target(%dma_start3A_193 : memref<50176x32xf32, #tpu.memory_space<vmem_shared>>) offsets(%dma_start3A_190 : memref<128xi32, #tpu.memory_space<vmem>>) semaphore(%arg19 : memref<!tpu.dma_semaphore, #tpu.memory_space<semaphore_mem>>) {add = true}
        } else {
        }
      } else {
      }
      %scan3A_138 = arith.constant 0 : i32
      scf.yield %scan3A_138 : i32
    }
    %scan3A_23 = arith.constant 115 : i32
    tpu.wait_dma2 semaphore(%arg18 : memref<!tpu.dma_semaphore, #tpu.memory_space<semaphore_mem>>) src(%arg6 : memref<2x128x32xf32, #tpu.memory_space<hbm>>) dst(%arg12 : memref<2x128x32xf32, #tpu.memory_space<vmem>>)
    %dma_start3A = arith.constant 0 : i32
    %dma_start3A_24 = arith.constant 1 : i32
    %dma_start3A_25 = arith.constant 0 : i32
    %dma_start3A_26 = arith.constant 0 : i32
    %dma_start3A_27 = arith.constant 0 : i32
    %dma_start3A_28 = tpu.memref_slice %arg12[%dma_start3A, %dma_start3A_26, %dma_start3A_27] : memref<2x128x32xf32, #tpu.memory_space<vmem>> -> memref<1x128x32xf32, #tpu.memory_space<vmem>>
    %dma_start3A_29 = tpu.memref_squeeze %dma_start3A_28 : memref<1x128x32xf32, #tpu.memory_space<vmem>> -> memref<128x32xf32, #tpu.memory_space<vmem>>
    %dma_start3A_30 = arith.constant 0 : i32
    %dma_start3A_31 = tpu.memref_slice %arg9[%dma_start3A_24, %dma_start3A_25, %dma_start3A_30] : memref<2x2x128xi32, #tpu.memory_space<vmem>> -> memref<1x1x128xi32, #tpu.memory_space<vmem>>
    %dma_start3A_32 = tpu.memref_squeeze %dma_start3A_31 : memref<1x1x128xi32, #tpu.memory_space<vmem>> -> memref<128xi32, #tpu.memory_space<vmem>>
    %dma_start3A_33 = arith.constant 0 : i32
    %dma_start3A_34 = arith.constant 0 : i32
    %dma_start3A_35 = tpu.memref_slice %arg15[%dma_start3A_33, %dma_start3A_34] : memref<50176x32xf32, #tpu.memory_space<vmem_shared>> -> memref<50176x32xf32, #tpu.memory_space<vmem_shared>>
    tpu.enqueue_indirect_dma source(%dma_start3A_29 : memref<128x32xf32, #tpu.memory_space<vmem>>) target(%dma_start3A_35 : memref<50176x32xf32, #tpu.memory_space<vmem_shared>>) offsets(%dma_start3A_32 : memref<128xi32, #tpu.memory_space<vmem>>) semaphore(%arg19 : memref<!tpu.dma_semaphore, #tpu.memory_space<semaphore_mem>>) {add = true}
    %dma_start3A_36 = arith.constant 1 : i32
    %dma_start3A_37 = arith.constant 1 : i32
    %dma_start3A_38 = arith.constant 1 : i32
    %dma_start3A_39 = arith.constant 0 : i32
    %dma_start3A_40 = arith.constant 0 : i32
    %dma_start3A_41 = tpu.memref_slice %arg12[%dma_start3A_36, %dma_start3A_39, %dma_start3A_40] : memref<2x128x32xf32, #tpu.memory_space<vmem>> -> memref<1x128x32xf32, #tpu.memory_space<vmem>>
    %dma_start3A_42 = tpu.memref_squeeze %dma_start3A_41 : memref<1x128x32xf32, #tpu.memory_space<vmem>> -> memref<128x32xf32, #tpu.memory_space<vmem>>
    %dma_start3A_43 = arith.constant 0 : i32
    %dma_start3A_44 = tpu.memref_slice %arg9[%dma_start3A_37, %dma_start3A_38, %dma_start3A_43] : memref<2x2x128xi32, #tpu.memory_space<vmem>> -> memref<1x1x128xi32, #tpu.memory_space<vmem>>
    %dma_start3A_45 = tpu.memref_squeeze %dma_start3A_44 : memref<1x1x128xi32, #tpu.memory_space<vmem>> -> memref<128xi32, #tpu.memory_space<vmem>>
    %dma_start3A_46 = arith.constant 0 : i32
    %dma_start3A_47 = arith.constant 0 : i32
    %dma_start3A_48 = tpu.memref_slice %arg15[%dma_start3A_46, %dma_start3A_47] : memref<50176x32xf32, #tpu.memory_space<vmem_shared>> -> memref<50176x32xf32, #tpu.memory_space<vmem_shared>>
    tpu.enqueue_indirect_dma source(%dma_start3A_42 : memref<128x32xf32, #tpu.memory_space<vmem>>) target(%dma_start3A_48 : memref<50176x32xf32, #tpu.memory_space<vmem_shared>>) offsets(%dma_start3A_45 : memref<128xi32, #tpu.memory_space<vmem>>) semaphore(%arg19 : memref<!tpu.dma_semaphore, #tpu.memory_space<semaphore_mem>>) {add = true}
    tpu.wait_dma2 semaphore(%arg19 : memref<!tpu.dma_semaphore, #tpu.memory_space<semaphore_mem>>) src(%arg6 : memref<2x128x32xf32, #tpu.memory_space<hbm>>) dst(%arg14 : memref<2x128x32xf32, #tpu.memory_space<vmem>>)
    tpu.wait_dma2 semaphore(%arg19 : memref<!tpu.dma_semaphore, #tpu.memory_space<semaphore_mem>>) src(%arg6 : memref<2x128x32xf32, #tpu.memory_space<hbm>>) dst(%arg12 : memref<2x128x32xf32, #tpu.memory_space<vmem>>)
    %barrier3A_49 = arith.constant 0 : index
    tpu.barrier barrier_id(%barrier3A_49)
    %eq3A = arith.constant 0 : i32
    %eq3A_50 = arith.cmpi eq, %arg0, %eq3A : i32
    %lt3A = arith.constant 15 : i32
    %lt3A_51 = arith.cmpi slt, %arg1, %lt3A : i32
    %and3A = arith.andi %eq3A_50, %lt3A_51 : i1
    %convert_element_type3A = arith.extui %and3A : i1 to i32
    %cond3A = arith.constant 0 : i32
    %cond3A_52 = arith.cmpi ne, %convert_element_type3A, %cond3A : i32
    scf.if %cond3A_52 {
      %mul3A_77 = arith.constant 3128 : i32
      %mul3A_78 = arith.muli %arg1, %mul3A_77 : i32
      %mul3A_79 = arith.constant 3128 : i32
      %mul3A_80 = arith.muli %arg1, %mul3A_79 : i32
      "tpu.region"() ({
        %run_scoped3A_81 = tpu.sem_alloc : memref<!tpu.dma_semaphore, #tpu.memory_space<semaphore_mem>>
        %dma_start3A_82 = arith.constant 0 : i32
        %dma_start3A_83 = tpu.memref_slice %arg7[%mul3A_80, %dma_start3A_82] : memref<50000x32xf32, #tpu.memory_space<hbm>> -> memref<3128x32xf32, #tpu.memory_space<hbm>>
        %dma_start3A_84 = arith.constant 0 : i32
        %dma_start3A_85 = tpu.memref_slice %arg15[%mul3A_78, %dma_start3A_84] : memref<50176x32xf32, #tpu.memory_space<vmem_shared>> -> memref<3128x32xf32, #tpu.memory_space<vmem_shared>>
        tpu.enqueue_dma source(%dma_start3A_85 : memref<3128x32xf32, #tpu.memory_space<vmem_shared>>) target(%dma_start3A_83 : memref<3128x32xf32, #tpu.memory_space<hbm>>) target_semaphore(%run_scoped3A_81 : memref<!tpu.dma_semaphore, #tpu.memory_space<semaphore_mem>>)
        %dma_wait3A = arith.constant 0 : i32
        %dma_wait3A_86 = tpu.memref_slice %arg7[%mul3A_80, %dma_wait3A] : memref<50000x32xf32, #tpu.memory_space<hbm>> -> memref<3128x32xf32, #tpu.memory_space<hbm>>
        %dma_wait3A_87 = arith.constant 0 : i32
        %dma_wait3A_88 = tpu.memref_slice %arg15[%mul3A_78, %dma_wait3A_87] : memref<50176x32xf32, #tpu.memory_space<vmem_shared>> -> memref<3128x32xf32, #tpu.memory_space<vmem_shared>>
        tpu.wait_dma2 semaphore(%run_scoped3A_81 : memref<!tpu.dma_semaphore, #tpu.memory_space<semaphore_mem>>) src(%dma_wait3A_88 : memref<3128x32xf32, #tpu.memory_space<vmem_shared>>) dst(%dma_wait3A_86 : memref<3128x32xf32, #tpu.memory_space<hbm>>)
        tpu.yield
      }) : () -> ()
    } else {
    }
    %eq3A_53 = arith.constant 0 : i32
    %eq3A_54 = arith.cmpi eq, %arg0, %eq3A_53 : i32
    %eq3A_55 = arith.constant 15 : i32
    %eq3A_56 = arith.cmpi eq, %arg1, %eq3A_55 : i32
    %and3A_57 = arith.andi %eq3A_54, %eq3A_56 : i1
    %convert_element_type3A_58 = arith.extui %and3A_57 : i1 to i32
    %cond3A_59 = arith.constant 0 : i32
    %cond3A_60 = arith.cmpi ne, %convert_element_type3A_58, %cond3A_59 : i32
    scf.if %cond3A_60 {
      "tpu.region"() ({
        %run_scoped3A_77 = tpu.sem_alloc : memref<!tpu.dma_semaphore, #tpu.memory_space<semaphore_mem>>
        %dma_start3A_78 = arith.constant 46920 : i32
        %dma_start3A_79 = arith.constant 0 : i32
        %dma_start3A_80 = tpu.memref_slice %arg7[%dma_start3A_78, %dma_start3A_79] : memref<50000x32xf32, #tpu.memory_space<hbm>> -> memref<3080x32xf32, #tpu.memory_space<hbm>>
        %dma_start3A_81 = arith.constant 46920 : i32
        %dma_start3A_82 = arith.constant 0 : i32
        %dma_start3A_83 = tpu.memref_slice %arg15[%dma_start3A_81, %dma_start3A_82] : memref<50176x32xf32, #tpu.memory_space<vmem_shared>> -> memref<3080x32xf32, #tpu.memory_space<vmem_shared>>
        tpu.enqueue_dma source(%dma_start3A_83 : memref<3080x32xf32, #tpu.memory_space<vmem_shared>>) target(%dma_start3A_80 : memref<3080x32xf32, #tpu.memory_space<hbm>>) target_semaphore(%run_scoped3A_77 : memref<!tpu.dma_semaphore, #tpu.memory_space<semaphore_mem>>)
        %dma_wait3A = arith.constant 46920 : i32
        %dma_wait3A_84 = arith.constant 0 : i32
        %dma_wait3A_85 = tpu.memref_slice %arg7[%dma_wait3A, %dma_wait3A_84] : memref<50000x32xf32, #tpu.memory_space<hbm>> -> memref<3080x32xf32, #tpu.memory_space<hbm>>
        %dma_wait3A_86 = arith.constant 46920 : i32
        %dma_wait3A_87 = arith.constant 0 : i32
        %dma_wait3A_88 = tpu.memref_slice %arg15[%dma_wait3A_86, %dma_wait3A_87] : memref<50176x32xf32, #tpu.memory_space<vmem_shared>> -> memref<3080x32xf32, #tpu.memory_space<vmem_shared>>
        tpu.wait_dma2 semaphore(%run_scoped3A_77 : memref<!tpu.dma_semaphore, #tpu.memory_space<semaphore_mem>>) src(%dma_wait3A_88 : memref<3080x32xf32, #tpu.memory_space<vmem_shared>>) dst(%dma_wait3A_85 : memref<3080x32xf32, #tpu.memory_space<hbm>>)
        tpu.yield
      }) : () -> ()
    } else {
    }
    %eq3A_61 = arith.constant 1 : i32
    %eq3A_62 = arith.cmpi eq, %arg0, %eq3A_61 : i32
    %lt3A_63 = arith.constant 15 : i32
    %lt3A_64 = arith.cmpi slt, %arg1, %lt3A_63 : i32
    %and3A_65 = arith.andi %eq3A_62, %lt3A_64 : i1
    %convert_element_type3A_66 = arith.extui %and3A_65 : i1 to i32
    %cond3A_67 = arith.constant 0 : i32
    %cond3A_68 = arith.cmpi ne, %convert_element_type3A_66, %cond3A_67 : i32
    scf.if %cond3A_68 {
      %mul3A_77 = arith.constant 1720 : i32
      %mul3A_78 = arith.muli %arg1, %mul3A_77 : i32
      %mul3A_79 = arith.constant 1720 : i32
      %mul3A_80 = arith.muli %arg1, %mul3A_79 : i32
      "tpu.region"() ({
        %run_scoped3A_81 = tpu.sem_alloc : memref<!tpu.dma_semaphore, #tpu.memory_space<semaphore_mem>>
        %dma_start3A_82 = arith.constant 0 : i32
        %dma_start3A_83 = tpu.memref_slice %arg8[%mul3A_80, %dma_start3A_82] : memref<27504x32xf32, #tpu.memory_space<hbm>> -> memref<1720x32xf32, #tpu.memory_space<hbm>>
        %dma_start3A_84 = arith.constant 0 : i32
        %dma_start3A_85 = tpu.memref_slice %arg15[%mul3A_78, %dma_start3A_84] : memref<50176x32xf32, #tpu.memory_space<vmem_shared>> -> memref<1720x32xf32, #tpu.memory_space<vmem_shared>>
        tpu.enqueue_dma source(%dma_start3A_85 : memref<1720x32xf32, #tpu.memory_space<vmem_shared>>) target(%dma_start3A_83 : memref<1720x32xf32, #tpu.memory_space<hbm>>) target_semaphore(%run_scoped3A_81 : memref<!tpu.dma_semaphore, #tpu.memory_space<semaphore_mem>>)
        %dma_wait3A = arith.constant 0 : i32
        %dma_wait3A_86 = tpu.memref_slice %arg8[%mul3A_80, %dma_wait3A] : memref<27504x32xf32, #tpu.memory_space<hbm>> -> memref<1720x32xf32, #tpu.memory_space<hbm>>
        %dma_wait3A_87 = arith.constant 0 : i32
        %dma_wait3A_88 = tpu.memref_slice %arg15[%mul3A_78, %dma_wait3A_87] : memref<50176x32xf32, #tpu.memory_space<vmem_shared>> -> memref<1720x32xf32, #tpu.memory_space<vmem_shared>>
        tpu.wait_dma2 semaphore(%run_scoped3A_81 : memref<!tpu.dma_semaphore, #tpu.memory_space<semaphore_mem>>) src(%dma_wait3A_88 : memref<1720x32xf32, #tpu.memory_space<vmem_shared>>) dst(%dma_wait3A_86 : memref<1720x32xf32, #tpu.memory_space<hbm>>)
        tpu.yield
      }) : () -> ()
    } else {
    }
    %eq3A_69 = arith.constant 1 : i32
    %eq3A_70 = arith.cmpi eq, %arg0, %eq3A_69 : i32
    %eq3A_71 = arith.constant 15 : i32
    %eq3A_72 = arith.cmpi eq, %arg1, %eq3A_71 : i32
    %and3A_73 = arith.andi %eq3A_70, %eq3A_72 : i1
    %convert_element_type3A_74 = arith.extui %and3A_73 : i1 to i32
    %cond3A_75 = arith.constant 0 : i32
    %cond3A_76 = arith.cmpi ne, %convert_element_type3A_74, %cond3A_75 : i32
    scf.if %cond3A_76 {
      "tpu.region"() ({
        %run_scoped3A_77 = tpu.sem_alloc : memref<!tpu.dma_semaphore, #tpu.memory_space<semaphore_mem>>
        %dma_start3A_78 = arith.constant 25800 : i32
        %dma_start3A_79 = arith.constant 0 : i32
        %dma_start3A_80 = tpu.memref_slice %arg8[%dma_start3A_78, %dma_start3A_79] : memref<27504x32xf32, #tpu.memory_space<hbm>> -> memref<1704x32xf32, #tpu.memory_space<hbm>>
        %dma_start3A_81 = arith.constant 25800 : i32
        %dma_start3A_82 = arith.constant 0 : i32
        %dma_start3A_83 = tpu.memref_slice %arg15[%dma_start3A_81, %dma_start3A_82] : memref<50176x32xf32, #tpu.memory_space<vmem_shared>> -> memref<1704x32xf32, #tpu.memory_space<vmem_shared>>
        tpu.enqueue_dma source(%dma_start3A_83 : memref<1704x32xf32, #tpu.memory_space<vmem_shared>>) target(%dma_start3A_80 : memref<1704x32xf32, #tpu.memory_space<hbm>>) target_semaphore(%run_scoped3A_77 : memref<!tpu.dma_semaphore, #tpu.memory_space<semaphore_mem>>)
        %dma_wait3A = arith.constant 25800 : i32
        %dma_wait3A_84 = arith.constant 0 : i32
        %dma_wait3A_85 = tpu.memref_slice %arg8[%dma_wait3A, %dma_wait3A_84] : memref<27504x32xf32, #tpu.memory_space<hbm>> -> memref<1704x32xf32, #tpu.memory_space<hbm>>
        %dma_wait3A_86 = arith.constant 25800 : i32
        %dma_wait3A_87 = arith.constant 0 : i32
        %dma_wait3A_88 = tpu.memref_slice %arg15[%dma_wait3A_86, %dma_wait3A_87] : memref<50176x32xf32, #tpu.memory_space<vmem_shared>> -> memref<1704x32xf32, #tpu.memory_space<vmem_shared>>
        tpu.wait_dma2 semaphore(%run_scoped3A_77 : memref<!tpu.dma_semaphore, #tpu.memory_space<semaphore_mem>>) src(%dma_wait3A_88 : memref<1704x32xf32, #tpu.memory_space<vmem_shared>>) dst(%dma_wait3A_85 : memref<1704x32xf32, #tpu.memory_space<hbm>>)
        tpu.yield
      }) : () -> ()
    } else {
    }
    return
  }
}

#map = affine_map<(d0, d1) -> (0, 0)>
#map1 = affine_map<(d0, d1) -> (0, 0, 0)>
module attributes {stable_mosaic.version = 14 : i64} {
  func.func @body(%arg0: i32, %arg1: i32, %arg2: memref<50000x32xf32, #tpu.memory_space<hbm>>, %arg3: memref<27504x32xf32, #tpu.memory_space<hbm>>, %arg4: memref<3680x2x128xi32, #tpu.memory_space<hbm>>, %arg5: memref<3680x2x128xi32, #tpu.memory_space<hbm>>, %arg6: memref<2x128x32xf32, #tpu.memory_space<hbm>>, %arg7: memref<50000x32xf32, #tpu.memory_space<hbm>>, %arg8: memref<27504x32xf32, #tpu.memory_space<hbm>>, %arg9: memref<2x2x128xi32, #tpu.memory_space<vmem>>, %arg10: memref<2x2x128xi32, #tpu.memory_space<vmem>>, %arg11: memref<2x2x128xi32, #tpu.memory_space<vmem>>, %arg12: memref<2x128x32xf32, #tpu.memory_space<vmem>>, %arg13: memref<2x128x32xf32, #tpu.memory_space<vmem>>, %arg14: memref<2x128x32xf32, #tpu.memory_space<vmem>>, %arg15: memref<50176x32xf32, #tpu.memory_space<vmem_shared>>, %arg16: memref<56x32xf32, #tpu.memory_space<vmem>>, %arg17: memref<!tpu.dma_semaphore, #tpu.memory_space<semaphore_mem>>, %arg18: memref<!tpu.dma_semaphore, #tpu.memory_space<semaphore_mem>>, %arg19: memref<!tpu.dma_semaphore, #tpu.memory_space<semaphore_mem>>) attributes {dimension_semantics = [#tpu.dimension_semantics<core_parallel>, #tpu.dimension_semantics<subcore_parallel>], iteration_bounds = array<i64: 2, 16>, scalar_prefetch = 0 : i64, scratch_operands = 11 : i64, tpu.core_type = #tpu.core_type<sc_vector_subcore>, window_params = [{transform_indices = #map}, {transform_indices = #map}, {transform_indices = #map1}, {transform_indices = #map1}, {transform_indices = #map1}, {transform_indices = #map}, {transform_indices = #map}]} {
    %scan3A = arith.constant 0 : i32
    %scan3A_0 = arith.constant 0 : i32
    %scan3A_1 = arith.constant 56 : i32
    %scan3A_2 = arith.addi %scan3A_0, %scan3A_1 : i32
    %scan3A_3 = arith.constant 1 : i32
    %scan3A_4 = scf.for %scan3A_77 = %scan3A_0 to %scan3A_2 step %scan3A_3 iter_args(%scan3A_78 = %scan3A) -> (i32)  : i32 {
      %broadcast_in_dim3A = arith.constant 0.000000e+00 : f32
      %broadcast_in_dim3A_79 = vector.broadcast %broadcast_in_dim3A : f32 to vector<16xf32>
      %swap3A = arith.index_cast %scan3A_77 : i32 to index
      %swap3A_80 = arith.constant 0 : index
      %swap3A_81 = tpu.vector_load %arg16[%swap3A, %swap3A_80] {strides = array<i32>} : memref<56x32xf32, #tpu.memory_space<vmem>>, vector<1x16xf32>,
      %swap3A_82 = vector.shape_cast %swap3A_81 : vector<1x16xf32> to vector<16xf32>
      %swap3A_83 = vector.shape_cast %broadcast_in_dim3A_79 : vector<16xf32> to vector<1x16xf32>
      tpu.vector_store %arg16[%swap3A, %swap3A_80], %swap3A_83 {strides = array<i32>} : memref<56x32xf32, #tpu.memory_space<vmem>>, vector<1x16xf32>,
      %broadcast_in_dim3A_84 = arith.constant 0.000000e+00 : f32
      %broadcast_in_dim3A_85 = vector.broadcast %broadcast_in_dim3A_84 : f32 to vector<16xf32>
      %swap3A_86 = arith.index_cast %scan3A_77 : i32 to index
      %swap3A_87 = arith.constant 16 : index
      %swap3A_88 = tpu.vector_load %arg16[%swap3A_86, %swap3A_87] {strides = array<i32>} : memref<56x32xf32, #tpu.memory_space<vmem>>, vector<1x16xf32>,
      %swap3A_89 = vector.shape_cast %swap3A_88 : vector<1x16xf32> to vector<16xf32>
      %swap3A_90 = vector.shape_cast %broadcast_in_dim3A_85 : vector<16xf32> to vector<1x16xf32>
      tpu.vector_store %arg16[%swap3A_86, %swap3A_87], %swap3A_90 {strides = array<i32>} : memref<56x32xf32, #tpu.memory_space<vmem>>, vector<1x16xf32>,
      %scan3A_91 = arith.constant 0 : i32
      scf.yield %scan3A_91 : i32
    }
    %scan3A_5 = arith.constant 56 : i32
    %scan3A_6 = arith.constant 0 : i32
    %scan3A_7 = arith.constant 0 : i32
    %scan3A_8 = arith.constant 56 : i32
    %scan3A_9 = arith.addi %scan3A_7, %scan3A_8 : i32
    %scan3A_10 = arith.constant 1 : i32
    %scan3A_11 = scf.for %scan3A_77 = %scan3A_7 to %scan3A_9 step %scan3A_10 iter_args(%scan3A_78 = %scan3A_6) -> (i32)  : i32 {
      %mul3A_79 = arith.constant 3136 : i32
      %mul3A_80 = arith.muli %arg1, %mul3A_79 : i32
      %mul3A_81 = arith.constant 56 : i32
      %mul3A_82 = arith.muli %scan3A_77, %mul3A_81 : i32
      %add3A_83 = arith.addi %mul3A_80, %mul3A_82 : i32
      "tpu.region"() ({
        %run_scoped3A_85 = tpu.sem_alloc : memref<!tpu.dma_semaphore, #tpu.memory_space<semaphore_mem>>
        %dma_start3A_86 = arith.constant 0 : i32
        %dma_start3A_87 = tpu.memref_slice %arg15[%add3A_83, %dma_start3A_86] : memref<50176x32xf32, #tpu.memory_space<vmem_shared>> -> memref<56x32xf32, #tpu.memory_space<vmem_shared>>
        %dma_start3A_88 = arith.constant 0 : i32
        %dma_start3A_89 = tpu.memref_slice %arg15[%add3A_83, %dma_start3A_88] : memref<50176x32xf32, #tpu.memory_space<vmem_shared>> -> memref<56x32xf32, #tpu.memory_space<vmem_shared>>
        tpu.enqueue_dma source(%arg16 : memref<56x32xf32, #tpu.memory_space<vmem>>) target(%dma_start3A_89 : memref<56x32xf32, #tpu.memory_space<vmem_shared>>) target_semaphore(%run_scoped3A_85 : memref<!tpu.dma_semaphore, #tpu.memory_space<semaphore_mem>>)
        %dma_wait3A = arith.constant 0 : i32
        %dma_wait3A_90 = tpu.memref_slice %arg15[%add3A_83, %dma_wait3A] : memref<50176x32xf32, #tpu.memory_space<vmem_shared>> -> memref<56x32xf32, #tpu.memory_space<vmem_shared>>
        %dma_wait3A_91 = arith.constant 0 : i32
        %dma_wait3A_92 = tpu.memref_slice %arg15[%add3A_83, %dma_wait3A_91] : memref<50176x32xf32, #tpu.memory_space<vmem_shared>> -> memref<56x32xf32, #tpu.memory_space<vmem_shared>>
        tpu.wait_dma2 semaphore(%run_scoped3A_85 : memref<!tpu.dma_semaphore, #tpu.memory_space<semaphore_mem>>) src(%arg16 : memref<56x32xf32, #tpu.memory_space<vmem>>) dst(%dma_wait3A_92 : memref<56x32xf32, #tpu.memory_space<vmem_shared>>)
        tpu.yield
      }) : () -> ()
      %scan3A_84 = arith.constant 0 : i32
      scf.yield %scan3A_84 : i32
    }
    %scan3A_12 = arith.constant 56 : i32
    %barrier3A = arith.constant 0 : index
    tpu.barrier barrier_id(%barrier3A)
    %mul3A = arith.constant 16 : i32
    %mul3A_13 = arith.muli %arg0, %mul3A : i32
    %add3A = arith.addi %mul3A_13, %arg1 : i32
    %mul3A_14 = arith.constant 115 : i32
    %mul3A_15 = arith.muli %add3A, %mul3A_14 : i32
    %run_scoped3A = arith.constant 0 : i32
    "tpu.region"() ({
      %run_scoped3A_77 = tpu.sem_alloc : memref<!tpu.dma_semaphore, #tpu.memory_space<semaphore_mem>>
      %dma_start3A_78 = arith.constant 0 : i32
      %dma_start3A_79 = arith.constant 0 : i32
      %dma_start3A_80 = tpu.memref_slice %arg9[%run_scoped3A, %dma_start3A_78, %dma_start3A_79] : memref<2x2x128xi32, #tpu.memory_space<vmem>> -> memref<1x2x128xi32, #tpu.memory_space<vmem>>
      %dma_start3A_81 = tpu.memref_squeeze %dma_start3A_80 : memref<1x2x128xi32, #tpu.memory_space<vmem>> -> memref<2x128xi32, #tpu.memory_space<vmem>>
      %dma_start3A_82 = arith.constant 0 : i32
      %dma_start3A_83 = arith.constant 0 : i32
      %dma_start3A_84 = tpu.memref_slice %arg4[%mul3A_15, %dma_start3A_82, %dma_start3A_83] : memref<3680x2x128xi32, #tpu.memory_space<hbm>> -> memref<1x2x128xi32, #tpu.memory_space<hbm>>
      %dma_start3A_85 = tpu.memref_squeeze %dma_start3A_84 : memref<1x2x128xi32, #tpu.memory_space<hbm>> -> memref<2x128xi32, #tpu.memory_space<hbm>>
      %dma_start3A_86 = arith.constant 0 : i32
      %dma_start3A_87 = arith.constant 0 : i32
      %dma_start3A_88 = tpu.memref_slice %arg9[%run_scoped3A, %dma_start3A_86, %dma_start3A_87] : memref<2x2x128xi32, #tpu.memory_space<vmem>> -> memref<1x2x128xi32, #tpu.memory_space<vmem>>
      %dma_start3A_89 = tpu.memref_squeeze %dma_start3A_88 : memref<1x2x128xi32, #tpu.memory_space<vmem>> -> memref<2x128xi32, #tpu.memory_space<vmem>>
      %dma_start3A_90 = arith.constant 0 : i32
      %dma_start3A_91 = arith.constant 0 : i32
      %dma_start3A_92 = tpu.memref_slice %arg4[%mul3A_15, %dma_start3A_90, %dma_start3A_91] : memref<3680x2x128xi32, #tpu.memory_space<hbm>> -> memref<1x2x128xi32, #tpu.memory_space<hbm>>
      %dma_start3A_93 = tpu.memref_squeeze %dma_start3A_92 : memref<1x2x128xi32, #tpu.memory_space<hbm>> -> memref<2x128xi32, #tpu.memory_space<hbm>>
      tpu.enqueue_dma source(%dma_start3A_93 : memref<2x128xi32, #tpu.memory_space<hbm>>) target(%dma_start3A_89 : memref<2x128xi32, #tpu.memory_space<vmem>>) target_semaphore(%run_scoped3A_77 : memref<!tpu.dma_semaphore, #tpu.memory_space<semaphore_mem>>)
      %dma_wait3A = arith.constant 0 : i32
      %dma_wait3A_94 = arith.constant 0 : i32
      %dma_wait3A_95 = tpu.memref_slice %arg9[%run_scoped3A, %dma_wait3A, %dma_wait3A_94] : memref<2x2x128xi32, #tpu.memory_space<vmem>> -> memref<1x2x128xi32, #tpu.memory_space<vmem>>
      %dma_wait3A_96 = tpu.memref_squeeze %dma_wait3A_95 : memref<1x2x128xi32, #tpu.memory_space<vmem>> -> memref<2x128xi32, #tpu.memory_space<vmem>>
      %dma_wait3A_97 = arith.constant 0 : i32
      %dma_wait3A_98 = arith.constant 0 : i32
      %dma_wait3A_99 = tpu.memref_slice %arg4[%mul3A_15, %dma_wait3A_97, %dma_wait3A_98] : memref<3680x2x128xi32, #tpu.memory_space<hbm>> -> memref<1x2x128xi32, #tpu.memory_space<hbm>>
      %dma_wait3A_100 = tpu.memref_squeeze %dma_wait3A_99 : memref<1x2x128xi32, #tpu.memory_space<hbm>> -> memref<2x128xi32, #tpu.memory_space<hbm>>
      %dma_wait3A_101 = arith.constant 0 : i32
      %dma_wait3A_102 = arith.constant 0 : i32
      %dma_wait3A_103 = tpu.memref_slice %arg9[%run_scoped3A, %dma_wait3A_101, %dma_wait3A_102] : memref<2x2x128xi32, #tpu.memory_space<vmem>> -> memref<1x2x128xi32, #tpu.memory_space<vmem>>
      %dma_wait3A_104 = tpu.memref_squeeze %dma_wait3A_103 : memref<1x2x128xi32, #tpu.memory_space<vmem>> -> memref<2x128xi32, #tpu.memory_space<vmem>>
      %dma_wait3A_105 = arith.constant 0 : i32
      %dma_wait3A_106 = arith.constant 0 : i32
      %dma_wait3A_107 = tpu.memref_slice %arg4[%mul3A_15, %dma_wait3A_105, %dma_wait3A_106] : memref<3680x2x128xi32, #tpu.memory_space<hbm>> -> memref<1x2x128xi32, #tpu.memory_space<hbm>>
      %dma_wait3A_108 = tpu.memref_squeeze %dma_wait3A_107 : memref<1x2x128xi32, #tpu.memory_space<hbm>> -> memref<2x128xi32, #tpu.memory_space<hbm>>
      tpu.wait_dma2 semaphore(%run_scoped3A_77 : memref<!tpu.dma_semaphore, #tpu.memory_space<semaphore_mem>>) src(%dma_wait3A_108 : memref<2x128xi32, #tpu.memory_space<hbm>>) dst(%dma_wait3A_104 : memref<2x128xi32, #tpu.memory_space<vmem>>)
      tpu.yield
    }) : () -> ()
    %run_scoped3A_16 = arith.constant 1 : i32
    "tpu.region"() ({
      %run_scoped3A_77 = tpu.sem_alloc : memref<!tpu.dma_semaphore, #tpu.memory_space<semaphore_mem>>
      %dma_start3A_78 = arith.constant 0 : i32
      %dma_start3A_79 = arith.constant 0 : i32
      %dma_start3A_80 = tpu.memref_slice %arg9[%run_scoped3A_16, %dma_start3A_78, %dma_start3A_79] : memref<2x2x128xi32, #tpu.memory_space<vmem>> -> memref<1x2x128xi32, #tpu.memory_space<vmem>>
      %dma_start3A_81 = tpu.memref_squeeze %dma_start3A_80 : memref<1x2x128xi32, #tpu.memory_space<vmem>> -> memref<2x128xi32, #tpu.memory_space<vmem>>
      %dma_start3A_82 = arith.constant 0 : i32
      %dma_start3A_83 = arith.constant 0 : i32
      %dma_start3A_84 = tpu.memref_slice %arg5[%mul3A_15, %dma_start3A_82, %dma_start3A_83] : memref<3680x2x128xi32, #tpu.memory_space<hbm>> -> memref<1x2x128xi32, #tpu.memory_space<hbm>>
      %dma_start3A_85 = tpu.memref_squeeze %dma_start3A_84 : memref<1x2x128xi32, #tpu.memory_space<hbm>> -> memref<2x128xi32, #tpu.memory_space<hbm>>
      %dma_start3A_86 = arith.constant 0 : i32
      %dma_start3A_87 = arith.constant 0 : i32
      %dma_start3A_88 = tpu.memref_slice %arg9[%run_scoped3A_16, %dma_start3A_86, %dma_start3A_87] : memref<2x2x128xi32, #tpu.memory_space<vmem>> -> memref<1x2x128xi32, #tpu.memory_space<vmem>>
      %dma_start3A_89 = tpu.memref_squeeze %dma_start3A_88 : memref<1x2x128xi32, #tpu.memory_space<vmem>> -> memref<2x128xi32, #tpu.memory_space<vmem>>
      %dma_start3A_90 = arith.constant 0 : i32
      %dma_start3A_91 = arith.constant 0 : i32
      %dma_start3A_92 = tpu.memref_slice %arg5[%mul3A_15, %dma_start3A_90, %dma_start3A_91] : memref<3680x2x128xi32, #tpu.memory_space<hbm>> -> memref<1x2x128xi32, #tpu.memory_space<hbm>>
      %dma_start3A_93 = tpu.memref_squeeze %dma_start3A_92 : memref<1x2x128xi32, #tpu.memory_space<hbm>> -> memref<2x128xi32, #tpu.memory_space<hbm>>
      tpu.enqueue_dma source(%dma_start3A_93 : memref<2x128xi32, #tpu.memory_space<hbm>>) target(%dma_start3A_89 : memref<2x128xi32, #tpu.memory_space<vmem>>) target_semaphore(%run_scoped3A_77 : memref<!tpu.dma_semaphore, #tpu.memory_space<semaphore_mem>>)
      %dma_wait3A = arith.constant 0 : i32
      %dma_wait3A_94 = arith.constant 0 : i32
      %dma_wait3A_95 = tpu.memref_slice %arg9[%run_scoped3A_16, %dma_wait3A, %dma_wait3A_94] : memref<2x2x128xi32, #tpu.memory_space<vmem>> -> memref<1x2x128xi32, #tpu.memory_space<vmem>>
      %dma_wait3A_96 = tpu.memref_squeeze %dma_wait3A_95 : memref<1x2x128xi32, #tpu.memory_space<vmem>> -> memref<2x128xi32, #tpu.memory_space<vmem>>
      %dma_wait3A_97 = arith.constant 0 : i32
      %dma_wait3A_98 = arith.constant 0 : i32
      %dma_wait3A_99 = tpu.memref_slice %arg5[%mul3A_15, %dma_wait3A_97, %dma_wait3A_98] : memref<3680x2x128xi32, #tpu.memory_space<hbm>> -> memref<1x2x128xi32, #tpu.memory_space<hbm>>
      %dma_wait3A_100 = tpu.memref_squeeze %dma_wait3A_99 : memref<1x2x128xi32, #tpu.memory_space<hbm>> -> memref<2x128xi32, #tpu.memory_space<hbm>>
      %dma_wait3A_101 = arith.constant 0 : i32
      %dma_wait3A_102 = arith.constant 0 : i32
      %dma_wait3A_103 = tpu.memref_slice %arg9[%run_scoped3A_16, %dma_wait3A_101, %dma_wait3A_102] : memref<2x2x128xi32, #tpu.memory_space<vmem>> -> memref<1x2x128xi32, #tpu.memory_space<vmem>>
      %dma_wait3A_104 = tpu.memref_squeeze %dma_wait3A_103 : memref<1x2x128xi32, #tpu.memory_space<vmem>> -> memref<2x128xi32, #tpu.memory_space<vmem>>
      %dma_wait3A_105 = arith.constant 0 : i32
      %dma_wait3A_106 = arith.constant 0 : i32
      %dma_wait3A_107 = tpu.memref_slice %arg5[%mul3A_15, %dma_wait3A_105, %dma_wait3A_106] : memref<3680x2x128xi32, #tpu.memory_space<hbm>> -> memref<1x2x128xi32, #tpu.memory_space<hbm>>
      %dma_wait3A_108 = tpu.memref_squeeze %dma_wait3A_107 : memref<1x2x128xi32, #tpu.memory_space<hbm>> -> memref<2x128xi32, #tpu.memory_space<hbm>>
      tpu.wait_dma2 semaphore(%run_scoped3A_77 : memref<!tpu.dma_semaphore, #tpu.memory_space<semaphore_mem>>) src(%dma_wait3A_108 : memref<2x128xi32, #tpu.memory_space<hbm>>) dst(%dma_wait3A_104 : memref<2x128xi32, #tpu.memory_space<vmem>>)
      tpu.yield
    }) : () -> ()
    %scan3A_17 = arith.constant 0 : i32
    %scan3A_18 = arith.constant 0 : i32
    %scan3A_19 = arith.constant 115 : i32
    %scan3A_20 = arith.addi %scan3A_18, %scan3A_19 : i32
    %scan3A_21 = arith.constant 1 : i32
    %scan3A_22 = scf.for %scan3A_77 = %scan3A_18 to %scan3A_20 step %scan3A_21 iter_args(%scan3A_78 = %scan3A_17) -> (i32)  : i32 {
      %jit3A = arith.constant 3 : i32
      %eq3A_79 = arith.constant 0 : i32
      %eq3A_80 = arith.cmpi eq, %jit3A, %eq3A_79 : i32
      %jit3A_81 = arith.constant 1 : i32
      %select_n3A = arith.select %eq3A_80, %jit3A_81, %jit3A : i32
      %rem3A = arith.remsi %scan3A_77, %select_n3A : i32
      %ne3A = arith.constant 0 : i32
      %ne3A_82 = arith.cmpi ne, %rem3A, %ne3A : i32
      %lt3A_83 = arith.constant 0 : i32
      %lt3A_84 = arith.cmpi slt, %rem3A, %lt3A_83 : i32
      %lt3A_85 = arith.constant 0 : i32
      %lt3A_86 = arith.cmpi slt, %select_n3A, %lt3A_85 : i32
      %ne3A_87 = arith.xori %lt3A_84, %lt3A_86 : i1
      %and3A_88 = arith.andi %ne3A_87, %ne3A_82 : i1
      %add3A_89 = arith.addi %rem3A, %select_n3A : i32
      %select_n3A_90 = arith.select %and3A_88, %add3A_89, %rem3A : i32
      %eq3A_91 = arith.constant 0 : i32
      %eq3A_92 = arith.cmpi eq, %select_n3A_90, %eq3A_91 : i32
      %convert_element_type3A_93 = arith.extui %eq3A_92 : i1 to i32
      %cond3A_94 = arith.constant 0 : i32
      %cond3A_95 = arith.cmpi ne, %convert_element_type3A_93, %cond3A_94 : i32
      scf.if %cond3A_95 {
        %ge3A = arith.constant 2 : i32
        %ge3A_139 = arith.cmpi sge, %scan3A_77, %ge3A : i32
        %convert_element_type3A_140 = arith.extui %ge3A_139 : i1 to i32
        %cond3A_141 = arith.constant 0 : i32
        %cond3A_142 = arith.cmpi ne, %convert_element_type3A_140, %cond3A_141 : i32
        scf.if %cond3A_142 {
          tpu.wait_dma2 semaphore(%arg19 : memref<!tpu.dma_semaphore, #tpu.memory_space<semaphore_mem>>) src(%arg6 : memref<2x128x32xf32, #tpu.memory_space<hbm>>) dst(%arg13 : memref<2x128x32xf32, #tpu.memory_space<vmem>>)
        } else {
        }
        %ge3A_143 = arith.constant 1 : i32
        %ge3A_144 = arith.cmpi sge, %scan3A_77, %ge3A_143 : i32
        %convert_element_type3A_145 = arith.extui %ge3A_144 : i1 to i32
        %cond3A_146 = arith.constant 0 : i32
        %cond3A_147 = arith.cmpi ne, %convert_element_type3A_145, %cond3A_146 : i32
        scf.if %cond3A_147 {
          %dma_wait3A = arith.constant 0 : i32
          %dma_wait3A_168 = arith.constant 0 : i32
          %dma_wait3A_169 = arith.constant 0 : i32
          %dma_wait3A_170 = arith.constant 0 : i32
          %dma_wait3A_171 = tpu.memref_slice %arg9[%dma_wait3A_168, %dma_wait3A_169, %dma_wait3A_170] : memref<2x2x128xi32, #tpu.memory_space<vmem>> -> memref<1x2x128xi32, #tpu.memory_space<vmem>>
          %dma_wait3A_172 = tpu.memref_squeeze %dma_wait3A_171 : memref<1x2x128xi32, #tpu.memory_space<vmem>> -> memref<2x128xi32, #tpu.memory_space<vmem>>
          %dma_wait3A_173 = arith.constant 0 : i32
          %dma_wait3A_174 = arith.constant 0 : i32
          %dma_wait3A_175 = tpu.memref_slice %arg4[%dma_wait3A, %dma_wait3A_173, %dma_wait3A_174] : memref<3680x2x128xi32, #tpu.memory_space<hbm>> -> memref<1x2x128xi32, #tpu.memory_space<hbm>>
          %dma_wait3A_176 = tpu.memref_squeeze %dma_wait3A_175 : memref<1x2x128xi32, #tpu.memory_space<hbm>> -> memref<2x128xi32, #tpu.memory_space<hbm>>
          %dma_wait3A_177 = arith.constant 0 : i32
          %dma_wait3A_178 = arith.constant 0 : i32
          %dma_wait3A_179 = tpu.memref_slice %arg9[%dma_wait3A_168, %dma_wait3A_177, %dma_wait3A_178] : memref<2x2x128xi32, #tpu.memory_space<vmem>> -> memref<1x2x128xi32, #tpu.memory_space<vmem>>
          %dma_wait3A_180 = tpu.memref_squeeze %dma_wait3A_179 : memref<1x2x128xi32, #tpu.memory_space<vmem>> -> memref<2x128xi32, #tpu.memory_space<vmem>>
          %dma_wait3A_181 = arith.constant 0 : i32
          %dma_wait3A_182 = arith.constant 0 : i32
          %dma_wait3A_183 = tpu.memref_slice %arg4[%dma_wait3A, %dma_wait3A_181, %dma_wait3A_182] : memref<3680x2x128xi32, #tpu.memory_space<hbm>> -> memref<1x2x128xi32, #tpu.memory_space<hbm>>
          %dma_wait3A_184 = tpu.memref_squeeze %dma_wait3A_183 : memref<1x2x128xi32, #tpu.memory_space<hbm>> -> memref<2x128xi32, #tpu.memory_space<hbm>>
          tpu.wait_dma2 semaphore(%arg17 : memref<!tpu.dma_semaphore, #tpu.memory_space<semaphore_mem>>) src(%dma_wait3A_184 : memref<2x128xi32, #tpu.memory_space<hbm>>) dst(%dma_wait3A_180 : memref<2x128xi32, #tpu.memory_space<vmem>>)
          %dma_wait3A_185 = arith.constant 0 : i32
          %dma_wait3A_186 = arith.constant 1 : i32
          %dma_wait3A_187 = arith.constant 0 : i32
          %dma_wait3A_188 = arith.constant 0 : i32
          %dma_wait3A_189 = tpu.memref_slice %arg9[%dma_wait3A_186, %dma_wait3A_187, %dma_wait3A_188] : memref<2x2x128xi32, #tpu.memory_space<vmem>> -> memref<1x2x128xi32, #tpu.memory_space<vmem>>
          %dma_wait3A_190 = tpu.memref_squeeze %dma_wait3A_189 : memref<1x2x128xi32, #tpu.memory_space<vmem>> -> memref<2x128xi32, #tpu.memory_space<vmem>>
          %dma_wait3A_191 = arith.constant 0 : i32
          %dma_wait3A_192 = arith.constant 0 : i32
          %dma_wait3A_193 = tpu.memref_slice %arg5[%dma_wait3A_185, %dma_wait3A_191, %dma_wait3A_192] : memref<3680x2x128xi32, #tpu.memory_space<hbm>> -> memref<1x2x128xi32, #tpu.memory_space<hbm>>
          %dma_wait3A_194 = tpu.memref_squeeze %dma_wait3A_193 : memref<1x2x128xi32, #tpu.memory_space<hbm>> -> memref<2x128xi32, #tpu.memory_space<hbm>>
          %dma_wait3A_195 = arith.constant 0 : i32
          %dma_wait3A_196 = arith.constant 0 : i32
          %dma_wait3A_197 = tpu.memref_slice %arg9[%dma_wait3A_186, %dma_wait3A_195, %dma_wait3A_196] : memref<2x2x128xi32, #tpu.memory_space<vmem>> -> memref<1x2x128xi32, #tpu.memory_space<vmem>>
          %dma_wait3A_198 = tpu.memref_squeeze %dma_wait3A_197 : memref<1x2x128xi32, #tpu.memory_space<vmem>> -> memref<2x128xi32, #tpu.memory_space<vmem>>
          %dma_wait3A_199 = arith.constant 0 : i32
          %dma_wait3A_200 = arith.constant 0 : i32
          %dma_wait3A_201 = tpu.memref_slice %arg5[%dma_wait3A_185, %dma_wait3A_199, %dma_wait3A_200] : memref<3680x2x128xi32, #tpu.memory_space<hbm>> -> memref<1x2x128xi32, #tpu.memory_space<hbm>>
          %dma_wait3A_202 = tpu.memref_squeeze %dma_wait3A_201 : memref<1x2x128xi32, #tpu.memory_space<hbm>> -> memref<2x128xi32, #tpu.memory_space<hbm>>
          tpu.wait_dma2 semaphore(%arg17 : memref<!tpu.dma_semaphore, #tpu.memory_space<semaphore_mem>>) src(%dma_wait3A_202 : memref<2x128xi32, #tpu.memory_space<hbm>>) dst(%dma_wait3A_198 : memref<2x128xi32, #tpu.memory_space<vmem>>)
        } else {
        }
        %lt3A_148 = arith.constant 114 : i32
        %lt3A_149 = arith.cmpi slt, %scan3A_77, %lt3A_148 : i32
        %convert_element_type3A_150 = arith.extui %lt3A_149 : i1 to i32
        %cond3A_151 = arith.constant 0 : i32
        %cond3A_152 = arith.cmpi ne, %convert_element_type3A_150, %cond3A_151 : i32
        scf.if %cond3A_152 {
          %add3A_168 = arith.addi %mul3A_15, %scan3A_77 : i32
          %add3A_169 = arith.constant 1 : i32
          %add3A_170 = arith.addi %add3A_168, %add3A_169 : i32
          %dma_start3A_171 = arith.constant 0 : i32
          %dma_start3A_172 = arith.constant 0 : i32
          %dma_start3A_173 = arith.constant 0 : i32
          %dma_start3A_174 = tpu.memref_slice %arg10[%dma_start3A_171, %dma_start3A_172, %dma_start3A_173] : memref<2x2x128xi32, #tpu.memory_space<vmem>> -> memref<1x2x128xi32, #tpu.memory_space<vmem>>
          %dma_start3A_175 = tpu.memref_squeeze %dma_start3A_174 : memref<1x2x128xi32, #tpu.memory_space<vmem>> -> memref<2x128xi32, #tpu.memory_space<vmem>>
          %dma_start3A_176 = arith.constant 0 : i32
          %dma_start3A_177 = arith.constant 0 : i32
          %dma_start3A_178 = tpu.memref_slice %arg4[%add3A_170, %dma_start3A_176, %dma_start3A_177] : memref<3680x2x128xi32, #tpu.memory_space<hbm>> -> memref<1x2x128xi32, #tpu.memory_space<hbm>>
          %dma_start3A_179 = tpu.memref_squeeze %dma_start3A_178 : memref<1x2x128xi32, #tpu.memory_space<hbm>> -> memref<2x128xi32, #tpu.memory_space<hbm>>
          %dma_start3A_180 = arith.constant 0 : i32
          %dma_start3A_181 = arith.constant 0 : i32
          %dma_start3A_182 = tpu.memref_slice %arg10[%dma_start3A_171, %dma_start3A_180, %dma_start3A_181] : memref<2x2x128xi32, #tpu.memory_space<vmem>> -> memref<1x2x128xi32, #tpu.memory_space<vmem>>
          %dma_start3A_183 = tpu.memref_squeeze %dma_start3A_182 : memref<1x2x128xi32, #tpu.memory_space<vmem>> -> memref<2x128xi32, #tpu.memory_space<vmem>>
          %dma_start3A_184 = arith.constant 0 : i32
          %dma_start3A_185 = arith.constant 0 : i32
          %dma_start3A_186 = tpu.memref_slice %arg4[%add3A_170, %dma_start3A_184, %dma_start3A_185] : memref<3680x2x128xi32, #tpu.memory_space<hbm>> -> memref<1x2x128xi32, #tpu.memory_space<hbm>>
          %dma_start3A_187 = tpu.memref_squeeze %dma_start3A_186 : memref<1x2x128xi32, #tpu.memory_space<hbm>> -> memref<2x128xi32, #tpu.memory_space<hbm>>
          tpu.enqueue_dma source(%dma_start3A_187 : memref<2x128xi32, #tpu.memory_space<hbm>>) target(%dma_start3A_183 : memref<2x128xi32, #tpu.memory_space<vmem>>) target_semaphore(%arg17 : memref<!tpu.dma_semaphore, #tpu.memory_space<semaphore_mem>>)
          %add3A_188 = arith.addi %mul3A_15, %scan3A_77 : i32
          %add3A_189 = arith.constant 1 : i32
          %add3A_190 = arith.addi %add3A_188, %add3A_189 : i32
          %dma_start3A_191 = arith.constant 1 : i32
          %dma_start3A_192 = arith.constant 0 : i32
          %dma_start3A_193 = arith.constant 0 : i32
          %dma_start3A_194 = tpu.memref_slice %arg10[%dma_start3A_191, %dma_start3A_192, %dma_start3A_193] : memref<2x2x128xi32, #tpu.memory_space<vmem>> -> memref<1x2x128xi32, #tpu.memory_space<vmem>>
          %dma_start3A_195 = tpu.memref_squeeze %dma_start3A_194 : memref<1x2x128xi32, #tpu.memory_space<vmem>> -> memref<2x128xi32, #tpu.memory_space<vmem>>
          %dma_start3A_196 = arith.constant 0 : i32
          %dma_start3A_197 = arith.constant 0 : i32
          %dma_start3A_198 = tpu.memref_slice %arg5[%add3A_190, %dma_start3A_196, %dma_start3A_197] : memref<3680x2x128xi32, #tpu.memory_space<hbm>> -> memref<1x2x128xi32, #tpu.memory_space<hbm>>
          %dma_start3A_199 = tpu.memref_squeeze %dma_start3A_198 : memref<1x2x128xi32, #tpu.memory_space<hbm>> -> memref<2x128xi32, #tpu.memory_space<hbm>>
          %dma_start3A_200 = arith.constant 0 : i32
          %dma_start3A_201 = arith.constant 0 : i32
          %dma_start3A_202 = tpu.memref_slice %arg10[%dma_start3A_191, %dma_start3A_200, %dma_start3A_201] : memref<2x2x128xi32, #tpu.memory_space<vmem>> -> memref<1x2x128xi32, #tpu.memory_space<vmem>>
          %dma_start3A_203 = tpu.memref_squeeze %dma_start3A_202 : memref<1x2x128xi32, #tpu.memory_space<vmem>> -> memref<2x128xi32, #tpu.memory_space<vmem>>
          %dma_start3A_204 = arith.constant 0 : i32
          %dma_start3A_205 = arith.constant 0 : i32
          %dma_start3A_206 = tpu.memref_slice %arg5[%add3A_190, %dma_start3A_204, %dma_start3A_205] : memref<3680x2x128xi32, #tpu.memory_space<hbm>> -> memref<1x2x128xi32, #tpu.memory_space<hbm>>
          %dma_start3A_207 = tpu.memref_squeeze %dma_start3A_206 : memref<1x2x128xi32, #tpu.memory_space<hbm>> -> memref<2x128xi32, #tpu.memory_space<hbm>>
          tpu.enqueue_dma source(%dma_start3A_207 : memref<2x128xi32, #tpu.memory_space<hbm>>) target(%dma_start3A_203 : memref<2x128xi32, #tpu.memory_space<vmem>>) target_semaphore(%arg17 : memref<!tpu.dma_semaphore, #tpu.memory_space<semaphore_mem>>)
        } else {
        }
        %eq3A_153 = arith.constant 0 : i32
        %eq3A_154 = arith.cmpi eq, %arg0, %eq3A_153 : i32
        %convert_element_type3A_155 = arith.extui %eq3A_154 : i1 to i32
        %cond3A_156 = arith.constant 0 : i32
        %cond3A_157 = arith.cmpi ne, %convert_element_type3A_155, %cond3A_156 : i32
        scf.if %cond3A_157 {
          %dma_start3A_168 = arith.constant 0 : i32
          %dma_start3A_169 = arith.constant 0 : i32
          %dma_start3A_170 = arith.constant 0 : i32
          %dma_start3A_171 = arith.constant 0 : i32
          %dma_start3A_172 = arith.constant 0 : i32
          %dma_start3A_173 = tpu.memref_slice %arg12[%dma_start3A_170, %dma_start3A_171, %dma_start3A_172] : memref<2x128x32xf32, #tpu.memory_space<vmem>> -> memref<1x128x32xf32, #tpu.memory_space<vmem>>
          %dma_start3A_174 = tpu.memref_squeeze %dma_start3A_173 : memref<1x128x32xf32, #tpu.memory_space<vmem>> -> memref<128x32xf32, #tpu.memory_space<vmem>>
          %dma_start3A_175 = arith.constant 0 : i32
          %dma_start3A_176 = tpu.memref_slice %arg9[%dma_start3A_168, %dma_start3A_169, %dma_start3A_175] : memref<2x2x128xi32, #tpu.memory_space<vmem>> -> memref<1x1x128xi32, #tpu.memory_space<vmem>>
          %dma_start3A_177 = tpu.memref_squeeze %dma_start3A_176 : memref<1x1x128xi32, #tpu.memory_space<vmem>> -> memref<128xi32, #tpu.memory_space<vmem>>
          %dma_start3A_178 = arith.constant 0 : i32
          %dma_start3A_179 = arith.constant 0 : i32
          %dma_start3A_180 = tpu.memref_slice %arg3[%dma_start3A_178, %dma_start3A_179] : memref<27504x32xf32, #tpu.memory_space<hbm>> -> memref<27504x32xf32, #tpu.memory_space<hbm>>
          tpu.enqueue_indirect_dma source(%dma_start3A_180 : memref<27504x32xf32, #tpu.memory_space<hbm>>) target(%dma_start3A_174 : memref<128x32xf32, #tpu.memory_space<vmem>>) offsets(%dma_start3A_177 : memref<128xi32, #tpu.memory_space<vmem>>) semaphore(%arg18 : memref<!tpu.dma_semaphore, #tpu.memory_space<semaphore_mem>>)
          %dma_start3A_181 = arith.constant 0 : i32
          %dma_start3A_182 = arith.constant 1 : i32
          %dma_start3A_183 = arith.constant 1 : i32
          %dma_start3A_184 = arith.constant 0 : i32
          %dma_start3A_185 = arith.constant 0 : i32
          %dma_start3A_186 = tpu.memref_slice %arg12[%dma_start3A_183, %dma_start3A_184, %dma_start3A_185] : memref<2x128x32xf32, #tpu.memory_space<vmem>> -> memref<1x128x32xf32, #tpu.memory_space<vmem>>
          %dma_start3A_187 = tpu.memref_squeeze %dma_start3A_186 : memref<1x128x32xf32, #tpu.memory_space<vmem>> -> memref<128x32xf32, #tpu.memory_space<vmem>>
          %dma_start3A_188 = arith.constant 0 : i32
          %dma_start3A_189 = tpu.memref_slice %arg9[%dma_start3A_181, %dma_start3A_182, %dma_start3A_188] : memref<2x2x128xi32, #tpu.memory_space<vmem>> -> memref<1x1x128xi32, #tpu.memory_space<vmem>>
          %dma_start3A_190 = tpu.memref_squeeze %dma_start3A_189 : memref<1x1x128xi32, #tpu.memory_space<vmem>> -> memref<128xi32, #tpu.memory_space<vmem>>
          %dma_start3A_191 = arith.constant 0 : i32
          %dma_start3A_192 = arith.constant 0 : i32
          %dma_start3A_193 = tpu.memref_slice %arg3[%dma_start3A_191, %dma_start3A_192] : memref<27504x32xf32, #tpu.memory_space<hbm>> -> memref<27504x32xf32, #tpu.memory_space<hbm>>
          tpu.enqueue_indirect_dma source(%dma_start3A_193 : memref<27504x32xf32, #tpu.memory_space<hbm>>) target(%dma_start3A_187 : memref<128x32xf32, #tpu.memory_space<vmem>>) offsets(%dma_start3A_190 : memref<128xi32, #tpu.memory_space<vmem>>) semaphore(%arg18 : memref<!tpu.dma_semaphore, #tpu.memory_space<semaphore_mem>>)
        } else {
        }
        %eq3A_158 = arith.constant 1 : i32
        %eq3A_159 = arith.cmpi eq, %arg0, %eq3A_158 : i32
        %convert_element_type3A_160 = arith.extui %eq3A_159 : i1 to i32
        %cond3A_161 = arith.constant 0 : i32
        %cond3A_162 = arith.cmpi ne, %convert_element_type3A_160, %cond3A_161 : i32
        scf.if %cond3A_162 {
          %dma_start3A_168 = arith.constant 0 : i32
          %dma_start3A_169 = arith.constant 0 : i32
          %dma_start3A_170 = arith.constant 0 : i32
          %dma_start3A_171 = arith.constant 0 : i32
          %dma_start3A_172 = arith.constant 0 : i32
          %dma_start3A_173 = tpu.memref_slice %arg12[%dma_start3A_170, %dma_start3A_171, %dma_start3A_172] : memref<2x128x32xf32, #tpu.memory_space<vmem>> -> memref<1x128x32xf32, #tpu.memory_space<vmem>>
          %dma_start3A_174 = tpu.memref_squeeze %dma_start3A_173 : memref<1x128x32xf32, #tpu.memory_space<vmem>> -> memref<128x32xf32, #tpu.memory_space<vmem>>
          %dma_start3A_175 = arith.constant 0 : i32
          %dma_start3A_176 = tpu.memref_slice %arg9[%dma_start3A_168, %dma_start3A_169, %dma_start3A_175] : memref<2x2x128xi32, #tpu.memory_space<vmem>> -> memref<1x1x128xi32, #tpu.memory_space<vmem>>
          %dma_start3A_177 = tpu.memref_squeeze %dma_start3A_176 : memref<1x1x128xi32, #tpu.memory_space<vmem>> -> memref<128xi32, #tpu.memory_space<vmem>>
          %dma_start3A_178 = arith.constant 0 : i32
          %dma_start3A_179 = arith.constant 0 : i32
          %dma_start3A_180 = tpu.memref_slice %arg2[%dma_start3A_178, %dma_start3A_179] : memref<50000x32xf32, #tpu.memory_space<hbm>> -> memref<50000x32xf32, #tpu.memory_space<hbm>>
          tpu.enqueue_indirect_dma source(%dma_start3A_180 : memref<50000x32xf32, #tpu.memory_space<hbm>>) target(%dma_start3A_174 : memref<128x32xf32, #tpu.memory_space<vmem>>) offsets(%dma_start3A_177 : memref<128xi32, #tpu.memory_space<vmem>>) semaphore(%arg18 : memref<!tpu.dma_semaphore, #tpu.memory_space<semaphore_mem>>)
          %dma_start3A_181 = arith.constant 0 : i32
          %dma_start3A_182 = arith.constant 1 : i32
          %dma_start3A_183 = arith.constant 1 : i32
          %dma_start3A_184 = arith.constant 0 : i32
          %dma_start3A_185 = arith.constant 0 : i32
          %dma_start3A_186 = tpu.memref_slice %arg12[%dma_start3A_183, %dma_start3A_184, %dma_start3A_185] : memref<2x128x32xf32, #tpu.memory_space<vmem>> -> memref<1x128x32xf32, #tpu.memory_space<vmem>>
          %dma_start3A_187 = tpu.memref_squeeze %dma_start3A_186 : memref<1x128x32xf32, #tpu.memory_space<vmem>> -> memref<128x32xf32, #tpu.memory_space<vmem>>
          %dma_start3A_188 = arith.constant 0 : i32
          %dma_start3A_189 = tpu.memref_slice %arg9[%dma_start3A_181, %dma_start3A_182, %dma_start3A_188] : memref<2x2x128xi32, #tpu.memory_space<vmem>> -> memref<1x1x128xi32, #tpu.memory_space<vmem>>
          %dma_start3A_190 = tpu.memref_squeeze %dma_start3A_189 : memref<1x1x128xi32, #tpu.memory_space<vmem>> -> memref<128xi32, #tpu.memory_space<vmem>>
          %dma_start3A_191 = arith.constant 0 : i32
          %dma_start3A_192 = arith.constant 0 : i32
          %dma_start3A_193 = tpu.memref_slice %arg2[%dma_start3A_191, %dma_start3A_192] : memref<50000x32xf32, #tpu.memory_space<hbm>> -> memref<50000x32xf32, #tpu.memory_space<hbm>>
          tpu.enqueue_indirect_dma source(%dma_start3A_193 : memref<50000x32xf32, #tpu.memory_space<hbm>>) target(%dma_start3A_187 : memref<128x32xf32, #tpu.memory_space<vmem>>) offsets(%dma_start3A_190 : memref<128xi32, #tpu.memory_space<vmem>>) semaphore(%arg18 : memref<!tpu.dma_semaphore, #tpu.memory_space<semaphore_mem>>)
        } else {
        }
        %ge3A_163 = arith.constant 1 : i32
        %ge3A_164 = arith.cmpi sge, %scan3A_77, %ge3A_163 : i32
        %convert_element_type3A_165 = arith.extui %ge3A_164 : i1 to i32
        %cond3A_166 = arith.constant 0 : i32
        %cond3A_167 = arith.cmpi ne, %convert_element_type3A_165, %cond3A_166 : i32
        scf.if %cond3A_167 {
          tpu.wait_dma2 semaphore(%arg18 : memref<!tpu.dma_semaphore, #tpu.memory_space<semaphore_mem>>) src(%arg6 : memref<2x128x32xf32, #tpu.memory_space<hbm>>) dst(%arg14 : memref<2x128x32xf32, #tpu.memory_space<vmem>>)
          %dma_start3A_168 = arith.constant 0 : i32
          %dma_start3A_169 = arith.constant 1 : i32
          %dma_start3A_170 = arith.constant 0 : i32
          %dma_start3A_171 = arith.constant 0 : i32
          %dma_start3A_172 = arith.constant 0 : i32
          %dma_start3A_173 = tpu.memref_slice %arg14[%dma_start3A_168, %dma_start3A_171, %dma_start3A_172] : memref<2x128x32xf32, #tpu.memory_space<vmem>> -> memref<1x128x32xf32, #tpu.memory_space<vmem>>
          %dma_start3A_174 = tpu.memref_squeeze %dma_start3A_173 : memref<1x128x32xf32, #tpu.memory_space<vmem>> -> memref<128x32xf32, #tpu.memory_space<vmem>>
          %dma_start3A_175 = arith.constant 0 : i32
          %dma_start3A_176 = tpu.memref_slice %arg11[%dma_start3A_169, %dma_start3A_170, %dma_start3A_175] : memref<2x2x128xi32, #tpu.memory_space<vmem>> -> memref<1x1x128xi32, #tpu.memory_space<vmem>>
          %dma_start3A_177 = tpu.memref_squeeze %dma_start3A_176 : memref<1x1x128xi32, #tpu.memory_space<vmem>> -> memref<128xi32, #tpu.memory_space<vmem>>
          %dma_start3A_178 = arith.constant 0 : i32
          %dma_start3A_179 = arith.constant 0 : i32
          %dma_start3A_180 = tpu.memref_slice %arg15[%dma_start3A_178, %dma_start3A_179] : memref<50176x32xf32, #tpu.memory_space<vmem_shared>> -> memref<50176x32xf32, #tpu.memory_space<vmem_shared>>
          tpu.enqueue_indirect_dma source(%dma_start3A_174 : memref<128x32xf32, #tpu.memory_space<vmem>>) target(%dma_start3A_180 : memref<50176x32xf32, #tpu.memory_space<vmem_shared>>) offsets(%dma_start3A_177 : memref<128xi32, #tpu.memory_space<vmem>>) semaphore(%arg19 : memref<!tpu.dma_semaphore, #tpu.memory_space<semaphore_mem>>) {add = true}
          %dma_start3A_181 = arith.constant 1 : i32
          %dma_start3A_182 = arith.constant 1 : i32
          %dma_start3A_183 = arith.constant 1 : i32
          %dma_start3A_184 = arith.constant 0 : i32
          %dma_start3A_185 = arith.constant 0 : i32
          %dma_start3A_186 = tpu.memref_slice %arg14[%dma_start3A_181, %dma_start3A_184, %dma_start3A_185] : memref<2x128x32xf32, #tpu.memory_space<vmem>> -> memref<1x128x32xf32, #tpu.memory_space<vmem>>
          %dma_start3A_187 = tpu.memref_squeeze %dma_start3A_186 : memref<1x128x32xf32, #tpu.memory_space<vmem>> -> memref<128x32xf32, #tpu.memory_space<vmem>>
          %dma_start3A_188 = arith.constant 0 : i32
          %dma_start3A_189 = tpu.memref_slice %arg11[%dma_start3A_182, %dma_start3A_183, %dma_start3A_188] : memref<2x2x128xi32, #tpu.memory_space<vmem>> -> memref<1x1x128xi32, #tpu.memory_space<vmem>>
          %dma_start3A_190 = tpu.memref_squeeze %dma_start3A_189 : memref<1x1x128xi32, #tpu.memory_space<vmem>> -> memref<128xi32, #tpu.memory_space<vmem>>
          %dma_start3A_191 = arith.constant 0 : i32
          %dma_start3A_192 = arith.constant 0 : i32
          %dma_start3A_193 = tpu.memref_slice %arg15[%dma_start3A_191, %dma_start3A_192] : memref<50176x32xf32, #tpu.memory_space<vmem_shared>> -> memref<50176x32xf32, #tpu.memory_space<vmem_shared>>
          tpu.enqueue_indirect_dma source(%dma_start3A_187 : memref<128x32xf32, #tpu.memory_space<vmem>>) target(%dma_start3A_193 : memref<50176x32xf32, #tpu.memory_space<vmem_shared>>) offsets(%dma_start3A_190 : memref<128xi32, #tpu.memory_space<vmem>>) semaphore(%arg19 : memref<!tpu.dma_semaphore, #tpu.memory_space<semaphore_mem>>) {add = true}
        } else {
        }
      } else {
      }
      %jit3A_96 = arith.constant 3 : i32
      %eq3A_97 = arith.constant 0 : i32
      %eq3A_98 = arith.cmpi eq, %jit3A_96, %eq3A_97 : i32
      %jit3A_99 = arith.constant 1 : i32
      %select_n3A_100 = arith.select %eq3A_98, %jit3A_99, %jit3A_96 : i32
      %rem3A_101 = arith.remsi %scan3A_77, %select_n3A_100 : i32
      %ne3A_102 = arith.constant 0 : i32
      %ne3A_103 = arith.cmpi ne, %rem3A_101, %ne3A_102 : i32
      %lt3A_104 = arith.constant 0 : i32
      %lt3A_105 = arith.cmpi slt, %rem3A_101, %lt3A_104 : i32
      %lt3A_106 = arith.constant 0 : i32
      %lt3A_107 = arith.cmpi slt, %select_n3A_100, %lt3A_106 : i32
      %ne3A_108 = arith.xori %lt3A_105, %lt3A_107 : i1
      %and3A_109 = arith.andi %ne3A_108, %ne3A_103 : i1
      %add3A_110 = arith.addi %rem3A_101, %select_n3A_100 : i32
      %select_n3A_111 = arith.select %and3A_109, %add3A_110, %rem3A_101 : i32
      %eq3A_112 = arith.constant 1 : i32
      %eq3A_113 = arith.cmpi eq, %select_n3A_111, %eq3A_112 : i32
      %convert_element_type3A_114 = arith.extui %eq3A_113 : i1 to i32
      %cond3A_115 = arith.constant 0 : i32
      %cond3A_116 = arith.cmpi ne, %convert_element_type3A_114, %cond3A_115 : i32
      scf.if %cond3A_116 {
        %ge3A = arith.constant 2 : i32
        %ge3A_139 = arith.cmpi sge, %scan3A_77, %ge3A : i32
        %convert_element_type3A_140 = arith.extui %ge3A_139 : i1 to i32
        %cond3A_141 = arith.constant 0 : i32
        %cond3A_142 = arith.cmpi ne, %convert_element_type3A_140, %cond3A_141 : i32
        scf.if %cond3A_142 {
          tpu.wait_dma2 semaphore(%arg19 : memref<!tpu.dma_semaphore, #tpu.memory_space<semaphore_mem>>) src(%arg6 : memref<2x128x32xf32, #tpu.memory_space<hbm>>) dst(%arg14 : memref<2x128x32xf32, #tpu.memory_space<vmem>>)
        } else {
        }
        %ge3A_143 = arith.constant 1 : i32
        %ge3A_144 = arith.cmpi sge, %scan3A_77, %ge3A_143 : i32
        %convert_element_type3A_145 = arith.extui %ge3A_144 : i1 to i32
        %cond3A_146 = arith.constant 0 : i32
        %cond3A_147 = arith.cmpi ne, %convert_element_type3A_145, %cond3A_146 : i32
        scf.if %cond3A_147 {
          %dma_wait3A = arith.constant 0 : i32
          %dma_wait3A_168 = arith.constant 0 : i32
          %dma_wait3A_169 = arith.constant 0 : i32
          %dma_wait3A_170 = arith.constant 0 : i32
          %dma_wait3A_171 = tpu.memref_slice %arg10[%dma_wait3A_168, %dma_wait3A_169, %dma_wait3A_170] : memref<2x2x128xi32, #tpu.memory_space<vmem>> -> memref<1x2x128xi32, #tpu.memory_space<vmem>>
          %dma_wait3A_172 = tpu.memref_squeeze %dma_wait3A_171 : memref<1x2x128xi32, #tpu.memory_space<vmem>> -> memref<2x128xi32, #tpu.memory_space<vmem>>
          %dma_wait3A_173 = arith.constant 0 : i32
          %dma_wait3A_174 = arith.constant 0 : i32
          %dma_wait3A_175 = tpu.memref_slice %arg4[%dma_wait3A, %dma_wait3A_173, %dma_wait3A_174] : memref<3680x2x128xi32, #tpu.memory_space<hbm>> -> memref<1x2x128xi32, #tpu.memory_space<hbm>>
          %dma_wait3A_176 = tpu.memref_squeeze %dma_wait3A_175 : memref<1x2x128xi32, #tpu.memory_space<hbm>> -> memref<2x128xi32, #tpu.memory_space<hbm>>
          %dma_wait3A_177 = arith.constant 0 : i32
          %dma_wait3A_178 = arith.constant 0 : i32
          %dma_wait3A_179 = tpu.memref_slice %arg10[%dma_wait3A_168, %dma_wait3A_177, %dma_wait3A_178] : memref<2x2x128xi32, #tpu.memory_space<vmem>> -> memref<1x2x128xi32, #tpu.memory_space<vmem>>
          %dma_wait3A_180 = tpu.memref_squeeze %dma_wait3A_179 : memref<1x2x128xi32, #tpu.memory_space<vmem>> -> memref<2x128xi32, #tpu.memory_space<vmem>>
          %dma_wait3A_181 = arith.constant 0 : i32
          %dma_wait3A_182 = arith.constant 0 : i32
          %dma_wait3A_183 = tpu.memref_slice %arg4[%dma_wait3A, %dma_wait3A_181, %dma_wait3A_182] : memref<3680x2x128xi32, #tpu.memory_space<hbm>> -> memref<1x2x128xi32, #tpu.memory_space<hbm>>
          %dma_wait3A_184 = tpu.memref_squeeze %dma_wait3A_183 : memref<1x2x128xi32, #tpu.memory_space<hbm>> -> memref<2x128xi32, #tpu.memory_space<hbm>>
          tpu.wait_dma2 semaphore(%arg17 : memref<!tpu.dma_semaphore, #tpu.memory_space<semaphore_mem>>) src(%dma_wait3A_184 : memref<2x128xi32, #tpu.memory_space<hbm>>) dst(%dma_wait3A_180 : memref<2x128xi32, #tpu.memory_space<vmem>>)
          %dma_wait3A_185 = arith.constant 0 : i32
          %dma_wait3A_186 = arith.constant 1 : i32
          %dma_wait3A_187 = arith.constant 0 : i32
          %dma_wait3A_188 = arith.constant 0 : i32
          %dma_wait3A_189 = tpu.memref_slice %arg10[%dma_wait3A_186, %dma_wait3A_187, %dma_wait3A_188] : memref<2x2x128xi32, #tpu.memory_space<vmem>> -> memref<1x2x128xi32, #tpu.memory_space<vmem>>
          %dma_wait3A_190 = tpu.memref_squeeze %dma_wait3A_189 : memref<1x2x128xi32, #tpu.memory_space<vmem>> -> memref<2x128xi32, #tpu.memory_space<vmem>>
          %dma_wait3A_191 = arith.constant 0 : i32
          %dma_wait3A_192 = arith.constant 0 : i32
          %dma_wait3A_193 = tpu.memref_slice %arg5[%dma_wait3A_185, %dma_wait3A_191, %dma_wait3A_192] : memref<3680x2x128xi32, #tpu.memory_space<hbm>> -> memref<1x2x128xi32, #tpu.memory_space<hbm>>
          %dma_wait3A_194 = tpu.memref_squeeze %dma_wait3A_193 : memref<1x2x128xi32, #tpu.memory_space<hbm>> -> memref<2x128xi32, #tpu.memory_space<hbm>>
          %dma_wait3A_195 = arith.constant 0 : i32
          %dma_wait3A_196 = arith.constant 0 : i32
          %dma_wait3A_197 = tpu.memref_slice %arg10[%dma_wait3A_186, %dma_wait3A_195, %dma_wait3A_196] : memref<2x2x128xi32, #tpu.memory_space<vmem>> -> memref<1x2x128xi32, #tpu.memory_space<vmem>>
          %dma_wait3A_198 = tpu.memref_squeeze %dma_wait3A_197 : memref<1x2x128xi32, #tpu.memory_space<vmem>> -> memref<2x128xi32, #tpu.memory_space<vmem>>
          %dma_wait3A_199 = arith.constant 0 : i32
          %dma_wait3A_200 = arith.constant 0 : i32
          %dma_wait3A_201 = tpu.memref_slice %arg5[%dma_wait3A_185, %dma_wait3A_199, %dma_wait3A_200] : memref<3680x2x128xi32, #tpu.memory_space<hbm>> -> memref<1x2x128xi32, #tpu.memory_space<hbm>>
          %dma_wait3A_202 = tpu.memref_squeeze %dma_wait3A_201 : memref<1x2x128xi32, #tpu.memory_space<hbm>> -> memref<2x128xi32, #tpu.memory_space<hbm>>
          tpu.wait_dma2 semaphore(%arg17 : memref<!tpu.dma_semaphore, #tpu.memory_space<semaphore_mem>>) src(%dma_wait3A_202 : memref<2x128xi32, #tpu.memory_space<hbm>>) dst(%dma_wait3A_198 : memref<2x128xi32, #tpu.memory_space<vmem>>)
        } else {
        }
        %lt3A_148 = arith.constant 114 : i32
        %lt3A_149 = arith.cmpi slt, %scan3A_77, %lt3A_148 : i32
        %convert_element_type3A_150 = arith.extui %lt3A_149 : i1 to i32
        %cond3A_151 = arith.constant 0 : i32
        %cond3A_152 = arith.cmpi ne, %convert_element_type3A_150, %cond3A_151 : i32
        scf.if %cond3A_152 {
          %add3A_168 = arith.addi %mul3A_15, %scan3A_77 : i32
          %add3A_169 = arith.constant 1 : i32
          %add3A_170 = arith.addi %add3A_168, %add3A_169 : i32
          %dma_start3A_171 = arith.constant 0 : i32
          %dma_start3A_172 = arith.constant 0 : i32
          %dma_start3A_173 = arith.constant 0 : i32
          %dma_start3A_174 = tpu.memref_slice %arg11[%dma_start3A_171, %dma_start3A_172, %dma_start3A_173] : memref<2x2x128xi32, #tpu.memory_space<vmem>> -> memref<1x2x128xi32, #tpu.memory_space<vmem>>
          %dma_start3A_175 = tpu.memref_squeeze %dma_start3A_174 : memref<1x2x128xi32, #tpu.memory_space<vmem>> -> memref<2x128xi32, #tpu.memory_space<vmem>>
          %dma_start3A_176 = arith.constant 0 : i32
          %dma_start3A_177 = arith.constant 0 : i32
          %dma_start3A_178 = tpu.memref_slice %arg4[%add3A_170, %dma_start3A_176, %dma_start3A_177] : memref<3680x2x128xi32, #tpu.memory_space<hbm>> -> memref<1x2x128xi32, #tpu.memory_space<hbm>>
          %dma_start3A_179 = tpu.memref_squeeze %dma_start3A_178 : memref<1x2x128xi32, #tpu.memory_space<hbm>> -> memref<2x128xi32, #tpu.memory_space<hbm>>
          %dma_start3A_180 = arith.constant 0 : i32
          %dma_start3A_181 = arith.constant 0 : i32
          %dma_start3A_182 = tpu.memref_slice %arg11[%dma_start3A_171, %dma_start3A_180, %dma_start3A_181] : memref<2x2x128xi32, #tpu.memory_space<vmem>> -> memref<1x2x128xi32, #tpu.memory_space<vmem>>
          %dma_start3A_183 = tpu.memref_squeeze %dma_start3A_182 : memref<1x2x128xi32, #tpu.memory_space<vmem>> -> memref<2x128xi32, #tpu.memory_space<vmem>>
          %dma_start3A_184 = arith.constant 0 : i32
          %dma_start3A_185 = arith.constant 0 : i32
          %dma_start3A_186 = tpu.memref_slice %arg4[%add3A_170, %dma_start3A_184, %dma_start3A_185] : memref<3680x2x128xi32, #tpu.memory_space<hbm>> -> memref<1x2x128xi32, #tpu.memory_space<hbm>>
          %dma_start3A_187 = tpu.memref_squeeze %dma_start3A_186 : memref<1x2x128xi32, #tpu.memory_space<hbm>> -> memref<2x128xi32, #tpu.memory_space<hbm>>
          tpu.enqueue_dma source(%dma_start3A_187 : memref<2x128xi32, #tpu.memory_space<hbm>>) target(%dma_start3A_183 : memref<2x128xi32, #tpu.memory_space<vmem>>) target_semaphore(%arg17 : memref<!tpu.dma_semaphore, #tpu.memory_space<semaphore_mem>>)
          %add3A_188 = arith.addi %mul3A_15, %scan3A_77 : i32
          %add3A_189 = arith.constant 1 : i32
          %add3A_190 = arith.addi %add3A_188, %add3A_189 : i32
          %dma_start3A_191 = arith.constant 1 : i32
          %dma_start3A_192 = arith.constant 0 : i32
          %dma_start3A_193 = arith.constant 0 : i32
          %dma_start3A_194 = tpu.memref_slice %arg11[%dma_start3A_191, %dma_start3A_192, %dma_start3A_193] : memref<2x2x128xi32, #tpu.memory_space<vmem>> -> memref<1x2x128xi32, #tpu.memory_space<vmem>>
          %dma_start3A_195 = tpu.memref_squeeze %dma_start3A_194 : memref<1x2x128xi32, #tpu.memory_space<vmem>> -> memref<2x128xi32, #tpu.memory_space<vmem>>
          %dma_start3A_196 = arith.constant 0 : i32
          %dma_start3A_197 = arith.constant 0 : i32
          %dma_start3A_198 = tpu.memref_slice %arg5[%add3A_190, %dma_start3A_196, %dma_start3A_197] : memref<3680x2x128xi32, #tpu.memory_space<hbm>> -> memref<1x2x128xi32, #tpu.memory_space<hbm>>
          %dma_start3A_199 = tpu.memref_squeeze %dma_start3A_198 : memref<1x2x128xi32, #tpu.memory_space<hbm>> -> memref<2x128xi32, #tpu.memory_space<hbm>>
          %dma_start3A_200 = arith.constant 0 : i32
          %dma_start3A_201 = arith.constant 0 : i32
          %dma_start3A_202 = tpu.memref_slice %arg11[%dma_start3A_191, %dma_start3A_200, %dma_start3A_201] : memref<2x2x128xi32, #tpu.memory_space<vmem>> -> memref<1x2x128xi32, #tpu.memory_space<vmem>>
          %dma_start3A_203 = tpu.memref_squeeze %dma_start3A_202 : memref<1x2x128xi32, #tpu.memory_space<vmem>> -> memref<2x128xi32, #tpu.memory_space<vmem>>
          %dma_start3A_204 = arith.constant 0 : i32
          %dma_start3A_205 = arith.constant 0 : i32
          %dma_start3A_206 = tpu.memref_slice %arg5[%add3A_190, %dma_start3A_204, %dma_start3A_205] : memref<3680x2x128xi32, #tpu.memory_space<hbm>> -> memref<1x2x128xi32, #tpu.memory_space<hbm>>
          %dma_start3A_207 = tpu.memref_squeeze %dma_start3A_206 : memref<1x2x128xi32, #tpu.memory_space<hbm>> -> memref<2x128xi32, #tpu.memory_space<hbm>>
          tpu.enqueue_dma source(%dma_start3A_207 : memref<2x128xi32, #tpu.memory_space<hbm>>) target(%dma_start3A_203 : memref<2x128xi32, #tpu.memory_space<vmem>>) target_semaphore(%arg17 : memref<!tpu.dma_semaphore, #tpu.memory_space<semaphore_mem>>)
        } else {
        }
        %eq3A_153 = arith.constant 0 : i32
        %eq3A_154 = arith.cmpi eq, %arg0, %eq3A_153 : i32
        %convert_element_type3A_155 = arith.extui %eq3A_154 : i1 to i32
        %cond3A_156 = arith.constant 0 : i32
        %cond3A_157 = arith.cmpi ne, %convert_element_type3A_155, %cond3A_156 : i32
        scf.if %cond3A_157 {
          %dma_start3A_168 = arith.constant 0 : i32
          %dma_start3A_169 = arith.constant 0 : i32
          %dma_start3A_170 = arith.constant 0 : i32
          %dma_start3A_171 = arith.constant 0 : i32
          %dma_start3A_172 = arith.constant 0 : i32
          %dma_start3A_173 = tpu.memref_slice %arg13[%dma_start3A_170, %dma_start3A_171, %dma_start3A_172] : memref<2x128x32xf32, #tpu.memory_space<vmem>> -> memref<1x128x32xf32, #tpu.memory_space<vmem>>
          %dma_start3A_174 = tpu.memref_squeeze %dma_start3A_173 : memref<1x128x32xf32, #tpu.memory_space<vmem>> -> memref<128x32xf32, #tpu.memory_space<vmem>>
          %dma_start3A_175 = arith.constant 0 : i32
          %dma_start3A_176 = tpu.memref_slice %arg10[%dma_start3A_168, %dma_start3A_169, %dma_start3A_175] : memref<2x2x128xi32, #tpu.memory_space<vmem>> -> memref<1x1x128xi32, #tpu.memory_space<vmem>>
          %dma_start3A_177 = tpu.memref_squeeze %dma_start3A_176 : memref<1x1x128xi32, #tpu.memory_space<vmem>> -> memref<128xi32, #tpu.memory_space<vmem>>
          %dma_start3A_178 = arith.constant 0 : i32
          %dma_start3A_179 = arith.constant 0 : i32
          %dma_start3A_180 = tpu.memref_slice %arg3[%dma_start3A_178, %dma_start3A_179] : memref<27504x32xf32, #tpu.memory_space<hbm>> -> memref<27504x32xf32, #tpu.memory_space<hbm>>
          tpu.enqueue_indirect_dma source(%dma_start3A_180 : memref<27504x32xf32, #tpu.memory_space<hbm>>) target(%dma_start3A_174 : memref<128x32xf32, #tpu.memory_space<vmem>>) offsets(%dma_start3A_177 : memref<128xi32, #tpu.memory_space<vmem>>) semaphore(%arg18 : memref<!tpu.dma_semaphore, #tpu.memory_space<semaphore_mem>>)
          %dma_start3A_181 = arith.constant 0 : i32
          %dma_start3A_182 = arith.constant 1 : i32
          %dma_start3A_183 = arith.constant 1 : i32
          %dma_start3A_184 = arith.constant 0 : i32
          %dma_start3A_185 = arith.constant 0 : i32
          %dma_start3A_186 = tpu.memref_slice %arg13[%dma_start3A_183, %dma_start3A_184, %dma_start3A_185] : memref<2x128x32xf32, #tpu.memory_space<vmem>> -> memref<1x128x32xf32, #tpu.memory_space<vmem>>
          %dma_start3A_187 = tpu.memref_squeeze %dma_start3A_186 : memref<1x128x32xf32, #tpu.memory_space<vmem>> -> memref<128x32xf32, #tpu.memory_space<vmem>>
          %dma_start3A_188 = arith.constant 0 : i32
          %dma_start3A_189 = tpu.memref_slice %arg10[%dma_start3A_181, %dma_start3A_182, %dma_start3A_188] : memref<2x2x128xi32, #tpu.memory_space<vmem>> -> memref<1x1x128xi32, #tpu.memory_space<vmem>>
          %dma_start3A_190 = tpu.memref_squeeze %dma_start3A_189 : memref<1x1x128xi32, #tpu.memory_space<vmem>> -> memref<128xi32, #tpu.memory_space<vmem>>
          %dma_start3A_191 = arith.constant 0 : i32
          %dma_start3A_192 = arith.constant 0 : i32
          %dma_start3A_193 = tpu.memref_slice %arg3[%dma_start3A_191, %dma_start3A_192] : memref<27504x32xf32, #tpu.memory_space<hbm>> -> memref<27504x32xf32, #tpu.memory_space<hbm>>
          tpu.enqueue_indirect_dma source(%dma_start3A_193 : memref<27504x32xf32, #tpu.memory_space<hbm>>) target(%dma_start3A_187 : memref<128x32xf32, #tpu.memory_space<vmem>>) offsets(%dma_start3A_190 : memref<128xi32, #tpu.memory_space<vmem>>) semaphore(%arg18 : memref<!tpu.dma_semaphore, #tpu.memory_space<semaphore_mem>>)
        } else {
        }
        %eq3A_158 = arith.constant 1 : i32
        %eq3A_159 = arith.cmpi eq, %arg0, %eq3A_158 : i32
        %convert_element_type3A_160 = arith.extui %eq3A_159 : i1 to i32
        %cond3A_161 = arith.constant 0 : i32
        %cond3A_162 = arith.cmpi ne, %convert_element_type3A_160, %cond3A_161 : i32
        scf.if %cond3A_162 {
          %dma_start3A_168 = arith.constant 0 : i32
          %dma_start3A_169 = arith.constant 0 : i32
          %dma_start3A_170 = arith.constant 0 : i32
          %dma_start3A_171 = arith.constant 0 : i32
          %dma_start3A_172 = arith.constant 0 : i32
          %dma_start3A_173 = tpu.memref_slice %arg13[%dma_start3A_170, %dma_start3A_171, %dma_start3A_172] : memref<2x128x32xf32, #tpu.memory_space<vmem>> -> memref<1x128x32xf32, #tpu.memory_space<vmem>>
          %dma_start3A_174 = tpu.memref_squeeze %dma_start3A_173 : memref<1x128x32xf32, #tpu.memory_space<vmem>> -> memref<128x32xf32, #tpu.memory_space<vmem>>
          %dma_start3A_175 = arith.constant 0 : i32
          %dma_start3A_176 = tpu.memref_slice %arg10[%dma_start3A_168, %dma_start3A_169, %dma_start3A_175] : memref<2x2x128xi32, #tpu.memory_space<vmem>> -> memref<1x1x128xi32, #tpu.memory_space<vmem>>
          %dma_start3A_177 = tpu.memref_squeeze %dma_start3A_176 : memref<1x1x128xi32, #tpu.memory_space<vmem>> -> memref<128xi32, #tpu.memory_space<vmem>>
          %dma_start3A_178 = arith.constant 0 : i32
          %dma_start3A_179 = arith.constant 0 : i32
          %dma_start3A_180 = tpu.memref_slice %arg2[%dma_start3A_178, %dma_start3A_179] : memref<50000x32xf32, #tpu.memory_space<hbm>> -> memref<50000x32xf32, #tpu.memory_space<hbm>>
          tpu.enqueue_indirect_dma source(%dma_start3A_180 : memref<50000x32xf32, #tpu.memory_space<hbm>>) target(%dma_start3A_174 : memref<128x32xf32, #tpu.memory_space<vmem>>) offsets(%dma_start3A_177 : memref<128xi32, #tpu.memory_space<vmem>>) semaphore(%arg18 : memref<!tpu.dma_semaphore, #tpu.memory_space<semaphore_mem>>)
          %dma_start3A_181 = arith.constant 0 : i32
          %dma_start3A_182 = arith.constant 1 : i32
          %dma_start3A_183 = arith.constant 1 : i32
          %dma_start3A_184 = arith.constant 0 : i32
          %dma_start3A_185 = arith.constant 0 : i32
          %dma_start3A_186 = tpu.memref_slice %arg13[%dma_start3A_183, %dma_start3A_184, %dma_start3A_185] : memref<2x128x32xf32, #tpu.memory_space<vmem>> -> memref<1x128x32xf32, #tpu.memory_space<vmem>>
          %dma_start3A_187 = tpu.memref_squeeze %dma_start3A_186 : memref<1x128x32xf32, #tpu.memory_space<vmem>> -> memref<128x32xf32, #tpu.memory_space<vmem>>
          %dma_start3A_188 = arith.constant 0 : i32
          %dma_start3A_189 = tpu.memref_slice %arg10[%dma_start3A_181, %dma_start3A_182, %dma_start3A_188] : memref<2x2x128xi32, #tpu.memory_space<vmem>> -> memref<1x1x128xi32, #tpu.memory_space<vmem>>
          %dma_start3A_190 = tpu.memref_squeeze %dma_start3A_189 : memref<1x1x128xi32, #tpu.memory_space<vmem>> -> memref<128xi32, #tpu.memory_space<vmem>>
          %dma_start3A_191 = arith.constant 0 : i32
          %dma_start3A_192 = arith.constant 0 : i32
          %dma_start3A_193 = tpu.memref_slice %arg2[%dma_start3A_191, %dma_start3A_192] : memref<50000x32xf32, #tpu.memory_space<hbm>> -> memref<50000x32xf32, #tpu.memory_space<hbm>>
          tpu.enqueue_indirect_dma source(%dma_start3A_193 : memref<50000x32xf32, #tpu.memory_space<hbm>>) target(%dma_start3A_187 : memref<128x32xf32, #tpu.memory_space<vmem>>) offsets(%dma_start3A_190 : memref<128xi32, #tpu.memory_space<vmem>>) semaphore(%arg18 : memref<!tpu.dma_semaphore, #tpu.memory_space<semaphore_mem>>)
        } else {
        }
        %ge3A_163 = arith.constant 1 : i32
        %ge3A_164 = arith.cmpi sge, %scan3A_77, %ge3A_163 : i32
        %convert_element_type3A_165 = arith.extui %ge3A_164 : i1 to i32
        %cond3A_166 = arith.constant 0 : i32
        %cond3A_167 = arith.cmpi ne, %convert_element_type3A_165, %cond3A_166 : i32
        scf.if %cond3A_167 {
          tpu.wait_dma2 semaphore(%arg18 : memref<!tpu.dma_semaphore, #tpu.memory_space<semaphore_mem>>) src(%arg6 : memref<2x128x32xf32, #tpu.memory_space<hbm>>) dst(%arg12 : memref<2x128x32xf32, #tpu.memory_space<vmem>>)
          %dma_start3A_168 = arith.constant 0 : i32
          %dma_start3A_169 = arith.constant 1 : i32
          %dma_start3A_170 = arith.constant 0 : i32
          %dma_start3A_171 = arith.constant 0 : i32
          %dma_start3A_172 = arith.constant 0 : i32
          %dma_start3A_173 = tpu.memref_slice %arg12[%dma_start3A_168, %dma_start3A_171, %dma_start3A_172] : memref<2x128x32xf32, #tpu.memory_space<vmem>> -> memref<1x128x32xf32, #tpu.memory_space<vmem>>
          %dma_start3A_174 = tpu.memref_squeeze %dma_start3A_173 : memref<1x128x32xf32, #tpu.memory_space<vmem>> -> memref<128x32xf32, #tpu.memory_space<vmem>>
          %dma_start3A_175 = arith.constant 0 : i32
          %dma_start3A_176 = tpu.memref_slice %arg9[%dma_start3A_169, %dma_start3A_170, %dma_start3A_175] : memref<2x2x128xi32, #tpu.memory_space<vmem>> -> memref<1x1x128xi32, #tpu.memory_space<vmem>>
          %dma_start3A_177 = tpu.memref_squeeze %dma_start3A_176 : memref<1x1x128xi32, #tpu.memory_space<vmem>> -> memref<128xi32, #tpu.memory_space<vmem>>
          %dma_start3A_178 = arith.constant 0 : i32
          %dma_start3A_179 = arith.constant 0 : i32
          %dma_start3A_180 = tpu.memref_slice %arg15[%dma_start3A_178, %dma_start3A_179] : memref<50176x32xf32, #tpu.memory_space<vmem_shared>> -> memref<50176x32xf32, #tpu.memory_space<vmem_shared>>
          tpu.enqueue_indirect_dma source(%dma_start3A_174 : memref<128x32xf32, #tpu.memory_space<vmem>>) target(%dma_start3A_180 : memref<50176x32xf32, #tpu.memory_space<vmem_shared>>) offsets(%dma_start3A_177 : memref<128xi32, #tpu.memory_space<vmem>>) semaphore(%arg19 : memref<!tpu.dma_semaphore, #tpu.memory_space<semaphore_mem>>) {add = true}
          %dma_start3A_181 = arith.constant 1 : i32
          %dma_start3A_182 = arith.constant 1 : i32
          %dma_start3A_183 = arith.constant 1 : i32
          %dma_start3A_184 = arith.constant 0 : i32
          %dma_start3A_185 = arith.constant 0 : i32
          %dma_start3A_186 = tpu.memref_slice %arg12[%dma_start3A_181, %dma_start3A_184, %dma_start3A_185] : memref<2x128x32xf32, #tpu.memory_space<vmem>> -> memref<1x128x32xf32, #tpu.memory_space<vmem>>
          %dma_start3A_187 = tpu.memref_squeeze %dma_start3A_186 : memref<1x128x32xf32, #tpu.memory_space<vmem>> -> memref<128x32xf32, #tpu.memory_space<vmem>>
          %dma_start3A_188 = arith.constant 0 : i32
          %dma_start3A_189 = tpu.memref_slice %arg9[%dma_start3A_182, %dma_start3A_183, %dma_start3A_188] : memref<2x2x128xi32, #tpu.memory_space<vmem>> -> memref<1x1x128xi32, #tpu.memory_space<vmem>>
          %dma_start3A_190 = tpu.memref_squeeze %dma_start3A_189 : memref<1x1x128xi32, #tpu.memory_space<vmem>> -> memref<128xi32, #tpu.memory_space<vmem>>
          %dma_start3A_191 = arith.constant 0 : i32
          %dma_start3A_192 = arith.constant 0 : i32
          %dma_start3A_193 = tpu.memref_slice %arg15[%dma_start3A_191, %dma_start3A_192] : memref<50176x32xf32, #tpu.memory_space<vmem_shared>> -> memref<50176x32xf32, #tpu.memory_space<vmem_shared>>
          tpu.enqueue_indirect_dma source(%dma_start3A_187 : memref<128x32xf32, #tpu.memory_space<vmem>>) target(%dma_start3A_193 : memref<50176x32xf32, #tpu.memory_space<vmem_shared>>) offsets(%dma_start3A_190 : memref<128xi32, #tpu.memory_space<vmem>>) semaphore(%arg19 : memref<!tpu.dma_semaphore, #tpu.memory_space<semaphore_mem>>) {add = true}
        } else {
        }
      } else {
      }
      %jit3A_117 = arith.constant 3 : i32
      %eq3A_118 = arith.constant 0 : i32
      %eq3A_119 = arith.cmpi eq, %jit3A_117, %eq3A_118 : i32
      %jit3A_120 = arith.constant 1 : i32
      %select_n3A_121 = arith.select %eq3A_119, %jit3A_120, %jit3A_117 : i32
      %rem3A_122 = arith.remsi %scan3A_77, %select_n3A_121 : i32
      %ne3A_123 = arith.constant 0 : i32
      %ne3A_124 = arith.cmpi ne, %rem3A_122, %ne3A_123 : i32
      %lt3A_125 = arith.constant 0 : i32
      %lt3A_126 = arith.cmpi slt, %rem3A_122, %lt3A_125 : i32
      %lt3A_127 = arith.constant 0 : i32
      %lt3A_128 = arith.cmpi slt, %select_n3A_121, %lt3A_127 : i32
      %ne3A_129 = arith.xori %lt3A_126, %lt3A_128 : i1
      %and3A_130 = arith.andi %ne3A_129, %ne3A_124 : i1
      %add3A_131 = arith.addi %rem3A_122, %select_n3A_121 : i32
      %select_n3A_132 = arith.select %and3A_130, %add3A_131, %rem3A_122 : i32
      %eq3A_133 = arith.constant 2 : i32
      %eq3A_134 = arith.cmpi eq, %select_n3A_132, %eq3A_133 : i32
      %convert_element_type3A_135 = arith.extui %eq3A_134 : i1 to i32
      %cond3A_136 = arith.constant 0 : i32
      %cond3A_137 = arith.cmpi ne, %convert_element_type3A_135, %cond3A_136 : i32
      scf.if %cond3A_137 {
        %ge3A = arith.constant 2 : i32
        %ge3A_139 = arith.cmpi sge, %scan3A_77, %ge3A : i32
        %convert_element_type3A_140 = arith.extui %ge3A_139 : i1 to i32
        %cond3A_141 = arith.constant 0 : i32
        %cond3A_142 = arith.cmpi ne, %convert_element_type3A_140, %cond3A_141 : i32
        scf.if %cond3A_142 {
          tpu.wait_dma2 semaphore(%arg19 : memref<!tpu.dma_semaphore, #tpu.memory_space<semaphore_mem>>) src(%arg6 : memref<2x128x32xf32, #tpu.memory_space<hbm>>) dst(%arg12 : memref<2x128x32xf32, #tpu.memory_space<vmem>>)
        } else {
        }
        %ge3A_143 = arith.constant 1 : i32
        %ge3A_144 = arith.cmpi sge, %scan3A_77, %ge3A_143 : i32
        %convert_element_type3A_145 = arith.extui %ge3A_144 : i1 to i32
        %cond3A_146 = arith.constant 0 : i32
        %cond3A_147 = arith.cmpi ne, %convert_element_type3A_145, %cond3A_146 : i32
        scf.if %cond3A_147 {
          %dma_wait3A = arith.constant 0 : i32
          %dma_wait3A_168 = arith.constant 0 : i32
          %dma_wait3A_169 = arith.constant 0 : i32
          %dma_wait3A_170 = arith.constant 0 : i32
          %dma_wait3A_171 = tpu.memref_slice %arg11[%dma_wait3A_168, %dma_wait3A_169, %dma_wait3A_170] : memref<2x2x128xi32, #tpu.memory_space<vmem>> -> memref<1x2x128xi32, #tpu.memory_space<vmem>>
          %dma_wait3A_172 = tpu.memref_squeeze %dma_wait3A_171 : memref<1x2x128xi32, #tpu.memory_space<vmem>> -> memref<2x128xi32, #tpu.memory_space<vmem>>
          %dma_wait3A_173 = arith.constant 0 : i32
          %dma_wait3A_174 = arith.constant 0 : i32
          %dma_wait3A_175 = tpu.memref_slice %arg4[%dma_wait3A, %dma_wait3A_173, %dma_wait3A_174] : memref<3680x2x128xi32, #tpu.memory_space<hbm>> -> memref<1x2x128xi32, #tpu.memory_space<hbm>>
          %dma_wait3A_176 = tpu.memref_squeeze %dma_wait3A_175 : memref<1x2x128xi32, #tpu.memory_space<hbm>> -> memref<2x128xi32, #tpu.memory_space<hbm>>
          %dma_wait3A_177 = arith.constant 0 : i32
          %dma_wait3A_178 = arith.constant 0 : i32
          %dma_wait3A_179 = tpu.memref_slice %arg11[%dma_wait3A_168, %dma_wait3A_177, %dma_wait3A_178] : memref<2x2x128xi32, #tpu.memory_space<vmem>> -> memref<1x2x128xi32, #tpu.memory_space<vmem>>
          %dma_wait3A_180 = tpu.memref_squeeze %dma_wait3A_179 : memref<1x2x128xi32, #tpu.memory_space<vmem>> -> memref<2x128xi32, #tpu.memory_space<vmem>>
          %dma_wait3A_181 = arith.constant 0 : i32
          %dma_wait3A_182 = arith.constant 0 : i32
          %dma_wait3A_183 = tpu.memref_slice %arg4[%dma_wait3A, %dma_wait3A_181, %dma_wait3A_182] : memref<3680x2x128xi32, #tpu.memory_space<hbm>> -> memref<1x2x128xi32, #tpu.memory_space<hbm>>
          %dma_wait3A_184 = tpu.memref_squeeze %dma_wait3A_183 : memref<1x2x128xi32, #tpu.memory_space<hbm>> -> memref<2x128xi32, #tpu.memory_space<hbm>>
          tpu.wait_dma2 semaphore(%arg17 : memref<!tpu.dma_semaphore, #tpu.memory_space<semaphore_mem>>) src(%dma_wait3A_184 : memref<2x128xi32, #tpu.memory_space<hbm>>) dst(%dma_wait3A_180 : memref<2x128xi32, #tpu.memory_space<vmem>>)
          %dma_wait3A_185 = arith.constant 0 : i32
          %dma_wait3A_186 = arith.constant 1 : i32
          %dma_wait3A_187 = arith.constant 0 : i32
          %dma_wait3A_188 = arith.constant 0 : i32
          %dma_wait3A_189 = tpu.memref_slice %arg11[%dma_wait3A_186, %dma_wait3A_187, %dma_wait3A_188] : memref<2x2x128xi32, #tpu.memory_space<vmem>> -> memref<1x2x128xi32, #tpu.memory_space<vmem>>
          %dma_wait3A_190 = tpu.memref_squeeze %dma_wait3A_189 : memref<1x2x128xi32, #tpu.memory_space<vmem>> -> memref<2x128xi32, #tpu.memory_space<vmem>>
          %dma_wait3A_191 = arith.constant 0 : i32
          %dma_wait3A_192 = arith.constant 0 : i32
          %dma_wait3A_193 = tpu.memref_slice %arg5[%dma_wait3A_185, %dma_wait3A_191, %dma_wait3A_192] : memref<3680x2x128xi32, #tpu.memory_space<hbm>> -> memref<1x2x128xi32, #tpu.memory_space<hbm>>
          %dma_wait3A_194 = tpu.memref_squeeze %dma_wait3A_193 : memref<1x2x128xi32, #tpu.memory_space<hbm>> -> memref<2x128xi32, #tpu.memory_space<hbm>>
          %dma_wait3A_195 = arith.constant 0 : i32
          %dma_wait3A_196 = arith.constant 0 : i32
          %dma_wait3A_197 = tpu.memref_slice %arg11[%dma_wait3A_186, %dma_wait3A_195, %dma_wait3A_196] : memref<2x2x128xi32, #tpu.memory_space<vmem>> -> memref<1x2x128xi32, #tpu.memory_space<vmem>>
          %dma_wait3A_198 = tpu.memref_squeeze %dma_wait3A_197 : memref<1x2x128xi32, #tpu.memory_space<vmem>> -> memref<2x128xi32, #tpu.memory_space<vmem>>
          %dma_wait3A_199 = arith.constant 0 : i32
          %dma_wait3A_200 = arith.constant 0 : i32
          %dma_wait3A_201 = tpu.memref_slice %arg5[%dma_wait3A_185, %dma_wait3A_199, %dma_wait3A_200] : memref<3680x2x128xi32, #tpu.memory_space<hbm>> -> memref<1x2x128xi32, #tpu.memory_space<hbm>>
          %dma_wait3A_202 = tpu.memref_squeeze %dma_wait3A_201 : memref<1x2x128xi32, #tpu.memory_space<hbm>> -> memref<2x128xi32, #tpu.memory_space<hbm>>
          tpu.wait_dma2 semaphore(%arg17 : memref<!tpu.dma_semaphore, #tpu.memory_space<semaphore_mem>>) src(%dma_wait3A_202 : memref<2x128xi32, #tpu.memory_space<hbm>>) dst(%dma_wait3A_198 : memref<2x128xi32, #tpu.memory_space<vmem>>)
        } else {
        }
        %lt3A_148 = arith.constant 114 : i32
        %lt3A_149 = arith.cmpi slt, %scan3A_77, %lt3A_148 : i32
        %convert_element_type3A_150 = arith.extui %lt3A_149 : i1 to i32
        %cond3A_151 = arith.constant 0 : i32
        %cond3A_152 = arith.cmpi ne, %convert_element_type3A_150, %cond3A_151 : i32
        scf.if %cond3A_152 {
          %add3A_168 = arith.addi %mul3A_15, %scan3A_77 : i32
          %add3A_169 = arith.constant 1 : i32
          %add3A_170 = arith.addi %add3A_168, %add3A_169 : i32
          %dma_start3A_171 = arith.constant 0 : i32
          %dma_start3A_172 = arith.constant 0 : i32
          %dma_start3A_173 = arith.constant 0 : i32
          %dma_start3A_174 = tpu.memref_slice %arg9[%dma_start3A_171, %dma_start3A_172, %dma_start3A_173] : memref<2x2x128xi32, #tpu.memory_space<vmem>> -> memref<1x2x128xi32, #tpu.memory_space<vmem>>
          %dma_start3A_175 = tpu.memref_squeeze %dma_start3A_174 : memref<1x2x128xi32, #tpu.memory_space<vmem>> -> memref<2x128xi32, #tpu.memory_space<vmem>>
          %dma_start3A_176 = arith.constant 0 : i32
          %dma_start3A_177 = arith.constant 0 : i32
          %dma_start3A_178 = tpu.memref_slice %arg4[%add3A_170, %dma_start3A_176, %dma_start3A_177] : memref<3680x2x128xi32, #tpu.memory_space<hbm>> -> memref<1x2x128xi32, #tpu.memory_space<hbm>>
          %dma_start3A_179 = tpu.memref_squeeze %dma_start3A_178 : memref<1x2x128xi32, #tpu.memory_space<hbm>> -> memref<2x128xi32, #tpu.memory_space<hbm>>
          %dma_start3A_180 = arith.constant 0 : i32
          %dma_start3A_181 = arith.constant 0 : i32
          %dma_start3A_182 = tpu.memref_slice %arg9[%dma_start3A_171, %dma_start3A_180, %dma_start3A_181] : memref<2x2x128xi32, #tpu.memory_space<vmem>> -> memref<1x2x128xi32, #tpu.memory_space<vmem>>
          %dma_start3A_183 = tpu.memref_squeeze %dma_start3A_182 : memref<1x2x128xi32, #tpu.memory_space<vmem>> -> memref<2x128xi32, #tpu.memory_space<vmem>>
          %dma_start3A_184 = arith.constant 0 : i32
          %dma_start3A_185 = arith.constant 0 : i32
          %dma_start3A_186 = tpu.memref_slice %arg4[%add3A_170, %dma_start3A_184, %dma_start3A_185] : memref<3680x2x128xi32, #tpu.memory_space<hbm>> -> memref<1x2x128xi32, #tpu.memory_space<hbm>>
          %dma_start3A_187 = tpu.memref_squeeze %dma_start3A_186 : memref<1x2x128xi32, #tpu.memory_space<hbm>> -> memref<2x128xi32, #tpu.memory_space<hbm>>
          tpu.enqueue_dma source(%dma_start3A_187 : memref<2x128xi32, #tpu.memory_space<hbm>>) target(%dma_start3A_183 : memref<2x128xi32, #tpu.memory_space<vmem>>) target_semaphore(%arg17 : memref<!tpu.dma_semaphore, #tpu.memory_space<semaphore_mem>>)
          %add3A_188 = arith.addi %mul3A_15, %scan3A_77 : i32
          %add3A_189 = arith.constant 1 : i32
          %add3A_190 = arith.addi %add3A_188, %add3A_189 : i32
          %dma_start3A_191 = arith.constant 1 : i32
          %dma_start3A_192 = arith.constant 0 : i32
          %dma_start3A_193 = arith.constant 0 : i32
          %dma_start3A_194 = tpu.memref_slice %arg9[%dma_start3A_191, %dma_start3A_192, %dma_start3A_193] : memref<2x2x128xi32, #tpu.memory_space<vmem>> -> memref<1x2x128xi32, #tpu.memory_space<vmem>>
          %dma_start3A_195 = tpu.memref_squeeze %dma_start3A_194 : memref<1x2x128xi32, #tpu.memory_space<vmem>> -> memref<2x128xi32, #tpu.memory_space<vmem>>
          %dma_start3A_196 = arith.constant 0 : i32
          %dma_start3A_197 = arith.constant 0 : i32
          %dma_start3A_198 = tpu.memref_slice %arg5[%add3A_190, %dma_start3A_196, %dma_start3A_197] : memref<3680x2x128xi32, #tpu.memory_space<hbm>> -> memref<1x2x128xi32, #tpu.memory_space<hbm>>
          %dma_start3A_199 = tpu.memref_squeeze %dma_start3A_198 : memref<1x2x128xi32, #tpu.memory_space<hbm>> -> memref<2x128xi32, #tpu.memory_space<hbm>>
          %dma_start3A_200 = arith.constant 0 : i32
          %dma_start3A_201 = arith.constant 0 : i32
          %dma_start3A_202 = tpu.memref_slice %arg9[%dma_start3A_191, %dma_start3A_200, %dma_start3A_201] : memref<2x2x128xi32, #tpu.memory_space<vmem>> -> memref<1x2x128xi32, #tpu.memory_space<vmem>>
          %dma_start3A_203 = tpu.memref_squeeze %dma_start3A_202 : memref<1x2x128xi32, #tpu.memory_space<vmem>> -> memref<2x128xi32, #tpu.memory_space<vmem>>
          %dma_start3A_204 = arith.constant 0 : i32
          %dma_start3A_205 = arith.constant 0 : i32
          %dma_start3A_206 = tpu.memref_slice %arg5[%add3A_190, %dma_start3A_204, %dma_start3A_205] : memref<3680x2x128xi32, #tpu.memory_space<hbm>> -> memref<1x2x128xi32, #tpu.memory_space<hbm>>
          %dma_start3A_207 = tpu.memref_squeeze %dma_start3A_206 : memref<1x2x128xi32, #tpu.memory_space<hbm>> -> memref<2x128xi32, #tpu.memory_space<hbm>>
          tpu.enqueue_dma source(%dma_start3A_207 : memref<2x128xi32, #tpu.memory_space<hbm>>) target(%dma_start3A_203 : memref<2x128xi32, #tpu.memory_space<vmem>>) target_semaphore(%arg17 : memref<!tpu.dma_semaphore, #tpu.memory_space<semaphore_mem>>)
        } else {
        }
        %eq3A_153 = arith.constant 0 : i32
        %eq3A_154 = arith.cmpi eq, %arg0, %eq3A_153 : i32
        %convert_element_type3A_155 = arith.extui %eq3A_154 : i1 to i32
        %cond3A_156 = arith.constant 0 : i32
        %cond3A_157 = arith.cmpi ne, %convert_element_type3A_155, %cond3A_156 : i32
        scf.if %cond3A_157 {
          %dma_start3A_168 = arith.constant 0 : i32
          %dma_start3A_169 = arith.constant 0 : i32
          %dma_start3A_170 = arith.constant 0 : i32
          %dma_start3A_171 = arith.constant 0 : i32
          %dma_start3A_172 = arith.constant 0 : i32
          %dma_start3A_173 = tpu.memref_slice %arg14[%dma_start3A_170, %dma_start3A_171, %dma_start3A_172] : memref<2x128x32xf32, #tpu.memory_space<vmem>> -> memref<1x128x32xf32, #tpu.memory_space<vmem>>
          %dma_start3A_174 = tpu.memref_squeeze %dma_start3A_173 : memref<1x128x32xf32, #tpu.memory_space<vmem>> -> memref<128x32xf32, #tpu.memory_space<vmem>>
          %dma_start3A_175 = arith.constant 0 : i32
          %dma_start3A_176 = tpu.memref_slice %arg11[%dma_start3A_168, %dma_start3A_169, %dma_start3A_175] : memref<2x2x128xi32, #tpu.memory_space<vmem>> -> memref<1x1x128xi32, #tpu.memory_space<vmem>>
          %dma_start3A_177 = tpu.memref_squeeze %dma_start3A_176 : memref<1x1x128xi32, #tpu.memory_space<vmem>> -> memref<128xi32, #tpu.memory_space<vmem>>
          %dma_start3A_178 = arith.constant 0 : i32
          %dma_start3A_179 = arith.constant 0 : i32
          %dma_start3A_180 = tpu.memref_slice %arg3[%dma_start3A_178, %dma_start3A_179] : memref<27504x32xf32, #tpu.memory_space<hbm>> -> memref<27504x32xf32, #tpu.memory_space<hbm>>
          tpu.enqueue_indirect_dma source(%dma_start3A_180 : memref<27504x32xf32, #tpu.memory_space<hbm>>) target(%dma_start3A_174 : memref<128x32xf32, #tpu.memory_space<vmem>>) offsets(%dma_start3A_177 : memref<128xi32, #tpu.memory_space<vmem>>) semaphore(%arg18 : memref<!tpu.dma_semaphore, #tpu.memory_space<semaphore_mem>>)
          %dma_start3A_181 = arith.constant 0 : i32
          %dma_start3A_182 = arith.constant 1 : i32
          %dma_start3A_183 = arith.constant 1 : i32
          %dma_start3A_184 = arith.constant 0 : i32
          %dma_start3A_185 = arith.constant 0 : i32
          %dma_start3A_186 = tpu.memref_slice %arg14[%dma_start3A_183, %dma_start3A_184, %dma_start3A_185] : memref<2x128x32xf32, #tpu.memory_space<vmem>> -> memref<1x128x32xf32, #tpu.memory_space<vmem>>
          %dma_start3A_187 = tpu.memref_squeeze %dma_start3A_186 : memref<1x128x32xf32, #tpu.memory_space<vmem>> -> memref<128x32xf32, #tpu.memory_space<vmem>>
          %dma_start3A_188 = arith.constant 0 : i32
          %dma_start3A_189 = tpu.memref_slice %arg11[%dma_start3A_181, %dma_start3A_182, %dma_start3A_188] : memref<2x2x128xi32, #tpu.memory_space<vmem>> -> memref<1x1x128xi32, #tpu.memory_space<vmem>>
          %dma_start3A_190 = tpu.memref_squeeze %dma_start3A_189 : memref<1x1x128xi32, #tpu.memory_space<vmem>> -> memref<128xi32, #tpu.memory_space<vmem>>
          %dma_start3A_191 = arith.constant 0 : i32
          %dma_start3A_192 = arith.constant 0 : i32
          %dma_start3A_193 = tpu.memref_slice %arg3[%dma_start3A_191, %dma_start3A_192] : memref<27504x32xf32, #tpu.memory_space<hbm>> -> memref<27504x32xf32, #tpu.memory_space<hbm>>
          tpu.enqueue_indirect_dma source(%dma_start3A_193 : memref<27504x32xf32, #tpu.memory_space<hbm>>) target(%dma_start3A_187 : memref<128x32xf32, #tpu.memory_space<vmem>>) offsets(%dma_start3A_190 : memref<128xi32, #tpu.memory_space<vmem>>) semaphore(%arg18 : memref<!tpu.dma_semaphore, #tpu.memory_space<semaphore_mem>>)
        } else {
        }
        %eq3A_158 = arith.constant 1 : i32
        %eq3A_159 = arith.cmpi eq, %arg0, %eq3A_158 : i32
        %convert_element_type3A_160 = arith.extui %eq3A_159 : i1 to i32
        %cond3A_161 = arith.constant 0 : i32
        %cond3A_162 = arith.cmpi ne, %convert_element_type3A_160, %cond3A_161 : i32
        scf.if %cond3A_162 {
          %dma_start3A_168 = arith.constant 0 : i32
          %dma_start3A_169 = arith.constant 0 : i32
          %dma_start3A_170 = arith.constant 0 : i32
          %dma_start3A_171 = arith.constant 0 : i32
          %dma_start3A_172 = arith.constant 0 : i32
          %dma_start3A_173 = tpu.memref_slice %arg14[%dma_start3A_170, %dma_start3A_171, %dma_start3A_172] : memref<2x128x32xf32, #tpu.memory_space<vmem>> -> memref<1x128x32xf32, #tpu.memory_space<vmem>>
          %dma_start3A_174 = tpu.memref_squeeze %dma_start3A_173 : memref<1x128x32xf32, #tpu.memory_space<vmem>> -> memref<128x32xf32, #tpu.memory_space<vmem>>
          %dma_start3A_175 = arith.constant 0 : i32
          %dma_start3A_176 = tpu.memref_slice %arg11[%dma_start3A_168, %dma_start3A_169, %dma_start3A_175] : memref<2x2x128xi32, #tpu.memory_space<vmem>> -> memref<1x1x128xi32, #tpu.memory_space<vmem>>
          %dma_start3A_177 = tpu.memref_squeeze %dma_start3A_176 : memref<1x1x128xi32, #tpu.memory_space<vmem>> -> memref<128xi32, #tpu.memory_space<vmem>>
          %dma_start3A_178 = arith.constant 0 : i32
          %dma_start3A_179 = arith.constant 0 : i32
          %dma_start3A_180 = tpu.memref_slice %arg2[%dma_start3A_178, %dma_start3A_179] : memref<50000x32xf32, #tpu.memory_space<hbm>> -> memref<50000x32xf32, #tpu.memory_space<hbm>>
          tpu.enqueue_indirect_dma source(%dma_start3A_180 : memref<50000x32xf32, #tpu.memory_space<hbm>>) target(%dma_start3A_174 : memref<128x32xf32, #tpu.memory_space<vmem>>) offsets(%dma_start3A_177 : memref<128xi32, #tpu.memory_space<vmem>>) semaphore(%arg18 : memref<!tpu.dma_semaphore, #tpu.memory_space<semaphore_mem>>)
          %dma_start3A_181 = arith.constant 0 : i32
          %dma_start3A_182 = arith.constant 1 : i32
          %dma_start3A_183 = arith.constant 1 : i32
          %dma_start3A_184 = arith.constant 0 : i32
          %dma_start3A_185 = arith.constant 0 : i32
          %dma_start3A_186 = tpu.memref_slice %arg14[%dma_start3A_183, %dma_start3A_184, %dma_start3A_185] : memref<2x128x32xf32, #tpu.memory_space<vmem>> -> memref<1x128x32xf32, #tpu.memory_space<vmem>>
          %dma_start3A_187 = tpu.memref_squeeze %dma_start3A_186 : memref<1x128x32xf32, #tpu.memory_space<vmem>> -> memref<128x32xf32, #tpu.memory_space<vmem>>
          %dma_start3A_188 = arith.constant 0 : i32
          %dma_start3A_189 = tpu.memref_slice %arg11[%dma_start3A_181, %dma_start3A_182, %dma_start3A_188] : memref<2x2x128xi32, #tpu.memory_space<vmem>> -> memref<1x1x128xi32, #tpu.memory_space<vmem>>
          %dma_start3A_190 = tpu.memref_squeeze %dma_start3A_189 : memref<1x1x128xi32, #tpu.memory_space<vmem>> -> memref<128xi32, #tpu.memory_space<vmem>>
          %dma_start3A_191 = arith.constant 0 : i32
          %dma_start3A_192 = arith.constant 0 : i32
          %dma_start3A_193 = tpu.memref_slice %arg2[%dma_start3A_191, %dma_start3A_192] : memref<50000x32xf32, #tpu.memory_space<hbm>> -> memref<50000x32xf32, #tpu.memory_space<hbm>>
          tpu.enqueue_indirect_dma source(%dma_start3A_193 : memref<50000x32xf32, #tpu.memory_space<hbm>>) target(%dma_start3A_187 : memref<128x32xf32, #tpu.memory_space<vmem>>) offsets(%dma_start3A_190 : memref<128xi32, #tpu.memory_space<vmem>>) semaphore(%arg18 : memref<!tpu.dma_semaphore, #tpu.memory_space<semaphore_mem>>)
        } else {
        }
        %ge3A_163 = arith.constant 1 : i32
        %ge3A_164 = arith.cmpi sge, %scan3A_77, %ge3A_163 : i32
        %convert_element_type3A_165 = arith.extui %ge3A_164 : i1 to i32
        %cond3A_166 = arith.constant 0 : i32
        %cond3A_167 = arith.cmpi ne, %convert_element_type3A_165, %cond3A_166 : i32
        scf.if %cond3A_167 {
          tpu.wait_dma2 semaphore(%arg18 : memref<!tpu.dma_semaphore, #tpu.memory_space<semaphore_mem>>) src(%arg6 : memref<2x128x32xf32, #tpu.memory_space<hbm>>) dst(%arg13 : memref<2x128x32xf32, #tpu.memory_space<vmem>>)
          %dma_start3A_168 = arith.constant 0 : i32
          %dma_start3A_169 = arith.constant 1 : i32
          %dma_start3A_170 = arith.constant 0 : i32
          %dma_start3A_171 = arith.constant 0 : i32
          %dma_start3A_172 = arith.constant 0 : i32
          %dma_start3A_173 = tpu.memref_slice %arg13[%dma_start3A_168, %dma_start3A_171, %dma_start3A_172] : memref<2x128x32xf32, #tpu.memory_space<vmem>> -> memref<1x128x32xf32, #tpu.memory_space<vmem>>
          %dma_start3A_174 = tpu.memref_squeeze %dma_start3A_173 : memref<1x128x32xf32, #tpu.memory_space<vmem>> -> memref<128x32xf32, #tpu.memory_space<vmem>>
          %dma_start3A_175 = arith.constant 0 : i32
          %dma_start3A_176 = tpu.memref_slice %arg10[%dma_start3A_169, %dma_start3A_170, %dma_start3A_175] : memref<2x2x128xi32, #tpu.memory_space<vmem>> -> memref<1x1x128xi32, #tpu.memory_space<vmem>>
          %dma_start3A_177 = tpu.memref_squeeze %dma_start3A_176 : memref<1x1x128xi32, #tpu.memory_space<vmem>> -> memref<128xi32, #tpu.memory_space<vmem>>
          %dma_start3A_178 = arith.constant 0 : i32
          %dma_start3A_179 = arith.constant 0 : i32
          %dma_start3A_180 = tpu.memref_slice %arg15[%dma_start3A_178, %dma_start3A_179] : memref<50176x32xf32, #tpu.memory_space<vmem_shared>> -> memref<50176x32xf32, #tpu.memory_space<vmem_shared>>
          tpu.enqueue_indirect_dma source(%dma_start3A_174 : memref<128x32xf32, #tpu.memory_space<vmem>>) target(%dma_start3A_180 : memref<50176x32xf32, #tpu.memory_space<vmem_shared>>) offsets(%dma_start3A_177 : memref<128xi32, #tpu.memory_space<vmem>>) semaphore(%arg19 : memref<!tpu.dma_semaphore, #tpu.memory_space<semaphore_mem>>) {add = true}
          %dma_start3A_181 = arith.constant 1 : i32
          %dma_start3A_182 = arith.constant 1 : i32
          %dma_start3A_183 = arith.constant 1 : i32
          %dma_start3A_184 = arith.constant 0 : i32
          %dma_start3A_185 = arith.constant 0 : i32
          %dma_start3A_186 = tpu.memref_slice %arg13[%dma_start3A_181, %dma_start3A_184, %dma_start3A_185] : memref<2x128x32xf32, #tpu.memory_space<vmem>> -> memref<1x128x32xf32, #tpu.memory_space<vmem>>
          %dma_start3A_187 = tpu.memref_squeeze %dma_start3A_186 : memref<1x128x32xf32, #tpu.memory_space<vmem>> -> memref<128x32xf32, #tpu.memory_space<vmem>>
          %dma_start3A_188 = arith.constant 0 : i32
          %dma_start3A_189 = tpu.memref_slice %arg10[%dma_start3A_182, %dma_start3A_183, %dma_start3A_188] : memref<2x2x128xi32, #tpu.memory_space<vmem>> -> memref<1x1x128xi32, #tpu.memory_space<vmem>>
          %dma_start3A_190 = tpu.memref_squeeze %dma_start3A_189 : memref<1x1x128xi32, #tpu.memory_space<vmem>> -> memref<128xi32, #tpu.memory_space<vmem>>
          %dma_start3A_191 = arith.constant 0 : i32
          %dma_start3A_192 = arith.constant 0 : i32
          %dma_start3A_193 = tpu.memref_slice %arg15[%dma_start3A_191, %dma_start3A_192] : memref<50176x32xf32, #tpu.memory_space<vmem_shared>> -> memref<50176x32xf32, #tpu.memory_space<vmem_shared>>
          tpu.enqueue_indirect_dma source(%dma_start3A_187 : memref<128x32xf32, #tpu.memory_space<vmem>>) target(%dma_start3A_193 : memref<50176x32xf32, #tpu.memory_space<vmem_shared>>) offsets(%dma_start3A_190 : memref<128xi32, #tpu.memory_space<vmem>>) semaphore(%arg19 : memref<!tpu.dma_semaphore, #tpu.memory_space<semaphore_mem>>) {add = true}
        } else {
        }
      } else {
      }
      %scan3A_138 = arith.constant 0 : i32
      scf.yield %scan3A_138 : i32
    }
    %scan3A_23 = arith.constant 115 : i32
    tpu.wait_dma2 semaphore(%arg18 : memref<!tpu.dma_semaphore, #tpu.memory_space<semaphore_mem>>) src(%arg6 : memref<2x128x32xf32, #tpu.memory_space<hbm>>) dst(%arg12 : memref<2x128x32xf32, #tpu.memory_space<vmem>>)
    %dma_start3A = arith.constant 0 : i32
    %dma_start3A_24 = arith.constant 1 : i32
    %dma_start3A_25 = arith.constant 0 : i32
    %dma_start3A_26 = arith.constant 0 : i32
    %dma_start3A_27 = arith.constant 0 : i32
    %dma_start3A_28 = tpu.memref_slice %arg12[%dma_start3A, %dma_start3A_26, %dma_start3A_27] : memref<2x128x32xf32, #tpu.memory_space<vmem>> -> memref<1x128x32xf32, #tpu.memory_space<vmem>>
    %dma_start3A_29 = tpu.memref_squeeze %dma_start3A_28 : memref<1x128x32xf32, #tpu.memory_space<vmem>> -> memref<128x32xf32, #tpu.memory_space<vmem>>
    %dma_start3A_30 = arith.constant 0 : i32
    %dma_start3A_31 = tpu.memref_slice %arg9[%dma_start3A_24, %dma_start3A_25, %dma_start3A_30] : memref<2x2x128xi32, #tpu.memory_space<vmem>> -> memref<1x1x128xi32, #tpu.memory_space<vmem>>
    %dma_start3A_32 = tpu.memref_squeeze %dma_start3A_31 : memref<1x1x128xi32, #tpu.memory_space<vmem>> -> memref<128xi32, #tpu.memory_space<vmem>>
    %dma_start3A_33 = arith.constant 0 : i32
    %dma_start3A_34 = arith.constant 0 : i32
    %dma_start3A_35 = tpu.memref_slice %arg15[%dma_start3A_33, %dma_start3A_34] : memref<50176x32xf32, #tpu.memory_space<vmem_shared>> -> memref<50176x32xf32, #tpu.memory_space<vmem_shared>>
    tpu.enqueue_indirect_dma source(%dma_start3A_29 : memref<128x32xf32, #tpu.memory_space<vmem>>) target(%dma_start3A_35 : memref<50176x32xf32, #tpu.memory_space<vmem_shared>>) offsets(%dma_start3A_32 : memref<128xi32, #tpu.memory_space<vmem>>) semaphore(%arg19 : memref<!tpu.dma_semaphore, #tpu.memory_space<semaphore_mem>>) {add = true}
    %dma_start3A_36 = arith.constant 1 : i32
    %dma_start3A_37 = arith.constant 1 : i32
    %dma_start3A_38 = arith.constant 1 : i32
    %dma_start3A_39 = arith.constant 0 : i32
    %dma_start3A_40 = arith.constant 0 : i32
    %dma_start3A_41 = tpu.memref_slice %arg12[%dma_start3A_36, %dma_start3A_39, %dma_start3A_40] : memref<2x128x32xf32, #tpu.memory_space<vmem>> -> memref<1x128x32xf32, #tpu.memory_space<vmem>>
    %dma_start3A_42 = tpu.memref_squeeze %dma_start3A_41 : memref<1x128x32xf32, #tpu.memory_space<vmem>> -> memref<128x32xf32, #tpu.memory_space<vmem>>
    %dma_start3A_43 = arith.constant 0 : i32
    %dma_start3A_44 = tpu.memref_slice %arg9[%dma_start3A_37, %dma_start3A_38, %dma_start3A_43] : memref<2x2x128xi32, #tpu.memory_space<vmem>> -> memref<1x1x128xi32, #tpu.memory_space<vmem>>
    %dma_start3A_45 = tpu.memref_squeeze %dma_start3A_44 : memref<1x1x128xi32, #tpu.memory_space<vmem>> -> memref<128xi32, #tpu.memory_space<vmem>>
    %dma_start3A_46 = arith.constant 0 : i32
    %dma_start3A_47 = arith.constant 0 : i32
    %dma_start3A_48 = tpu.memref_slice %arg15[%dma_start3A_46, %dma_start3A_47] : memref<50176x32xf32, #tpu.memory_space<vmem_shared>> -> memref<50176x32xf32, #tpu.memory_space<vmem_shared>>
    tpu.enqueue_indirect_dma source(%dma_start3A_42 : memref<128x32xf32, #tpu.memory_space<vmem>>) target(%dma_start3A_48 : memref<50176x32xf32, #tpu.memory_space<vmem_shared>>) offsets(%dma_start3A_45 : memref<128xi32, #tpu.memory_space<vmem>>) semaphore(%arg19 : memref<!tpu.dma_semaphore, #tpu.memory_space<semaphore_mem>>) {add = true}
    tpu.wait_dma2 semaphore(%arg19 : memref<!tpu.dma_semaphore, #tpu.memory_space<semaphore_mem>>) src(%arg6 : memref<2x128x32xf32, #tpu.memory_space<hbm>>) dst(%arg14 : memref<2x128x32xf32, #tpu.memory_space<vmem>>)
    tpu.wait_dma2 semaphore(%arg19 : memref<!tpu.dma_semaphore, #tpu.memory_space<semaphore_mem>>) src(%arg6 : memref<2x128x32xf32, #tpu.memory_space<hbm>>) dst(%arg12 : memref<2x128x32xf32, #tpu.memory_space<vmem>>)
    %barrier3A_49 = arith.constant 0 : index
    tpu.barrier barrier_id(%barrier3A_49)
    %eq3A = arith.constant 0 : i32
    %eq3A_50 = arith.cmpi eq, %arg0, %eq3A : i32
    %lt3A = arith.constant 15 : i32
    %lt3A_51 = arith.cmpi slt, %arg1, %lt3A : i32
    %and3A = arith.andi %eq3A_50, %lt3A_51 : i1
    %convert_element_type3A = arith.extui %and3A : i1 to i32
    %cond3A = arith.constant 0 : i32
    %cond3A_52 = arith.cmpi ne, %convert_element_type3A, %cond3A : i32
    scf.if %cond3A_52 {
      %mul3A_77 = arith.constant 3128 : i32
      %mul3A_78 = arith.muli %arg1, %mul3A_77 : i32
      %mul3A_79 = arith.constant 3128 : i32
      %mul3A_80 = arith.muli %arg1, %mul3A_79 : i32
      "tpu.region"() ({
        %run_scoped3A_81 = tpu.sem_alloc : memref<!tpu.dma_semaphore, #tpu.memory_space<semaphore_mem>>
        %dma_start3A_82 = arith.constant 0 : i32
        %dma_start3A_83 = tpu.memref_slice %arg7[%mul3A_80, %dma_start3A_82] : memref<50000x32xf32, #tpu.memory_space<hbm>> -> memref<3128x32xf32, #tpu.memory_space<hbm>>
        %dma_start3A_84 = arith.constant 0 : i32
        %dma_start3A_85 = tpu.memref_slice %arg15[%mul3A_78, %dma_start3A_84] : memref<50176x32xf32, #tpu.memory_space<vmem_shared>> -> memref<3128x32xf32, #tpu.memory_space<vmem_shared>>
        tpu.enqueue_dma source(%dma_start3A_85 : memref<3128x32xf32, #tpu.memory_space<vmem_shared>>) target(%dma_start3A_83 : memref<3128x32xf32, #tpu.memory_space<hbm>>) target_semaphore(%run_scoped3A_81 : memref<!tpu.dma_semaphore, #tpu.memory_space<semaphore_mem>>)
        %dma_wait3A = arith.constant 0 : i32
        %dma_wait3A_86 = tpu.memref_slice %arg7[%mul3A_80, %dma_wait3A] : memref<50000x32xf32, #tpu.memory_space<hbm>> -> memref<3128x32xf32, #tpu.memory_space<hbm>>
        %dma_wait3A_87 = arith.constant 0 : i32
        %dma_wait3A_88 = tpu.memref_slice %arg15[%mul3A_78, %dma_wait3A_87] : memref<50176x32xf32, #tpu.memory_space<vmem_shared>> -> memref<3128x32xf32, #tpu.memory_space<vmem_shared>>
        tpu.wait_dma2 semaphore(%run_scoped3A_81 : memref<!tpu.dma_semaphore, #tpu.memory_space<semaphore_mem>>) src(%dma_wait3A_88 : memref<3128x32xf32, #tpu.memory_space<vmem_shared>>) dst(%dma_wait3A_86 : memref<3128x32xf32, #tpu.memory_space<hbm>>)
        tpu.yield
      }) : () -> ()
    } else {
    }
    %eq3A_53 = arith.constant 0 : i32
    %eq3A_54 = arith.cmpi eq, %arg0, %eq3A_53 : i32
    %eq3A_55 = arith.constant 15 : i32
    %eq3A_56 = arith.cmpi eq, %arg1, %eq3A_55 : i32
    %and3A_57 = arith.andi %eq3A_54, %eq3A_56 : i1
    %convert_element_type3A_58 = arith.extui %and3A_57 : i1 to i32
    %cond3A_59 = arith.constant 0 : i32
    %cond3A_60 = arith.cmpi ne, %convert_element_type3A_58, %cond3A_59 : i32
    scf.if %cond3A_60 {
      "tpu.region"() ({
        %run_scoped3A_77 = tpu.sem_alloc : memref<!tpu.dma_semaphore, #tpu.memory_space<semaphore_mem>>
        %dma_start3A_78 = arith.constant 46920 : i32
        %dma_start3A_79 = arith.constant 0 : i32
        %dma_start3A_80 = tpu.memref_slice %arg7[%dma_start3A_78, %dma_start3A_79] : memref<50000x32xf32, #tpu.memory_space<hbm>> -> memref<3080x32xf32, #tpu.memory_space<hbm>>
        %dma_start3A_81 = arith.constant 46920 : i32
        %dma_start3A_82 = arith.constant 0 : i32
        %dma_start3A_83 = tpu.memref_slice %arg15[%dma_start3A_81, %dma_start3A_82] : memref<50176x32xf32, #tpu.memory_space<vmem_shared>> -> memref<3080x32xf32, #tpu.memory_space<vmem_shared>>
        tpu.enqueue_dma source(%dma_start3A_83 : memref<3080x32xf32, #tpu.memory_space<vmem_shared>>) target(%dma_start3A_80 : memref<3080x32xf32, #tpu.memory_space<hbm>>) target_semaphore(%run_scoped3A_77 : memref<!tpu.dma_semaphore, #tpu.memory_space<semaphore_mem>>)
        %dma_wait3A = arith.constant 46920 : i32
        %dma_wait3A_84 = arith.constant 0 : i32
        %dma_wait3A_85 = tpu.memref_slice %arg7[%dma_wait3A, %dma_wait3A_84] : memref<50000x32xf32, #tpu.memory_space<hbm>> -> memref<3080x32xf32, #tpu.memory_space<hbm>>
        %dma_wait3A_86 = arith.constant 46920 : i32
        %dma_wait3A_87 = arith.constant 0 : i32
        %dma_wait3A_88 = tpu.memref_slice %arg15[%dma_wait3A_86, %dma_wait3A_87] : memref<50176x32xf32, #tpu.memory_space<vmem_shared>> -> memref<3080x32xf32, #tpu.memory_space<vmem_shared>>
        tpu.wait_dma2 semaphore(%run_scoped3A_77 : memref<!tpu.dma_semaphore, #tpu.memory_space<semaphore_mem>>) src(%dma_wait3A_88 : memref<3080x32xf32, #tpu.memory_space<vmem_shared>>) dst(%dma_wait3A_85 : memref<3080x32xf32, #tpu.memory_space<hbm>>)
        tpu.yield
      }) : () -> ()
    } else {
    }
    %eq3A_61 = arith.constant 1 : i32
    %eq3A_62 = arith.cmpi eq, %arg0, %eq3A_61 : i32
    %lt3A_63 = arith.constant 15 : i32
    %lt3A_64 = arith.cmpi slt, %arg1, %lt3A_63 : i32
    %and3A_65 = arith.andi %eq3A_62, %lt3A_64 : i1
    %convert_element_type3A_66 = arith.extui %and3A_65 : i1 to i32
    %cond3A_67 = arith.constant 0 : i32
    %cond3A_68 = arith.cmpi ne, %convert_element_type3A_66, %cond3A_67 : i32
    scf.if %cond3A_68 {
      %mul3A_77 = arith.constant 1720 : i32
      %mul3A_78 = arith.muli %arg1, %mul3A_77 : i32
      %mul3A_79 = arith.constant 1720 : i32
      %mul3A_80 = arith.muli %arg1, %mul3A_79 : i32
      "tpu.region"() ({
        %run_scoped3A_81 = tpu.sem_alloc : memref<!tpu.dma_semaphore, #tpu.memory_space<semaphore_mem>>
        %dma_start3A_82 = arith.constant 0 : i32
        %dma_start3A_83 = tpu.memref_slice %arg8[%mul3A_80, %dma_start3A_82] : memref<27504x32xf32, #tpu.memory_space<hbm>> -> memref<1720x32xf32, #tpu.memory_space<hbm>>
        %dma_start3A_84 = arith.constant 0 : i32
        %dma_start3A_85 = tpu.memref_slice %arg15[%mul3A_78, %dma_start3A_84] : memref<50176x32xf32, #tpu.memory_space<vmem_shared>> -> memref<1720x32xf32, #tpu.memory_space<vmem_shared>>
        tpu.enqueue_dma source(%dma_start3A_85 : memref<1720x32xf32, #tpu.memory_space<vmem_shared>>) target(%dma_start3A_83 : memref<1720x32xf32, #tpu.memory_space<hbm>>) target_semaphore(%run_scoped3A_81 : memref<!tpu.dma_semaphore, #tpu.memory_space<semaphore_mem>>)
        %dma_wait3A = arith.constant 0 : i32
        %dma_wait3A_86 = tpu.memref_slice %arg8[%mul3A_80, %dma_wait3A] : memref<27504x32xf32, #tpu.memory_space<hbm>> -> memref<1720x32xf32, #tpu.memory_space<hbm>>
        %dma_wait3A_87 = arith.constant 0 : i32
        %dma_wait3A_88 = tpu.memref_slice %arg15[%mul3A_78, %dma_wait3A_87] : memref<50176x32xf32, #tpu.memory_space<vmem_shared>> -> memref<1720x32xf32, #tpu.memory_space<vmem_shared>>
        tpu.wait_dma2 semaphore(%run_scoped3A_81 : memref<!tpu.dma_semaphore, #tpu.memory_space<semaphore_mem>>) src(%dma_wait3A_88 : memref<1720x32xf32, #tpu.memory_space<vmem_shared>>) dst(%dma_wait3A_86 : memref<1720x32xf32, #tpu.memory_space<hbm>>)
        tpu.yield
      }) : () -> ()
    } else {
    }
    %eq3A_69 = arith.constant 1 : i32
    %eq3A_70 = arith.cmpi eq, %arg0, %eq3A_69 : i32
    %eq3A_71 = arith.constant 15 : i32
    %eq3A_72 = arith.cmpi eq, %arg1, %eq3A_71 : i32
    %and3A_73 = arith.andi %eq3A_70, %eq3A_72 : i1
    %convert_element_type3A_74 = arith.extui %and3A_73 : i1 to i32
    %cond3A_75 = arith.constant 0 : i32
    %cond3A_76 = arith.cmpi ne, %convert_element_type3A_74, %cond3A_75 : i32
    scf.if %cond3A_76 {
      "tpu.region"() ({
        %run_scoped3A_77 = tpu.sem_alloc : memref<!tpu.dma_semaphore, #tpu.memory_space<semaphore_mem>>
        %dma_start3A_78 = arith.constant 25800 : i32
        %dma_start3A_79 = arith.constant 0 : i32
        %dma_start3A_80 = tpu.memref_slice %arg8[%dma_start3A_78, %dma_start3A_79] : memref<27504x32xf32, #tpu.memory_space<hbm>> -> memref<1704x32xf32, #tpu.memory_space<hbm>>
        %dma_start3A_81 = arith.constant 25800 : i32
        %dma_start3A_82 = arith.constant 0 : i32
        %dma_start3A_83 = tpu.memref_slice %arg15[%dma_start3A_81, %dma_start3A_82] : memref<50176x32xf32, #tpu.memory_space<vmem_shared>> -> memref<1704x32xf32, #tpu.memory_space<vmem_shared>>
        tpu.enqueue_dma source(%dma_start3A_83 : memref<1704x32xf32, #tpu.memory_space<vmem_shared>>) target(%dma_start3A_80 : memref<1704x32xf32, #tpu.memory_space<hbm>>) target_semaphore(%run_scoped3A_77 : memref<!tpu.dma_semaphore, #tpu.memory_space<semaphore_mem>>)
        %dma_wait3A = arith.constant 25800 : i32
        %dma_wait3A_84 = arith.constant 0 : i32
        %dma_wait3A_85 = tpu.memref_slice %arg8[%dma_wait3A, %dma_wait3A_84] : memref<27504x32xf32, #tpu.memory_space<hbm>> -> memref<1704x32xf32, #tpu.memory_space<hbm>>
        %dma_wait3A_86 = arith.constant 25800 : i32
        %dma_wait3A_87 = arith.constant 0 : i32
        %dma_wait3A_88 = tpu.memref_slice %arg15[%dma_wait3A_86, %dma_wait3A_87] : memref<50176x32xf32, #tpu.memory_space<vmem_shared>> -> memref<1704x32xf32, #tpu.memory_space<vmem_shared>>
        tpu.wait_dma2 semaphore(%run_scoped3A_77 : memref<!tpu.dma_semaphore, #tpu.memory_space<semaphore_mem>>) src(%dma_wait3A_88 : memref<1704x32xf32, #tpu.memory_space<vmem_shared>>) dst(%dma_wait3A_85 : memref<1704x32xf32, #tpu.memory_space<hbm>>)
        tpu.yield
      }) : () -> ()
    } else {
    }
    return
  }
}

#map = affine_map<(d0, d1) -> (0, 0)>
#map1 = affine_map<(d0, d1) -> (0, 0, 0)>
module attributes {stable_mosaic.version = 14 : i64} {
  func.func @body(%arg0: i32, %arg1: i32, %arg2: memref<50000x32xf32, #tpu.memory_space<hbm>>, %arg3: memref<27504x32xf32, #tpu.memory_space<hbm>>, %arg4: memref<3680x2x128xi32, #tpu.memory_space<hbm>>, %arg5: memref<3680x2x128xi32, #tpu.memory_space<hbm>>, %arg6: memref<2x128x32xf32, #tpu.memory_space<hbm>>, %arg7: memref<50000x32xf32, #tpu.memory_space<hbm>>, %arg8: memref<27504x32xf32, #tpu.memory_space<hbm>>, %arg9: memref<2x2x128xi32, #tpu.memory_space<vmem>>, %arg10: memref<2x2x128xi32, #tpu.memory_space<vmem>>, %arg11: memref<2x2x128xi32, #tpu.memory_space<vmem>>, %arg12: memref<2x128x32xf32, #tpu.memory_space<vmem>>, %arg13: memref<2x128x32xf32, #tpu.memory_space<vmem>>, %arg14: memref<2x128x32xf32, #tpu.memory_space<vmem>>, %arg15: memref<50176x32xf32, #tpu.memory_space<vmem_shared>>, %arg16: memref<56x32xf32, #tpu.memory_space<vmem>>, %arg17: memref<!tpu.dma_semaphore, #tpu.memory_space<semaphore_mem>>, %arg18: memref<!tpu.dma_semaphore, #tpu.memory_space<semaphore_mem>>, %arg19: memref<!tpu.dma_semaphore, #tpu.memory_space<semaphore_mem>>) attributes {dimension_semantics = [#tpu.dimension_semantics<core_parallel>, #tpu.dimension_semantics<subcore_parallel>], iteration_bounds = array<i64: 2, 16>, scalar_prefetch = 0 : i64, scratch_operands = 11 : i64, tpu.core_type = #tpu.core_type<sc_vector_subcore>, window_params = [{transform_indices = #map}, {transform_indices = #map}, {transform_indices = #map1}, {transform_indices = #map1}, {transform_indices = #map1}, {transform_indices = #map}, {transform_indices = #map}]} {
    %scan3A = arith.constant 0 : i32
    %scan3A_0 = arith.constant 0 : i32
    %scan3A_1 = arith.constant 56 : i32
    %scan3A_2 = arith.addi %scan3A_0, %scan3A_1 : i32
    %scan3A_3 = arith.constant 1 : i32
    %scan3A_4 = scf.for %scan3A_77 = %scan3A_0 to %scan3A_2 step %scan3A_3 iter_args(%scan3A_78 = %scan3A) -> (i32)  : i32 {
      %broadcast_in_dim3A = arith.constant 0.000000e+00 : f32
      %broadcast_in_dim3A_79 = vector.broadcast %broadcast_in_dim3A : f32 to vector<16xf32>
      %swap3A = arith.index_cast %scan3A_77 : i32 to index
      %swap3A_80 = arith.constant 0 : index
      %swap3A_81 = tpu.vector_load %arg16[%swap3A, %swap3A_80] {strides = array<i32>} : memref<56x32xf32, #tpu.memory_space<vmem>>, vector<1x16xf32>,
      %swap3A_82 = vector.shape_cast %swap3A_81 : vector<1x16xf32> to vector<16xf32>
      %swap3A_83 = vector.shape_cast %broadcast_in_dim3A_79 : vector<16xf32> to vector<1x16xf32>
      tpu.vector_store %arg16[%swap3A, %swap3A_80], %swap3A_83 {strides = array<i32>} : memref<56x32xf32, #tpu.memory_space<vmem>>, vector<1x16xf32>,
      %broadcast_in_dim3A_84 = arith.constant 0.000000e+00 : f32
      %broadcast_in_dim3A_85 = vector.broadcast %broadcast_in_dim3A_84 : f32 to vector<16xf32>
      %swap3A_86 = arith.index_cast %scan3A_77 : i32 to index
      %swap3A_87 = arith.constant 16 : index
      %swap3A_88 = tpu.vector_load %arg16[%swap3A_86, %swap3A_87] {strides = array<i32>} : memref<56x32xf32, #tpu.memory_space<vmem>>, vector<1x16xf32>,
      %swap3A_89 = vector.shape_cast %swap3A_88 : vector<1x16xf32> to vector<16xf32>
      %swap3A_90 = vector.shape_cast %broadcast_in_dim3A_85 : vector<16xf32> to vector<1x16xf32>
      tpu.vector_store %arg16[%swap3A_86, %swap3A_87], %swap3A_90 {strides = array<i32>} : memref<56x32xf32, #tpu.memory_space<vmem>>, vector<1x16xf32>,
      %scan3A_91 = arith.constant 0 : i32
      scf.yield %scan3A_91 : i32
    }
    %scan3A_5 = arith.constant 56 : i32
    %scan3A_6 = arith.constant 0 : i32
    %scan3A_7 = arith.constant 0 : i32
    %scan3A_8 = arith.constant 56 : i32
    %scan3A_9 = arith.addi %scan3A_7, %scan3A_8 : i32
    %scan3A_10 = arith.constant 1 : i32
    %scan3A_11 = scf.for %scan3A_77 = %scan3A_7 to %scan3A_9 step %scan3A_10 iter_args(%scan3A_78 = %scan3A_6) -> (i32)  : i32 {
      %mul3A_79 = arith.constant 3136 : i32
      %mul3A_80 = arith.muli %arg1, %mul3A_79 : i32
      %mul3A_81 = arith.constant 56 : i32
      %mul3A_82 = arith.muli %scan3A_77, %mul3A_81 : i32
      %add3A_83 = arith.addi %mul3A_80, %mul3A_82 : i32
      "tpu.region"() ({
        %run_scoped3A_85 = tpu.sem_alloc : memref<!tpu.dma_semaphore, #tpu.memory_space<semaphore_mem>>
        %dma_start3A_86 = arith.constant 0 : i32
        %dma_start3A_87 = tpu.memref_slice %arg15[%add3A_83, %dma_start3A_86] : memref<50176x32xf32, #tpu.memory_space<vmem_shared>> -> memref<56x32xf32, #tpu.memory_space<vmem_shared>>
        %dma_start3A_88 = arith.constant 0 : i32
        %dma_start3A_89 = tpu.memref_slice %arg15[%add3A_83, %dma_start3A_88] : memref<50176x32xf32, #tpu.memory_space<vmem_shared>> -> memref<56x32xf32, #tpu.memory_space<vmem_shared>>
        tpu.enqueue_dma source(%arg16 : memref<56x32xf32, #tpu.memory_space<vmem>>) target(%dma_start3A_89 : memref<56x32xf32, #tpu.memory_space<vmem_shared>>) target_semaphore(%run_scoped3A_85 : memref<!tpu.dma_semaphore, #tpu.memory_space<semaphore_mem>>)
        %dma_wait3A = arith.constant 0 : i32
        %dma_wait3A_90 = tpu.memref_slice %arg15[%add3A_83, %dma_wait3A] : memref<50176x32xf32, #tpu.memory_space<vmem_shared>> -> memref<56x32xf32, #tpu.memory_space<vmem_shared>>
        %dma_wait3A_91 = arith.constant 0 : i32
        %dma_wait3A_92 = tpu.memref_slice %arg15[%add3A_83, %dma_wait3A_91] : memref<50176x32xf32, #tpu.memory_space<vmem_shared>> -> memref<56x32xf32, #tpu.memory_space<vmem_shared>>
        tpu.wait_dma2 semaphore(%run_scoped3A_85 : memref<!tpu.dma_semaphore, #tpu.memory_space<semaphore_mem>>) src(%arg16 : memref<56x32xf32, #tpu.memory_space<vmem>>) dst(%dma_wait3A_92 : memref<56x32xf32, #tpu.memory_space<vmem_shared>>)
        tpu.yield
      }) : () -> ()
      %scan3A_84 = arith.constant 0 : i32
      scf.yield %scan3A_84 : i32
    }
    %scan3A_12 = arith.constant 56 : i32
    %barrier3A = arith.constant 0 : index
    tpu.barrier barrier_id(%barrier3A)
    %mul3A = arith.constant 16 : i32
    %mul3A_13 = arith.muli %arg0, %mul3A : i32
    %add3A = arith.addi %mul3A_13, %arg1 : i32
    %mul3A_14 = arith.constant 115 : i32
    %mul3A_15 = arith.muli %add3A, %mul3A_14 : i32
    %run_scoped3A = arith.constant 0 : i32
    "tpu.region"() ({
      %run_scoped3A_77 = tpu.sem_alloc : memref<!tpu.dma_semaphore, #tpu.memory_space<semaphore_mem>>
      %dma_start3A_78 = arith.constant 0 : i32
      %dma_start3A_79 = arith.constant 0 : i32
      %dma_start3A_80 = tpu.memref_slice %arg9[%run_scoped3A, %dma_start3A_78, %dma_start3A_79] : memref<2x2x128xi32, #tpu.memory_space<vmem>> -> memref<1x2x128xi32, #tpu.memory_space<vmem>>
      %dma_start3A_81 = tpu.memref_squeeze %dma_start3A_80 : memref<1x2x128xi32, #tpu.memory_space<vmem>> -> memref<2x128xi32, #tpu.memory_space<vmem>>
      %dma_start3A_82 = arith.constant 0 : i32
      %dma_start3A_83 = arith.constant 0 : i32
      %dma_start3A_84 = tpu.memref_slice %arg4[%mul3A_15, %dma_start3A_82, %dma_start3A_83] : memref<3680x2x128xi32, #tpu.memory_space<hbm>> -> memref<1x2x128xi32, #tpu.memory_space<hbm>>
      %dma_start3A_85 = tpu.memref_squeeze %dma_start3A_84 : memref<1x2x128xi32, #tpu.memory_space<hbm>> -> memref<2x128xi32, #tpu.memory_space<hbm>>
      %dma_start3A_86 = arith.constant 0 : i32
      %dma_start3A_87 = arith.constant 0 : i32
      %dma_start3A_88 = tpu.memref_slice %arg9[%run_scoped3A, %dma_start3A_86, %dma_start3A_87] : memref<2x2x128xi32, #tpu.memory_space<vmem>> -> memref<1x2x128xi32, #tpu.memory_space<vmem>>
      %dma_start3A_89 = tpu.memref_squeeze %dma_start3A_88 : memref<1x2x128xi32, #tpu.memory_space<vmem>> -> memref<2x128xi32, #tpu.memory_space<vmem>>
      %dma_start3A_90 = arith.constant 0 : i32
      %dma_start3A_91 = arith.constant 0 : i32
      %dma_start3A_92 = tpu.memref_slice %arg4[%mul3A_15, %dma_start3A_90, %dma_start3A_91] : memref<3680x2x128xi32, #tpu.memory_space<hbm>> -> memref<1x2x128xi32, #tpu.memory_space<hbm>>
      %dma_start3A_93 = tpu.memref_squeeze %dma_start3A_92 : memref<1x2x128xi32, #tpu.memory_space<hbm>> -> memref<2x128xi32, #tpu.memory_space<hbm>>
      tpu.enqueue_dma source(%dma_start3A_93 : memref<2x128xi32, #tpu.memory_space<hbm>>) target(%dma_start3A_89 : memref<2x128xi32, #tpu.memory_space<vmem>>) target_semaphore(%run_scoped3A_77 : memref<!tpu.dma_semaphore, #tpu.memory_space<semaphore_mem>>)
      %dma_wait3A = arith.constant 0 : i32
      %dma_wait3A_94 = arith.constant 0 : i32
      %dma_wait3A_95 = tpu.memref_slice %arg9[%run_scoped3A, %dma_wait3A, %dma_wait3A_94] : memref<2x2x128xi32, #tpu.memory_space<vmem>> -> memref<1x2x128xi32, #tpu.memory_space<vmem>>
      %dma_wait3A_96 = tpu.memref_squeeze %dma_wait3A_95 : memref<1x2x128xi32, #tpu.memory_space<vmem>> -> memref<2x128xi32, #tpu.memory_space<vmem>>
      %dma_wait3A_97 = arith.constant 0 : i32
      %dma_wait3A_98 = arith.constant 0 : i32
      %dma_wait3A_99 = tpu.memref_slice %arg4[%mul3A_15, %dma_wait3A_97, %dma_wait3A_98] : memref<3680x2x128xi32, #tpu.memory_space<hbm>> -> memref<1x2x128xi32, #tpu.memory_space<hbm>>
      %dma_wait3A_100 = tpu.memref_squeeze %dma_wait3A_99 : memref<1x2x128xi32, #tpu.memory_space<hbm>> -> memref<2x128xi32, #tpu.memory_space<hbm>>
      %dma_wait3A_101 = arith.constant 0 : i32
      %dma_wait3A_102 = arith.constant 0 : i32
      %dma_wait3A_103 = tpu.memref_slice %arg9[%run_scoped3A, %dma_wait3A_101, %dma_wait3A_102] : memref<2x2x128xi32, #tpu.memory_space<vmem>> -> memref<1x2x128xi32, #tpu.memory_space<vmem>>
      %dma_wait3A_104 = tpu.memref_squeeze %dma_wait3A_103 : memref<1x2x128xi32, #tpu.memory_space<vmem>> -> memref<2x128xi32, #tpu.memory_space<vmem>>
      %dma_wait3A_105 = arith.constant 0 : i32
      %dma_wait3A_106 = arith.constant 0 : i32
      %dma_wait3A_107 = tpu.memref_slice %arg4[%mul3A_15, %dma_wait3A_105, %dma_wait3A_106] : memref<3680x2x128xi32, #tpu.memory_space<hbm>> -> memref<1x2x128xi32, #tpu.memory_space<hbm>>
      %dma_wait3A_108 = tpu.memref_squeeze %dma_wait3A_107 : memref<1x2x128xi32, #tpu.memory_space<hbm>> -> memref<2x128xi32, #tpu.memory_space<hbm>>
      tpu.wait_dma2 semaphore(%run_scoped3A_77 : memref<!tpu.dma_semaphore, #tpu.memory_space<semaphore_mem>>) src(%dma_wait3A_108 : memref<2x128xi32, #tpu.memory_space<hbm>>) dst(%dma_wait3A_104 : memref<2x128xi32, #tpu.memory_space<vmem>>)
      tpu.yield
    }) : () -> ()
    %run_scoped3A_16 = arith.constant 1 : i32
    "tpu.region"() ({
      %run_scoped3A_77 = tpu.sem_alloc : memref<!tpu.dma_semaphore, #tpu.memory_space<semaphore_mem>>
      %dma_start3A_78 = arith.constant 0 : i32
      %dma_start3A_79 = arith.constant 0 : i32
      %dma_start3A_80 = tpu.memref_slice %arg9[%run_scoped3A_16, %dma_start3A_78, %dma_start3A_79] : memref<2x2x128xi32, #tpu.memory_space<vmem>> -> memref<1x2x128xi32, #tpu.memory_space<vmem>>
      %dma_start3A_81 = tpu.memref_squeeze %dma_start3A_80 : memref<1x2x128xi32, #tpu.memory_space<vmem>> -> memref<2x128xi32, #tpu.memory_space<vmem>>
      %dma_start3A_82 = arith.constant 0 : i32
      %dma_start3A_83 = arith.constant 0 : i32
      %dma_start3A_84 = tpu.memref_slice %arg5[%mul3A_15, %dma_start3A_82, %dma_start3A_83] : memref<3680x2x128xi32, #tpu.memory_space<hbm>> -> memref<1x2x128xi32, #tpu.memory_space<hbm>>
      %dma_start3A_85 = tpu.memref_squeeze %dma_start3A_84 : memref<1x2x128xi32, #tpu.memory_space<hbm>> -> memref<2x128xi32, #tpu.memory_space<hbm>>
      %dma_start3A_86 = arith.constant 0 : i32
      %dma_start3A_87 = arith.constant 0 : i32
      %dma_start3A_88 = tpu.memref_slice %arg9[%run_scoped3A_16, %dma_start3A_86, %dma_start3A_87] : memref<2x2x128xi32, #tpu.memory_space<vmem>> -> memref<1x2x128xi32, #tpu.memory_space<vmem>>
      %dma_start3A_89 = tpu.memref_squeeze %dma_start3A_88 : memref<1x2x128xi32, #tpu.memory_space<vmem>> -> memref<2x128xi32, #tpu.memory_space<vmem>>
      %dma_start3A_90 = arith.constant 0 : i32
      %dma_start3A_91 = arith.constant 0 : i32
      %dma_start3A_92 = tpu.memref_slice %arg5[%mul3A_15, %dma_start3A_90, %dma_start3A_91] : memref<3680x2x128xi32, #tpu.memory_space<hbm>> -> memref<1x2x128xi32, #tpu.memory_space<hbm>>
      %dma_start3A_93 = tpu.memref_squeeze %dma_start3A_92 : memref<1x2x128xi32, #tpu.memory_space<hbm>> -> memref<2x128xi32, #tpu.memory_space<hbm>>
      tpu.enqueue_dma source(%dma_start3A_93 : memref<2x128xi32, #tpu.memory_space<hbm>>) target(%dma_start3A_89 : memref<2x128xi32, #tpu.memory_space<vmem>>) target_semaphore(%run_scoped3A_77 : memref<!tpu.dma_semaphore, #tpu.memory_space<semaphore_mem>>)
      %dma_wait3A = arith.constant 0 : i32
      %dma_wait3A_94 = arith.constant 0 : i32
      %dma_wait3A_95 = tpu.memref_slice %arg9[%run_scoped3A_16, %dma_wait3A, %dma_wait3A_94] : memref<2x2x128xi32, #tpu.memory_space<vmem>> -> memref<1x2x128xi32, #tpu.memory_space<vmem>>
      %dma_wait3A_96 = tpu.memref_squeeze %dma_wait3A_95 : memref<1x2x128xi32, #tpu.memory_space<vmem>> -> memref<2x128xi32, #tpu.memory_space<vmem>>
      %dma_wait3A_97 = arith.constant 0 : i32
      %dma_wait3A_98 = arith.constant 0 : i32
      %dma_wait3A_99 = tpu.memref_slice %arg5[%mul3A_15, %dma_wait3A_97, %dma_wait3A_98] : memref<3680x2x128xi32, #tpu.memory_space<hbm>> -> memref<1x2x128xi32, #tpu.memory_space<hbm>>
      %dma_wait3A_100 = tpu.memref_squeeze %dma_wait3A_99 : memref<1x2x128xi32, #tpu.memory_space<hbm>> -> memref<2x128xi32, #tpu.memory_space<hbm>>
      %dma_wait3A_101 = arith.constant 0 : i32
      %dma_wait3A_102 = arith.constant 0 : i32
      %dma_wait3A_103 = tpu.memref_slice %arg9[%run_scoped3A_16, %dma_wait3A_101, %dma_wait3A_102] : memref<2x2x128xi32, #tpu.memory_space<vmem>> -> memref<1x2x128xi32, #tpu.memory_space<vmem>>
      %dma_wait3A_104 = tpu.memref_squeeze %dma_wait3A_103 : memref<1x2x128xi32, #tpu.memory_space<vmem>> -> memref<2x128xi32, #tpu.memory_space<vmem>>
      %dma_wait3A_105 = arith.constant 0 : i32
      %dma_wait3A_106 = arith.constant 0 : i32
      %dma_wait3A_107 = tpu.memref_slice %arg5[%mul3A_15, %dma_wait3A_105, %dma_wait3A_106] : memref<3680x2x128xi32, #tpu.memory_space<hbm>> -> memref<1x2x128xi32, #tpu.memory_space<hbm>>
      %dma_wait3A_108 = tpu.memref_squeeze %dma_wait3A_107 : memref<1x2x128xi32, #tpu.memory_space<hbm>> -> memref<2x128xi32, #tpu.memory_space<hbm>>
      tpu.wait_dma2 semaphore(%run_scoped3A_77 : memref<!tpu.dma_semaphore, #tpu.memory_space<semaphore_mem>>) src(%dma_wait3A_108 : memref<2x128xi32, #tpu.memory_space<hbm>>) dst(%dma_wait3A_104 : memref<2x128xi32, #tpu.memory_space<vmem>>)
      tpu.yield
    }) : () -> ()
    %scan3A_17 = arith.constant 0 : i32
    %scan3A_18 = arith.constant 0 : i32
    %scan3A_19 = arith.constant 115 : i32
    %scan3A_20 = arith.addi %scan3A_18, %scan3A_19 : i32
    %scan3A_21 = arith.constant 1 : i32
    %scan3A_22 = scf.for %scan3A_77 = %scan3A_18 to %scan3A_20 step %scan3A_21 iter_args(%scan3A_78 = %scan3A_17) -> (i32)  : i32 {
      %jit3A = arith.constant 3 : i32
      %eq3A_79 = arith.constant 0 : i32
      %eq3A_80 = arith.cmpi eq, %jit3A, %eq3A_79 : i32
      %jit3A_81 = arith.constant 1 : i32
      %select_n3A = arith.select %eq3A_80, %jit3A_81, %jit3A : i32
      %rem3A = arith.remsi %scan3A_77, %select_n3A : i32
      %ne3A = arith.constant 0 : i32
      %ne3A_82 = arith.cmpi ne, %rem3A, %ne3A : i32
      %lt3A_83 = arith.constant 0 : i32
      %lt3A_84 = arith.cmpi slt, %rem3A, %lt3A_83 : i32
      %lt3A_85 = arith.constant 0 : i32
      %lt3A_86 = arith.cmpi slt, %select_n3A, %lt3A_85 : i32
      %ne3A_87 = arith.xori %lt3A_84, %lt3A_86 : i1
      %and3A_88 = arith.andi %ne3A_87, %ne3A_82 : i1
      %add3A_89 = arith.addi %rem3A, %select_n3A : i32
      %select_n3A_90 = arith.select %and3A_88, %add3A_89, %rem3A : i32
      %eq3A_91 = arith.constant 0 : i32
      %eq3A_92 = arith.cmpi eq, %select_n3A_90, %eq3A_91 : i32
      %convert_element_type3A_93 = arith.extui %eq3A_92 : i1 to i32
      %cond3A_94 = arith.constant 0 : i32
      %cond3A_95 = arith.cmpi ne, %convert_element_type3A_93, %cond3A_94 : i32
      scf.if %cond3A_95 {
        %ge3A = arith.constant 2 : i32
        %ge3A_139 = arith.cmpi sge, %scan3A_77, %ge3A : i32
        %convert_element_type3A_140 = arith.extui %ge3A_139 : i1 to i32
        %cond3A_141 = arith.constant 0 : i32
        %cond3A_142 = arith.cmpi ne, %convert_element_type3A_140, %cond3A_141 : i32
        scf.if %cond3A_142 {
          tpu.wait_dma2 semaphore(%arg19 : memref<!tpu.dma_semaphore, #tpu.memory_space<semaphore_mem>>) src(%arg6 : memref<2x128x32xf32, #tpu.memory_space<hbm>>) dst(%arg13 : memref<2x128x32xf32, #tpu.memory_space<vmem>>)
        } else {
        }
        %ge3A_143 = arith.constant 1 : i32
        %ge3A_144 = arith.cmpi sge, %scan3A_77, %ge3A_143 : i32
        %convert_element_type3A_145 = arith.extui %ge3A_144 : i1 to i32
        %cond3A_146 = arith.constant 0 : i32
        %cond3A_147 = arith.cmpi ne, %convert_element_type3A_145, %cond3A_146 : i32
        scf.if %cond3A_147 {
          %dma_wait3A = arith.constant 0 : i32
          %dma_wait3A_168 = arith.constant 0 : i32
          %dma_wait3A_169 = arith.constant 0 : i32
          %dma_wait3A_170 = arith.constant 0 : i32
          %dma_wait3A_171 = tpu.memref_slice %arg9[%dma_wait3A_168, %dma_wait3A_169, %dma_wait3A_170] : memref<2x2x128xi32, #tpu.memory_space<vmem>> -> memref<1x2x128xi32, #tpu.memory_space<vmem>>
          %dma_wait3A_172 = tpu.memref_squeeze %dma_wait3A_171 : memref<1x2x128xi32, #tpu.memory_space<vmem>> -> memref<2x128xi32, #tpu.memory_space<vmem>>
          %dma_wait3A_173 = arith.constant 0 : i32
          %dma_wait3A_174 = arith.constant 0 : i32
          %dma_wait3A_175 = tpu.memref_slice %arg4[%dma_wait3A, %dma_wait3A_173, %dma_wait3A_174] : memref<3680x2x128xi32, #tpu.memory_space<hbm>> -> memref<1x2x128xi32, #tpu.memory_space<hbm>>
          %dma_wait3A_176 = tpu.memref_squeeze %dma_wait3A_175 : memref<1x2x128xi32, #tpu.memory_space<hbm>> -> memref<2x128xi32, #tpu.memory_space<hbm>>
          %dma_wait3A_177 = arith.constant 0 : i32
          %dma_wait3A_178 = arith.constant 0 : i32
          %dma_wait3A_179 = tpu.memref_slice %arg9[%dma_wait3A_168, %dma_wait3A_177, %dma_wait3A_178] : memref<2x2x128xi32, #tpu.memory_space<vmem>> -> memref<1x2x128xi32, #tpu.memory_space<vmem>>
          %dma_wait3A_180 = tpu.memref_squeeze %dma_wait3A_179 : memref<1x2x128xi32, #tpu.memory_space<vmem>> -> memref<2x128xi32, #tpu.memory_space<vmem>>
          %dma_wait3A_181 = arith.constant 0 : i32
          %dma_wait3A_182 = arith.constant 0 : i32
          %dma_wait3A_183 = tpu.memref_slice %arg4[%dma_wait3A, %dma_wait3A_181, %dma_wait3A_182] : memref<3680x2x128xi32, #tpu.memory_space<hbm>> -> memref<1x2x128xi32, #tpu.memory_space<hbm>>
          %dma_wait3A_184 = tpu.memref_squeeze %dma_wait3A_183 : memref<1x2x128xi32, #tpu.memory_space<hbm>> -> memref<2x128xi32, #tpu.memory_space<hbm>>
          tpu.wait_dma2 semaphore(%arg17 : memref<!tpu.dma_semaphore, #tpu.memory_space<semaphore_mem>>) src(%dma_wait3A_184 : memref<2x128xi32, #tpu.memory_space<hbm>>) dst(%dma_wait3A_180 : memref<2x128xi32, #tpu.memory_space<vmem>>)
          %dma_wait3A_185 = arith.constant 0 : i32
          %dma_wait3A_186 = arith.constant 1 : i32
          %dma_wait3A_187 = arith.constant 0 : i32
          %dma_wait3A_188 = arith.constant 0 : i32
          %dma_wait3A_189 = tpu.memref_slice %arg9[%dma_wait3A_186, %dma_wait3A_187, %dma_wait3A_188] : memref<2x2x128xi32, #tpu.memory_space<vmem>> -> memref<1x2x128xi32, #tpu.memory_space<vmem>>
          %dma_wait3A_190 = tpu.memref_squeeze %dma_wait3A_189 : memref<1x2x128xi32, #tpu.memory_space<vmem>> -> memref<2x128xi32, #tpu.memory_space<vmem>>
          %dma_wait3A_191 = arith.constant 0 : i32
          %dma_wait3A_192 = arith.constant 0 : i32
          %dma_wait3A_193 = tpu.memref_slice %arg5[%dma_wait3A_185, %dma_wait3A_191, %dma_wait3A_192] : memref<3680x2x128xi32, #tpu.memory_space<hbm>> -> memref<1x2x128xi32, #tpu.memory_space<hbm>>
          %dma_wait3A_194 = tpu.memref_squeeze %dma_wait3A_193 : memref<1x2x128xi32, #tpu.memory_space<hbm>> -> memref<2x128xi32, #tpu.memory_space<hbm>>
          %dma_wait3A_195 = arith.constant 0 : i32
          %dma_wait3A_196 = arith.constant 0 : i32
          %dma_wait3A_197 = tpu.memref_slice %arg9[%dma_wait3A_186, %dma_wait3A_195, %dma_wait3A_196] : memref<2x2x128xi32, #tpu.memory_space<vmem>> -> memref<1x2x128xi32, #tpu.memory_space<vmem>>
          %dma_wait3A_198 = tpu.memref_squeeze %dma_wait3A_197 : memref<1x2x128xi32, #tpu.memory_space<vmem>> -> memref<2x128xi32, #tpu.memory_space<vmem>>
          %dma_wait3A_199 = arith.constant 0 : i32
          %dma_wait3A_200 = arith.constant 0 : i32
          %dma_wait3A_201 = tpu.memref_slice %arg5[%dma_wait3A_185, %dma_wait3A_199, %dma_wait3A_200] : memref<3680x2x128xi32, #tpu.memory_space<hbm>> -> memref<1x2x128xi32, #tpu.memory_space<hbm>>
          %dma_wait3A_202 = tpu.memref_squeeze %dma_wait3A_201 : memref<1x2x128xi32, #tpu.memory_space<hbm>> -> memref<2x128xi32, #tpu.memory_space<hbm>>
          tpu.wait_dma2 semaphore(%arg17 : memref<!tpu.dma_semaphore, #tpu.memory_space<semaphore_mem>>) src(%dma_wait3A_202 : memref<2x128xi32, #tpu.memory_space<hbm>>) dst(%dma_wait3A_198 : memref<2x128xi32, #tpu.memory_space<vmem>>)
        } else {
        }
        %lt3A_148 = arith.constant 114 : i32
        %lt3A_149 = arith.cmpi slt, %scan3A_77, %lt3A_148 : i32
        %convert_element_type3A_150 = arith.extui %lt3A_149 : i1 to i32
        %cond3A_151 = arith.constant 0 : i32
        %cond3A_152 = arith.cmpi ne, %convert_element_type3A_150, %cond3A_151 : i32
        scf.if %cond3A_152 {
          %add3A_168 = arith.addi %mul3A_15, %scan3A_77 : i32
          %add3A_169 = arith.constant 1 : i32
          %add3A_170 = arith.addi %add3A_168, %add3A_169 : i32
          %dma_start3A_171 = arith.constant 0 : i32
          %dma_start3A_172 = arith.constant 0 : i32
          %dma_start3A_173 = arith.constant 0 : i32
          %dma_start3A_174 = tpu.memref_slice %arg10[%dma_start3A_171, %dma_start3A_172, %dma_start3A_173] : memref<2x2x128xi32, #tpu.memory_space<vmem>> -> memref<1x2x128xi32, #tpu.memory_space<vmem>>
          %dma_start3A_175 = tpu.memref_squeeze %dma_start3A_174 : memref<1x2x128xi32, #tpu.memory_space<vmem>> -> memref<2x128xi32, #tpu.memory_space<vmem>>
          %dma_start3A_176 = arith.constant 0 : i32
          %dma_start3A_177 = arith.constant 0 : i32
          %dma_start3A_178 = tpu.memref_slice %arg4[%add3A_170, %dma_start3A_176, %dma_start3A_177] : memref<3680x2x128xi32, #tpu.memory_space<hbm>> -> memref<1x2x128xi32, #tpu.memory_space<hbm>>
          %dma_start3A_179 = tpu.memref_squeeze %dma_start3A_178 : memref<1x2x128xi32, #tpu.memory_space<hbm>> -> memref<2x128xi32, #tpu.memory_space<hbm>>
          %dma_start3A_180 = arith.constant 0 : i32
          %dma_start3A_181 = arith.constant 0 : i32
          %dma_start3A_182 = tpu.memref_slice %arg10[%dma_start3A_171, %dma_start3A_180, %dma_start3A_181] : memref<2x2x128xi32, #tpu.memory_space<vmem>> -> memref<1x2x128xi32, #tpu.memory_space<vmem>>
          %dma_start3A_183 = tpu.memref_squeeze %dma_start3A_182 : memref<1x2x128xi32, #tpu.memory_space<vmem>> -> memref<2x128xi32, #tpu.memory_space<vmem>>
          %dma_start3A_184 = arith.constant 0 : i32
          %dma_start3A_185 = arith.constant 0 : i32
          %dma_start3A_186 = tpu.memref_slice %arg4[%add3A_170, %dma_start3A_184, %dma_start3A_185] : memref<3680x2x128xi32, #tpu.memory_space<hbm>> -> memref<1x2x128xi32, #tpu.memory_space<hbm>>
          %dma_start3A_187 = tpu.memref_squeeze %dma_start3A_186 : memref<1x2x128xi32, #tpu.memory_space<hbm>> -> memref<2x128xi32, #tpu.memory_space<hbm>>
          tpu.enqueue_dma source(%dma_start3A_187 : memref<2x128xi32, #tpu.memory_space<hbm>>) target(%dma_start3A_183 : memref<2x128xi32, #tpu.memory_space<vmem>>) target_semaphore(%arg17 : memref<!tpu.dma_semaphore, #tpu.memory_space<semaphore_mem>>)
          %add3A_188 = arith.addi %mul3A_15, %scan3A_77 : i32
          %add3A_189 = arith.constant 1 : i32
          %add3A_190 = arith.addi %add3A_188, %add3A_189 : i32
          %dma_start3A_191 = arith.constant 1 : i32
          %dma_start3A_192 = arith.constant 0 : i32
          %dma_start3A_193 = arith.constant 0 : i32
          %dma_start3A_194 = tpu.memref_slice %arg10[%dma_start3A_191, %dma_start3A_192, %dma_start3A_193] : memref<2x2x128xi32, #tpu.memory_space<vmem>> -> memref<1x2x128xi32, #tpu.memory_space<vmem>>
          %dma_start3A_195 = tpu.memref_squeeze %dma_start3A_194 : memref<1x2x128xi32, #tpu.memory_space<vmem>> -> memref<2x128xi32, #tpu.memory_space<vmem>>
          %dma_start3A_196 = arith.constant 0 : i32
          %dma_start3A_197 = arith.constant 0 : i32
          %dma_start3A_198 = tpu.memref_slice %arg5[%add3A_190, %dma_start3A_196, %dma_start3A_197] : memref<3680x2x128xi32, #tpu.memory_space<hbm>> -> memref<1x2x128xi32, #tpu.memory_space<hbm>>
          %dma_start3A_199 = tpu.memref_squeeze %dma_start3A_198 : memref<1x2x128xi32, #tpu.memory_space<hbm>> -> memref<2x128xi32, #tpu.memory_space<hbm>>
          %dma_start3A_200 = arith.constant 0 : i32
          %dma_start3A_201 = arith.constant 0 : i32
          %dma_start3A_202 = tpu.memref_slice %arg10[%dma_start3A_191, %dma_start3A_200, %dma_start3A_201] : memref<2x2x128xi32, #tpu.memory_space<vmem>> -> memref<1x2x128xi32, #tpu.memory_space<vmem>>
          %dma_start3A_203 = tpu.memref_squeeze %dma_start3A_202 : memref<1x2x128xi32, #tpu.memory_space<vmem>> -> memref<2x128xi32, #tpu.memory_space<vmem>>
          %dma_start3A_204 = arith.constant 0 : i32
          %dma_start3A_205 = arith.constant 0 : i32
          %dma_start3A_206 = tpu.memref_slice %arg5[%add3A_190, %dma_start3A_204, %dma_start3A_205] : memref<3680x2x128xi32, #tpu.memory_space<hbm>> -> memref<1x2x128xi32, #tpu.memory_space<hbm>>
          %dma_start3A_207 = tpu.memref_squeeze %dma_start3A_206 : memref<1x2x128xi32, #tpu.memory_space<hbm>> -> memref<2x128xi32, #tpu.memory_space<hbm>>
          tpu.enqueue_dma source(%dma_start3A_207 : memref<2x128xi32, #tpu.memory_space<hbm>>) target(%dma_start3A_203 : memref<2x128xi32, #tpu.memory_space<vmem>>) target_semaphore(%arg17 : memref<!tpu.dma_semaphore, #tpu.memory_space<semaphore_mem>>)
        } else {
        }
        %eq3A_153 = arith.constant 0 : i32
        %eq3A_154 = arith.cmpi eq, %arg0, %eq3A_153 : i32
        %convert_element_type3A_155 = arith.extui %eq3A_154 : i1 to i32
        %cond3A_156 = arith.constant 0 : i32
        %cond3A_157 = arith.cmpi ne, %convert_element_type3A_155, %cond3A_156 : i32
        scf.if %cond3A_157 {
          %dma_start3A_168 = arith.constant 0 : i32
          %dma_start3A_169 = arith.constant 0 : i32
          %dma_start3A_170 = arith.constant 0 : i32
          %dma_start3A_171 = arith.constant 0 : i32
          %dma_start3A_172 = arith.constant 0 : i32
          %dma_start3A_173 = tpu.memref_slice %arg12[%dma_start3A_170, %dma_start3A_171, %dma_start3A_172] : memref<2x128x32xf32, #tpu.memory_space<vmem>> -> memref<1x128x32xf32, #tpu.memory_space<vmem>>
          %dma_start3A_174 = tpu.memref_squeeze %dma_start3A_173 : memref<1x128x32xf32, #tpu.memory_space<vmem>> -> memref<128x32xf32, #tpu.memory_space<vmem>>
          %dma_start3A_175 = arith.constant 0 : i32
          %dma_start3A_176 = tpu.memref_slice %arg9[%dma_start3A_168, %dma_start3A_169, %dma_start3A_175] : memref<2x2x128xi32, #tpu.memory_space<vmem>> -> memref<1x1x128xi32, #tpu.memory_space<vmem>>
          %dma_start3A_177 = tpu.memref_squeeze %dma_start3A_176 : memref<1x1x128xi32, #tpu.memory_space<vmem>> -> memref<128xi32, #tpu.memory_space<vmem>>
          %dma_start3A_178 = arith.constant 0 : i32
          %dma_start3A_179 = arith.constant 0 : i32
          %dma_start3A_180 = tpu.memref_slice %arg3[%dma_start3A_178, %dma_start3A_179] : memref<27504x32xf32, #tpu.memory_space<hbm>> -> memref<27504x32xf32, #tpu.memory_space<hbm>>
          tpu.enqueue_indirect_dma source(%dma_start3A_180 : memref<27504x32xf32, #tpu.memory_space<hbm>>) target(%dma_start3A_174 : memref<128x32xf32, #tpu.memory_space<vmem>>) offsets(%dma_start3A_177 : memref<128xi32, #tpu.memory_space<vmem>>) semaphore(%arg18 : memref<!tpu.dma_semaphore, #tpu.memory_space<semaphore_mem>>)
          %dma_start3A_181 = arith.constant 0 : i32
          %dma_start3A_182 = arith.constant 1 : i32
          %dma_start3A_183 = arith.constant 1 : i32
          %dma_start3A_184 = arith.constant 0 : i32
          %dma_start3A_185 = arith.constant 0 : i32
          %dma_start3A_186 = tpu.memref_slice %arg12[%dma_start3A_183, %dma_start3A_184, %dma_start3A_185] : memref<2x128x32xf32, #tpu.memory_space<vmem>> -> memref<1x128x32xf32, #tpu.memory_space<vmem>>
          %dma_start3A_187 = tpu.memref_squeeze %dma_start3A_186 : memref<1x128x32xf32, #tpu.memory_space<vmem>> -> memref<128x32xf32, #tpu.memory_space<vmem>>
          %dma_start3A_188 = arith.constant 0 : i32
          %dma_start3A_189 = tpu.memref_slice %arg9[%dma_start3A_181, %dma_start3A_182, %dma_start3A_188] : memref<2x2x128xi32, #tpu.memory_space<vmem>> -> memref<1x1x128xi32, #tpu.memory_space<vmem>>
          %dma_start3A_190 = tpu.memref_squeeze %dma_start3A_189 : memref<1x1x128xi32, #tpu.memory_space<vmem>> -> memref<128xi32, #tpu.memory_space<vmem>>
          %dma_start3A_191 = arith.constant 0 : i32
          %dma_start3A_192 = arith.constant 0 : i32
          %dma_start3A_193 = tpu.memref_slice %arg3[%dma_start3A_191, %dma_start3A_192] : memref<27504x32xf32, #tpu.memory_space<hbm>> -> memref<27504x32xf32, #tpu.memory_space<hbm>>
          tpu.enqueue_indirect_dma source(%dma_start3A_193 : memref<27504x32xf32, #tpu.memory_space<hbm>>) target(%dma_start3A_187 : memref<128x32xf32, #tpu.memory_space<vmem>>) offsets(%dma_start3A_190 : memref<128xi32, #tpu.memory_space<vmem>>) semaphore(%arg18 : memref<!tpu.dma_semaphore, #tpu.memory_space<semaphore_mem>>)
        } else {
        }
        %eq3A_158 = arith.constant 1 : i32
        %eq3A_159 = arith.cmpi eq, %arg0, %eq3A_158 : i32
        %convert_element_type3A_160 = arith.extui %eq3A_159 : i1 to i32
        %cond3A_161 = arith.constant 0 : i32
        %cond3A_162 = arith.cmpi ne, %convert_element_type3A_160, %cond3A_161 : i32
        scf.if %cond3A_162 {
          %dma_start3A_168 = arith.constant 0 : i32
          %dma_start3A_169 = arith.constant 0 : i32
          %dma_start3A_170 = arith.constant 0 : i32
          %dma_start3A_171 = arith.constant 0 : i32
          %dma_start3A_172 = arith.constant 0 : i32
          %dma_start3A_173 = tpu.memref_slice %arg12[%dma_start3A_170, %dma_start3A_171, %dma_start3A_172] : memref<2x128x32xf32, #tpu.memory_space<vmem>> -> memref<1x128x32xf32, #tpu.memory_space<vmem>>
          %dma_start3A_174 = tpu.memref_squeeze %dma_start3A_173 : memref<1x128x32xf32, #tpu.memory_space<vmem>> -> memref<128x32xf32, #tpu.memory_space<vmem>>
          %dma_start3A_175 = arith.constant 0 : i32
          %dma_start3A_176 = tpu.memref_slice %arg9[%dma_start3A_168, %dma_start3A_169, %dma_start3A_175] : memref<2x2x128xi32, #tpu.memory_space<vmem>> -> memref<1x1x128xi32, #tpu.memory_space<vmem>>
          %dma_start3A_177 = tpu.memref_squeeze %dma_start3A_176 : memref<1x1x128xi32, #tpu.memory_space<vmem>> -> memref<128xi32, #tpu.memory_space<vmem>>
          %dma_start3A_178 = arith.constant 0 : i32
          %dma_start3A_179 = arith.constant 0 : i32
          %dma_start3A_180 = tpu.memref_slice %arg2[%dma_start3A_178, %dma_start3A_179] : memref<50000x32xf32, #tpu.memory_space<hbm>> -> memref<50000x32xf32, #tpu.memory_space<hbm>>
          tpu.enqueue_indirect_dma source(%dma_start3A_180 : memref<50000x32xf32, #tpu.memory_space<hbm>>) target(%dma_start3A_174 : memref<128x32xf32, #tpu.memory_space<vmem>>) offsets(%dma_start3A_177 : memref<128xi32, #tpu.memory_space<vmem>>) semaphore(%arg18 : memref<!tpu.dma_semaphore, #tpu.memory_space<semaphore_mem>>)
          %dma_start3A_181 = arith.constant 0 : i32
          %dma_start3A_182 = arith.constant 1 : i32
          %dma_start3A_183 = arith.constant 1 : i32
          %dma_start3A_184 = arith.constant 0 : i32
          %dma_start3A_185 = arith.constant 0 : i32
          %dma_start3A_186 = tpu.memref_slice %arg12[%dma_start3A_183, %dma_start3A_184, %dma_start3A_185] : memref<2x128x32xf32, #tpu.memory_space<vmem>> -> memref<1x128x32xf32, #tpu.memory_space<vmem>>
          %dma_start3A_187 = tpu.memref_squeeze %dma_start3A_186 : memref<1x128x32xf32, #tpu.memory_space<vmem>> -> memref<128x32xf32, #tpu.memory_space<vmem>>
          %dma_start3A_188 = arith.constant 0 : i32
          %dma_start3A_189 = tpu.memref_slice %arg9[%dma_start3A_181, %dma_start3A_182, %dma_start3A_188] : memref<2x2x128xi32, #tpu.memory_space<vmem>> -> memref<1x1x128xi32, #tpu.memory_space<vmem>>
          %dma_start3A_190 = tpu.memref_squeeze %dma_start3A_189 : memref<1x1x128xi32, #tpu.memory_space<vmem>> -> memref<128xi32, #tpu.memory_space<vmem>>
          %dma_start3A_191 = arith.constant 0 : i32
          %dma_start3A_192 = arith.constant 0 : i32
          %dma_start3A_193 = tpu.memref_slice %arg2[%dma_start3A_191, %dma_start3A_192] : memref<50000x32xf32, #tpu.memory_space<hbm>> -> memref<50000x32xf32, #tpu.memory_space<hbm>>
          tpu.enqueue_indirect_dma source(%dma_start3A_193 : memref<50000x32xf32, #tpu.memory_space<hbm>>) target(%dma_start3A_187 : memref<128x32xf32, #tpu.memory_space<vmem>>) offsets(%dma_start3A_190 : memref<128xi32, #tpu.memory_space<vmem>>) semaphore(%arg18 : memref<!tpu.dma_semaphore, #tpu.memory_space<semaphore_mem>>)
        } else {
        }
        %ge3A_163 = arith.constant 1 : i32
        %ge3A_164 = arith.cmpi sge, %scan3A_77, %ge3A_163 : i32
        %convert_element_type3A_165 = arith.extui %ge3A_164 : i1 to i32
        %cond3A_166 = arith.constant 0 : i32
        %cond3A_167 = arith.cmpi ne, %convert_element_type3A_165, %cond3A_166 : i32
        scf.if %cond3A_167 {
          tpu.wait_dma2 semaphore(%arg18 : memref<!tpu.dma_semaphore, #tpu.memory_space<semaphore_mem>>) src(%arg6 : memref<2x128x32xf32, #tpu.memory_space<hbm>>) dst(%arg14 : memref<2x128x32xf32, #tpu.memory_space<vmem>>)
          %dma_start3A_168 = arith.constant 0 : i32
          %dma_start3A_169 = arith.constant 1 : i32
          %dma_start3A_170 = arith.constant 0 : i32
          %dma_start3A_171 = arith.constant 0 : i32
          %dma_start3A_172 = arith.constant 0 : i32
          %dma_start3A_173 = tpu.memref_slice %arg14[%dma_start3A_168, %dma_start3A_171, %dma_start3A_172] : memref<2x128x32xf32, #tpu.memory_space<vmem>> -> memref<1x128x32xf32, #tpu.memory_space<vmem>>
          %dma_start3A_174 = tpu.memref_squeeze %dma_start3A_173 : memref<1x128x32xf32, #tpu.memory_space<vmem>> -> memref<128x32xf32, #tpu.memory_space<vmem>>
          %dma_start3A_175 = arith.constant 0 : i32
          %dma_start3A_176 = tpu.memref_slice %arg11[%dma_start3A_169, %dma_start3A_170, %dma_start3A_175] : memref<2x2x128xi32, #tpu.memory_space<vmem>> -> memref<1x1x128xi32, #tpu.memory_space<vmem>>
          %dma_start3A_177 = tpu.memref_squeeze %dma_start3A_176 : memref<1x1x128xi32, #tpu.memory_space<vmem>> -> memref<128xi32, #tpu.memory_space<vmem>>
          %dma_start3A_178 = arith.constant 0 : i32
          %dma_start3A_179 = arith.constant 0 : i32
          %dma_start3A_180 = tpu.memref_slice %arg15[%dma_start3A_178, %dma_start3A_179] : memref<50176x32xf32, #tpu.memory_space<vmem_shared>> -> memref<50176x32xf32, #tpu.memory_space<vmem_shared>>
          tpu.enqueue_indirect_dma source(%dma_start3A_174 : memref<128x32xf32, #tpu.memory_space<vmem>>) target(%dma_start3A_180 : memref<50176x32xf32, #tpu.memory_space<vmem_shared>>) offsets(%dma_start3A_177 : memref<128xi32, #tpu.memory_space<vmem>>) semaphore(%arg19 : memref<!tpu.dma_semaphore, #tpu.memory_space<semaphore_mem>>) {add = true}
          %dma_start3A_181 = arith.constant 1 : i32
          %dma_start3A_182 = arith.constant 1 : i32
          %dma_start3A_183 = arith.constant 1 : i32
          %dma_start3A_184 = arith.constant 0 : i32
          %dma_start3A_185 = arith.constant 0 : i32
          %dma_start3A_186 = tpu.memref_slice %arg14[%dma_start3A_181, %dma_start3A_184, %dma_start3A_185] : memref<2x128x32xf32, #tpu.memory_space<vmem>> -> memref<1x128x32xf32, #tpu.memory_space<vmem>>
          %dma_start3A_187 = tpu.memref_squeeze %dma_start3A_186 : memref<1x128x32xf32, #tpu.memory_space<vmem>> -> memref<128x32xf32, #tpu.memory_space<vmem>>
          %dma_start3A_188 = arith.constant 0 : i32
          %dma_start3A_189 = tpu.memref_slice %arg11[%dma_start3A_182, %dma_start3A_183, %dma_start3A_188] : memref<2x2x128xi32, #tpu.memory_space<vmem>> -> memref<1x1x128xi32, #tpu.memory_space<vmem>>
          %dma_start3A_190 = tpu.memref_squeeze %dma_start3A_189 : memref<1x1x128xi32, #tpu.memory_space<vmem>> -> memref<128xi32, #tpu.memory_space<vmem>>
          %dma_start3A_191 = arith.constant 0 : i32
          %dma_start3A_192 = arith.constant 0 : i32
          %dma_start3A_193 = tpu.memref_slice %arg15[%dma_start3A_191, %dma_start3A_192] : memref<50176x32xf32, #tpu.memory_space<vmem_shared>> -> memref<50176x32xf32, #tpu.memory_space<vmem_shared>>
          tpu.enqueue_indirect_dma source(%dma_start3A_187 : memref<128x32xf32, #tpu.memory_space<vmem>>) target(%dma_start3A_193 : memref<50176x32xf32, #tpu.memory_space<vmem_shared>>) offsets(%dma_start3A_190 : memref<128xi32, #tpu.memory_space<vmem>>) semaphore(%arg19 : memref<!tpu.dma_semaphore, #tpu.memory_space<semaphore_mem>>) {add = true}
        } else {
        }
      } else {
      }
      %jit3A_96 = arith.constant 3 : i32
      %eq3A_97 = arith.constant 0 : i32
      %eq3A_98 = arith.cmpi eq, %jit3A_96, %eq3A_97 : i32
      %jit3A_99 = arith.constant 1 : i32
      %select_n3A_100 = arith.select %eq3A_98, %jit3A_99, %jit3A_96 : i32
      %rem3A_101 = arith.remsi %scan3A_77, %select_n3A_100 : i32
      %ne3A_102 = arith.constant 0 : i32
      %ne3A_103 = arith.cmpi ne, %rem3A_101, %ne3A_102 : i32
      %lt3A_104 = arith.constant 0 : i32
      %lt3A_105 = arith.cmpi slt, %rem3A_101, %lt3A_104 : i32
      %lt3A_106 = arith.constant 0 : i32
      %lt3A_107 = arith.cmpi slt, %select_n3A_100, %lt3A_106 : i32
      %ne3A_108 = arith.xori %lt3A_105, %lt3A_107 : i1
      %and3A_109 = arith.andi %ne3A_108, %ne3A_103 : i1
      %add3A_110 = arith.addi %rem3A_101, %select_n3A_100 : i32
      %select_n3A_111 = arith.select %and3A_109, %add3A_110, %rem3A_101 : i32
      %eq3A_112 = arith.constant 1 : i32
      %eq3A_113 = arith.cmpi eq, %select_n3A_111, %eq3A_112 : i32
      %convert_element_type3A_114 = arith.extui %eq3A_113 : i1 to i32
      %cond3A_115 = arith.constant 0 : i32
      %cond3A_116 = arith.cmpi ne, %convert_element_type3A_114, %cond3A_115 : i32
      scf.if %cond3A_116 {
        %ge3A = arith.constant 2 : i32
        %ge3A_139 = arith.cmpi sge, %scan3A_77, %ge3A : i32
        %convert_element_type3A_140 = arith.extui %ge3A_139 : i1 to i32
        %cond3A_141 = arith.constant 0 : i32
        %cond3A_142 = arith.cmpi ne, %convert_element_type3A_140, %cond3A_141 : i32
        scf.if %cond3A_142 {
          tpu.wait_dma2 semaphore(%arg19 : memref<!tpu.dma_semaphore, #tpu.memory_space<semaphore_mem>>) src(%arg6 : memref<2x128x32xf32, #tpu.memory_space<hbm>>) dst(%arg14 : memref<2x128x32xf32, #tpu.memory_space<vmem>>)
        } else {
        }
        %ge3A_143 = arith.constant 1 : i32
        %ge3A_144 = arith.cmpi sge, %scan3A_77, %ge3A_143 : i32
        %convert_element_type3A_145 = arith.extui %ge3A_144 : i1 to i32
        %cond3A_146 = arith.constant 0 : i32
        %cond3A_147 = arith.cmpi ne, %convert_element_type3A_145, %cond3A_146 : i32
        scf.if %cond3A_147 {
          %dma_wait3A = arith.constant 0 : i32
          %dma_wait3A_168 = arith.constant 0 : i32
          %dma_wait3A_169 = arith.constant 0 : i32
          %dma_wait3A_170 = arith.constant 0 : i32
          %dma_wait3A_171 = tpu.memref_slice %arg10[%dma_wait3A_168, %dma_wait3A_169, %dma_wait3A_170] : memref<2x2x128xi32, #tpu.memory_space<vmem>> -> memref<1x2x128xi32, #tpu.memory_space<vmem>>
          %dma_wait3A_172 = tpu.memref_squeeze %dma_wait3A_171 : memref<1x2x128xi32, #tpu.memory_space<vmem>> -> memref<2x128xi32, #tpu.memory_space<vmem>>
          %dma_wait3A_173 = arith.constant 0 : i32
          %dma_wait3A_174 = arith.constant 0 : i32
          %dma_wait3A_175 = tpu.memref_slice %arg4[%dma_wait3A, %dma_wait3A_173, %dma_wait3A_174] : memref<3680x2x128xi32, #tpu.memory_space<hbm>> -> memref<1x2x128xi32, #tpu.memory_space<hbm>>
          %dma_wait3A_176 = tpu.memref_squeeze %dma_wait3A_175 : memref<1x2x128xi32, #tpu.memory_space<hbm>> -> memref<2x128xi32, #tpu.memory_space<hbm>>
          %dma_wait3A_177 = arith.constant 0 : i32
          %dma_wait3A_178 = arith.constant 0 : i32
          %dma_wait3A_179 = tpu.memref_slice %arg10[%dma_wait3A_168, %dma_wait3A_177, %dma_wait3A_178] : memref<2x2x128xi32, #tpu.memory_space<vmem>> -> memref<1x2x128xi32, #tpu.memory_space<vmem>>
          %dma_wait3A_180 = tpu.memref_squeeze %dma_wait3A_179 : memref<1x2x128xi32, #tpu.memory_space<vmem>> -> memref<2x128xi32, #tpu.memory_space<vmem>>
          %dma_wait3A_181 = arith.constant 0 : i32
          %dma_wait3A_182 = arith.constant 0 : i32
          %dma_wait3A_183 = tpu.memref_slice %arg4[%dma_wait3A, %dma_wait3A_181, %dma_wait3A_182] : memref<3680x2x128xi32, #tpu.memory_space<hbm>> -> memref<1x2x128xi32, #tpu.memory_space<hbm>>
          %dma_wait3A_184 = tpu.memref_squeeze %dma_wait3A_183 : memref<1x2x128xi32, #tpu.memory_space<hbm>> -> memref<2x128xi32, #tpu.memory_space<hbm>>
          tpu.wait_dma2 semaphore(%arg17 : memref<!tpu.dma_semaphore, #tpu.memory_space<semaphore_mem>>) src(%dma_wait3A_184 : memref<2x128xi32, #tpu.memory_space<hbm>>) dst(%dma_wait3A_180 : memref<2x128xi32, #tpu.memory_space<vmem>>)
          %dma_wait3A_185 = arith.constant 0 : i32
          %dma_wait3A_186 = arith.constant 1 : i32
          %dma_wait3A_187 = arith.constant 0 : i32
          %dma_wait3A_188 = arith.constant 0 : i32
          %dma_wait3A_189 = tpu.memref_slice %arg10[%dma_wait3A_186, %dma_wait3A_187, %dma_wait3A_188] : memref<2x2x128xi32, #tpu.memory_space<vmem>> -> memref<1x2x128xi32, #tpu.memory_space<vmem>>
          %dma_wait3A_190 = tpu.memref_squeeze %dma_wait3A_189 : memref<1x2x128xi32, #tpu.memory_space<vmem>> -> memref<2x128xi32, #tpu.memory_space<vmem>>
          %dma_wait3A_191 = arith.constant 0 : i32
          %dma_wait3A_192 = arith.constant 0 : i32
          %dma_wait3A_193 = tpu.memref_slice %arg5[%dma_wait3A_185, %dma_wait3A_191, %dma_wait3A_192] : memref<3680x2x128xi32, #tpu.memory_space<hbm>> -> memref<1x2x128xi32, #tpu.memory_space<hbm>>
          %dma_wait3A_194 = tpu.memref_squeeze %dma_wait3A_193 : memref<1x2x128xi32, #tpu.memory_space<hbm>> -> memref<2x128xi32, #tpu.memory_space<hbm>>
          %dma_wait3A_195 = arith.constant 0 : i32
          %dma_wait3A_196 = arith.constant 0 : i32
          %dma_wait3A_197 = tpu.memref_slice %arg10[%dma_wait3A_186, %dma_wait3A_195, %dma_wait3A_196] : memref<2x2x128xi32, #tpu.memory_space<vmem>> -> memref<1x2x128xi32, #tpu.memory_space<vmem>>
          %dma_wait3A_198 = tpu.memref_squeeze %dma_wait3A_197 : memref<1x2x128xi32, #tpu.memory_space<vmem>> -> memref<2x128xi32, #tpu.memory_space<vmem>>
          %dma_wait3A_199 = arith.constant 0 : i32
          %dma_wait3A_200 = arith.constant 0 : i32
          %dma_wait3A_201 = tpu.memref_slice %arg5[%dma_wait3A_185, %dma_wait3A_199, %dma_wait3A_200] : memref<3680x2x128xi32, #tpu.memory_space<hbm>> -> memref<1x2x128xi32, #tpu.memory_space<hbm>>
          %dma_wait3A_202 = tpu.memref_squeeze %dma_wait3A_201 : memref<1x2x128xi32, #tpu.memory_space<hbm>> -> memref<2x128xi32, #tpu.memory_space<hbm>>
          tpu.wait_dma2 semaphore(%arg17 : memref<!tpu.dma_semaphore, #tpu.memory_space<semaphore_mem>>) src(%dma_wait3A_202 : memref<2x128xi32, #tpu.memory_space<hbm>>) dst(%dma_wait3A_198 : memref<2x128xi32, #tpu.memory_space<vmem>>)
        } else {
        }
        %lt3A_148 = arith.constant 114 : i32
        %lt3A_149 = arith.cmpi slt, %scan3A_77, %lt3A_148 : i32
        %convert_element_type3A_150 = arith.extui %lt3A_149 : i1 to i32
        %cond3A_151 = arith.constant 0 : i32
        %cond3A_152 = arith.cmpi ne, %convert_element_type3A_150, %cond3A_151 : i32
        scf.if %cond3A_152 {
          %add3A_168 = arith.addi %mul3A_15, %scan3A_77 : i32
          %add3A_169 = arith.constant 1 : i32
          %add3A_170 = arith.addi %add3A_168, %add3A_169 : i32
          %dma_start3A_171 = arith.constant 0 : i32
          %dma_start3A_172 = arith.constant 0 : i32
          %dma_start3A_173 = arith.constant 0 : i32
          %dma_start3A_174 = tpu.memref_slice %arg11[%dma_start3A_171, %dma_start3A_172, %dma_start3A_173] : memref<2x2x128xi32, #tpu.memory_space<vmem>> -> memref<1x2x128xi32, #tpu.memory_space<vmem>>
          %dma_start3A_175 = tpu.memref_squeeze %dma_start3A_174 : memref<1x2x128xi32, #tpu.memory_space<vmem>> -> memref<2x128xi32, #tpu.memory_space<vmem>>
          %dma_start3A_176 = arith.constant 0 : i32
          %dma_start3A_177 = arith.constant 0 : i32
          %dma_start3A_178 = tpu.memref_slice %arg4[%add3A_170, %dma_start3A_176, %dma_start3A_177] : memref<3680x2x128xi32, #tpu.memory_space<hbm>> -> memref<1x2x128xi32, #tpu.memory_space<hbm>>
          %dma_start3A_179 = tpu.memref_squeeze %dma_start3A_178 : memref<1x2x128xi32, #tpu.memory_space<hbm>> -> memref<2x128xi32, #tpu.memory_space<hbm>>
          %dma_start3A_180 = arith.constant 0 : i32
          %dma_start3A_181 = arith.constant 0 : i32
          %dma_start3A_182 = tpu.memref_slice %arg11[%dma_start3A_171, %dma_start3A_180, %dma_start3A_181] : memref<2x2x128xi32, #tpu.memory_space<vmem>> -> memref<1x2x128xi32, #tpu.memory_space<vmem>>
          %dma_start3A_183 = tpu.memref_squeeze %dma_start3A_182 : memref<1x2x128xi32, #tpu.memory_space<vmem>> -> memref<2x128xi32, #tpu.memory_space<vmem>>
          %dma_start3A_184 = arith.constant 0 : i32
          %dma_start3A_185 = arith.constant 0 : i32
          %dma_start3A_186 = tpu.memref_slice %arg4[%add3A_170, %dma_start3A_184, %dma_start3A_185] : memref<3680x2x128xi32, #tpu.memory_space<hbm>> -> memref<1x2x128xi32, #tpu.memory_space<hbm>>
          %dma_start3A_187 = tpu.memref_squeeze %dma_start3A_186 : memref<1x2x128xi32, #tpu.memory_space<hbm>> -> memref<2x128xi32, #tpu.memory_space<hbm>>
          tpu.enqueue_dma source(%dma_start3A_187 : memref<2x128xi32, #tpu.memory_space<hbm>>) target(%dma_start3A_183 : memref<2x128xi32, #tpu.memory_space<vmem>>) target_semaphore(%arg17 : memref<!tpu.dma_semaphore, #tpu.memory_space<semaphore_mem>>)
          %add3A_188 = arith.addi %mul3A_15, %scan3A_77 : i32
          %add3A_189 = arith.constant 1 : i32
          %add3A_190 = arith.addi %add3A_188, %add3A_189 : i32
          %dma_start3A_191 = arith.constant 1 : i32
          %dma_start3A_192 = arith.constant 0 : i32
          %dma_start3A_193 = arith.constant 0 : i32
          %dma_start3A_194 = tpu.memref_slice %arg11[%dma_start3A_191, %dma_start3A_192, %dma_start3A_193] : memref<2x2x128xi32, #tpu.memory_space<vmem>> -> memref<1x2x128xi32, #tpu.memory_space<vmem>>
          %dma_start3A_195 = tpu.memref_squeeze %dma_start3A_194 : memref<1x2x128xi32, #tpu.memory_space<vmem>> -> memref<2x128xi32, #tpu.memory_space<vmem>>
          %dma_start3A_196 = arith.constant 0 : i32
          %dma_start3A_197 = arith.constant 0 : i32
          %dma_start3A_198 = tpu.memref_slice %arg5[%add3A_190, %dma_start3A_196, %dma_start3A_197] : memref<3680x2x128xi32, #tpu.memory_space<hbm>> -> memref<1x2x128xi32, #tpu.memory_space<hbm>>
          %dma_start3A_199 = tpu.memref_squeeze %dma_start3A_198 : memref<1x2x128xi32, #tpu.memory_space<hbm>> -> memref<2x128xi32, #tpu.memory_space<hbm>>
          %dma_start3A_200 = arith.constant 0 : i32
          %dma_start3A_201 = arith.constant 0 : i32
          %dma_start3A_202 = tpu.memref_slice %arg11[%dma_start3A_191, %dma_start3A_200, %dma_start3A_201] : memref<2x2x128xi32, #tpu.memory_space<vmem>> -> memref<1x2x128xi32, #tpu.memory_space<vmem>>
          %dma_start3A_203 = tpu.memref_squeeze %dma_start3A_202 : memref<1x2x128xi32, #tpu.memory_space<vmem>> -> memref<2x128xi32, #tpu.memory_space<vmem>>
          %dma_start3A_204 = arith.constant 0 : i32
          %dma_start3A_205 = arith.constant 0 : i32
          %dma_start3A_206 = tpu.memref_slice %arg5[%add3A_190, %dma_start3A_204, %dma_start3A_205] : memref<3680x2x128xi32, #tpu.memory_space<hbm>> -> memref<1x2x128xi32, #tpu.memory_space<hbm>>
          %dma_start3A_207 = tpu.memref_squeeze %dma_start3A_206 : memref<1x2x128xi32, #tpu.memory_space<hbm>> -> memref<2x128xi32, #tpu.memory_space<hbm>>
          tpu.enqueue_dma source(%dma_start3A_207 : memref<2x128xi32, #tpu.memory_space<hbm>>) target(%dma_start3A_203 : memref<2x128xi32, #tpu.memory_space<vmem>>) target_semaphore(%arg17 : memref<!tpu.dma_semaphore, #tpu.memory_space<semaphore_mem>>)
        } else {
        }
        %eq3A_153 = arith.constant 0 : i32
        %eq3A_154 = arith.cmpi eq, %arg0, %eq3A_153 : i32
        %convert_element_type3A_155 = arith.extui %eq3A_154 : i1 to i32
        %cond3A_156 = arith.constant 0 : i32
        %cond3A_157 = arith.cmpi ne, %convert_element_type3A_155, %cond3A_156 : i32
        scf.if %cond3A_157 {
          %dma_start3A_168 = arith.constant 0 : i32
          %dma_start3A_169 = arith.constant 0 : i32
          %dma_start3A_170 = arith.constant 0 : i32
          %dma_start3A_171 = arith.constant 0 : i32
          %dma_start3A_172 = arith.constant 0 : i32
          %dma_start3A_173 = tpu.memref_slice %arg13[%dma_start3A_170, %dma_start3A_171, %dma_start3A_172] : memref<2x128x32xf32, #tpu.memory_space<vmem>> -> memref<1x128x32xf32, #tpu.memory_space<vmem>>
          %dma_start3A_174 = tpu.memref_squeeze %dma_start3A_173 : memref<1x128x32xf32, #tpu.memory_space<vmem>> -> memref<128x32xf32, #tpu.memory_space<vmem>>
          %dma_start3A_175 = arith.constant 0 : i32
          %dma_start3A_176 = tpu.memref_slice %arg10[%dma_start3A_168, %dma_start3A_169, %dma_start3A_175] : memref<2x2x128xi32, #tpu.memory_space<vmem>> -> memref<1x1x128xi32, #tpu.memory_space<vmem>>
          %dma_start3A_177 = tpu.memref_squeeze %dma_start3A_176 : memref<1x1x128xi32, #tpu.memory_space<vmem>> -> memref<128xi32, #tpu.memory_space<vmem>>
          %dma_start3A_178 = arith.constant 0 : i32
          %dma_start3A_179 = arith.constant 0 : i32
          %dma_start3A_180 = tpu.memref_slice %arg3[%dma_start3A_178, %dma_start3A_179] : memref<27504x32xf32, #tpu.memory_space<hbm>> -> memref<27504x32xf32, #tpu.memory_space<hbm>>
          tpu.enqueue_indirect_dma source(%dma_start3A_180 : memref<27504x32xf32, #tpu.memory_space<hbm>>) target(%dma_start3A_174 : memref<128x32xf32, #tpu.memory_space<vmem>>) offsets(%dma_start3A_177 : memref<128xi32, #tpu.memory_space<vmem>>) semaphore(%arg18 : memref<!tpu.dma_semaphore, #tpu.memory_space<semaphore_mem>>)
          %dma_start3A_181 = arith.constant 0 : i32
          %dma_start3A_182 = arith.constant 1 : i32
          %dma_start3A_183 = arith.constant 1 : i32
          %dma_start3A_184 = arith.constant 0 : i32
          %dma_start3A_185 = arith.constant 0 : i32
          %dma_start3A_186 = tpu.memref_slice %arg13[%dma_start3A_183, %dma_start3A_184, %dma_start3A_185] : memref<2x128x32xf32, #tpu.memory_space<vmem>> -> memref<1x128x32xf32, #tpu.memory_space<vmem>>
          %dma_start3A_187 = tpu.memref_squeeze %dma_start3A_186 : memref<1x128x32xf32, #tpu.memory_space<vmem>> -> memref<128x32xf32, #tpu.memory_space<vmem>>
          %dma_start3A_188 = arith.constant 0 : i32
          %dma_start3A_189 = tpu.memref_slice %arg10[%dma_start3A_181, %dma_start3A_182, %dma_start3A_188] : memref<2x2x128xi32, #tpu.memory_space<vmem>> -> memref<1x1x128xi32, #tpu.memory_space<vmem>>
          %dma_start3A_190 = tpu.memref_squeeze %dma_start3A_189 : memref<1x1x128xi32, #tpu.memory_space<vmem>> -> memref<128xi32, #tpu.memory_space<vmem>>
          %dma_start3A_191 = arith.constant 0 : i32
          %dma_start3A_192 = arith.constant 0 : i32
          %dma_start3A_193 = tpu.memref_slice %arg3[%dma_start3A_191, %dma_start3A_192] : memref<27504x32xf32, #tpu.memory_space<hbm>> -> memref<27504x32xf32, #tpu.memory_space<hbm>>
          tpu.enqueue_indirect_dma source(%dma_start3A_193 : memref<27504x32xf32, #tpu.memory_space<hbm>>) target(%dma_start3A_187 : memref<128x32xf32, #tpu.memory_space<vmem>>) offsets(%dma_start3A_190 : memref<128xi32, #tpu.memory_space<vmem>>) semaphore(%arg18 : memref<!tpu.dma_semaphore, #tpu.memory_space<semaphore_mem>>)
        } else {
        }
        %eq3A_158 = arith.constant 1 : i32
        %eq3A_159 = arith.cmpi eq, %arg0, %eq3A_158 : i32
        %convert_element_type3A_160 = arith.extui %eq3A_159 : i1 to i32
        %cond3A_161 = arith.constant 0 : i32
        %cond3A_162 = arith.cmpi ne, %convert_element_type3A_160, %cond3A_161 : i32
        scf.if %cond3A_162 {
          %dma_start3A_168 = arith.constant 0 : i32
          %dma_start3A_169 = arith.constant 0 : i32
          %dma_start3A_170 = arith.constant 0 : i32
          %dma_start3A_171 = arith.constant 0 : i32
          %dma_start3A_172 = arith.constant 0 : i32
          %dma_start3A_173 = tpu.memref_slice %arg13[%dma_start3A_170, %dma_start3A_171, %dma_start3A_172] : memref<2x128x32xf32, #tpu.memory_space<vmem>> -> memref<1x128x32xf32, #tpu.memory_space<vmem>>
          %dma_start3A_174 = tpu.memref_squeeze %dma_start3A_173 : memref<1x128x32xf32, #tpu.memory_space<vmem>> -> memref<128x32xf32, #tpu.memory_space<vmem>>
          %dma_start3A_175 = arith.constant 0 : i32
          %dma_start3A_176 = tpu.memref_slice %arg10[%dma_start3A_168, %dma_start3A_169, %dma_start3A_175] : memref<2x2x128xi32, #tpu.memory_space<vmem>> -> memref<1x1x128xi32, #tpu.memory_space<vmem>>
          %dma_start3A_177 = tpu.memref_squeeze %dma_start3A_176 : memref<1x1x128xi32, #tpu.memory_space<vmem>> -> memref<128xi32, #tpu.memory_space<vmem>>
          %dma_start3A_178 = arith.constant 0 : i32
          %dma_start3A_179 = arith.constant 0 : i32
          %dma_start3A_180 = tpu.memref_slice %arg2[%dma_start3A_178, %dma_start3A_179] : memref<50000x32xf32, #tpu.memory_space<hbm>> -> memref<50000x32xf32, #tpu.memory_space<hbm>>
          tpu.enqueue_indirect_dma source(%dma_start3A_180 : memref<50000x32xf32, #tpu.memory_space<hbm>>) target(%dma_start3A_174 : memref<128x32xf32, #tpu.memory_space<vmem>>) offsets(%dma_start3A_177 : memref<128xi32, #tpu.memory_space<vmem>>) semaphore(%arg18 : memref<!tpu.dma_semaphore, #tpu.memory_space<semaphore_mem>>)
          %dma_start3A_181 = arith.constant 0 : i32
          %dma_start3A_182 = arith.constant 1 : i32
          %dma_start3A_183 = arith.constant 1 : i32
          %dma_start3A_184 = arith.constant 0 : i32
          %dma_start3A_185 = arith.constant 0 : i32
          %dma_start3A_186 = tpu.memref_slice %arg13[%dma_start3A_183, %dma_start3A_184, %dma_start3A_185] : memref<2x128x32xf32, #tpu.memory_space<vmem>> -> memref<1x128x32xf32, #tpu.memory_space<vmem>>
          %dma_start3A_187 = tpu.memref_squeeze %dma_start3A_186 : memref<1x128x32xf32, #tpu.memory_space<vmem>> -> memref<128x32xf32, #tpu.memory_space<vmem>>
          %dma_start3A_188 = arith.constant 0 : i32
          %dma_start3A_189 = tpu.memref_slice %arg10[%dma_start3A_181, %dma_start3A_182, %dma_start3A_188] : memref<2x2x128xi32, #tpu.memory_space<vmem>> -> memref<1x1x128xi32, #tpu.memory_space<vmem>>
          %dma_start3A_190 = tpu.memref_squeeze %dma_start3A_189 : memref<1x1x128xi32, #tpu.memory_space<vmem>> -> memref<128xi32, #tpu.memory_space<vmem>>
          %dma_start3A_191 = arith.constant 0 : i32
          %dma_start3A_192 = arith.constant 0 : i32
          %dma_start3A_193 = tpu.memref_slice %arg2[%dma_start3A_191, %dma_start3A_192] : memref<50000x32xf32, #tpu.memory_space<hbm>> -> memref<50000x32xf32, #tpu.memory_space<hbm>>
          tpu.enqueue_indirect_dma source(%dma_start3A_193 : memref<50000x32xf32, #tpu.memory_space<hbm>>) target(%dma_start3A_187 : memref<128x32xf32, #tpu.memory_space<vmem>>) offsets(%dma_start3A_190 : memref<128xi32, #tpu.memory_space<vmem>>) semaphore(%arg18 : memref<!tpu.dma_semaphore, #tpu.memory_space<semaphore_mem>>)
        } else {
        }
        %ge3A_163 = arith.constant 1 : i32
        %ge3A_164 = arith.cmpi sge, %scan3A_77, %ge3A_163 : i32
        %convert_element_type3A_165 = arith.extui %ge3A_164 : i1 to i32
        %cond3A_166 = arith.constant 0 : i32
        %cond3A_167 = arith.cmpi ne, %convert_element_type3A_165, %cond3A_166 : i32
        scf.if %cond3A_167 {
          tpu.wait_dma2 semaphore(%arg18 : memref<!tpu.dma_semaphore, #tpu.memory_space<semaphore_mem>>) src(%arg6 : memref<2x128x32xf32, #tpu.memory_space<hbm>>) dst(%arg12 : memref<2x128x32xf32, #tpu.memory_space<vmem>>)
          %dma_start3A_168 = arith.constant 0 : i32
          %dma_start3A_169 = arith.constant 1 : i32
          %dma_start3A_170 = arith.constant 0 : i32
          %dma_start3A_171 = arith.constant 0 : i32
          %dma_start3A_172 = arith.constant 0 : i32
          %dma_start3A_173 = tpu.memref_slice %arg12[%dma_start3A_168, %dma_start3A_171, %dma_start3A_172] : memref<2x128x32xf32, #tpu.memory_space<vmem>> -> memref<1x128x32xf32, #tpu.memory_space<vmem>>
          %dma_start3A_174 = tpu.memref_squeeze %dma_start3A_173 : memref<1x128x32xf32, #tpu.memory_space<vmem>> -> memref<128x32xf32, #tpu.memory_space<vmem>>
          %dma_start3A_175 = arith.constant 0 : i32
          %dma_start3A_176 = tpu.memref_slice %arg9[%dma_start3A_169, %dma_start3A_170, %dma_start3A_175] : memref<2x2x128xi32, #tpu.memory_space<vmem>> -> memref<1x1x128xi32, #tpu.memory_space<vmem>>
          %dma_start3A_177 = tpu.memref_squeeze %dma_start3A_176 : memref<1x1x128xi32, #tpu.memory_space<vmem>> -> memref<128xi32, #tpu.memory_space<vmem>>
          %dma_start3A_178 = arith.constant 0 : i32
          %dma_start3A_179 = arith.constant 0 : i32
          %dma_start3A_180 = tpu.memref_slice %arg15[%dma_start3A_178, %dma_start3A_179] : memref<50176x32xf32, #tpu.memory_space<vmem_shared>> -> memref<50176x32xf32, #tpu.memory_space<vmem_shared>>
          tpu.enqueue_indirect_dma source(%dma_start3A_174 : memref<128x32xf32, #tpu.memory_space<vmem>>) target(%dma_start3A_180 : memref<50176x32xf32, #tpu.memory_space<vmem_shared>>) offsets(%dma_start3A_177 : memref<128xi32, #tpu.memory_space<vmem>>) semaphore(%arg19 : memref<!tpu.dma_semaphore, #tpu.memory_space<semaphore_mem>>) {add = true}
          %dma_start3A_181 = arith.constant 1 : i32
          %dma_start3A_182 = arith.constant 1 : i32
          %dma_start3A_183 = arith.constant 1 : i32
          %dma_start3A_184 = arith.constant 0 : i32
          %dma_start3A_185 = arith.constant 0 : i32
          %dma_start3A_186 = tpu.memref_slice %arg12[%dma_start3A_181, %dma_start3A_184, %dma_start3A_185] : memref<2x128x32xf32, #tpu.memory_space<vmem>> -> memref<1x128x32xf32, #tpu.memory_space<vmem>>
          %dma_start3A_187 = tpu.memref_squeeze %dma_start3A_186 : memref<1x128x32xf32, #tpu.memory_space<vmem>> -> memref<128x32xf32, #tpu.memory_space<vmem>>
          %dma_start3A_188 = arith.constant 0 : i32
          %dma_start3A_189 = tpu.memref_slice %arg9[%dma_start3A_182, %dma_start3A_183, %dma_start3A_188] : memref<2x2x128xi32, #tpu.memory_space<vmem>> -> memref<1x1x128xi32, #tpu.memory_space<vmem>>
          %dma_start3A_190 = tpu.memref_squeeze %dma_start3A_189 : memref<1x1x128xi32, #tpu.memory_space<vmem>> -> memref<128xi32, #tpu.memory_space<vmem>>
          %dma_start3A_191 = arith.constant 0 : i32
          %dma_start3A_192 = arith.constant 0 : i32
          %dma_start3A_193 = tpu.memref_slice %arg15[%dma_start3A_191, %dma_start3A_192] : memref<50176x32xf32, #tpu.memory_space<vmem_shared>> -> memref<50176x32xf32, #tpu.memory_space<vmem_shared>>
          tpu.enqueue_indirect_dma source(%dma_start3A_187 : memref<128x32xf32, #tpu.memory_space<vmem>>) target(%dma_start3A_193 : memref<50176x32xf32, #tpu.memory_space<vmem_shared>>) offsets(%dma_start3A_190 : memref<128xi32, #tpu.memory_space<vmem>>) semaphore(%arg19 : memref<!tpu.dma_semaphore, #tpu.memory_space<semaphore_mem>>) {add = true}
        } else {
        }
      } else {
      }
      %jit3A_117 = arith.constant 3 : i32
      %eq3A_118 = arith.constant 0 : i32
      %eq3A_119 = arith.cmpi eq, %jit3A_117, %eq3A_118 : i32
      %jit3A_120 = arith.constant 1 : i32
      %select_n3A_121 = arith.select %eq3A_119, %jit3A_120, %jit3A_117 : i32
      %rem3A_122 = arith.remsi %scan3A_77, %select_n3A_121 : i32
      %ne3A_123 = arith.constant 0 : i32
      %ne3A_124 = arith.cmpi ne, %rem3A_122, %ne3A_123 : i32
      %lt3A_125 = arith.constant 0 : i32
      %lt3A_126 = arith.cmpi slt, %rem3A_122, %lt3A_125 : i32
      %lt3A_127 = arith.constant 0 : i32
      %lt3A_128 = arith.cmpi slt, %select_n3A_121, %lt3A_127 : i32
      %ne3A_129 = arith.xori %lt3A_126, %lt3A_128 : i1
      %and3A_130 = arith.andi %ne3A_129, %ne3A_124 : i1
      %add3A_131 = arith.addi %rem3A_122, %select_n3A_121 : i32
      %select_n3A_132 = arith.select %and3A_130, %add3A_131, %rem3A_122 : i32
      %eq3A_133 = arith.constant 2 : i32
      %eq3A_134 = arith.cmpi eq, %select_n3A_132, %eq3A_133 : i32
      %convert_element_type3A_135 = arith.extui %eq3A_134 : i1 to i32
      %cond3A_136 = arith.constant 0 : i32
      %cond3A_137 = arith.cmpi ne, %convert_element_type3A_135, %cond3A_136 : i32
      scf.if %cond3A_137 {
        %ge3A = arith.constant 2 : i32
        %ge3A_139 = arith.cmpi sge, %scan3A_77, %ge3A : i32
        %convert_element_type3A_140 = arith.extui %ge3A_139 : i1 to i32
        %cond3A_141 = arith.constant 0 : i32
        %cond3A_142 = arith.cmpi ne, %convert_element_type3A_140, %cond3A_141 : i32
        scf.if %cond3A_142 {
          tpu.wait_dma2 semaphore(%arg19 : memref<!tpu.dma_semaphore, #tpu.memory_space<semaphore_mem>>) src(%arg6 : memref<2x128x32xf32, #tpu.memory_space<hbm>>) dst(%arg12 : memref<2x128x32xf32, #tpu.memory_space<vmem>>)
        } else {
        }
        %ge3A_143 = arith.constant 1 : i32
        %ge3A_144 = arith.cmpi sge, %scan3A_77, %ge3A_143 : i32
        %convert_element_type3A_145 = arith.extui %ge3A_144 : i1 to i32
        %cond3A_146 = arith.constant 0 : i32
        %cond3A_147 = arith.cmpi ne, %convert_element_type3A_145, %cond3A_146 : i32
        scf.if %cond3A_147 {
          %dma_wait3A = arith.constant 0 : i32
          %dma_wait3A_168 = arith.constant 0 : i32
          %dma_wait3A_169 = arith.constant 0 : i32
          %dma_wait3A_170 = arith.constant 0 : i32
          %dma_wait3A_171 = tpu.memref_slice %arg11[%dma_wait3A_168, %dma_wait3A_169, %dma_wait3A_170] : memref<2x2x128xi32, #tpu.memory_space<vmem>> -> memref<1x2x128xi32, #tpu.memory_space<vmem>>
          %dma_wait3A_172 = tpu.memref_squeeze %dma_wait3A_171 : memref<1x2x128xi32, #tpu.memory_space<vmem>> -> memref<2x128xi32, #tpu.memory_space<vmem>>
          %dma_wait3A_173 = arith.constant 0 : i32
          %dma_wait3A_174 = arith.constant 0 : i32
          %dma_wait3A_175 = tpu.memref_slice %arg4[%dma_wait3A, %dma_wait3A_173, %dma_wait3A_174] : memref<3680x2x128xi32, #tpu.memory_space<hbm>> -> memref<1x2x128xi32, #tpu.memory_space<hbm>>
          %dma_wait3A_176 = tpu.memref_squeeze %dma_wait3A_175 : memref<1x2x128xi32, #tpu.memory_space<hbm>> -> memref<2x128xi32, #tpu.memory_space<hbm>>
          %dma_wait3A_177 = arith.constant 0 : i32
          %dma_wait3A_178 = arith.constant 0 : i32
          %dma_wait3A_179 = tpu.memref_slice %arg11[%dma_wait3A_168, %dma_wait3A_177, %dma_wait3A_178] : memref<2x2x128xi32, #tpu.memory_space<vmem>> -> memref<1x2x128xi32, #tpu.memory_space<vmem>>
          %dma_wait3A_180 = tpu.memref_squeeze %dma_wait3A_179 : memref<1x2x128xi32, #tpu.memory_space<vmem>> -> memref<2x128xi32, #tpu.memory_space<vmem>>
          %dma_wait3A_181 = arith.constant 0 : i32
          %dma_wait3A_182 = arith.constant 0 : i32
          %dma_wait3A_183 = tpu.memref_slice %arg4[%dma_wait3A, %dma_wait3A_181, %dma_wait3A_182] : memref<3680x2x128xi32, #tpu.memory_space<hbm>> -> memref<1x2x128xi32, #tpu.memory_space<hbm>>
          %dma_wait3A_184 = tpu.memref_squeeze %dma_wait3A_183 : memref<1x2x128xi32, #tpu.memory_space<hbm>> -> memref<2x128xi32, #tpu.memory_space<hbm>>
          tpu.wait_dma2 semaphore(%arg17 : memref<!tpu.dma_semaphore, #tpu.memory_space<semaphore_mem>>) src(%dma_wait3A_184 : memref<2x128xi32, #tpu.memory_space<hbm>>) dst(%dma_wait3A_180 : memref<2x128xi32, #tpu.memory_space<vmem>>)
          %dma_wait3A_185 = arith.constant 0 : i32
          %dma_wait3A_186 = arith.constant 1 : i32
          %dma_wait3A_187 = arith.constant 0 : i32
          %dma_wait3A_188 = arith.constant 0 : i32
          %dma_wait3A_189 = tpu.memref_slice %arg11[%dma_wait3A_186, %dma_wait3A_187, %dma_wait3A_188] : memref<2x2x128xi32, #tpu.memory_space<vmem>> -> memref<1x2x128xi32, #tpu.memory_space<vmem>>
          %dma_wait3A_190 = tpu.memref_squeeze %dma_wait3A_189 : memref<1x2x128xi32, #tpu.memory_space<vmem>> -> memref<2x128xi32, #tpu.memory_space<vmem>>
          %dma_wait3A_191 = arith.constant 0 : i32
          %dma_wait3A_192 = arith.constant 0 : i32
          %dma_wait3A_193 = tpu.memref_slice %arg5[%dma_wait3A_185, %dma_wait3A_191, %dma_wait3A_192] : memref<3680x2x128xi32, #tpu.memory_space<hbm>> -> memref<1x2x128xi32, #tpu.memory_space<hbm>>
          %dma_wait3A_194 = tpu.memref_squeeze %dma_wait3A_193 : memref<1x2x128xi32, #tpu.memory_space<hbm>> -> memref<2x128xi32, #tpu.memory_space<hbm>>
          %dma_wait3A_195 = arith.constant 0 : i32
          %dma_wait3A_196 = arith.constant 0 : i32
          %dma_wait3A_197 = tpu.memref_slice %arg11[%dma_wait3A_186, %dma_wait3A_195, %dma_wait3A_196] : memref<2x2x128xi32, #tpu.memory_space<vmem>> -> memref<1x2x128xi32, #tpu.memory_space<vmem>>
          %dma_wait3A_198 = tpu.memref_squeeze %dma_wait3A_197 : memref<1x2x128xi32, #tpu.memory_space<vmem>> -> memref<2x128xi32, #tpu.memory_space<vmem>>
          %dma_wait3A_199 = arith.constant 0 : i32
          %dma_wait3A_200 = arith.constant 0 : i32
          %dma_wait3A_201 = tpu.memref_slice %arg5[%dma_wait3A_185, %dma_wait3A_199, %dma_wait3A_200] : memref<3680x2x128xi32, #tpu.memory_space<hbm>> -> memref<1x2x128xi32, #tpu.memory_space<hbm>>
          %dma_wait3A_202 = tpu.memref_squeeze %dma_wait3A_201 : memref<1x2x128xi32, #tpu.memory_space<hbm>> -> memref<2x128xi32, #tpu.memory_space<hbm>>
          tpu.wait_dma2 semaphore(%arg17 : memref<!tpu.dma_semaphore, #tpu.memory_space<semaphore_mem>>) src(%dma_wait3A_202 : memref<2x128xi32, #tpu.memory_space<hbm>>) dst(%dma_wait3A_198 : memref<2x128xi32, #tpu.memory_space<vmem>>)
        } else {
        }
        %lt3A_148 = arith.constant 114 : i32
        %lt3A_149 = arith.cmpi slt, %scan3A_77, %lt3A_148 : i32
        %convert_element_type3A_150 = arith.extui %lt3A_149 : i1 to i32
        %cond3A_151 = arith.constant 0 : i32
        %cond3A_152 = arith.cmpi ne, %convert_element_type3A_150, %cond3A_151 : i32
        scf.if %cond3A_152 {
          %add3A_168 = arith.addi %mul3A_15, %scan3A_77 : i32
          %add3A_169 = arith.constant 1 : i32
          %add3A_170 = arith.addi %add3A_168, %add3A_169 : i32
          %dma_start3A_171 = arith.constant 0 : i32
          %dma_start3A_172 = arith.constant 0 : i32
          %dma_start3A_173 = arith.constant 0 : i32
          %dma_start3A_174 = tpu.memref_slice %arg9[%dma_start3A_171, %dma_start3A_172, %dma_start3A_173] : memref<2x2x128xi32, #tpu.memory_space<vmem>> -> memref<1x2x128xi32, #tpu.memory_space<vmem>>
          %dma_start3A_175 = tpu.memref_squeeze %dma_start3A_174 : memref<1x2x128xi32, #tpu.memory_space<vmem>> -> memref<2x128xi32, #tpu.memory_space<vmem>>
          %dma_start3A_176 = arith.constant 0 : i32
          %dma_start3A_177 = arith.constant 0 : i32
          %dma_start3A_178 = tpu.memref_slice %arg4[%add3A_170, %dma_start3A_176, %dma_start3A_177] : memref<3680x2x128xi32, #tpu.memory_space<hbm>> -> memref<1x2x128xi32, #tpu.memory_space<hbm>>
          %dma_start3A_179 = tpu.memref_squeeze %dma_start3A_178 : memref<1x2x128xi32, #tpu.memory_space<hbm>> -> memref<2x128xi32, #tpu.memory_space<hbm>>
          %dma_start3A_180 = arith.constant 0 : i32
          %dma_start3A_181 = arith.constant 0 : i32
          %dma_start3A_182 = tpu.memref_slice %arg9[%dma_start3A_171, %dma_start3A_180, %dma_start3A_181] : memref<2x2x128xi32, #tpu.memory_space<vmem>> -> memref<1x2x128xi32, #tpu.memory_space<vmem>>
          %dma_start3A_183 = tpu.memref_squeeze %dma_start3A_182 : memref<1x2x128xi32, #tpu.memory_space<vmem>> -> memref<2x128xi32, #tpu.memory_space<vmem>>
          %dma_start3A_184 = arith.constant 0 : i32
          %dma_start3A_185 = arith.constant 0 : i32
          %dma_start3A_186 = tpu.memref_slice %arg4[%add3A_170, %dma_start3A_184, %dma_start3A_185] : memref<3680x2x128xi32, #tpu.memory_space<hbm>> -> memref<1x2x128xi32, #tpu.memory_space<hbm>>
          %dma_start3A_187 = tpu.memref_squeeze %dma_start3A_186 : memref<1x2x128xi32, #tpu.memory_space<hbm>> -> memref<2x128xi32, #tpu.memory_space<hbm>>
          tpu.enqueue_dma source(%dma_start3A_187 : memref<2x128xi32, #tpu.memory_space<hbm>>) target(%dma_start3A_183 : memref<2x128xi32, #tpu.memory_space<vmem>>) target_semaphore(%arg17 : memref<!tpu.dma_semaphore, #tpu.memory_space<semaphore_mem>>)
          %add3A_188 = arith.addi %mul3A_15, %scan3A_77 : i32
          %add3A_189 = arith.constant 1 : i32
          %add3A_190 = arith.addi %add3A_188, %add3A_189 : i32
          %dma_start3A_191 = arith.constant 1 : i32
          %dma_start3A_192 = arith.constant 0 : i32
          %dma_start3A_193 = arith.constant 0 : i32
          %dma_start3A_194 = tpu.memref_slice %arg9[%dma_start3A_191, %dma_start3A_192, %dma_start3A_193] : memref<2x2x128xi32, #tpu.memory_space<vmem>> -> memref<1x2x128xi32, #tpu.memory_space<vmem>>
          %dma_start3A_195 = tpu.memref_squeeze %dma_start3A_194 : memref<1x2x128xi32, #tpu.memory_space<vmem>> -> memref<2x128xi32, #tpu.memory_space<vmem>>
          %dma_start3A_196 = arith.constant 0 : i32
          %dma_start3A_197 = arith.constant 0 : i32
          %dma_start3A_198 = tpu.memref_slice %arg5[%add3A_190, %dma_start3A_196, %dma_start3A_197] : memref<3680x2x128xi32, #tpu.memory_space<hbm>> -> memref<1x2x128xi32, #tpu.memory_space<hbm>>
          %dma_start3A_199 = tpu.memref_squeeze %dma_start3A_198 : memref<1x2x128xi32, #tpu.memory_space<hbm>> -> memref<2x128xi32, #tpu.memory_space<hbm>>
          %dma_start3A_200 = arith.constant 0 : i32
          %dma_start3A_201 = arith.constant 0 : i32
          %dma_start3A_202 = tpu.memref_slice %arg9[%dma_start3A_191, %dma_start3A_200, %dma_start3A_201] : memref<2x2x128xi32, #tpu.memory_space<vmem>> -> memref<1x2x128xi32, #tpu.memory_space<vmem>>
          %dma_start3A_203 = tpu.memref_squeeze %dma_start3A_202 : memref<1x2x128xi32, #tpu.memory_space<vmem>> -> memref<2x128xi32, #tpu.memory_space<vmem>>
          %dma_start3A_204 = arith.constant 0 : i32
          %dma_start3A_205 = arith.constant 0 : i32
          %dma_start3A_206 = tpu.memref_slice %arg5[%add3A_190, %dma_start3A_204, %dma_start3A_205] : memref<3680x2x128xi32, #tpu.memory_space<hbm>> -> memref<1x2x128xi32, #tpu.memory_space<hbm>>
          %dma_start3A_207 = tpu.memref_squeeze %dma_start3A_206 : memref<1x2x128xi32, #tpu.memory_space<hbm>> -> memref<2x128xi32, #tpu.memory_space<hbm>>
          tpu.enqueue_dma source(%dma_start3A_207 : memref<2x128xi32, #tpu.memory_space<hbm>>) target(%dma_start3A_203 : memref<2x128xi32, #tpu.memory_space<vmem>>) target_semaphore(%arg17 : memref<!tpu.dma_semaphore, #tpu.memory_space<semaphore_mem>>)
        } else {
        }
        %eq3A_153 = arith.constant 0 : i32
        %eq3A_154 = arith.cmpi eq, %arg0, %eq3A_153 : i32
        %convert_element_type3A_155 = arith.extui %eq3A_154 : i1 to i32
        %cond3A_156 = arith.constant 0 : i32
        %cond3A_157 = arith.cmpi ne, %convert_element_type3A_155, %cond3A_156 : i32
        scf.if %cond3A_157 {
          %dma_start3A_168 = arith.constant 0 : i32
          %dma_start3A_169 = arith.constant 0 : i32
          %dma_start3A_170 = arith.constant 0 : i32
          %dma_start3A_171 = arith.constant 0 : i32
          %dma_start3A_172 = arith.constant 0 : i32
          %dma_start3A_173 = tpu.memref_slice %arg14[%dma_start3A_170, %dma_start3A_171, %dma_start3A_172] : memref<2x128x32xf32, #tpu.memory_space<vmem>> -> memref<1x128x32xf32, #tpu.memory_space<vmem>>
          %dma_start3A_174 = tpu.memref_squeeze %dma_start3A_173 : memref<1x128x32xf32, #tpu.memory_space<vmem>> -> memref<128x32xf32, #tpu.memory_space<vmem>>
          %dma_start3A_175 = arith.constant 0 : i32
          %dma_start3A_176 = tpu.memref_slice %arg11[%dma_start3A_168, %dma_start3A_169, %dma_start3A_175] : memref<2x2x128xi32, #tpu.memory_space<vmem>> -> memref<1x1x128xi32, #tpu.memory_space<vmem>>
          %dma_start3A_177 = tpu.memref_squeeze %dma_start3A_176 : memref<1x1x128xi32, #tpu.memory_space<vmem>> -> memref<128xi32, #tpu.memory_space<vmem>>
          %dma_start3A_178 = arith.constant 0 : i32
          %dma_start3A_179 = arith.constant 0 : i32
          %dma_start3A_180 = tpu.memref_slice %arg3[%dma_start3A_178, %dma_start3A_179] : memref<27504x32xf32, #tpu.memory_space<hbm>> -> memref<27504x32xf32, #tpu.memory_space<hbm>>
          tpu.enqueue_indirect_dma source(%dma_start3A_180 : memref<27504x32xf32, #tpu.memory_space<hbm>>) target(%dma_start3A_174 : memref<128x32xf32, #tpu.memory_space<vmem>>) offsets(%dma_start3A_177 : memref<128xi32, #tpu.memory_space<vmem>>) semaphore(%arg18 : memref<!tpu.dma_semaphore, #tpu.memory_space<semaphore_mem>>)
          %dma_start3A_181 = arith.constant 0 : i32
          %dma_start3A_182 = arith.constant 1 : i32
          %dma_start3A_183 = arith.constant 1 : i32
          %dma_start3A_184 = arith.constant 0 : i32
          %dma_start3A_185 = arith.constant 0 : i32
          %dma_start3A_186 = tpu.memref_slice %arg14[%dma_start3A_183, %dma_start3A_184, %dma_start3A_185] : memref<2x128x32xf32, #tpu.memory_space<vmem>> -> memref<1x128x32xf32, #tpu.memory_space<vmem>>
          %dma_start3A_187 = tpu.memref_squeeze %dma_start3A_186 : memref<1x128x32xf32, #tpu.memory_space<vmem>> -> memref<128x32xf32, #tpu.memory_space<vmem>>
          %dma_start3A_188 = arith.constant 0 : i32
          %dma_start3A_189 = tpu.memref_slice %arg11[%dma_start3A_181, %dma_start3A_182, %dma_start3A_188] : memref<2x2x128xi32, #tpu.memory_space<vmem>> -> memref<1x1x128xi32, #tpu.memory_space<vmem>>
          %dma_start3A_190 = tpu.memref_squeeze %dma_start3A_189 : memref<1x1x128xi32, #tpu.memory_space<vmem>> -> memref<128xi32, #tpu.memory_space<vmem>>
          %dma_start3A_191 = arith.constant 0 : i32
          %dma_start3A_192 = arith.constant 0 : i32
          %dma_start3A_193 = tpu.memref_slice %arg3[%dma_start3A_191, %dma_start3A_192] : memref<27504x32xf32, #tpu.memory_space<hbm>> -> memref<27504x32xf32, #tpu.memory_space<hbm>>
          tpu.enqueue_indirect_dma source(%dma_start3A_193 : memref<27504x32xf32, #tpu.memory_space<hbm>>) target(%dma_start3A_187 : memref<128x32xf32, #tpu.memory_space<vmem>>) offsets(%dma_start3A_190 : memref<128xi32, #tpu.memory_space<vmem>>) semaphore(%arg18 : memref<!tpu.dma_semaphore, #tpu.memory_space<semaphore_mem>>)
        } else {
        }
        %eq3A_158 = arith.constant 1 : i32
        %eq3A_159 = arith.cmpi eq, %arg0, %eq3A_158 : i32
        %convert_element_type3A_160 = arith.extui %eq3A_159 : i1 to i32
        %cond3A_161 = arith.constant 0 : i32
        %cond3A_162 = arith.cmpi ne, %convert_element_type3A_160, %cond3A_161 : i32
        scf.if %cond3A_162 {
          %dma_start3A_168 = arith.constant 0 : i32
          %dma_start3A_169 = arith.constant 0 : i32
          %dma_start3A_170 = arith.constant 0 : i32
          %dma_start3A_171 = arith.constant 0 : i32
          %dma_start3A_172 = arith.constant 0 : i32
          %dma_start3A_173 = tpu.memref_slice %arg14[%dma_start3A_170, %dma_start3A_171, %dma_start3A_172] : memref<2x128x32xf32, #tpu.memory_space<vmem>> -> memref<1x128x32xf32, #tpu.memory_space<vmem>>
          %dma_start3A_174 = tpu.memref_squeeze %dma_start3A_173 : memref<1x128x32xf32, #tpu.memory_space<vmem>> -> memref<128x32xf32, #tpu.memory_space<vmem>>
          %dma_start3A_175 = arith.constant 0 : i32
          %dma_start3A_176 = tpu.memref_slice %arg11[%dma_start3A_168, %dma_start3A_169, %dma_start3A_175] : memref<2x2x128xi32, #tpu.memory_space<vmem>> -> memref<1x1x128xi32, #tpu.memory_space<vmem>>
          %dma_start3A_177 = tpu.memref_squeeze %dma_start3A_176 : memref<1x1x128xi32, #tpu.memory_space<vmem>> -> memref<128xi32, #tpu.memory_space<vmem>>
          %dma_start3A_178 = arith.constant 0 : i32
          %dma_start3A_179 = arith.constant 0 : i32
          %dma_start3A_180 = tpu.memref_slice %arg2[%dma_start3A_178, %dma_start3A_179] : memref<50000x32xf32, #tpu.memory_space<hbm>> -> memref<50000x32xf32, #tpu.memory_space<hbm>>
          tpu.enqueue_indirect_dma source(%dma_start3A_180 : memref<50000x32xf32, #tpu.memory_space<hbm>>) target(%dma_start3A_174 : memref<128x32xf32, #tpu.memory_space<vmem>>) offsets(%dma_start3A_177 : memref<128xi32, #tpu.memory_space<vmem>>) semaphore(%arg18 : memref<!tpu.dma_semaphore, #tpu.memory_space<semaphore_mem>>)
          %dma_start3A_181 = arith.constant 0 : i32
          %dma_start3A_182 = arith.constant 1 : i32
          %dma_start3A_183 = arith.constant 1 : i32
          %dma_start3A_184 = arith.constant 0 : i32
          %dma_start3A_185 = arith.constant 0 : i32
          %dma_start3A_186 = tpu.memref_slice %arg14[%dma_start3A_183, %dma_start3A_184, %dma_start3A_185] : memref<2x128x32xf32, #tpu.memory_space<vmem>> -> memref<1x128x32xf32, #tpu.memory_space<vmem>>
          %dma_start3A_187 = tpu.memref_squeeze %dma_start3A_186 : memref<1x128x32xf32, #tpu.memory_space<vmem>> -> memref<128x32xf32, #tpu.memory_space<vmem>>
          %dma_start3A_188 = arith.constant 0 : i32
          %dma_start3A_189 = tpu.memref_slice %arg11[%dma_start3A_181, %dma_start3A_182, %dma_start3A_188] : memref<2x2x128xi32, #tpu.memory_space<vmem>> -> memref<1x1x128xi32, #tpu.memory_space<vmem>>
          %dma_start3A_190 = tpu.memref_squeeze %dma_start3A_189 : memref<1x1x128xi32, #tpu.memory_space<vmem>> -> memref<128xi32, #tpu.memory_space<vmem>>
          %dma_start3A_191 = arith.constant 0 : i32
          %dma_start3A_192 = arith.constant 0 : i32
          %dma_start3A_193 = tpu.memref_slice %arg2[%dma_start3A_191, %dma_start3A_192] : memref<50000x32xf32, #tpu.memory_space<hbm>> -> memref<50000x32xf32, #tpu.memory_space<hbm>>
          tpu.enqueue_indirect_dma source(%dma_start3A_193 : memref<50000x32xf32, #tpu.memory_space<hbm>>) target(%dma_start3A_187 : memref<128x32xf32, #tpu.memory_space<vmem>>) offsets(%dma_start3A_190 : memref<128xi32, #tpu.memory_space<vmem>>) semaphore(%arg18 : memref<!tpu.dma_semaphore, #tpu.memory_space<semaphore_mem>>)
        } else {
        }
        %ge3A_163 = arith.constant 1 : i32
        %ge3A_164 = arith.cmpi sge, %scan3A_77, %ge3A_163 : i32
        %convert_element_type3A_165 = arith.extui %ge3A_164 : i1 to i32
        %cond3A_166 = arith.constant 0 : i32
        %cond3A_167 = arith.cmpi ne, %convert_element_type3A_165, %cond3A_166 : i32
        scf.if %cond3A_167 {
          tpu.wait_dma2 semaphore(%arg18 : memref<!tpu.dma_semaphore, #tpu.memory_space<semaphore_mem>>) src(%arg6 : memref<2x128x32xf32, #tpu.memory_space<hbm>>) dst(%arg13 : memref<2x128x32xf32, #tpu.memory_space<vmem>>)
          %dma_start3A_168 = arith.constant 0 : i32
          %dma_start3A_169 = arith.constant 1 : i32
          %dma_start3A_170 = arith.constant 0 : i32
          %dma_start3A_171 = arith.constant 0 : i32
          %dma_start3A_172 = arith.constant 0 : i32
          %dma_start3A_173 = tpu.memref_slice %arg13[%dma_start3A_168, %dma_start3A_171, %dma_start3A_172] : memref<2x128x32xf32, #tpu.memory_space<vmem>> -> memref<1x128x32xf32, #tpu.memory_space<vmem>>
          %dma_start3A_174 = tpu.memref_squeeze %dma_start3A_173 : memref<1x128x32xf32, #tpu.memory_space<vmem>> -> memref<128x32xf32, #tpu.memory_space<vmem>>
          %dma_start3A_175 = arith.constant 0 : i32
          %dma_start3A_176 = tpu.memref_slice %arg10[%dma_start3A_169, %dma_start3A_170, %dma_start3A_175] : memref<2x2x128xi32, #tpu.memory_space<vmem>> -> memref<1x1x128xi32, #tpu.memory_space<vmem>>
          %dma_start3A_177 = tpu.memref_squeeze %dma_start3A_176 : memref<1x1x128xi32, #tpu.memory_space<vmem>> -> memref<128xi32, #tpu.memory_space<vmem>>
          %dma_start3A_178 = arith.constant 0 : i32
          %dma_start3A_179 = arith.constant 0 : i32
          %dma_start3A_180 = tpu.memref_slice %arg15[%dma_start3A_178, %dma_start3A_179] : memref<50176x32xf32, #tpu.memory_space<vmem_shared>> -> memref<50176x32xf32, #tpu.memory_space<vmem_shared>>
          tpu.enqueue_indirect_dma source(%dma_start3A_174 : memref<128x32xf32, #tpu.memory_space<vmem>>) target(%dma_start3A_180 : memref<50176x32xf32, #tpu.memory_space<vmem_shared>>) offsets(%dma_start3A_177 : memref<128xi32, #tpu.memory_space<vmem>>) semaphore(%arg19 : memref<!tpu.dma_semaphore, #tpu.memory_space<semaphore_mem>>) {add = true}
          %dma_start3A_181 = arith.constant 1 : i32
          %dma_start3A_182 = arith.constant 1 : i32
          %dma_start3A_183 = arith.constant 1 : i32
          %dma_start3A_184 = arith.constant 0 : i32
          %dma_start3A_185 = arith.constant 0 : i32
          %dma_start3A_186 = tpu.memref_slice %arg13[%dma_start3A_181, %dma_start3A_184, %dma_start3A_185] : memref<2x128x32xf32, #tpu.memory_space<vmem>> -> memref<1x128x32xf32, #tpu.memory_space<vmem>>
          %dma_start3A_187 = tpu.memref_squeeze %dma_start3A_186 : memref<1x128x32xf32, #tpu.memory_space<vmem>> -> memref<128x32xf32, #tpu.memory_space<vmem>>
          %dma_start3A_188 = arith.constant 0 : i32
          %dma_start3A_189 = tpu.memref_slice %arg10[%dma_start3A_182, %dma_start3A_183, %dma_start3A_188] : memref<2x2x128xi32, #tpu.memory_space<vmem>> -> memref<1x1x128xi32, #tpu.memory_space<vmem>>
          %dma_start3A_190 = tpu.memref_squeeze %dma_start3A_189 : memref<1x1x128xi32, #tpu.memory_space<vmem>> -> memref<128xi32, #tpu.memory_space<vmem>>
          %dma_start3A_191 = arith.constant 0 : i32
          %dma_start3A_192 = arith.constant 0 : i32
          %dma_start3A_193 = tpu.memref_slice %arg15[%dma_start3A_191, %dma_start3A_192] : memref<50176x32xf32, #tpu.memory_space<vmem_shared>> -> memref<50176x32xf32, #tpu.memory_space<vmem_shared>>
          tpu.enqueue_indirect_dma source(%dma_start3A_187 : memref<128x32xf32, #tpu.memory_space<vmem>>) target(%dma_start3A_193 : memref<50176x32xf32, #tpu.memory_space<vmem_shared>>) offsets(%dma_start3A_190 : memref<128xi32, #tpu.memory_space<vmem>>) semaphore(%arg19 : memref<!tpu.dma_semaphore, #tpu.memory_space<semaphore_mem>>) {add = true}
        } else {
        }
      } else {
      }
      %scan3A_138 = arith.constant 0 : i32
      scf.yield %scan3A_138 : i32
    }
    %scan3A_23 = arith.constant 115 : i32
    tpu.wait_dma2 semaphore(%arg18 : memref<!tpu.dma_semaphore, #tpu.memory_space<semaphore_mem>>) src(%arg6 : memref<2x128x32xf32, #tpu.memory_space<hbm>>) dst(%arg12 : memref<2x128x32xf32, #tpu.memory_space<vmem>>)
    %dma_start3A = arith.constant 0 : i32
    %dma_start3A_24 = arith.constant 1 : i32
    %dma_start3A_25 = arith.constant 0 : i32
    %dma_start3A_26 = arith.constant 0 : i32
    %dma_start3A_27 = arith.constant 0 : i32
    %dma_start3A_28 = tpu.memref_slice %arg12[%dma_start3A, %dma_start3A_26, %dma_start3A_27] : memref<2x128x32xf32, #tpu.memory_space<vmem>> -> memref<1x128x32xf32, #tpu.memory_space<vmem>>
    %dma_start3A_29 = tpu.memref_squeeze %dma_start3A_28 : memref<1x128x32xf32, #tpu.memory_space<vmem>> -> memref<128x32xf32, #tpu.memory_space<vmem>>
    %dma_start3A_30 = arith.constant 0 : i32
    %dma_start3A_31 = tpu.memref_slice %arg9[%dma_start3A_24, %dma_start3A_25, %dma_start3A_30] : memref<2x2x128xi32, #tpu.memory_space<vmem>> -> memref<1x1x128xi32, #tpu.memory_space<vmem>>
    %dma_start3A_32 = tpu.memref_squeeze %dma_start3A_31 : memref<1x1x128xi32, #tpu.memory_space<vmem>> -> memref<128xi32, #tpu.memory_space<vmem>>
    %dma_start3A_33 = arith.constant 0 : i32
    %dma_start3A_34 = arith.constant 0 : i32
    %dma_start3A_35 = tpu.memref_slice %arg15[%dma_start3A_33, %dma_start3A_34] : memref<50176x32xf32, #tpu.memory_space<vmem_shared>> -> memref<50176x32xf32, #tpu.memory_space<vmem_shared>>
    tpu.enqueue_indirect_dma source(%dma_start3A_29 : memref<128x32xf32, #tpu.memory_space<vmem>>) target(%dma_start3A_35 : memref<50176x32xf32, #tpu.memory_space<vmem_shared>>) offsets(%dma_start3A_32 : memref<128xi32, #tpu.memory_space<vmem>>) semaphore(%arg19 : memref<!tpu.dma_semaphore, #tpu.memory_space<semaphore_mem>>) {add = true}
    %dma_start3A_36 = arith.constant 1 : i32
    %dma_start3A_37 = arith.constant 1 : i32
    %dma_start3A_38 = arith.constant 1 : i32
    %dma_start3A_39 = arith.constant 0 : i32
    %dma_start3A_40 = arith.constant 0 : i32
    %dma_start3A_41 = tpu.memref_slice %arg12[%dma_start3A_36, %dma_start3A_39, %dma_start3A_40] : memref<2x128x32xf32, #tpu.memory_space<vmem>> -> memref<1x128x32xf32, #tpu.memory_space<vmem>>
    %dma_start3A_42 = tpu.memref_squeeze %dma_start3A_41 : memref<1x128x32xf32, #tpu.memory_space<vmem>> -> memref<128x32xf32, #tpu.memory_space<vmem>>
    %dma_start3A_43 = arith.constant 0 : i32
    %dma_start3A_44 = tpu.memref_slice %arg9[%dma_start3A_37, %dma_start3A_38, %dma_start3A_43] : memref<2x2x128xi32, #tpu.memory_space<vmem>> -> memref<1x1x128xi32, #tpu.memory_space<vmem>>
    %dma_start3A_45 = tpu.memref_squeeze %dma_start3A_44 : memref<1x1x128xi32, #tpu.memory_space<vmem>> -> memref<128xi32, #tpu.memory_space<vmem>>
    %dma_start3A_46 = arith.constant 0 : i32
    %dma_start3A_47 = arith.constant 0 : i32
    %dma_start3A_48 = tpu.memref_slice %arg15[%dma_start3A_46, %dma_start3A_47] : memref<50176x32xf32, #tpu.memory_space<vmem_shared>> -> memref<50176x32xf32, #tpu.memory_space<vmem_shared>>
    tpu.enqueue_indirect_dma source(%dma_start3A_42 : memref<128x32xf32, #tpu.memory_space<vmem>>) target(%dma_start3A_48 : memref<50176x32xf32, #tpu.memory_space<vmem_shared>>) offsets(%dma_start3A_45 : memref<128xi32, #tpu.memory_space<vmem>>) semaphore(%arg19 : memref<!tpu.dma_semaphore, #tpu.memory_space<semaphore_mem>>) {add = true}
    tpu.wait_dma2 semaphore(%arg19 : memref<!tpu.dma_semaphore, #tpu.memory_space<semaphore_mem>>) src(%arg6 : memref<2x128x32xf32, #tpu.memory_space<hbm>>) dst(%arg14 : memref<2x128x32xf32, #tpu.memory_space<vmem>>)
    tpu.wait_dma2 semaphore(%arg19 : memref<!tpu.dma_semaphore, #tpu.memory_space<semaphore_mem>>) src(%arg6 : memref<2x128x32xf32, #tpu.memory_space<hbm>>) dst(%arg12 : memref<2x128x32xf32, #tpu.memory_space<vmem>>)
    %barrier3A_49 = arith.constant 0 : index
    tpu.barrier barrier_id(%barrier3A_49)
    %eq3A = arith.constant 0 : i32
    %eq3A_50 = arith.cmpi eq, %arg0, %eq3A : i32
    %lt3A = arith.constant 15 : i32
    %lt3A_51 = arith.cmpi slt, %arg1, %lt3A : i32
    %and3A = arith.andi %eq3A_50, %lt3A_51 : i1
    %convert_element_type3A = arith.extui %and3A : i1 to i32
    %cond3A = arith.constant 0 : i32
    %cond3A_52 = arith.cmpi ne, %convert_element_type3A, %cond3A : i32
    scf.if %cond3A_52 {
      %mul3A_77 = arith.constant 3128 : i32
      %mul3A_78 = arith.muli %arg1, %mul3A_77 : i32
      %mul3A_79 = arith.constant 3128 : i32
      %mul3A_80 = arith.muli %arg1, %mul3A_79 : i32
      "tpu.region"() ({
        %run_scoped3A_81 = tpu.sem_alloc : memref<!tpu.dma_semaphore, #tpu.memory_space<semaphore_mem>>
        %dma_start3A_82 = arith.constant 0 : i32
        %dma_start3A_83 = tpu.memref_slice %arg7[%mul3A_80, %dma_start3A_82] : memref<50000x32xf32, #tpu.memory_space<hbm>> -> memref<3128x32xf32, #tpu.memory_space<hbm>>
        %dma_start3A_84 = arith.constant 0 : i32
        %dma_start3A_85 = tpu.memref_slice %arg15[%mul3A_78, %dma_start3A_84] : memref<50176x32xf32, #tpu.memory_space<vmem_shared>> -> memref<3128x32xf32, #tpu.memory_space<vmem_shared>>
        tpu.enqueue_dma source(%dma_start3A_85 : memref<3128x32xf32, #tpu.memory_space<vmem_shared>>) target(%dma_start3A_83 : memref<3128x32xf32, #tpu.memory_space<hbm>>) target_semaphore(%run_scoped3A_81 : memref<!tpu.dma_semaphore, #tpu.memory_space<semaphore_mem>>)
        %dma_wait3A = arith.constant 0 : i32
        %dma_wait3A_86 = tpu.memref_slice %arg7[%mul3A_80, %dma_wait3A] : memref<50000x32xf32, #tpu.memory_space<hbm>> -> memref<3128x32xf32, #tpu.memory_space<hbm>>
        %dma_wait3A_87 = arith.constant 0 : i32
        %dma_wait3A_88 = tpu.memref_slice %arg15[%mul3A_78, %dma_wait3A_87] : memref<50176x32xf32, #tpu.memory_space<vmem_shared>> -> memref<3128x32xf32, #tpu.memory_space<vmem_shared>>
        tpu.wait_dma2 semaphore(%run_scoped3A_81 : memref<!tpu.dma_semaphore, #tpu.memory_space<semaphore_mem>>) src(%dma_wait3A_88 : memref<3128x32xf32, #tpu.memory_space<vmem_shared>>) dst(%dma_wait3A_86 : memref<3128x32xf32, #tpu.memory_space<hbm>>)
        tpu.yield
      }) : () -> ()
    } else {
    }
    %eq3A_53 = arith.constant 0 : i32
    %eq3A_54 = arith.cmpi eq, %arg0, %eq3A_53 : i32
    %eq3A_55 = arith.constant 15 : i32
    %eq3A_56 = arith.cmpi eq, %arg1, %eq3A_55 : i32
    %and3A_57 = arith.andi %eq3A_54, %eq3A_56 : i1
    %convert_element_type3A_58 = arith.extui %and3A_57 : i1 to i32
    %cond3A_59 = arith.constant 0 : i32
    %cond3A_60 = arith.cmpi ne, %convert_element_type3A_58, %cond3A_59 : i32
    scf.if %cond3A_60 {
      "tpu.region"() ({
        %run_scoped3A_77 = tpu.sem_alloc : memref<!tpu.dma_semaphore, #tpu.memory_space<semaphore_mem>>
        %dma_start3A_78 = arith.constant 46920 : i32
        %dma_start3A_79 = arith.constant 0 : i32
        %dma_start3A_80 = tpu.memref_slice %arg7[%dma_start3A_78, %dma_start3A_79] : memref<50000x32xf32, #tpu.memory_space<hbm>> -> memref<3080x32xf32, #tpu.memory_space<hbm>>
        %dma_start3A_81 = arith.constant 46920 : i32
        %dma_start3A_82 = arith.constant 0 : i32
        %dma_start3A_83 = tpu.memref_slice %arg15[%dma_start3A_81, %dma_start3A_82] : memref<50176x32xf32, #tpu.memory_space<vmem_shared>> -> memref<3080x32xf32, #tpu.memory_space<vmem_shared>>
        tpu.enqueue_dma source(%dma_start3A_83 : memref<3080x32xf32, #tpu.memory_space<vmem_shared>>) target(%dma_start3A_80 : memref<3080x32xf32, #tpu.memory_space<hbm>>) target_semaphore(%run_scoped3A_77 : memref<!tpu.dma_semaphore, #tpu.memory_space<semaphore_mem>>)
        %dma_wait3A = arith.constant 46920 : i32
        %dma_wait3A_84 = arith.constant 0 : i32
        %dma_wait3A_85 = tpu.memref_slice %arg7[%dma_wait3A, %dma_wait3A_84] : memref<50000x32xf32, #tpu.memory_space<hbm>> -> memref<3080x32xf32, #tpu.memory_space<hbm>>
        %dma_wait3A_86 = arith.constant 46920 : i32
        %dma_wait3A_87 = arith.constant 0 : i32
        %dma_wait3A_88 = tpu.memref_slice %arg15[%dma_wait3A_86, %dma_wait3A_87] : memref<50176x32xf32, #tpu.memory_space<vmem_shared>> -> memref<3080x32xf32, #tpu.memory_space<vmem_shared>>
        tpu.wait_dma2 semaphore(%run_scoped3A_77 : memref<!tpu.dma_semaphore, #tpu.memory_space<semaphore_mem>>) src(%dma_wait3A_88 : memref<3080x32xf32, #tpu.memory_space<vmem_shared>>) dst(%dma_wait3A_85 : memref<3080x32xf32, #tpu.memory_space<hbm>>)
        tpu.yield
      }) : () -> ()
    } else {
    }
    %eq3A_61 = arith.constant 1 : i32
    %eq3A_62 = arith.cmpi eq, %arg0, %eq3A_61 : i32
    %lt3A_63 = arith.constant 15 : i32
    %lt3A_64 = arith.cmpi slt, %arg1, %lt3A_63 : i32
    %and3A_65 = arith.andi %eq3A_62, %lt3A_64 : i1
    %convert_element_type3A_66 = arith.extui %and3A_65 : i1 to i32
    %cond3A_67 = arith.constant 0 : i32
    %cond3A_68 = arith.cmpi ne, %convert_element_type3A_66, %cond3A_67 : i32
    scf.if %cond3A_68 {
      %mul3A_77 = arith.constant 1720 : i32
      %mul3A_78 = arith.muli %arg1, %mul3A_77 : i32
      %mul3A_79 = arith.constant 1720 : i32
      %mul3A_80 = arith.muli %arg1, %mul3A_79 : i32
      "tpu.region"() ({
        %run_scoped3A_81 = tpu.sem_alloc : memref<!tpu.dma_semaphore, #tpu.memory_space<semaphore_mem>>
        %dma_start3A_82 = arith.constant 0 : i32
        %dma_start3A_83 = tpu.memref_slice %arg8[%mul3A_80, %dma_start3A_82] : memref<27504x32xf32, #tpu.memory_space<hbm>> -> memref<1720x32xf32, #tpu.memory_space<hbm>>
        %dma_start3A_84 = arith.constant 0 : i32
        %dma_start3A_85 = tpu.memref_slice %arg15[%mul3A_78, %dma_start3A_84] : memref<50176x32xf32, #tpu.memory_space<vmem_shared>> -> memref<1720x32xf32, #tpu.memory_space<vmem_shared>>
        tpu.enqueue_dma source(%dma_start3A_85 : memref<1720x32xf32, #tpu.memory_space<vmem_shared>>) target(%dma_start3A_83 : memref<1720x32xf32, #tpu.memory_space<hbm>>) target_semaphore(%run_scoped3A_81 : memref<!tpu.dma_semaphore, #tpu.memory_space<semaphore_mem>>)
        %dma_wait3A = arith.constant 0 : i32
        %dma_wait3A_86 = tpu.memref_slice %arg8[%mul3A_80, %dma_wait3A] : memref<27504x32xf32, #tpu.memory_space<hbm>> -> memref<1720x32xf32, #tpu.memory_space<hbm>>
        %dma_wait3A_87 = arith.constant 0 : i32
        %dma_wait3A_88 = tpu.memref_slice %arg15[%mul3A_78, %dma_wait3A_87] : memref<50176x32xf32, #tpu.memory_space<vmem_shared>> -> memref<1720x32xf32, #tpu.memory_space<vmem_shared>>
        tpu.wait_dma2 semaphore(%run_scoped3A_81 : memref<!tpu.dma_semaphore, #tpu.memory_space<semaphore_mem>>) src(%dma_wait3A_88 : memref<1720x32xf32, #tpu.memory_space<vmem_shared>>) dst(%dma_wait3A_86 : memref<1720x32xf32, #tpu.memory_space<hbm>>)
        tpu.yield
      }) : () -> ()
    } else {
    }
    %eq3A_69 = arith.constant 1 : i32
    %eq3A_70 = arith.cmpi eq, %arg0, %eq3A_69 : i32
    %eq3A_71 = arith.constant 15 : i32
    %eq3A_72 = arith.cmpi eq, %arg1, %eq3A_71 : i32
    %and3A_73 = arith.andi %eq3A_70, %eq3A_72 : i1
    %convert_element_type3A_74 = arith.extui %and3A_73 : i1 to i32
    %cond3A_75 = arith.constant 0 : i32
    %cond3A_76 = arith.cmpi ne, %convert_element_type3A_74, %cond3A_75 : i32
    scf.if %cond3A_76 {
      "tpu.region"() ({
        %run_scoped3A_77 = tpu.sem_alloc : memref<!tpu.dma_semaphore, #tpu.memory_space<semaphore_mem>>
        %dma_start3A_78 = arith.constant 25800 : i32
        %dma_start3A_79 = arith.constant 0 : i32
        %dma_start3A_80 = tpu.memref_slice %arg8[%dma_start3A_78, %dma_start3A_79] : memref<27504x32xf32, #tpu.memory_space<hbm>> -> memref<1704x32xf32, #tpu.memory_space<hbm>>
        %dma_start3A_81 = arith.constant 25800 : i32
        %dma_start3A_82 = arith.constant 0 : i32
        %dma_start3A_83 = tpu.memref_slice %arg15[%dma_start3A_81, %dma_start3A_82] : memref<50176x32xf32, #tpu.memory_space<vmem_shared>> -> memref<1704x32xf32, #tpu.memory_space<vmem_shared>>
        tpu.enqueue_dma source(%dma_start3A_83 : memref<1704x32xf32, #tpu.memory_space<vmem_shared>>) target(%dma_start3A_80 : memref<1704x32xf32, #tpu.memory_space<hbm>>) target_semaphore(%run_scoped3A_77 : memref<!tpu.dma_semaphore, #tpu.memory_space<semaphore_mem>>)
        %dma_wait3A = arith.constant 25800 : i32
        %dma_wait3A_84 = arith.constant 0 : i32
        %dma_wait3A_85 = tpu.memref_slice %arg8[%dma_wait3A, %dma_wait3A_84] : memref<27504x32xf32, #tpu.memory_space<hbm>> -> memref<1704x32xf32, #tpu.memory_space<hbm>>
        %dma_wait3A_86 = arith.constant 25800 : i32
        %dma_wait3A_87 = arith.constant 0 : i32
        %dma_wait3A_88 = tpu.memref_slice %arg15[%dma_wait3A_86, %dma_wait3A_87] : memref<50176x32xf32, #tpu.memory_space<vmem_shared>> -> memref<1704x32xf32, #tpu.memory_space<vmem_shared>>
        tpu.wait_dma2 semaphore(%run_scoped3A_77 : memref<!tpu.dma_semaphore, #tpu.memory_space<semaphore_mem>>) src(%dma_wait3A_88 : memref<1704x32xf32, #tpu.memory_space<vmem_shared>>) dst(%dma_wait3A_85 : memref<1704x32xf32, #tpu.memory_space<hbm>>)
        tpu.yield
      }) : () -> ()
    } else {
    }
    return
  }
}

#map = affine_map<(d0, d1) -> (0, 0, 0)>
#map1 = affine_map<(d0, d1) -> (0, 0)>
module attributes {stable_mosaic.version = 14 : i64} {
  func.func @body(%arg0: i32, %arg1: i32, %arg2: memref<3680x2x128xi32, #tpu.memory_space<hbm>>, %arg3: memref<2x128x16xf32, #tpu.memory_space<hbm>>, %arg4: memref<50000x16xf32, #tpu.memory_space<hbm>>, %arg5: memref<27504x16xf32, #tpu.memory_space<hbm>>, %arg6: memref<2x128xi32, #tpu.memory_space<vmem>>, %arg7: memref<2x128xi32, #tpu.memory_space<vmem>>, %arg8: memref<2x128x16xf32, #tpu.memory_space<vmem>>, %arg9: memref<50176x16xf32, #tpu.memory_space<vmem_shared>>, %arg10: memref<56x16xf32, #tpu.memory_space<vmem>>, %arg11: memref<!tpu.dma_semaphore, #tpu.memory_space<semaphore_mem>>) attributes {dimension_semantics = [#tpu.dimension_semantics<core_parallel>, #tpu.dimension_semantics<subcore_parallel>], iteration_bounds = array<i64: 2, 16>, scalar_prefetch = 0 : i64, scratch_operands = 6 : i64, tpu.core_type = #tpu.core_type<sc_vector_subcore>, window_params = [{transform_indices = #map}, {transform_indices = #map}, {transform_indices = #map1}, {transform_indices = #map1}]} {
    %scan3A = arith.constant 0 : i32
    %scan3A_0 = arith.constant 0 : i32
    %scan3A_1 = arith.constant 56 : i32
    %scan3A_2 = arith.addi %scan3A_0, %scan3A_1 : i32
    %scan3A_3 = arith.constant 1 : i32
    %scan3A_4 = scf.for %scan3A_58 = %scan3A_0 to %scan3A_2 step %scan3A_3 iter_args(%scan3A_59 = %scan3A) -> (i32)  : i32 {
      %broadcast_in_dim3A = arith.constant 0.000000e+00 : f32
      %broadcast_in_dim3A_60 = vector.broadcast %broadcast_in_dim3A : f32 to vector<16xf32>
      %swap3A = arith.index_cast %scan3A_58 : i32 to index
      %swap3A_61 = arith.constant 0 : index
      %swap3A_62 = tpu.vector_load %arg10[%swap3A, %swap3A_61] {strides = array<i32>} : memref<56x16xf32, #tpu.memory_space<vmem>>, vector<1x16xf32>,
      %swap3A_63 = vector.shape_cast %swap3A_62 : vector<1x16xf32> to vector<16xf32>
      %swap3A_64 = vector.shape_cast %broadcast_in_dim3A_60 : vector<16xf32> to vector<1x16xf32>
      tpu.vector_store %arg10[%swap3A, %swap3A_61], %swap3A_64 {strides = array<i32>} : memref<56x16xf32, #tpu.memory_space<vmem>>, vector<1x16xf32>,
      %scan3A_65 = arith.constant 0 : i32
      scf.yield %scan3A_65 : i32
    }
    %scan3A_5 = arith.constant 56 : i32
    %scan3A_6 = arith.constant 0 : i32
    %scan3A_7 = arith.constant 0 : i32
    %scan3A_8 = arith.constant 256 : i32
    %scan3A_9 = arith.addi %scan3A_7, %scan3A_8 : i32
    %scan3A_10 = arith.constant 1 : i32
    %scan3A_11 = scf.for %scan3A_58 = %scan3A_7 to %scan3A_9 step %scan3A_10 iter_args(%scan3A_59 = %scan3A_6) -> (i32)  : i32 {
      %broadcast_in_dim3A = arith.constant 1.000000e+00 : f32
      %broadcast_in_dim3A_60 = vector.broadcast %broadcast_in_dim3A : f32 to vector<16xf32>
      %jit3A = arith.constant 128 : i32
      %div3A = arith.divsi %scan3A_58, %jit3A : i32
      %sign3A = arith.constant 0 : i32
      %sign3A_61 = arith.cmpi sgt, %scan3A_58, %sign3A : i32
      %sign3A_62 = arith.extui %sign3A_61 : i1 to i32
      %sign3A_63 = arith.constant 0 : i32
      %sign3A_64 = arith.cmpi slt, %scan3A_58, %sign3A_63 : i32
      %sign3A_65 = arith.extui %sign3A_64 : i1 to i32
      %sign3A_66 = arith.subi %sign3A_62, %sign3A_65 : i32
      %sign3A_67 = arith.constant 0 : i32
      %sign3A_68 = arith.cmpi sgt, %jit3A, %sign3A_67 : i32
      %sign3A_69 = arith.extui %sign3A_68 : i1 to i32
      %sign3A_70 = arith.constant 0 : i32
      %sign3A_71 = arith.cmpi slt, %jit3A, %sign3A_70 : i32
      %sign3A_72 = arith.extui %sign3A_71 : i1 to i32
      %sign3A_73 = arith.subi %sign3A_69, %sign3A_72 : i32
      %ne3A = arith.cmpi ne, %sign3A_66, %sign3A_73 : i32
      %rem3A = arith.remsi %scan3A_58, %jit3A : i32
      %ne3A_74 = arith.constant 0 : i32
      %ne3A_75 = arith.cmpi ne, %rem3A, %ne3A_74 : i32
      %and3A_76 = arith.andi %ne3A, %ne3A_75 : i1
      %sub3A = arith.constant 1 : i32
      %sub3A_77 = arith.subi %div3A, %sub3A : i32
      %select_n3A = arith.select %and3A_76, %sub3A_77, %div3A : i32
      %jit3A_78 = arith.constant 128 : i32
      %eq3A_79 = arith.constant 0 : i32
      %eq3A_80 = arith.cmpi eq, %jit3A_78, %eq3A_79 : i32
      %jit3A_81 = arith.constant 1 : i32
      %select_n3A_82 = arith.select %eq3A_80, %jit3A_81, %jit3A_78 : i32
      %rem3A_83 = arith.remsi %scan3A_58, %select_n3A_82 : i32
      %ne3A_84 = arith.constant 0 : i32
      %ne3A_85 = arith.cmpi ne, %rem3A_83, %ne3A_84 : i32
      %lt3A_86 = arith.constant 0 : i32
      %lt3A_87 = arith.cmpi slt, %rem3A_83, %lt3A_86 : i32
      %lt3A_88 = arith.constant 0 : i32
      %lt3A_89 = arith.cmpi slt, %select_n3A_82, %lt3A_88 : i32
      %ne3A_90 = arith.xori %lt3A_87, %lt3A_89 : i1
      %and3A_91 = arith.andi %ne3A_90, %ne3A_85 : i1
      %add3A_92 = arith.addi %rem3A_83, %select_n3A_82 : i32
      %select_n3A_93 = arith.select %and3A_91, %add3A_92, %rem3A_83 : i32
      %swap3A = arith.index_cast %select_n3A : i32 to index
      %swap3A_94 = arith.index_cast %select_n3A_93 : i32 to index
      %swap3A_95 = arith.constant 0 : index
      %swap3A_96 = tpu.vector_load %arg8[%swap3A, %swap3A_94, %swap3A_95] {strides = array<i32>} : memref<2x128x16xf32, #tpu.memory_space<vmem>>, vector<1x1x16xf32>,
      %swap3A_97 = vector.shape_cast %swap3A_96 : vector<1x1x16xf32> to vector<16xf32>
      %swap3A_98 = vector.shape_cast %broadcast_in_dim3A_60 : vector<16xf32> to vector<1x1x16xf32>
      tpu.vector_store %arg8[%swap3A, %swap3A_94, %swap3A_95], %swap3A_98 {strides = array<i32>} : memref<2x128x16xf32, #tpu.memory_space<vmem>>, vector<1x1x16xf32>,
      %scan3A_99 = arith.constant 0 : i32
      scf.yield %scan3A_99 : i32
    }
    %scan3A_12 = arith.constant 256 : i32
    %scan3A_13 = arith.constant 0 : i32
    %scan3A_14 = arith.constant 0 : i32
    %scan3A_15 = arith.constant 56 : i32
    %scan3A_16 = arith.addi %scan3A_14, %scan3A_15 : i32
    %scan3A_17 = arith.constant 1 : i32
    %scan3A_18 = scf.for %scan3A_58 = %scan3A_14 to %scan3A_16 step %scan3A_17 iter_args(%scan3A_59 = %scan3A_13) -> (i32)  : i32 {
      %mul3A_60 = arith.constant 3136 : i32
      %mul3A_61 = arith.muli %arg1, %mul3A_60 : i32
      %mul3A_62 = arith.constant 56 : i32
      %mul3A_63 = arith.muli %scan3A_58, %mul3A_62 : i32
      %add3A_64 = arith.addi %mul3A_61, %mul3A_63 : i32
      "tpu.region"() ({
        %run_scoped3A = tpu.sem_alloc : memref<!tpu.dma_semaphore, #tpu.memory_space<semaphore_mem>>
        %dma_start3A = arith.constant 0 : i32
        %dma_start3A_66 = tpu.memref_slice %arg9[%add3A_64, %dma_start3A] : memref<50176x16xf32, #tpu.memory_space<vmem_shared>> -> memref<56x16xf32, #tpu.memory_space<vmem_shared>>
        %dma_start3A_67 = arith.constant 0 : i32
        %dma_start3A_68 = tpu.memref_slice %arg9[%add3A_64, %dma_start3A_67] : memref<50176x16xf32, #tpu.memory_space<vmem_shared>> -> memref<56x16xf32, #tpu.memory_space<vmem_shared>>
        tpu.enqueue_dma source(%arg10 : memref<56x16xf32, #tpu.memory_space<vmem>>) target(%dma_start3A_68 : memref<56x16xf32, #tpu.memory_space<vmem_shared>>) target_semaphore(%run_scoped3A : memref<!tpu.dma_semaphore, #tpu.memory_space<semaphore_mem>>)
        %dma_wait3A = arith.constant 0 : i32
        %dma_wait3A_69 = tpu.memref_slice %arg9[%add3A_64, %dma_wait3A] : memref<50176x16xf32, #tpu.memory_space<vmem_shared>> -> memref<56x16xf32, #tpu.memory_space<vmem_shared>>
        %dma_wait3A_70 = arith.constant 0 : i32
        %dma_wait3A_71 = tpu.memref_slice %arg9[%add3A_64, %dma_wait3A_70] : memref<50176x16xf32, #tpu.memory_space<vmem_shared>> -> memref<56x16xf32, #tpu.memory_space<vmem_shared>>
        tpu.wait_dma2 semaphore(%run_scoped3A : memref<!tpu.dma_semaphore, #tpu.memory_space<semaphore_mem>>) src(%arg10 : memref<56x16xf32, #tpu.memory_space<vmem>>) dst(%dma_wait3A_71 : memref<56x16xf32, #tpu.memory_space<vmem_shared>>)
        tpu.yield
      }) : () -> ()
      %scan3A_65 = arith.constant 0 : i32
      scf.yield %scan3A_65 : i32
    }
    %scan3A_19 = arith.constant 56 : i32
    %barrier3A = arith.constant 0 : index
    tpu.barrier barrier_id(%barrier3A)
    %mul3A = arith.constant 16 : i32
    %mul3A_20 = arith.muli %arg0, %mul3A : i32
    %add3A = arith.addi %mul3A_20, %arg1 : i32
    %mul3A_21 = arith.constant 115 : i32
    %mul3A_22 = arith.muli %add3A, %mul3A_21 : i32
    %scan3A_23 = arith.constant 0 : i32
    %scan3A_24 = arith.constant 0 : i32
    %scan3A_25 = arith.constant 115 : i32
    %scan3A_26 = arith.addi %scan3A_24, %scan3A_25 : i32
    %scan3A_27 = arith.constant 1 : i32
    %scan3A_28 = scf.for %scan3A_58 = %scan3A_24 to %scan3A_26 step %scan3A_27 iter_args(%scan3A_59 = %scan3A_23) -> (i32)  : i32 {
      %jit3A = arith.constant 2 : i32
      %eq3A_60 = arith.constant 0 : i32
      %eq3A_61 = arith.cmpi eq, %jit3A, %eq3A_60 : i32
      %jit3A_62 = arith.constant 1 : i32
      %select_n3A = arith.select %eq3A_61, %jit3A_62, %jit3A : i32
      %rem3A = arith.remsi %scan3A_58, %select_n3A : i32
      %ne3A = arith.constant 0 : i32
      %ne3A_63 = arith.cmpi ne, %rem3A, %ne3A : i32
      %lt3A_64 = arith.constant 0 : i32
      %lt3A_65 = arith.cmpi slt, %rem3A, %lt3A_64 : i32
      %lt3A_66 = arith.constant 0 : i32
      %lt3A_67 = arith.cmpi slt, %select_n3A, %lt3A_66 : i32
      %ne3A_68 = arith.xori %lt3A_65, %lt3A_67 : i1
      %and3A_69 = arith.andi %ne3A_68, %ne3A_63 : i1
      %add3A_70 = arith.addi %rem3A, %select_n3A : i32
      %select_n3A_71 = arith.select %and3A_69, %add3A_70, %rem3A : i32
      %eq3A_72 = arith.constant 0 : i32
      %eq3A_73 = arith.cmpi eq, %select_n3A_71, %eq3A_72 : i32
      %convert_element_type3A_74 = arith.extui %eq3A_73 : i1 to i32
      %cond3A_75 = arith.constant 0 : i32
      %cond3A_76 = arith.cmpi ne, %convert_element_type3A_74, %cond3A_75 : i32
      scf.if %cond3A_76 {
        %ge3A = arith.constant 2 : i32
        %ge3A_99 = arith.cmpi sge, %scan3A_58, %ge3A : i32
        %convert_element_type3A_100 = arith.extui %ge3A_99 : i1 to i32
        %cond3A_101 = arith.constant 0 : i32
        %cond3A_102 = arith.cmpi ne, %convert_element_type3A_100, %cond3A_101 : i32
        scf.if %cond3A_102 {
          tpu.wait_dma2 semaphore(%arg11 : memref<!tpu.dma_semaphore, #tpu.memory_space<semaphore_mem>>) src(%arg3 : memref<2x128x16xf32, #tpu.memory_space<hbm>>) dst(%arg8 : memref<2x128x16xf32, #tpu.memory_space<vmem>>)
        } else {
        }
        %add3A_103 = arith.addi %mul3A_22, %scan3A_58 : i32
        "tpu.region"() ({
          %run_scoped3A = tpu.sem_alloc : memref<!tpu.dma_semaphore, #tpu.memory_space<semaphore_mem>>
          %dma_start3A_127 = arith.constant 0 : i32
          %dma_start3A_128 = arith.constant 0 : i32
          %dma_start3A_129 = tpu.memref_slice %arg2[%add3A_103, %dma_start3A_127, %dma_start3A_128] : memref<3680x2x128xi32, #tpu.memory_space<hbm>> -> memref<1x2x128xi32, #tpu.memory_space<hbm>>
          %dma_start3A_130 = tpu.memref_squeeze %dma_start3A_129 : memref<1x2x128xi32, #tpu.memory_space<hbm>> -> memref<2x128xi32, #tpu.memory_space<hbm>>
          %dma_start3A_131 = arith.constant 0 : i32
          %dma_start3A_132 = arith.constant 0 : i32
          %dma_start3A_133 = tpu.memref_slice %arg2[%add3A_103, %dma_start3A_131, %dma_start3A_132] : memref<3680x2x128xi32, #tpu.memory_space<hbm>> -> memref<1x2x128xi32, #tpu.memory_space<hbm>>
          %dma_start3A_134 = tpu.memref_squeeze %dma_start3A_133 : memref<1x2x128xi32, #tpu.memory_space<hbm>> -> memref<2x128xi32, #tpu.memory_space<hbm>>
          tpu.enqueue_dma source(%dma_start3A_134 : memref<2x128xi32, #tpu.memory_space<hbm>>) target(%arg6 : memref<2x128xi32, #tpu.memory_space<vmem>>) target_semaphore(%run_scoped3A : memref<!tpu.dma_semaphore, #tpu.memory_space<semaphore_mem>>)
          %dma_wait3A = arith.constant 0 : i32
          %dma_wait3A_135 = arith.constant 0 : i32
          %dma_wait3A_136 = tpu.memref_slice %arg2[%add3A_103, %dma_wait3A, %dma_wait3A_135] : memref<3680x2x128xi32, #tpu.memory_space<hbm>> -> memref<1x2x128xi32, #tpu.memory_space<hbm>>
          %dma_wait3A_137 = tpu.memref_squeeze %dma_wait3A_136 : memref<1x2x128xi32, #tpu.memory_space<hbm>> -> memref<2x128xi32, #tpu.memory_space<hbm>>
          %dma_wait3A_138 = arith.constant 0 : i32
          %dma_wait3A_139 = arith.constant 0 : i32
          %dma_wait3A_140 = tpu.memref_slice %arg2[%add3A_103, %dma_wait3A_138, %dma_wait3A_139] : memref<3680x2x128xi32, #tpu.memory_space<hbm>> -> memref<1x2x128xi32, #tpu.memory_space<hbm>>
          %dma_wait3A_141 = tpu.memref_squeeze %dma_wait3A_140 : memref<1x2x128xi32, #tpu.memory_space<hbm>> -> memref<2x128xi32, #tpu.memory_space<hbm>>
          tpu.wait_dma2 semaphore(%run_scoped3A : memref<!tpu.dma_semaphore, #tpu.memory_space<semaphore_mem>>) src(%dma_wait3A_141 : memref<2x128xi32, #tpu.memory_space<hbm>>) dst(%arg6 : memref<2x128xi32, #tpu.memory_space<vmem>>)
          tpu.yield
        }) : () -> ()
        %dma_start3A = arith.constant 0 : i32
        %dma_start3A_104 = arith.constant 0 : i32
        %dma_start3A_105 = arith.constant 0 : i32
        %dma_start3A_106 = arith.constant 0 : i32
        %dma_start3A_107 = tpu.memref_slice %arg8[%dma_start3A, %dma_start3A_105, %dma_start3A_106] : memref<2x128x16xf32, #tpu.memory_space<vmem>> -> memref<1x128x16xf32, #tpu.memory_space<vmem>>
        %dma_start3A_108 = tpu.memref_squeeze %dma_start3A_107 : memref<1x128x16xf32, #tpu.memory_space<vmem>> -> memref<128x16xf32, #tpu.memory_space<vmem>>
        %dma_start3A_109 = arith.constant 0 : i32
        %dma_start3A_110 = tpu.memref_slice %arg6[%dma_start3A_104, %dma_start3A_109] : memref<2x128xi32, #tpu.memory_space<vmem>> -> memref<1x128xi32, #tpu.memory_space<vmem>>
        %dma_start3A_111 = tpu.memref_squeeze %dma_start3A_110 : memref<1x128xi32, #tpu.memory_space<vmem>> -> memref<128xi32, #tpu.memory_space<vmem>>
        %dma_start3A_112 = arith.constant 0 : i32
        %dma_start3A_113 = arith.constant 0 : i32
        %dma_start3A_114 = tpu.memref_slice %arg9[%dma_start3A_112, %dma_start3A_113] : memref<50176x16xf32, #tpu.memory_space<vmem_shared>> -> memref<50176x16xf32, #tpu.memory_space<vmem_shared>>
        tpu.enqueue_indirect_dma source(%dma_start3A_108 : memref<128x16xf32, #tpu.memory_space<vmem>>) target(%dma_start3A_114 : memref<50176x16xf32, #tpu.memory_space<vmem_shared>>) offsets(%dma_start3A_111 : memref<128xi32, #tpu.memory_space<vmem>>) semaphore(%arg11 : memref<!tpu.dma_semaphore, #tpu.memory_space<semaphore_mem>>) {add = true}
        %dma_start3A_115 = arith.constant 1 : i32
        %dma_start3A_116 = arith.constant 1 : i32
        %dma_start3A_117 = arith.constant 0 : i32
        %dma_start3A_118 = arith.constant 0 : i32
        %dma_start3A_119 = tpu.memref_slice %arg8[%dma_start3A_115, %dma_start3A_117, %dma_start3A_118] : memref<2x128x16xf32, #tpu.memory_space<vmem>> -> memref<1x128x16xf32, #tpu.memory_space<vmem>>
        %dma_start3A_120 = tpu.memref_squeeze %dma_start3A_119 : memref<1x128x16xf32, #tpu.memory_space<vmem>> -> memref<128x16xf32, #tpu.memory_space<vmem>>
        %dma_start3A_121 = arith.constant 0 : i32
        %dma_start3A_122 = tpu.memref_slice %arg6[%dma_start3A_116, %dma_start3A_121] : memref<2x128xi32, #tpu.memory_space<vmem>> -> memref<1x128xi32, #tpu.memory_space<vmem>>
        %dma_start3A_123 = tpu.memref_squeeze %dma_start3A_122 : memref<1x128xi32, #tpu.memory_space<vmem>> -> memref<128xi32, #tpu.memory_space<vmem>>
        %dma_start3A_124 = arith.constant 0 : i32
        %dma_start3A_125 = arith.constant 0 : i32
        %dma_start3A_126 = tpu.memref_slice %arg9[%dma_start3A_124, %dma_start3A_125] : memref<50176x16xf32, #tpu.memory_space<vmem_shared>> -> memref<50176x16xf32, #tpu.memory_space<vmem_shared>>
        tpu.enqueue_indirect_dma source(%dma_start3A_120 : memref<128x16xf32, #tpu.memory_space<vmem>>) target(%dma_start3A_126 : memref<50176x16xf32, #tpu.memory_space<vmem_shared>>) offsets(%dma_start3A_123 : memref<128xi32, #tpu.memory_space<vmem>>) semaphore(%arg11 : memref<!tpu.dma_semaphore, #tpu.memory_space<semaphore_mem>>) {add = true}
      } else {
      }
      %jit3A_77 = arith.constant 2 : i32
      %eq3A_78 = arith.constant 0 : i32
      %eq3A_79 = arith.cmpi eq, %jit3A_77, %eq3A_78 : i32
      %jit3A_80 = arith.constant 1 : i32
      %select_n3A_81 = arith.select %eq3A_79, %jit3A_80, %jit3A_77 : i32
      %rem3A_82 = arith.remsi %scan3A_58, %select_n3A_81 : i32
      %ne3A_83 = arith.constant 0 : i32
      %ne3A_84 = arith.cmpi ne, %rem3A_82, %ne3A_83 : i32
      %lt3A_85 = arith.constant 0 : i32
      %lt3A_86 = arith.cmpi slt, %rem3A_82, %lt3A_85 : i32
      %lt3A_87 = arith.constant 0 : i32
      %lt3A_88 = arith.cmpi slt, %select_n3A_81, %lt3A_87 : i32
      %ne3A_89 = arith.xori %lt3A_86, %lt3A_88 : i1
      %and3A_90 = arith.andi %ne3A_89, %ne3A_84 : i1
      %add3A_91 = arith.addi %rem3A_82, %select_n3A_81 : i32
      %select_n3A_92 = arith.select %and3A_90, %add3A_91, %rem3A_82 : i32
      %eq3A_93 = arith.constant 1 : i32
      %eq3A_94 = arith.cmpi eq, %select_n3A_92, %eq3A_93 : i32
      %convert_element_type3A_95 = arith.extui %eq3A_94 : i1 to i32
      %cond3A_96 = arith.constant 0 : i32
      %cond3A_97 = arith.cmpi ne, %convert_element_type3A_95, %cond3A_96 : i32
      scf.if %cond3A_97 {
        %ge3A = arith.constant 2 : i32
        %ge3A_99 = arith.cmpi sge, %scan3A_58, %ge3A : i32
        %convert_element_type3A_100 = arith.extui %ge3A_99 : i1 to i32
        %cond3A_101 = arith.constant 0 : i32
        %cond3A_102 = arith.cmpi ne, %convert_element_type3A_100, %cond3A_101 : i32
        scf.if %cond3A_102 {
          tpu.wait_dma2 semaphore(%arg11 : memref<!tpu.dma_semaphore, #tpu.memory_space<semaphore_mem>>) src(%arg3 : memref<2x128x16xf32, #tpu.memory_space<hbm>>) dst(%arg8 : memref<2x128x16xf32, #tpu.memory_space<vmem>>)
        } else {
        }
        %add3A_103 = arith.addi %mul3A_22, %scan3A_58 : i32
        "tpu.region"() ({
          %run_scoped3A = tpu.sem_alloc : memref<!tpu.dma_semaphore, #tpu.memory_space<semaphore_mem>>
          %dma_start3A_127 = arith.constant 0 : i32
          %dma_start3A_128 = arith.constant 0 : i32
          %dma_start3A_129 = tpu.memref_slice %arg2[%add3A_103, %dma_start3A_127, %dma_start3A_128] : memref<3680x2x128xi32, #tpu.memory_space<hbm>> -> memref<1x2x128xi32, #tpu.memory_space<hbm>>
          %dma_start3A_130 = tpu.memref_squeeze %dma_start3A_129 : memref<1x2x128xi32, #tpu.memory_space<hbm>> -> memref<2x128xi32, #tpu.memory_space<hbm>>
          %dma_start3A_131 = arith.constant 0 : i32
          %dma_start3A_132 = arith.constant 0 : i32
          %dma_start3A_133 = tpu.memref_slice %arg2[%add3A_103, %dma_start3A_131, %dma_start3A_132] : memref<3680x2x128xi32, #tpu.memory_space<hbm>> -> memref<1x2x128xi32, #tpu.memory_space<hbm>>
          %dma_start3A_134 = tpu.memref_squeeze %dma_start3A_133 : memref<1x2x128xi32, #tpu.memory_space<hbm>> -> memref<2x128xi32, #tpu.memory_space<hbm>>
          tpu.enqueue_dma source(%dma_start3A_134 : memref<2x128xi32, #tpu.memory_space<hbm>>) target(%arg7 : memref<2x128xi32, #tpu.memory_space<vmem>>) target_semaphore(%run_scoped3A : memref<!tpu.dma_semaphore, #tpu.memory_space<semaphore_mem>>)
          %dma_wait3A = arith.constant 0 : i32
          %dma_wait3A_135 = arith.constant 0 : i32
          %dma_wait3A_136 = tpu.memref_slice %arg2[%add3A_103, %dma_wait3A, %dma_wait3A_135] : memref<3680x2x128xi32, #tpu.memory_space<hbm>> -> memref<1x2x128xi32, #tpu.memory_space<hbm>>
          %dma_wait3A_137 = tpu.memref_squeeze %dma_wait3A_136 : memref<1x2x128xi32, #tpu.memory_space<hbm>> -> memref<2x128xi32, #tpu.memory_space<hbm>>
          %dma_wait3A_138 = arith.constant 0 : i32
          %dma_wait3A_139 = arith.constant 0 : i32
          %dma_wait3A_140 = tpu.memref_slice %arg2[%add3A_103, %dma_wait3A_138, %dma_wait3A_139] : memref<3680x2x128xi32, #tpu.memory_space<hbm>> -> memref<1x2x128xi32, #tpu.memory_space<hbm>>
          %dma_wait3A_141 = tpu.memref_squeeze %dma_wait3A_140 : memref<1x2x128xi32, #tpu.memory_space<hbm>> -> memref<2x128xi32, #tpu.memory_space<hbm>>
          tpu.wait_dma2 semaphore(%run_scoped3A : memref<!tpu.dma_semaphore, #tpu.memory_space<semaphore_mem>>) src(%dma_wait3A_141 : memref<2x128xi32, #tpu.memory_space<hbm>>) dst(%arg7 : memref<2x128xi32, #tpu.memory_space<vmem>>)
          tpu.yield
        }) : () -> ()
        %dma_start3A = arith.constant 0 : i32
        %dma_start3A_104 = arith.constant 0 : i32
        %dma_start3A_105 = arith.constant 0 : i32
        %dma_start3A_106 = arith.constant 0 : i32
        %dma_start3A_107 = tpu.memref_slice %arg8[%dma_start3A, %dma_start3A_105, %dma_start3A_106] : memref<2x128x16xf32, #tpu.memory_space<vmem>> -> memref<1x128x16xf32, #tpu.memory_space<vmem>>
        %dma_start3A_108 = tpu.memref_squeeze %dma_start3A_107 : memref<1x128x16xf32, #tpu.memory_space<vmem>> -> memref<128x16xf32, #tpu.memory_space<vmem>>
        %dma_start3A_109 = arith.constant 0 : i32
        %dma_start3A_110 = tpu.memref_slice %arg7[%dma_start3A_104, %dma_start3A_109] : memref<2x128xi32, #tpu.memory_space<vmem>> -> memref<1x128xi32, #tpu.memory_space<vmem>>
        %dma_start3A_111 = tpu.memref_squeeze %dma_start3A_110 : memref<1x128xi32, #tpu.memory_space<vmem>> -> memref<128xi32, #tpu.memory_space<vmem>>
        %dma_start3A_112 = arith.constant 0 : i32
        %dma_start3A_113 = arith.constant 0 : i32
        %dma_start3A_114 = tpu.memref_slice %arg9[%dma_start3A_112, %dma_start3A_113] : memref<50176x16xf32, #tpu.memory_space<vmem_shared>> -> memref<50176x16xf32, #tpu.memory_space<vmem_shared>>
        tpu.enqueue_indirect_dma source(%dma_start3A_108 : memref<128x16xf32, #tpu.memory_space<vmem>>) target(%dma_start3A_114 : memref<50176x16xf32, #tpu.memory_space<vmem_shared>>) offsets(%dma_start3A_111 : memref<128xi32, #tpu.memory_space<vmem>>) semaphore(%arg11 : memref<!tpu.dma_semaphore, #tpu.memory_space<semaphore_mem>>) {add = true}
        %dma_start3A_115 = arith.constant 1 : i32
        %dma_start3A_116 = arith.constant 1 : i32
        %dma_start3A_117 = arith.constant 0 : i32
        %dma_start3A_118 = arith.constant 0 : i32
        %dma_start3A_119 = tpu.memref_slice %arg8[%dma_start3A_115, %dma_start3A_117, %dma_start3A_118] : memref<2x128x16xf32, #tpu.memory_space<vmem>> -> memref<1x128x16xf32, #tpu.memory_space<vmem>>
        %dma_start3A_120 = tpu.memref_squeeze %dma_start3A_119 : memref<1x128x16xf32, #tpu.memory_space<vmem>> -> memref<128x16xf32, #tpu.memory_space<vmem>>
        %dma_start3A_121 = arith.constant 0 : i32
        %dma_start3A_122 = tpu.memref_slice %arg7[%dma_start3A_116, %dma_start3A_121] : memref<2x128xi32, #tpu.memory_space<vmem>> -> memref<1x128xi32, #tpu.memory_space<vmem>>
        %dma_start3A_123 = tpu.memref_squeeze %dma_start3A_122 : memref<1x128xi32, #tpu.memory_space<vmem>> -> memref<128xi32, #tpu.memory_space<vmem>>
        %dma_start3A_124 = arith.constant 0 : i32
        %dma_start3A_125 = arith.constant 0 : i32
        %dma_start3A_126 = tpu.memref_slice %arg9[%dma_start3A_124, %dma_start3A_125] : memref<50176x16xf32, #tpu.memory_space<vmem_shared>> -> memref<50176x16xf32, #tpu.memory_space<vmem_shared>>
        tpu.enqueue_indirect_dma source(%dma_start3A_120 : memref<128x16xf32, #tpu.memory_space<vmem>>) target(%dma_start3A_126 : memref<50176x16xf32, #tpu.memory_space<vmem_shared>>) offsets(%dma_start3A_123 : memref<128xi32, #tpu.memory_space<vmem>>) semaphore(%arg11 : memref<!tpu.dma_semaphore, #tpu.memory_space<semaphore_mem>>) {add = true}
      } else {
      }
      %scan3A_98 = arith.constant 0 : i32
      scf.yield %scan3A_98 : i32
    }
    %scan3A_29 = arith.constant 115 : i32
    tpu.wait_dma2 semaphore(%arg11 : memref<!tpu.dma_semaphore, #tpu.memory_space<semaphore_mem>>) src(%arg3 : memref<2x128x16xf32, #tpu.memory_space<hbm>>) dst(%arg8 : memref<2x128x16xf32, #tpu.memory_space<vmem>>)
    tpu.wait_dma2 semaphore(%arg11 : memref<!tpu.dma_semaphore, #tpu.memory_space<semaphore_mem>>) src(%arg3 : memref<2x128x16xf32, #tpu.memory_space<hbm>>) dst(%arg8 : memref<2x128x16xf32, #tpu.memory_space<vmem>>)
    %barrier3A_30 = arith.constant 0 : index
    tpu.barrier barrier_id(%barrier3A_30)
    %eq3A = arith.constant 0 : i32
    %eq3A_31 = arith.cmpi eq, %arg0, %eq3A : i32
    %lt3A = arith.constant 15 : i32
    %lt3A_32 = arith.cmpi slt, %arg1, %lt3A : i32
    %and3A = arith.andi %eq3A_31, %lt3A_32 : i1
    %convert_element_type3A = arith.extui %and3A : i1 to i32
    %cond3A = arith.constant 0 : i32
    %cond3A_33 = arith.cmpi ne, %convert_element_type3A, %cond3A : i32
    scf.if %cond3A_33 {
      %mul3A_58 = arith.constant 3128 : i32
      %mul3A_59 = arith.muli %arg1, %mul3A_58 : i32
      %mul3A_60 = arith.constant 3128 : i32
      %mul3A_61 = arith.muli %arg1, %mul3A_60 : i32
      "tpu.region"() ({
        %run_scoped3A = tpu.sem_alloc : memref<!tpu.dma_semaphore, #tpu.memory_space<semaphore_mem>>
        %dma_start3A = arith.constant 0 : i32
        %dma_start3A_62 = tpu.memref_slice %arg4[%mul3A_61, %dma_start3A] : memref<50000x16xf32, #tpu.memory_space<hbm>> -> memref<3128x16xf32, #tpu.memory_space<hbm>>
        %dma_start3A_63 = arith.constant 0 : i32
        %dma_start3A_64 = tpu.memref_slice %arg9[%mul3A_59, %dma_start3A_63] : memref<50176x16xf32, #tpu.memory_space<vmem_shared>> -> memref<3128x16xf32, #tpu.memory_space<vmem_shared>>
        tpu.enqueue_dma source(%dma_start3A_64 : memref<3128x16xf32, #tpu.memory_space<vmem_shared>>) target(%dma_start3A_62 : memref<3128x16xf32, #tpu.memory_space<hbm>>) target_semaphore(%run_scoped3A : memref<!tpu.dma_semaphore, #tpu.memory_space<semaphore_mem>>)
        %dma_wait3A = arith.constant 0 : i32
        %dma_wait3A_65 = tpu.memref_slice %arg4[%mul3A_61, %dma_wait3A] : memref<50000x16xf32, #tpu.memory_space<hbm>> -> memref<3128x16xf32, #tpu.memory_space<hbm>>
        %dma_wait3A_66 = arith.constant 0 : i32
        %dma_wait3A_67 = tpu.memref_slice %arg9[%mul3A_59, %dma_wait3A_66] : memref<50176x16xf32, #tpu.memory_space<vmem_shared>> -> memref<3128x16xf32, #tpu.memory_space<vmem_shared>>
        tpu.wait_dma2 semaphore(%run_scoped3A : memref<!tpu.dma_semaphore, #tpu.memory_space<semaphore_mem>>) src(%dma_wait3A_67 : memref<3128x16xf32, #tpu.memory_space<vmem_shared>>) dst(%dma_wait3A_65 : memref<3128x16xf32, #tpu.memory_space<hbm>>)
        tpu.yield
      }) : () -> ()
    } else {
    }
    %eq3A_34 = arith.constant 0 : i32
    %eq3A_35 = arith.cmpi eq, %arg0, %eq3A_34 : i32
    %eq3A_36 = arith.constant 15 : i32
    %eq3A_37 = arith.cmpi eq, %arg1, %eq3A_36 : i32
    %and3A_38 = arith.andi %eq3A_35, %eq3A_37 : i1
    %convert_element_type3A_39 = arith.extui %and3A_38 : i1 to i32
    %cond3A_40 = arith.constant 0 : i32
    %cond3A_41 = arith.cmpi ne, %convert_element_type3A_39, %cond3A_40 : i32
    scf.if %cond3A_41 {
      "tpu.region"() ({
        %run_scoped3A = tpu.sem_alloc : memref<!tpu.dma_semaphore, #tpu.memory_space<semaphore_mem>>
        %dma_start3A = arith.constant 46920 : i32
        %dma_start3A_58 = arith.constant 0 : i32
        %dma_start3A_59 = tpu.memref_slice %arg4[%dma_start3A, %dma_start3A_58] : memref<50000x16xf32, #tpu.memory_space<hbm>> -> memref<3080x16xf32, #tpu.memory_space<hbm>>
        %dma_start3A_60 = arith.constant 46920 : i32
        %dma_start3A_61 = arith.constant 0 : i32
        %dma_start3A_62 = tpu.memref_slice %arg9[%dma_start3A_60, %dma_start3A_61] : memref<50176x16xf32, #tpu.memory_space<vmem_shared>> -> memref<3080x16xf32, #tpu.memory_space<vmem_shared>>
        tpu.enqueue_dma source(%dma_start3A_62 : memref<3080x16xf32, #tpu.memory_space<vmem_shared>>) target(%dma_start3A_59 : memref<3080x16xf32, #tpu.memory_space<hbm>>) target_semaphore(%run_scoped3A : memref<!tpu.dma_semaphore, #tpu.memory_space<semaphore_mem>>)
        %dma_wait3A = arith.constant 46920 : i32
        %dma_wait3A_63 = arith.constant 0 : i32
        %dma_wait3A_64 = tpu.memref_slice %arg4[%dma_wait3A, %dma_wait3A_63] : memref<50000x16xf32, #tpu.memory_space<hbm>> -> memref<3080x16xf32, #tpu.memory_space<hbm>>
        %dma_wait3A_65 = arith.constant 46920 : i32
        %dma_wait3A_66 = arith.constant 0 : i32
        %dma_wait3A_67 = tpu.memref_slice %arg9[%dma_wait3A_65, %dma_wait3A_66] : memref<50176x16xf32, #tpu.memory_space<vmem_shared>> -> memref<3080x16xf32, #tpu.memory_space<vmem_shared>>
        tpu.wait_dma2 semaphore(%run_scoped3A : memref<!tpu.dma_semaphore, #tpu.memory_space<semaphore_mem>>) src(%dma_wait3A_67 : memref<3080x16xf32, #tpu.memory_space<vmem_shared>>) dst(%dma_wait3A_64 : memref<3080x16xf32, #tpu.memory_space<hbm>>)
        tpu.yield
      }) : () -> ()
    } else {
    }
    %eq3A_42 = arith.constant 1 : i32
    %eq3A_43 = arith.cmpi eq, %arg0, %eq3A_42 : i32
    %lt3A_44 = arith.constant 15 : i32
    %lt3A_45 = arith.cmpi slt, %arg1, %lt3A_44 : i32
    %and3A_46 = arith.andi %eq3A_43, %lt3A_45 : i1
    %convert_element_type3A_47 = arith.extui %and3A_46 : i1 to i32
    %cond3A_48 = arith.constant 0 : i32
    %cond3A_49 = arith.cmpi ne, %convert_element_type3A_47, %cond3A_48 : i32
    scf.if %cond3A_49 {
      %mul3A_58 = arith.constant 1720 : i32
      %mul3A_59 = arith.muli %arg1, %mul3A_58 : i32
      %mul3A_60 = arith.constant 1720 : i32
      %mul3A_61 = arith.muli %arg1, %mul3A_60 : i32
      "tpu.region"() ({
        %run_scoped3A = tpu.sem_alloc : memref<!tpu.dma_semaphore, #tpu.memory_space<semaphore_mem>>
        %dma_start3A = arith.constant 0 : i32
        %dma_start3A_62 = tpu.memref_slice %arg5[%mul3A_61, %dma_start3A] : memref<27504x16xf32, #tpu.memory_space<hbm>> -> memref<1720x16xf32, #tpu.memory_space<hbm>>
        %dma_start3A_63 = arith.constant 0 : i32
        %dma_start3A_64 = tpu.memref_slice %arg9[%mul3A_59, %dma_start3A_63] : memref<50176x16xf32, #tpu.memory_space<vmem_shared>> -> memref<1720x16xf32, #tpu.memory_space<vmem_shared>>
        tpu.enqueue_dma source(%dma_start3A_64 : memref<1720x16xf32, #tpu.memory_space<vmem_shared>>) target(%dma_start3A_62 : memref<1720x16xf32, #tpu.memory_space<hbm>>) target_semaphore(%run_scoped3A : memref<!tpu.dma_semaphore, #tpu.memory_space<semaphore_mem>>)
        %dma_wait3A = arith.constant 0 : i32
        %dma_wait3A_65 = tpu.memref_slice %arg5[%mul3A_61, %dma_wait3A] : memref<27504x16xf32, #tpu.memory_space<hbm>> -> memref<1720x16xf32, #tpu.memory_space<hbm>>
        %dma_wait3A_66 = arith.constant 0 : i32
        %dma_wait3A_67 = tpu.memref_slice %arg9[%mul3A_59, %dma_wait3A_66] : memref<50176x16xf32, #tpu.memory_space<vmem_shared>> -> memref<1720x16xf32, #tpu.memory_space<vmem_shared>>
        tpu.wait_dma2 semaphore(%run_scoped3A : memref<!tpu.dma_semaphore, #tpu.memory_space<semaphore_mem>>) src(%dma_wait3A_67 : memref<1720x16xf32, #tpu.memory_space<vmem_shared>>) dst(%dma_wait3A_65 : memref<1720x16xf32, #tpu.memory_space<hbm>>)
        tpu.yield
      }) : () -> ()
    } else {
    }
    %eq3A_50 = arith.constant 1 : i32
    %eq3A_51 = arith.cmpi eq, %arg0, %eq3A_50 : i32
    %eq3A_52 = arith.constant 15 : i32
    %eq3A_53 = arith.cmpi eq, %arg1, %eq3A_52 : i32
    %and3A_54 = arith.andi %eq3A_51, %eq3A_53 : i1
    %convert_element_type3A_55 = arith.extui %and3A_54 : i1 to i32
    %cond3A_56 = arith.constant 0 : i32
    %cond3A_57 = arith.cmpi ne, %convert_element_type3A_55, %cond3A_56 : i32
    scf.if %cond3A_57 {
      "tpu.region"() ({
        %run_scoped3A = tpu.sem_alloc : memref<!tpu.dma_semaphore, #tpu.memory_space<semaphore_mem>>
        %dma_start3A = arith.constant 25800 : i32
        %dma_start3A_58 = arith.constant 0 : i32
        %dma_start3A_59 = tpu.memref_slice %arg5[%dma_start3A, %dma_start3A_58] : memref<27504x16xf32, #tpu.memory_space<hbm>> -> memref<1704x16xf32, #tpu.memory_space<hbm>>
        %dma_start3A_60 = arith.constant 25800 : i32
        %dma_start3A_61 = arith.constant 0 : i32
        %dma_start3A_62 = tpu.memref_slice %arg9[%dma_start3A_60, %dma_start3A_61] : memref<50176x16xf32, #tpu.memory_space<vmem_shared>> -> memref<1704x16xf32, #tpu.memory_space<vmem_shared>>
        tpu.enqueue_dma source(%dma_start3A_62 : memref<1704x16xf32, #tpu.memory_space<vmem_shared>>) target(%dma_start3A_59 : memref<1704x16xf32, #tpu.memory_space<hbm>>) target_semaphore(%run_scoped3A : memref<!tpu.dma_semaphore, #tpu.memory_space<semaphore_mem>>)
        %dma_wait3A = arith.constant 25800 : i32
        %dma_wait3A_63 = arith.constant 0 : i32
        %dma_wait3A_64 = tpu.memref_slice %arg5[%dma_wait3A, %dma_wait3A_63] : memref<27504x16xf32, #tpu.memory_space<hbm>> -> memref<1704x16xf32, #tpu.memory_space<hbm>>
        %dma_wait3A_65 = arith.constant 25800 : i32
        %dma_wait3A_66 = arith.constant 0 : i32
        %dma_wait3A_67 = tpu.memref_slice %arg9[%dma_wait3A_65, %dma_wait3A_66] : memref<50176x16xf32, #tpu.memory_space<vmem_shared>> -> memref<1704x16xf32, #tpu.memory_space<vmem_shared>>
        tpu.wait_dma2 semaphore(%run_scoped3A : memref<!tpu.dma_semaphore, #tpu.memory_space<semaphore_mem>>) src(%dma_wait3A_67 : memref<1704x16xf32, #tpu.memory_space<vmem_shared>>) dst(%dma_wait3A_64 : memref<1704x16xf32, #tpu.memory_space<hbm>>)
        tpu.yield
      }) : () -> ()
    } else {
    }
    return
  }
}

module attributes {stable_mosaic.version = 14 : i64} {
  func.func @_k2_body(%arg0: i32, %arg1: memref<3056x64xf32, #tpu.memory_space<vmem>>, %arg2: memref<64x64xf32, #tpu.memory_space<vmem>>, %arg3: memref<64x64xf32, #tpu.memory_space<vmem>>, %arg4: memref<1x64xf32, #tpu.memory_space<vmem>>, %arg5: memref<3056x32xf32, #tpu.memory_space<vmem>>, %arg6: memref<3056x32xf32, #tpu.memory_space<vmem>>, %arg7: memref<3056x64xf32, #tpu.memory_space<vmem>>) attributes {dimension_semantics = [#tpu.dimension_semantics<arbitrary>], iteration_bounds = array<i64: 9>, scalar_prefetch = 0 : i64, scratch_operands = 0 : i64, tpu.core_type = #tpu.core_type<tc>, window_params = [{transform_indices = @transform_0, window_bounds = array<i64: 3056, 64>}, {pipeline_mode = #tpu.pipeline_mode<synchronous>, transform_indices = @transform_1, window_bounds = array<i64: 64, 64>}, {pipeline_mode = #tpu.pipeline_mode<synchronous>, transform_indices = @transform_2, window_bounds = array<i64: 64, 64>}, {pipeline_mode = #tpu.pipeline_mode<synchronous>, transform_indices = @transform_3, window_bounds = array<i64: 1, 64>}, {transform_indices = @transform_4, window_bounds = array<i64: 3056, 32>}, {transform_indices = @transform_5, window_bounds = array<i64: 3056, 32>}, {transform_indices = @transform_6, window_bounds = array<i64: 3056, 64>}]} {
    %get3A = arith.constant 0 : index
    %get3A_0 = arith.constant 0 : index
    %get3A_1 = vector.load %arg1[%get3A, %get3A_0] : memref<3056x64xf32, #tpu.memory_space<vmem>>, vector<3056x64xf32>
    %get3A_2 = arith.constant 0 : index
    %get3A_3 = arith.constant 0 : index
    %get3A_4 = vector.load %arg2[%get3A_2, %get3A_3] : memref<64x64xf32, #tpu.memory_space<vmem>>, vector<64x64xf32>
    %dot_general3A = arith.constant dense<0.000000e+00> : vector<3056x64xf32>
    %dot_general3A_5 = tpu.matmul %get3A_1, %get3A_4, %dot_general3A {dimension_numbers = #tpu.dot_dimension_numbers<[1], [0], [0], [1], [0, 0, 1, 1], [], []>, transpose_lhs_hint = false} : vector<3056x64xf32>, vector<64x64xf32>, vector<3056x64xf32> -> vector<3056x64xf32>
    %slice3A = vector.extract_strided_slice %dot_general3A_5 {offsets = [0, 0], sizes = [3056, 32], strides = [1, 1]} : vector<3056x64xf32> to vector<3056x32xf32>
    %swap3A = arith.constant 0 : index
    %swap3A_6 = arith.constant 0 : index
    %swap3A_7 = vector.load %arg5[%swap3A, %swap3A_6] : memref<3056x32xf32, #tpu.memory_space<vmem>>, vector<3056x32xf32>
    tpu.vector_store %arg5[%swap3A, %swap3A_6], %slice3A {strides = array<i32>} : memref<3056x32xf32, #tpu.memory_space<vmem>>, vector<3056x32xf32>,
    %slice3A_8 = vector.extract_strided_slice %dot_general3A_5 {offsets = [0, 32], sizes = [3056, 32], strides = [1, 1]} : vector<3056x64xf32> to vector<3056x32xf32>
    %swap3A_9 = arith.constant 0 : index
    %swap3A_10 = arith.constant 0 : index
    %swap3A_11 = vector.load %arg6[%swap3A_9, %swap3A_10] : memref<3056x32xf32, #tpu.memory_space<vmem>>, vector<3056x32xf32>
    tpu.vector_store %arg6[%swap3A_9, %swap3A_10], %slice3A_8 {strides = array<i32>} : memref<3056x32xf32, #tpu.memory_space<vmem>>, vector<3056x32xf32>,
    %get3A_12 = arith.constant 0 : index
    %get3A_13 = arith.constant 0 : index
    %get3A_14 = vector.load %arg3[%get3A_12, %get3A_13] : memref<64x64xf32, #tpu.memory_space<vmem>>, vector<64x64xf32>
    %dot_general3A_15 = arith.constant dense<0.000000e+00> : vector<3056x64xf32>
    %dot_general3A_16 = tpu.matmul %get3A_1, %get3A_14, %dot_general3A_15 {dimension_numbers = #tpu.dot_dimension_numbers<[1], [0], [0], [1], [0, 0, 1, 1], [], []>, transpose_lhs_hint = false} : vector<3056x64xf32>, vector<64x64xf32>, vector<3056x64xf32> -> vector<3056x64xf32>
    %get3A_17 = arith.constant 0 : index
    %get3A_18 = arith.constant 0 : index
    %get3A_19 = vector.load %arg4[%get3A_17, %get3A_18] : memref<1x64xf32, #tpu.memory_space<vmem>>, vector<1x64xf32>
    %add3A = vector.broadcast %get3A_19 : vector<1x64xf32> to vector<3056x64xf32>
    %add3A_20 = arith.addf %dot_general3A_16, %add3A : vector<3056x64xf32>
    %swap3A_21 = arith.constant 0 : index
    %swap3A_22 = arith.constant 0 : index
    %swap3A_23 = vector.load %arg7[%swap3A_21, %swap3A_22] : memref<3056x64xf32, #tpu.memory_space<vmem>>, vector<3056x64xf32>
    tpu.vector_store %arg7[%swap3A_21, %swap3A_22], %add3A_20 {strides = array<i32>} : memref<3056x64xf32, #tpu.memory_space<vmem>>, vector<3056x64xf32>,
    return
  }
  func.func @transform_0(%arg0: i32) -> (i32, i32) {
    %c0_i32 = arith.constant 0 : i32
    %c0_i32_0 = arith.constant 0 : i32
    return %arg0, %c0_i32 : i32, i32
  }
  func.func @transform_1(%arg0: i32) -> (i32, i32) {
    %c0_i32 = arith.constant 0 : i32
    %c0_i32_0 = arith.constant 0 : i32
    %c0_i32_1 = arith.constant 0 : i32
    return %c0_i32, %c0_i32_0 : i32, i32
  }
  func.func @transform_2(%arg0: i32) -> (i32, i32) {
    %c0_i32 = arith.constant 0 : i32
    %c0_i32_0 = arith.constant 0 : i32
    %c0_i32_1 = arith.constant 0 : i32
    return %c0_i32, %c0_i32_0 : i32, i32
  }
  func.func @transform_3(%arg0: i32) -> (i32, i32) {
    %c0_i32 = arith.constant 0 : i32
    %c0_i32_0 = arith.constant 0 : i32
    %c0_i32_1 = arith.constant 0 : i32
    return %c0_i32, %c0_i32_0 : i32, i32
  }
  func.func @transform_4(%arg0: i32) -> (i32, i32) {
    %c0_i32 = arith.constant 0 : i32
    %c0_i32_0 = arith.constant 0 : i32
    return %arg0, %c0_i32 : i32, i32
  }
  func.func @transform_5(%arg0: i32) -> (i32, i32) {
    %c0_i32 = arith.constant 0 : i32
    %c0_i32_0 = arith.constant 0 : i32
    return %arg0, %c0_i32 : i32, i32
  }
  func.func @transform_6(%arg0: i32) -> (i32, i32) {
    %c0_i32 = arith.constant 0 : i32
    %c0_i32_0 = arith.constant 0 : i32
    return %arg0, %c0_i32 : i32, i32
  }
}

module attributes {stable_mosaic.version = 14 : i64} {
  func.func @_k1_body(%arg0: i32, %arg1: memref<2000x384xf32, #tpu.memory_space<vmem>>, %arg2: memref<384x64xf32, #tpu.memory_space<vmem>>, %arg3: memref<1x64xf32, #tpu.memory_space<vmem>>, %arg4: memref<2000x64xf32, #tpu.memory_space<vmem>>) attributes {dimension_semantics = [#tpu.dimension_semantics<arbitrary>], iteration_bounds = array<i64: 25>, scalar_prefetch = 0 : i64, scratch_operands = 0 : i64, tpu.core_type = #tpu.core_type<tc>, window_params = [{transform_indices = @transform_0, window_bounds = array<i64: 2000, 384>}, {pipeline_mode = #tpu.pipeline_mode<synchronous>, transform_indices = @transform_1, window_bounds = array<i64: 384, 64>}, {pipeline_mode = #tpu.pipeline_mode<synchronous>, transform_indices = @transform_2, window_bounds = array<i64: 1, 64>}, {transform_indices = @transform_3, window_bounds = array<i64: 2000, 64>}]} {
    %get3A = arith.constant 0 : index
    %get3A_0 = arith.constant 0 : index
    %get3A_1 = vector.load %arg1[%get3A, %get3A_0] : memref<2000x384xf32, #tpu.memory_space<vmem>>, vector<2000x384xf32>
    %get3A_2 = arith.constant 0 : index
    %get3A_3 = arith.constant 0 : index
    %get3A_4 = vector.load %arg2[%get3A_2, %get3A_3] : memref<384x64xf32, #tpu.memory_space<vmem>>, vector<384x64xf32>
    %dot_general3A = arith.constant dense<0.000000e+00> : vector<2000x64xf32>
    %dot_general3A_5 = tpu.matmul %get3A_1, %get3A_4, %dot_general3A {dimension_numbers = #tpu.dot_dimension_numbers<[1], [0], [0], [1], [0, 0, 1, 1], [], []>, transpose_lhs_hint = false} : vector<2000x384xf32>, vector<384x64xf32>, vector<2000x64xf32> -> vector<2000x64xf32>
    %get3A_6 = arith.constant 0 : index
    %get3A_7 = arith.constant 0 : index
    %get3A_8 = vector.load %arg3[%get3A_6, %get3A_7] : memref<1x64xf32, #tpu.memory_space<vmem>>, vector<1x64xf32>
    %add3A = vector.broadcast %get3A_8 : vector<1x64xf32> to vector<2000x64xf32>
    %add3A_9 = arith.addf %dot_general3A_5, %add3A : vector<2000x64xf32>
    %max3A = arith.constant 0.000000e+00 : f32
    %max3A_10 = vector.broadcast %max3A : f32 to vector<2000x64xf32>
    %max3A_11 = arith.maximumf %add3A_9, %max3A_10 : vector<2000x64xf32>
    %swap3A = arith.constant 0 : index
    %swap3A_12 = arith.constant 0 : index
    %swap3A_13 = vector.load %arg4[%swap3A, %swap3A_12] : memref<2000x64xf32, #tpu.memory_space<vmem>>, vector<2000x64xf32>
    tpu.vector_store %arg4[%swap3A, %swap3A_12], %max3A_11 {strides = array<i32>} : memref<2000x64xf32, #tpu.memory_space<vmem>>, vector<2000x64xf32>,
    return
  }
  func.func @transform_0(%arg0: i32) -> (i32, i32) {
    %c0_i32 = arith.constant 0 : i32
    %c0_i32_0 = arith.constant 0 : i32
    return %arg0, %c0_i32 : i32, i32
  }
  func.func @transform_1(%arg0: i32) -> (i32, i32) {
    %c0_i32 = arith.constant 0 : i32
    %c0_i32_0 = arith.constant 0 : i32
    %c0_i32_1 = arith.constant 0 : i32
    return %c0_i32, %c0_i32_0 : i32, i32
  }
  func.func @transform_2(%arg0: i32) -> (i32, i32) {
    %c0_i32 = arith.constant 0 : i32
    %c0_i32_0 = arith.constant 0 : i32
    %c0_i32_1 = arith.constant 0 : i32
    return %c0_i32, %c0_i32_0 : i32, i32
  }
  func.func @transform_3(%arg0: i32) -> (i32, i32) {
    %c0_i32 = arith.constant 0 : i32
    %c0_i32_0 = arith.constant 0 : i32
    return %arg0, %c0_i32 : i32, i32
  }
}

module attributes {stable_mosaic.version = 14 : i64} {
  func.func @_k2_body(%arg0: i32, %arg1: memref<2000x64xf32, #tpu.memory_space<vmem>>, %arg2: memref<64x64xf32, #tpu.memory_space<vmem>>, %arg3: memref<64x64xf32, #tpu.memory_space<vmem>>, %arg4: memref<1x64xf32, #tpu.memory_space<vmem>>, %arg5: memref<2000x32xf32, #tpu.memory_space<vmem>>, %arg6: memref<2000x32xf32, #tpu.memory_space<vmem>>, %arg7: memref<2000x64xf32, #tpu.memory_space<vmem>>) attributes {dimension_semantics = [#tpu.dimension_semantics<arbitrary>], iteration_bounds = array<i64: 25>, scalar_prefetch = 0 : i64, scratch_operands = 0 : i64, tpu.core_type = #tpu.core_type<tc>, window_params = [{transform_indices = @transform_0, window_bounds = array<i64: 2000, 64>}, {pipeline_mode = #tpu.pipeline_mode<synchronous>, transform_indices = @transform_1, window_bounds = array<i64: 64, 64>}, {pipeline_mode = #tpu.pipeline_mode<synchronous>, transform_indices = @transform_2, window_bounds = array<i64: 64, 64>}, {pipeline_mode = #tpu.pipeline_mode<synchronous>, transform_indices = @transform_3, window_bounds = array<i64: 1, 64>}, {transform_indices = @transform_4, window_bounds = array<i64: 2000, 32>}, {transform_indices = @transform_5, window_bounds = array<i64: 2000, 32>}, {transform_indices = @transform_6, window_bounds = array<i64: 2000, 64>}]} {
    %get3A = arith.constant 0 : index
    %get3A_0 = arith.constant 0 : index
    %get3A_1 = vector.load %arg1[%get3A, %get3A_0] : memref<2000x64xf32, #tpu.memory_space<vmem>>, vector<2000x64xf32>
    %get3A_2 = arith.constant 0 : index
    %get3A_3 = arith.constant 0 : index
    %get3A_4 = vector.load %arg2[%get3A_2, %get3A_3] : memref<64x64xf32, #tpu.memory_space<vmem>>, vector<64x64xf32>
    %dot_general3A = arith.constant dense<0.000000e+00> : vector<2000x64xf32>
    %dot_general3A_5 = tpu.matmul %get3A_1, %get3A_4, %dot_general3A {dimension_numbers = #tpu.dot_dimension_numbers<[1], [0], [0], [1], [0, 0, 1, 1], [], []>, transpose_lhs_hint = false} : vector<2000x64xf32>, vector<64x64xf32>, vector<2000x64xf32> -> vector<2000x64xf32>
    %slice3A = vector.extract_strided_slice %dot_general3A_5 {offsets = [0, 0], sizes = [2000, 32], strides = [1, 1]} : vector<2000x64xf32> to vector<2000x32xf32>
    %swap3A = arith.constant 0 : index
    %swap3A_6 = arith.constant 0 : index
    %swap3A_7 = vector.load %arg5[%swap3A, %swap3A_6] : memref<2000x32xf32, #tpu.memory_space<vmem>>, vector<2000x32xf32>
    tpu.vector_store %arg5[%swap3A, %swap3A_6], %slice3A {strides = array<i32>} : memref<2000x32xf32, #tpu.memory_space<vmem>>, vector<2000x32xf32>,
    %slice3A_8 = vector.extract_strided_slice %dot_general3A_5 {offsets = [0, 32], sizes = [2000, 32], strides = [1, 1]} : vector<2000x64xf32> to vector<2000x32xf32>
    %swap3A_9 = arith.constant 0 : index
    %swap3A_10 = arith.constant 0 : index
    %swap3A_11 = vector.load %arg6[%swap3A_9, %swap3A_10] : memref<2000x32xf32, #tpu.memory_space<vmem>>, vector<2000x32xf32>
    tpu.vector_store %arg6[%swap3A_9, %swap3A_10], %slice3A_8 {strides = array<i32>} : memref<2000x32xf32, #tpu.memory_space<vmem>>, vector<2000x32xf32>,
    %get3A_12 = arith.constant 0 : index
    %get3A_13 = arith.constant 0 : index
    %get3A_14 = vector.load %arg3[%get3A_12, %get3A_13] : memref<64x64xf32, #tpu.memory_space<vmem>>, vector<64x64xf32>
    %dot_general3A_15 = arith.constant dense<0.000000e+00> : vector<2000x64xf32>
    %dot_general3A_16 = tpu.matmul %get3A_1, %get3A_14, %dot_general3A_15 {dimension_numbers = #tpu.dot_dimension_numbers<[1], [0], [0], [1], [0, 0, 1, 1], [], []>, transpose_lhs_hint = false} : vector<2000x64xf32>, vector<64x64xf32>, vector<2000x64xf32> -> vector<2000x64xf32>
    %get3A_17 = arith.constant 0 : index
    %get3A_18 = arith.constant 0 : index
    %get3A_19 = vector.load %arg4[%get3A_17, %get3A_18] : memref<1x64xf32, #tpu.memory_space<vmem>>, vector<1x64xf32>
    %add3A = vector.broadcast %get3A_19 : vector<1x64xf32> to vector<2000x64xf32>
    %add3A_20 = arith.addf %dot_general3A_16, %add3A : vector<2000x64xf32>
    %swap3A_21 = arith.constant 0 : index
    %swap3A_22 = arith.constant 0 : index
    %swap3A_23 = vector.load %arg7[%swap3A_21, %swap3A_22] : memref<2000x64xf32, #tpu.memory_space<vmem>>, vector<2000x64xf32>
    tpu.vector_store %arg7[%swap3A_21, %swap3A_22], %add3A_20 {strides = array<i32>} : memref<2000x64xf32, #tpu.memory_space<vmem>>, vector<2000x64xf32>,
    return
  }
  func.func @transform_0(%arg0: i32) -> (i32, i32) {
    %c0_i32 = arith.constant 0 : i32
    %c0_i32_0 = arith.constant 0 : i32
    return %arg0, %c0_i32 : i32, i32
  }
  func.func @transform_1(%arg0: i32) -> (i32, i32) {
    %c0_i32 = arith.constant 0 : i32
    %c0_i32_0 = arith.constant 0 : i32
    %c0_i32_1 = arith.constant 0 : i32
    return %c0_i32, %c0_i32_0 : i32, i32
  }
  func.func @transform_2(%arg0: i32) -> (i32, i32) {
    %c0_i32 = arith.constant 0 : i32
    %c0_i32_0 = arith.constant 0 : i32
    %c0_i32_1 = arith.constant 0 : i32
    return %c0_i32, %c0_i32_0 : i32, i32
  }
  func.func @transform_3(%arg0: i32) -> (i32, i32) {
    %c0_i32 = arith.constant 0 : i32
    %c0_i32_0 = arith.constant 0 : i32
    %c0_i32_1 = arith.constant 0 : i32
    return %c0_i32, %c0_i32_0 : i32, i32
  }
  func.func @transform_4(%arg0: i32) -> (i32, i32) {
    %c0_i32 = arith.constant 0 : i32
    %c0_i32_0 = arith.constant 0 : i32
    return %arg0, %c0_i32 : i32, i32
  }
  func.func @transform_5(%arg0: i32) -> (i32, i32) {
    %c0_i32 = arith.constant 0 : i32
    %c0_i32_0 = arith.constant 0 : i32
    return %arg0, %c0_i32 : i32, i32
  }
  func.func @transform_6(%arg0: i32) -> (i32, i32) {
    %c0_i32 = arith.constant 0 : i32
    %c0_i32_0 = arith.constant 0 : i32
    return %arg0, %c0_i32 : i32, i32
  }
}

module attributes {stable_mosaic.version = 14 : i64} {
  func.func @_k3_body(%arg0: i32, %arg1: memref<3056x32xf32, #tpu.memory_space<vmem>>, %arg2: memref<3056x32xf32, #tpu.memory_space<vmem>>, %arg3: memref<3056x16xf32, #tpu.memory_space<vmem>>, %arg4: memref<3056x64xf32, #tpu.memory_space<vmem>>, %arg5: memref<64x32xf32, #tpu.memory_space<vmem>>, %arg6: memref<64x32xf32, #tpu.memory_space<vmem>>, %arg7: memref<1x32xf32, #tpu.memory_space<vmem>>, %arg8: memref<3056x32xf32, #tpu.memory_space<vmem>>, %arg9: memref<3056x32xf32, #tpu.memory_space<vmem>>) attributes {dimension_semantics = [#tpu.dimension_semantics<arbitrary>], iteration_bounds = array<i64: 9>, scalar_prefetch = 0 : i64, scratch_operands = 0 : i64, tpu.core_type = #tpu.core_type<tc>, window_params = [{transform_indices = @transform_0, window_bounds = array<i64: 3056, 32>}, {transform_indices = @transform_1, window_bounds = array<i64: 3056, 32>}, {transform_indices = @transform_2, window_bounds = array<i64: 3056, 16>}, {transform_indices = @transform_3, window_bounds = array<i64: 3056, 64>}, {pipeline_mode = #tpu.pipeline_mode<synchronous>, transform_indices = @transform_4, window_bounds = array<i64: 64, 32>}, {pipeline_mode = #tpu.pipeline_mode<synchronous>, transform_indices = @transform_5, window_bounds = array<i64: 64, 32>}, {pipeline_mode = #tpu.pipeline_mode<synchronous>, transform_indices = @transform_6, window_bounds = array<i64: 1, 32>}, {transform_indices = @transform_7, window_bounds = array<i64: 3056, 32>}, {transform_indices = @transform_8, window_bounds = array<i64: 3056, 32>}]} {
    %get3A = arith.constant 0 : index
    %get3A_0 = arith.constant 0 : index
    %get3A_1 = vector.load %arg3[%get3A, %get3A_0] : memref<3056x16xf32, #tpu.memory_space<vmem>>, vector<3056x16xf32>
    %slice3A = vector.extract_strided_slice %get3A_1 {offsets = [0, 0], sizes = [3056, 1], strides = [1, 1]} : vector<3056x16xf32> to vector<3056x1xf32>
    %max3A = arith.constant 1.000000e+00 : f32
    %max3A_2 = vector.broadcast %max3A : f32 to vector<3056x1xf32>
    %max3A_3 = arith.maximumf %slice3A, %max3A_2 : vector<3056x1xf32>
    %div3A = arith.constant 1.000000e+00 : f32
    %div3A_4 = vector.broadcast %div3A : f32 to vector<3056x1xf32>
    %div3A_5 = arith.divf %div3A_4, %max3A_3 : vector<3056x1xf32>
    %get3A_6 = arith.constant 0 : index
    %get3A_7 = arith.constant 0 : index
    %get3A_8 = vector.load %arg1[%get3A_6, %get3A_7] : memref<3056x32xf32, #tpu.memory_space<vmem>>, vector<3056x32xf32>
    %mul3A = vector.broadcast %div3A_5 : vector<3056x1xf32> to vector<3056x32xf32>
    %mul3A_9 = arith.mulf %get3A_8, %mul3A : vector<3056x32xf32>
    %get3A_10 = arith.constant 0 : index
    %get3A_11 = arith.constant 0 : index
    %get3A_12 = vector.load %arg2[%get3A_10, %get3A_11] : memref<3056x32xf32, #tpu.memory_space<vmem>>, vector<3056x32xf32>
    %mul3A_13 = vector.broadcast %div3A_5 : vector<3056x1xf32> to vector<3056x32xf32>
    %mul3A_14 = arith.mulf %get3A_12, %mul3A_13 : vector<3056x32xf32>
    %concatenate3A = tpu.concatenate %mul3A_9, %mul3A_14 in 1 : vector<3056x32xf32>, vector<3056x32xf32> -> vector<3056x64xf32>
    %get3A_15 = arith.constant 0 : index
    %get3A_16 = arith.constant 0 : index
    %get3A_17 = vector.load %arg4[%get3A_15, %get3A_16] : memref<3056x64xf32, #tpu.memory_space<vmem>>, vector<3056x64xf32>
    %add3A = arith.addf %concatenate3A, %get3A_17 : vector<3056x64xf32>
    %max3A_18 = arith.constant 0.000000e+00 : f32
    %max3A_19 = vector.broadcast %max3A_18 : f32 to vector<3056x64xf32>
    %max3A_20 = arith.maximumf %add3A, %max3A_19 : vector<3056x64xf32>
    %get3A_21 = arith.constant 0 : index
    %get3A_22 = arith.constant 0 : index
    %get3A_23 = vector.load %arg5[%get3A_21, %get3A_22] : memref<64x32xf32, #tpu.memory_space<vmem>>, vector<64x32xf32>
    %dot_general3A = arith.constant dense<0.000000e+00> : vector<3056x32xf32>
    %dot_general3A_24 = tpu.matmul %max3A_20, %get3A_23, %dot_general3A {dimension_numbers = #tpu.dot_dimension_numbers<[1], [0], [0], [1], [0, 0, 1, 1], [], []>, transpose_lhs_hint = false} : vector<3056x64xf32>, vector<64x32xf32>, vector<3056x32xf32> -> vector<3056x32xf32>
    %swap3A = arith.constant 0 : index
    %swap3A_25 = arith.constant 0 : index
    %swap3A_26 = vector.load %arg8[%swap3A, %swap3A_25] : memref<3056x32xf32, #tpu.memory_space<vmem>>, vector<3056x32xf32>
    tpu.vector_store %arg8[%swap3A, %swap3A_25], %dot_general3A_24 {strides = array<i32>} : memref<3056x32xf32, #tpu.memory_space<vmem>>, vector<3056x32xf32>,
    %get3A_27 = arith.constant 0 : index
    %get3A_28 = arith.constant 0 : index
    %get3A_29 = vector.load %arg6[%get3A_27, %get3A_28] : memref<64x32xf32, #tpu.memory_space<vmem>>, vector<64x32xf32>
    %dot_general3A_30 = arith.constant dense<0.000000e+00> : vector<3056x32xf32>
    %dot_general3A_31 = tpu.matmul %max3A_20, %get3A_29, %dot_general3A_30 {dimension_numbers = #tpu.dot_dimension_numbers<[1], [0], [0], [1], [0, 0, 1, 1], [], []>, transpose_lhs_hint = false} : vector<3056x64xf32>, vector<64x32xf32>, vector<3056x32xf32> -> vector<3056x32xf32>
    %get3A_32 = arith.constant 0 : index
    %get3A_33 = arith.constant 0 : index
    %get3A_34 = vector.load %arg7[%get3A_32, %get3A_33] : memref<1x32xf32, #tpu.memory_space<vmem>>, vector<1x32xf32>
    %add3A_35 = vector.broadcast %get3A_34 : vector<1x32xf32> to vector<3056x32xf32>
    %add3A_36 = arith.addf %dot_general3A_31, %add3A_35 : vector<3056x32xf32>
    %swap3A_37 = arith.constant 0 : index
    %swap3A_38 = arith.constant 0 : index
    %swap3A_39 = vector.load %arg9[%swap3A_37, %swap3A_38] : memref<3056x32xf32, #tpu.memory_space<vmem>>, vector<3056x32xf32>
    tpu.vector_store %arg9[%swap3A_37, %swap3A_38], %add3A_36 {strides = array<i32>} : memref<3056x32xf32, #tpu.memory_space<vmem>>, vector<3056x32xf32>,
    return
  }
  func.func @transform_0(%arg0: i32) -> (i32, i32) {
    %c0_i32 = arith.constant 0 : i32
    %c0_i32_0 = arith.constant 0 : i32
    return %arg0, %c0_i32 : i32, i32
  }
  func.func @transform_1(%arg0: i32) -> (i32, i32) {
    %c0_i32 = arith.constant 0 : i32
    %c0_i32_0 = arith.constant 0 : i32
    return %arg0, %c0_i32 : i32, i32
  }
  func.func @transform_2(%arg0: i32) -> (i32, i32) {
    %c0_i32 = arith.constant 0 : i32
    %c0_i32_0 = arith.constant 0 : i32
    return %arg0, %c0_i32 : i32, i32
  }
  func.func @transform_3(%arg0: i32) -> (i32, i32) {
    %c0_i32 = arith.constant 0 : i32
    %c0_i32_0 = arith.constant 0 : i32
    return %arg0, %c0_i32 : i32, i32
  }
  func.func @transform_4(%arg0: i32) -> (i32, i32) {
    %c0_i32 = arith.constant 0 : i32
    %c0_i32_0 = arith.constant 0 : i32
    %c0_i32_1 = arith.constant 0 : i32
    return %c0_i32, %c0_i32_0 : i32, i32
  }
  func.func @transform_5(%arg0: i32) -> (i32, i32) {
    %c0_i32 = arith.constant 0 : i32
    %c0_i32_0 = arith.constant 0 : i32
    %c0_i32_1 = arith.constant 0 : i32
    return %c0_i32, %c0_i32_0 : i32, i32
  }
  func.func @transform_6(%arg0: i32) -> (i32, i32) {
    %c0_i32 = arith.constant 0 : i32
    %c0_i32_0 = arith.constant 0 : i32
    %c0_i32_1 = arith.constant 0 : i32
    return %c0_i32, %c0_i32_0 : i32, i32
  }
  func.func @transform_7(%arg0: i32) -> (i32, i32) {
    %c0_i32 = arith.constant 0 : i32
    %c0_i32_0 = arith.constant 0 : i32
    return %arg0, %c0_i32 : i32, i32
  }
  func.func @transform_8(%arg0: i32) -> (i32, i32) {
    %c0_i32 = arith.constant 0 : i32
    %c0_i32_0 = arith.constant 0 : i32
    return %arg0, %c0_i32 : i32, i32
  }
}

module attributes {stable_mosaic.version = 14 : i64} {
  func.func @_k3_body(%arg0: i32, %arg1: memref<2000x32xf32, #tpu.memory_space<vmem>>, %arg2: memref<2000x32xf32, #tpu.memory_space<vmem>>, %arg3: memref<2000x16xf32, #tpu.memory_space<vmem>>, %arg4: memref<2000x64xf32, #tpu.memory_space<vmem>>, %arg5: memref<64x32xf32, #tpu.memory_space<vmem>>, %arg6: memref<64x32xf32, #tpu.memory_space<vmem>>, %arg7: memref<1x32xf32, #tpu.memory_space<vmem>>, %arg8: memref<2000x32xf32, #tpu.memory_space<vmem>>, %arg9: memref<2000x32xf32, #tpu.memory_space<vmem>>) attributes {dimension_semantics = [#tpu.dimension_semantics<arbitrary>], iteration_bounds = array<i64: 25>, scalar_prefetch = 0 : i64, scratch_operands = 0 : i64, tpu.core_type = #tpu.core_type<tc>, window_params = [{transform_indices = @transform_0, window_bounds = array<i64: 2000, 32>}, {transform_indices = @transform_1, window_bounds = array<i64: 2000, 32>}, {transform_indices = @transform_2, window_bounds = array<i64: 2000, 16>}, {transform_indices = @transform_3, window_bounds = array<i64: 2000, 64>}, {pipeline_mode = #tpu.pipeline_mode<synchronous>, transform_indices = @transform_4, window_bounds = array<i64: 64, 32>}, {pipeline_mode = #tpu.pipeline_mode<synchronous>, transform_indices = @transform_5, window_bounds = array<i64: 64, 32>}, {pipeline_mode = #tpu.pipeline_mode<synchronous>, transform_indices = @transform_6, window_bounds = array<i64: 1, 32>}, {transform_indices = @transform_7, window_bounds = array<i64: 2000, 32>}, {transform_indices = @transform_8, window_bounds = array<i64: 2000, 32>}]} {
    %get3A = arith.constant 0 : index
    %get3A_0 = arith.constant 0 : index
    %get3A_1 = vector.load %arg3[%get3A, %get3A_0] : memref<2000x16xf32, #tpu.memory_space<vmem>>, vector<2000x16xf32>
    %slice3A = vector.extract_strided_slice %get3A_1 {offsets = [0, 0], sizes = [2000, 1], strides = [1, 1]} : vector<2000x16xf32> to vector<2000x1xf32>
    %max3A = arith.constant 1.000000e+00 : f32
    %max3A_2 = vector.broadcast %max3A : f32 to vector<2000x1xf32>
    %max3A_3 = arith.maximumf %slice3A, %max3A_2 : vector<2000x1xf32>
    %div3A = arith.constant 1.000000e+00 : f32
    %div3A_4 = vector.broadcast %div3A : f32 to vector<2000x1xf32>
    %div3A_5 = arith.divf %div3A_4, %max3A_3 : vector<2000x1xf32>
    %get3A_6 = arith.constant 0 : index
    %get3A_7 = arith.constant 0 : index
    %get3A_8 = vector.load %arg1[%get3A_6, %get3A_7] : memref<2000x32xf32, #tpu.memory_space<vmem>>, vector<2000x32xf32>
    %mul3A = vector.broadcast %div3A_5 : vector<2000x1xf32> to vector<2000x32xf32>
    %mul3A_9 = arith.mulf %get3A_8, %mul3A : vector<2000x32xf32>
    %get3A_10 = arith.constant 0 : index
    %get3A_11 = arith.constant 0 : index
    %get3A_12 = vector.load %arg2[%get3A_10, %get3A_11] : memref<2000x32xf32, #tpu.memory_space<vmem>>, vector<2000x32xf32>
    %mul3A_13 = vector.broadcast %div3A_5 : vector<2000x1xf32> to vector<2000x32xf32>
    %mul3A_14 = arith.mulf %get3A_12, %mul3A_13 : vector<2000x32xf32>
    %concatenate3A = tpu.concatenate %mul3A_9, %mul3A_14 in 1 : vector<2000x32xf32>, vector<2000x32xf32> -> vector<2000x64xf32>
    %get3A_15 = arith.constant 0 : index
    %get3A_16 = arith.constant 0 : index
    %get3A_17 = vector.load %arg4[%get3A_15, %get3A_16] : memref<2000x64xf32, #tpu.memory_space<vmem>>, vector<2000x64xf32>
    %add3A = arith.addf %concatenate3A, %get3A_17 : vector<2000x64xf32>
    %max3A_18 = arith.constant 0.000000e+00 : f32
    %max3A_19 = vector.broadcast %max3A_18 : f32 to vector<2000x64xf32>
    %max3A_20 = arith.maximumf %add3A, %max3A_19 : vector<2000x64xf32>
    %get3A_21 = arith.constant 0 : index
    %get3A_22 = arith.constant 0 : index
    %get3A_23 = vector.load %arg5[%get3A_21, %get3A_22] : memref<64x32xf32, #tpu.memory_space<vmem>>, vector<64x32xf32>
    %dot_general3A = arith.constant dense<0.000000e+00> : vector<2000x32xf32>
    %dot_general3A_24 = tpu.matmul %max3A_20, %get3A_23, %dot_general3A {dimension_numbers = #tpu.dot_dimension_numbers<[1], [0], [0], [1], [0, 0, 1, 1], [], []>, transpose_lhs_hint = false} : vector<2000x64xf32>, vector<64x32xf32>, vector<2000x32xf32> -> vector<2000x32xf32>
    %swap3A = arith.constant 0 : index
    %swap3A_25 = arith.constant 0 : index
    %swap3A_26 = vector.load %arg8[%swap3A, %swap3A_25] : memref<2000x32xf32, #tpu.memory_space<vmem>>, vector<2000x32xf32>
    tpu.vector_store %arg8[%swap3A, %swap3A_25], %dot_general3A_24 {strides = array<i32>} : memref<2000x32xf32, #tpu.memory_space<vmem>>, vector<2000x32xf32>,
    %get3A_27 = arith.constant 0 : index
    %get3A_28 = arith.constant 0 : index
    %get3A_29 = vector.load %arg6[%get3A_27, %get3A_28] : memref<64x32xf32, #tpu.memory_space<vmem>>, vector<64x32xf32>
    %dot_general3A_30 = arith.constant dense<0.000000e+00> : vector<2000x32xf32>
    %dot_general3A_31 = tpu.matmul %max3A_20, %get3A_29, %dot_general3A_30 {dimension_numbers = #tpu.dot_dimension_numbers<[1], [0], [0], [1], [0, 0, 1, 1], [], []>, transpose_lhs_hint = false} : vector<2000x64xf32>, vector<64x32xf32>, vector<2000x32xf32> -> vector<2000x32xf32>
    %get3A_32 = arith.constant 0 : index
    %get3A_33 = arith.constant 0 : index
    %get3A_34 = vector.load %arg7[%get3A_32, %get3A_33] : memref<1x32xf32, #tpu.memory_space<vmem>>, vector<1x32xf32>
    %add3A_35 = vector.broadcast %get3A_34 : vector<1x32xf32> to vector<2000x32xf32>
    %add3A_36 = arith.addf %dot_general3A_31, %add3A_35 : vector<2000x32xf32>
    %swap3A_37 = arith.constant 0 : index
    %swap3A_38 = arith.constant 0 : index
    %swap3A_39 = vector.load %arg9[%swap3A_37, %swap3A_38] : memref<2000x32xf32, #tpu.memory_space<vmem>>, vector<2000x32xf32>
    tpu.vector_store %arg9[%swap3A_37, %swap3A_38], %add3A_36 {strides = array<i32>} : memref<2000x32xf32, #tpu.memory_space<vmem>>, vector<2000x32xf32>,
    return
  }
  func.func @transform_0(%arg0: i32) -> (i32, i32) {
    %c0_i32 = arith.constant 0 : i32
    %c0_i32_0 = arith.constant 0 : i32
    return %arg0, %c0_i32 : i32, i32
  }
  func.func @transform_1(%arg0: i32) -> (i32, i32) {
    %c0_i32 = arith.constant 0 : i32
    %c0_i32_0 = arith.constant 0 : i32
    return %arg0, %c0_i32 : i32, i32
  }
  func.func @transform_2(%arg0: i32) -> (i32, i32) {
    %c0_i32 = arith.constant 0 : i32
    %c0_i32_0 = arith.constant 0 : i32
    return %arg0, %c0_i32 : i32, i32
  }
  func.func @transform_3(%arg0: i32) -> (i32, i32) {
    %c0_i32 = arith.constant 0 : i32
    %c0_i32_0 = arith.constant 0 : i32
    return %arg0, %c0_i32 : i32, i32
  }
  func.func @transform_4(%arg0: i32) -> (i32, i32) {
    %c0_i32 = arith.constant 0 : i32
    %c0_i32_0 = arith.constant 0 : i32
    %c0_i32_1 = arith.constant 0 : i32
    return %c0_i32, %c0_i32_0 : i32, i32
  }
  func.func @transform_5(%arg0: i32) -> (i32, i32) {
    %c0_i32 = arith.constant 0 : i32
    %c0_i32_0 = arith.constant 0 : i32
    %c0_i32_1 = arith.constant 0 : i32
    return %c0_i32, %c0_i32_0 : i32, i32
  }
  func.func @transform_6(%arg0: i32) -> (i32, i32) {
    %c0_i32 = arith.constant 0 : i32
    %c0_i32_0 = arith.constant 0 : i32
    %c0_i32_1 = arith.constant 0 : i32
    return %c0_i32, %c0_i32_0 : i32, i32
  }
  func.func @transform_7(%arg0: i32) -> (i32, i32) {
    %c0_i32 = arith.constant 0 : i32
    %c0_i32_0 = arith.constant 0 : i32
    return %arg0, %c0_i32 : i32, i32
  }
  func.func @transform_8(%arg0: i32) -> (i32, i32) {
    %c0_i32 = arith.constant 0 : i32
    %c0_i32_0 = arith.constant 0 : i32
    return %arg0, %c0_i32 : i32, i32
  }
}

module attributes {stable_mosaic.version = 14 : i64} {
  func.func @_k4_body(%arg0: i32, %arg1: memref<3056x32xf32, #tpu.memory_space<vmem>>, %arg2: memref<3056x16xf32, #tpu.memory_space<vmem>>, %arg3: memref<3056x32xf32, #tpu.memory_space<vmem>>, %arg4: memref<3056x32xf32, #tpu.memory_space<vmem>>) attributes {dimension_semantics = [#tpu.dimension_semantics<arbitrary>], iteration_bounds = array<i64: 9>, scalar_prefetch = 0 : i64, scratch_operands = 0 : i64, tpu.core_type = #tpu.core_type<tc>, window_params = [{transform_indices = @transform_0, window_bounds = array<i64: 3056, 32>}, {transform_indices = @transform_1, window_bounds = array<i64: 3056, 16>}, {transform_indices = @transform_2, window_bounds = array<i64: 3056, 32>}, {transform_indices = @transform_3, window_bounds = array<i64: 3056, 32>}]} {
    %get3A = arith.constant 0 : index
    %get3A_0 = arith.constant 0 : index
    %get3A_1 = vector.load %arg2[%get3A, %get3A_0] : memref<3056x16xf32, #tpu.memory_space<vmem>>, vector<3056x16xf32>
    %slice3A = vector.extract_strided_slice %get3A_1 {offsets = [0, 0], sizes = [3056, 1], strides = [1, 1]} : vector<3056x16xf32> to vector<3056x1xf32>
    %max3A = arith.constant 1.000000e+00 : f32
    %max3A_2 = vector.broadcast %max3A : f32 to vector<3056x1xf32>
    %max3A_3 = arith.maximumf %slice3A, %max3A_2 : vector<3056x1xf32>
    %div3A = arith.constant 1.000000e+00 : f32
    %div3A_4 = vector.broadcast %div3A : f32 to vector<3056x1xf32>
    %div3A_5 = arith.divf %div3A_4, %max3A_3 : vector<3056x1xf32>
    %get3A_6 = arith.constant 0 : index
    %get3A_7 = arith.constant 0 : index
    %get3A_8 = vector.load %arg1[%get3A_6, %get3A_7] : memref<3056x32xf32, #tpu.memory_space<vmem>>, vector<3056x32xf32>
    %mul3A = vector.broadcast %div3A_5 : vector<3056x1xf32> to vector<3056x32xf32>
    %mul3A_9 = arith.mulf %get3A_8, %mul3A : vector<3056x32xf32>
    %get3A_10 = arith.constant 0 : index
    %get3A_11 = arith.constant 0 : index
    %get3A_12 = vector.load %arg3[%get3A_10, %get3A_11] : memref<3056x32xf32, #tpu.memory_space<vmem>>, vector<3056x32xf32>
    %add3A = arith.addf %mul3A_9, %get3A_12 : vector<3056x32xf32>
    %swap3A = arith.constant 0 : index
    %swap3A_13 = arith.constant 0 : index
    %swap3A_14 = vector.load %arg4[%swap3A, %swap3A_13] : memref<3056x32xf32, #tpu.memory_space<vmem>>, vector<3056x32xf32>
    tpu.vector_store %arg4[%swap3A, %swap3A_13], %add3A {strides = array<i32>} : memref<3056x32xf32, #tpu.memory_space<vmem>>, vector<3056x32xf32>,
    return
  }
  func.func @transform_0(%arg0: i32) -> (i32, i32) {
    %c0_i32 = arith.constant 0 : i32
    %c0_i32_0 = arith.constant 0 : i32
    return %arg0, %c0_i32 : i32, i32
  }
  func.func @transform_1(%arg0: i32) -> (i32, i32) {
    %c0_i32 = arith.constant 0 : i32
    %c0_i32_0 = arith.constant 0 : i32
    return %arg0, %c0_i32 : i32, i32
  }
  func.func @transform_2(%arg0: i32) -> (i32, i32) {
    %c0_i32 = arith.constant 0 : i32
    %c0_i32_0 = arith.constant 0 : i32
    return %arg0, %c0_i32 : i32, i32
  }
  func.func @transform_3(%arg0: i32) -> (i32, i32) {
    %c0_i32 = arith.constant 0 : i32
    %c0_i32_0 = arith.constant 0 : i32
    return %arg0, %c0_i32 : i32, i32
  }
}

module attributes {stable_mosaic.version = 14 : i64} {
  func.func @_k4_body(%arg0: i32, %arg1: memref<2000x32xf32, #tpu.memory_space<vmem>>, %arg2: memref<2000x16xf32, #tpu.memory_space<vmem>>, %arg3: memref<2000x32xf32, #tpu.memory_space<vmem>>, %arg4: memref<2000x32xf32, #tpu.memory_space<vmem>>) attributes {dimension_semantics = [#tpu.dimension_semantics<arbitrary>], iteration_bounds = array<i64: 25>, scalar_prefetch = 0 : i64, scratch_operands = 0 : i64, tpu.core_type = #tpu.core_type<tc>, window_params = [{transform_indices = @transform_0, window_bounds = array<i64: 2000, 32>}, {transform_indices = @transform_1, window_bounds = array<i64: 2000, 16>}, {transform_indices = @transform_2, window_bounds = array<i64: 2000, 32>}, {transform_indices = @transform_3, window_bounds = array<i64: 2000, 32>}]} {
    %get3A = arith.constant 0 : index
    %get3A_0 = arith.constant 0 : index
    %get3A_1 = vector.load %arg2[%get3A, %get3A_0] : memref<2000x16xf32, #tpu.memory_space<vmem>>, vector<2000x16xf32>
    %slice3A = vector.extract_strided_slice %get3A_1 {offsets = [0, 0], sizes = [2000, 1], strides = [1, 1]} : vector<2000x16xf32> to vector<2000x1xf32>
    %max3A = arith.constant 1.000000e+00 : f32
    %max3A_2 = vector.broadcast %max3A : f32 to vector<2000x1xf32>
    %max3A_3 = arith.maximumf %slice3A, %max3A_2 : vector<2000x1xf32>
    %div3A = arith.constant 1.000000e+00 : f32
    %div3A_4 = vector.broadcast %div3A : f32 to vector<2000x1xf32>
    %div3A_5 = arith.divf %div3A_4, %max3A_3 : vector<2000x1xf32>
    %get3A_6 = arith.constant 0 : index
    %get3A_7 = arith.constant 0 : index
    %get3A_8 = vector.load %arg1[%get3A_6, %get3A_7] : memref<2000x32xf32, #tpu.memory_space<vmem>>, vector<2000x32xf32>
    %mul3A = vector.broadcast %div3A_5 : vector<2000x1xf32> to vector<2000x32xf32>
    %mul3A_9 = arith.mulf %get3A_8, %mul3A : vector<2000x32xf32>
    %get3A_10 = arith.constant 0 : index
    %get3A_11 = arith.constant 0 : index
    %get3A_12 = vector.load %arg3[%get3A_10, %get3A_11] : memref<2000x32xf32, #tpu.memory_space<vmem>>, vector<2000x32xf32>
    %add3A = arith.addf %mul3A_9, %get3A_12 : vector<2000x32xf32>
    %swap3A = arith.constant 0 : index
    %swap3A_13 = arith.constant 0 : index
    %swap3A_14 = vector.load %arg4[%swap3A, %swap3A_13] : memref<2000x32xf32, #tpu.memory_space<vmem>>, vector<2000x32xf32>
    tpu.vector_store %arg4[%swap3A, %swap3A_13], %add3A {strides = array<i32>} : memref<2000x32xf32, #tpu.memory_space<vmem>>, vector<2000x32xf32>,
    return
  }
  func.func @transform_0(%arg0: i32) -> (i32, i32) {
    %c0_i32 = arith.constant 0 : i32
    %c0_i32_0 = arith.constant 0 : i32
    return %arg0, %c0_i32 : i32, i32
  }
  func.func @transform_1(%arg0: i32) -> (i32, i32) {
    %c0_i32 = arith.constant 0 : i32
    %c0_i32_0 = arith.constant 0 : i32
    return %arg0, %c0_i32 : i32, i32
  }
  func.func @transform_2(%arg0: i32) -> (i32, i32) {
    %c0_i32 = arith.constant 0 : i32
    %c0_i32_0 = arith.constant 0 : i32
    return %arg0, %c0_i32 : i32, i32
  }
  func.func @transform_3(%arg0: i32) -> (i32, i32) {
    %c0_i32 = arith.constant 0 : i32
    %c0_i32_0 = arith.constant 0 : i32
    return %arg0, %c0_i32 : i32, i32
  }
}

</mosaic_0001>

<sc_bundles>
// kernel: kernel.13.cloned.1.call-start
scs
__scs_entry_jumppad:
0x0: {  	(pc) =	sbr.rel $0x88, $3  }
0x1: {  	(tag) =	ssettag $0x0;
	lr =	simm.s32 $0x1  }
0x2: {  	[smem:$0x3F90] =	sst lr;
	_ =	strace $0xD0000000  }
0x3: {  	_ = 	snop  }
0x4: {  	_ = 	snop  }
0x5: {  	_ = 	snop  }
0x6: {  	_ = 	snop  }
0x7: {  	_ = 	snop  }
__scs_overlays_trampoline_lowered:
0x8: {  	[smem:$0x3F9F] =	sst s0  }
0x9: {  	[smem:$0x3FA0] =	sst s1  }
0xa: {  	[smem:$0x3FA1] =	sst s2  }
0xb: {  	[smem:$0x3FA2] =	sst s3  }
0xc: {  	[smem:$0x3FA3] =	sst s4  }
0xd: {  	[smem:$0x3FA4] =	sst s5  }
0xe: {  	[smem:$0x3FA5] =	sst s6  }
0xf: {  	[smem:$0x3FA6] =	sst s7  }
0x10: {  	[smem:$0x3FA7] =	sst s8  }
0x11: {  	[smem:$0x3FA8] =	sst s9;
	s0 =	simm.s32 @!p0 $0x0  }
0x12: {  	s1 =	sld [smem:$0x3F8E];
	s0 =	simm.s32 @p0 $0x1  }
0x13: {  	[smem:$0x3FA9] =	sst s0;
	s0 =	simm.s32 @!p1 $0x0  }
0x14: {  	s2 =	sld [smem:$0x3F8D];
	s0 =	simm.s32 @p1 $0x1  }
0x15: {  	[smem:$0x3FAA] =	sst s0;
	s0 =	simm.s32 @!p2 $0x0  }
0x16: {  	s3 =	sld [smem:$0x3FDB];
	s0 =	simm.s32 @p2 $0x1  }
0x17: {  	s4 =	simm.s32 $0x1BF5;
	[smem:$0x3FAC] =	sst s0  }
0x18: {  	s0 =	sld [smem:$0x3F8F];
	_ =	swait.ge [sflag:s4], $0x0  }
0x19: {  	s7 =	sld [smem:$0x3F90]  }
0x1a: {  	s8 =	sadd.s32 $0xFFFFE003, lr  }
0x1b: {  	s9 =	sadd.s32 $0xFFFFFEF7, lr;
	s5 =	simm.s32 $0xFFFFFFFF;
	p2 =	slt.u32 s8, $0xFFFFF086  }
0x1c: {  	p1 =	slt.u32 s9, $0xF7A;
	s5 =	simm.s32 @!p2 $0x0  }
0x1d: {  	s5 =	simm.s32 @p1 $0x1;
	p0 =	seq.s32 s7, s2  }
0x1e: {  	s7 =	smul.u32 @!p0 $0xF7A, s2;
	p2 =	seq.s32 @!p0 s5, $0x0  }
0x1f: {  	s9 =	smul.u32 $0xF7A, s1;
	s8 =	simm.s32 @!p0 $0x1BF5;
	p2 =	por !p2, p0  }
0x20: {  	[sflag:s8] =	ssyncset.s32 @!p0 $0xFFFFF086;
	s6 =	sadd.s32 @!p0 s3, s7;
	s7 =	simm.s32 @!p0 $0x108  }
0x21: {  	s3 =	sadd.s32 s3, s9;
	s6 =	sadd.s32 @!p0 $0x88, s6;
	s7 =	simm.s32 @p2 $0x1082  }
0x22: {  	[simem:s7], [sflag:s8] =	dma.local @!p0 [hbm:s6], $0xF7A  }
0x23: {  	s9 =	sor.u32 $0xD0000000, s2;
	s6 =	simm.s32 $0x108;
	_ =	swait.ge @!p0 [sflag:s8], $0x0  }
0x24: {  	s3 =	sadd.s32 $0x88, s3;
	s6 =	simm.s32 @!p1 $0x1082;
	[sflag:s4] =	ssyncset.s32 $0xFFFFF086  }
0x25: {  	[simem:s6], [sflag:s4] =	dma.local [hbm:s3], $0xF7A  }
0x26: {  	[smem:$0x3F90] =	sst s1;
	(tag) =	ssettag s2;
	_ =	strace s9  }
0x27: {  	s1 =	sld [smem:$0x3FA0]  }
0x28: {  	s2 =	sld [smem:$0x3FA1]  }
0x29: {  	s4 =	sld [smem:$0x3FA3]  }
0x2a: {  	p0 =	seq.s32 s5, $0x0;
	s5 =	sld [smem:$0x3FA4]  }
0x2b: {  	s6 =	sld [smem:$0x3FA5]  }
0x2c: {  	s7 =	sld [smem:$0x3FA6]  }
0x2d: {  	s3 =	simm.s32 $0x108;
	s8 =	sld [smem:$0x3FA7]  }
0x2e: {  	s3 =	simm.s32 @!p0 $0x1082;
	s9 =	sld [smem:$0x3FA8]  }
0x2f: {  	lr =	sadd.s32 s0, s3;
	s0 =	sld [smem:$0x3F9F]  }
0x30: {  	s3 =	sld [smem:$0x3FA2]  }
0x31: {  	[smem:$0x3FAB] =	sst s10  }
0x32: {  	s10 =	sld [smem:$0x3FA9];
	_ =	sdelay $0x3  }
0x33: {  	p0 =	seq.s32 s10, $0x1;
	s10 =	sld [smem:$0x3FAB];
	_ =	sdelay $0x3  }
0x34: {  	[smem:$0x3FAB] =	sst s10  }
0x35: {  	s10 =	sld [smem:$0x3FAA];
	_ =	sdelay $0x3  }
0x36: {  	p1 =	seq.s32 s10, $0x1;
	s10 =	sld [smem:$0x3FAB];
	_ =	sdelay $0x3  }
0x37: {  	[smem:$0x3FAB] =	sst s10  }
0x38: {  	s10 =	sld [smem:$0x3FAC]  }
0x39: {  	_ = 	snop;
	(pc) =	sbr.ind lr, $3  }
0x3a: {  	_ = 	snop  }
0x3b: {  	_ = 	snop  }
0x3c: {  	p2 =	seq.s32 s10, $0x1;
	s10 =	sld [smem:$0x3FAB]  }
0x3d: {  	_ =	shalt  }
0x3e: {  	_ =	shalt  }
0x3f: {  	_ =	shalt  }
0x40: {  	_ =	shalt  }
0x41: {  	_ =	shalt  }
0x42: {  	_ =	shalt  }
0x43: {  	_ =	shalt  }
0x44: {  	_ =	shalt  }
0x45: {  	_ =	shalt  }
0x46: {  	_ =	shalt  }
0x47: {  	_ =	shalt  }
0x48: {  	_ =	shalt  }
0x49: {  	_ =	shalt  }
0x4a: {  	_ =	shalt  }
0x4b: {  	_ =	shalt  }
0x4c: {  	_ =	shalt  }
0x4d: {  	_ =	shalt  }
0x4e: {  	_ =	shalt  }
0x4f: {  	_ =	shalt  }
0x50: {  	_ =	shalt  }
0x51: {  	_ =	shalt  }
0x52: {  	_ =	shalt  }
0x53: {  	_ =	shalt  }
0x54: {  	_ =	shalt  }
0x55: {  	_ =	shalt  }
0x56: {  	_ =	shalt  }
0x57: {  	_ =	shalt  }
0x58: {  	_ =	shalt  }
0x59: {  	_ =	shalt  }
0x5a: {  	_ =	shalt  }
0x5b: {  	_ =	shalt  }
0x5c: {  	_ =	shalt  }
0x5d: {  	_ =	shalt  }
0x5e: {  	_ =	shalt  }
0x5f: {  	_ =	shalt  }
0x60: {  	_ =	shalt  }
0x61: {  	_ =	shalt  }
0x62: {  	_ =	shalt  }
0x63: {  	_ =	shalt  }
0x64: {  	_ =	shalt  }
0x65: {  	_ =	shalt  }
0x66: {  	_ =	shalt  }
0x67: {  	_ =	shalt  }
0x68: {  	_ =	shalt  }
0x69: {  	_ =	shalt  }
0x6a: {  	_ =	shalt  }
0x6b: {  	_ =	shalt  }
0x6c: {  	_ =	shalt  }
0x6d: {  	_ =	shalt  }
0x6e: {  	_ =	shalt  }
0x6f: {  	_ =	shalt  }
0x70: {  	_ =	shalt  }
0x71: {  	_ =	shalt  }
0x72: {  	_ =	shalt  }
0x73: {  	_ =	shalt  }
0x74: {  	_ =	shalt  }
0x75: {  	_ =	shalt  }
0x76: {  	_ =	shalt  }
0x77: {  	_ =	shalt  }
0x78: {  	_ =	shalt  }
0x79: {  	_ =	shalt  }
0x7a: {  	_ =	shalt  }
0x7b: {  	_ =	shalt  }
0x7c: {  	_ =	shalt  }
0x7d: {  	_ =	shalt  }
0x7e: {  	_ =	shalt  }
0x7f: {  	_ =	shalt  }
0x80: {  	_ =	shalt  }
0x81: {  	_ =	shalt  }
0x82: {  	_ =	shalt  }
0x83: {  	_ =	shalt  }
0x84: {  	_ =	shalt  }
0x85: {  	_ =	shalt  }
0x86: {  	_ =	shalt  }
0x87: {  	_ =	shalt  }
.Lfunc_end0:
.L_simem_size_0:
called_computation_lowered:
.L_overlay_start_0:
0x88: {  	s2 =	sld [smem:$0x3FD9]  }
0x89: {  	s3 =	sld [smem:$0x3FFE];
	_ =	sdelay $0x1  }
0x8a: {  	s1 =	srdreg.scid  }
0x8b: {  	s0 =	sand.u32 $0x1, s1  }
0x8c: {  	s14 =	sshll.u32 s0, $0xA;
	s2 =	sadd.s32 s3, s2  }
0x8d: {  	s2 =	sadd.s32 s2, s14  }
0x8e: {  	[smem:$0x3FB7] =	sst s2  }
0x8f: {  	_ = 	snop  }
0x90: {  	s2 =	sld [smem:$0x3FD0];
	_ =	sdelay $0x2  }
0x91: {  	s15 =	simm.s32 $0xB;
	s4 =	simm.s32 $0x10  }
0x92: {  	[smem:s4], [sflag:s15] =	dma.local [hbm:s2], $0x1  }
0x93: {  	_ =	swait.eq [sflag:s15], $0x1  }
0x94: {  	[sflag:s15] =	ssyncset.done $0x0  }
0x95: {  	[sflag:s15] =	ssyncadd.s32 $0xFFFFFFFF  }
0x96: {  	s16 =	sld [smem:$0x11];
	(tm) =	ssettm $0x1  }
0x97: {  	s17 =	sld [smem:$0x3FFB];
	_ =	sdelay $0x3  }
0x98: {  	_ =	strace s17  }
0x99: {  	s3 =	sld [smem:$0x3FFC];
	_ =	sdelay $0x3  }
0x9a: {  	_ =	strace s3  }
0x9b: {  	s3 =	sld [smem:$0x3FFD];
	_ =	sdelay $0x3  }
0x9c: {  	_ =	strace s3  }
0x9d: {  	_ =	strace $0x8FFFFFFF  }
0x9e: {  	s18 =	sld [smem:$0x3FDB];
	_ =	sdelay $0x1  }
0x9f: {  	s19 =	simm.s32 $_scs_section_size  }
0xa0: {  	s5 =	simm.s32 $_size__tile_overlayer_lowered;
	s6 =	simm.s32 $_tile_overlayer_lowered  }
0xa1: {  	s22 =	simm.s32 $0x1BFF;
	s21 =	sshll.u32 s6, $0x1;
	s3 =	sadd.s32 s19, s18  }
0xa2: {  	s7 =	simm.s32 $0x0;
	s20 =	sshll.u32 s5, $0x1;
	s5 =	sadd.s32 s21, s3  }
0xa3: {  	[timem:s7], [sflag:s22] =	dma.local [hbm:s5], s20  }
0xa4: {  	_ =	swait.ge [sflag:s22], s20  }
0xa5: {  	s4 =	ssub.s32 $0x0, s20;
	[sflag:s22] =	ssyncset.done $0x0  }
0xa6: {  	[sflag:s22] =	ssyncadd.s32 s4;
	_ =	sdelay $0x1  }
0xa7: {  	s23 =	simm.s32 $0x1B8B  }
0xa8: {  	_ =	swait.ge [sflag:s23], $0x1  }
0xa9: {  	[sflag:s23] =	ssyncset.done $0x0  }
0xaa: {  	s25 =	simm.s32 $0x1B8E;
	s24 =	sld [smem:$0x3FFE];
	[sflag:s23] =	ssyncadd.s32 $0xFFFFFFFF  }
0xab: {  	s26 =	simm.s32 $execute0_lowered;
	[smem:$0x3FD2] =	sst s25  }
0xac: {  	s5 =	sshll.u32 s26, $0x1;
	_ =	strace $0x80000046;
	[dreg:$0x1] =	wrdreg $0xFFFFFFFF  }
0xad: {  	s28 =	simm.s32 $_size_execute0_lowered;
	s3 =	sadd.s32 s3, s5;
	[dreg:$0x0] =	wrdreg $0x0  }
0xae: {  	s5 =	sshll.u32 s28, $0x1;
	[dreg:$0x2] =	wrdreg s3  }
0xaf: {  	[dreg:$0x3] =	wrdreg s5  }
0xb0: {  	[dreg:$0x4] =	wrdreg $0xC0  }
0xb1: {  	_ =	task [dreg:s7], $0x5FFFF  }
0xb2: {  	[dreg:$0x1] =	wrdreg $0xFFFFFFFF  }
0xb3: {  	[dreg:$0x0] =	wrdreg $0x60  }
0xb4: {  	[dreg:$0x2] =	wrdreg s24  }
0xb5: {  	[dreg:$0x3] =	wrdreg s16  }
0xb6: {  	[dreg:$0x4] =	wrdreg $0x12000  }
0xb7: {  	[dreg:$0x5] =	wrdreg $0x9  }
0xb8: {  	_ =	task.clear_ibuf [dreg:s7], $0x6FFFF;
	_ =	strace $0x90000046  }
0xb9: {  	s29 =	simm.s32 $0x9;
	_ =	strace $0x80000048  }
0xba: {  	_ =	swait.ge [sflag:s29], $0x1  }
0xbb: {  	[sflag:s29] =	ssyncadd.s32 $0xFFFFFFFF  }
0xbc: {  	_ =	strace $0x90000048  }
0xbd: {  	_ =	sfence  }
0xbe: {  	s30 =	sld [smem:$0x0];
	_ =	sdelay $0x2  }
0xbf: {  	s31 =	sshll.u32 s1, $0xD;
	s1 =	sshrl.u32 s1, $0x2  }
0xc0: {  	s3 =	sand.u32 $0x4000, s31;
	s1 =	sadd.s32 s1, s30  }
0xc1: {  	s0 =	sor.u32 s3, s0;
	s1 =	sshll.u32 s1, $0x11  }
0xc2: {  	s0 =	sor.u32 s1, s0  }
0xc3: {  	s0 =	sadd.s32 $0x8F2B, s0  }
0xc4: {  	[sflag:s0] =	ssyncadd.remote.s32 $0x1  }
0xc5: {  	_ =	sfence.sel $0xFFFF  }
0xc6: {  	[dreg:$0x0] =	wrdreg $0xFFFFFFFF;
	(pc) =	sbr.abs _section_cstart, $3  }
0xc7: {  	[dreg:$0x1] =	wrdreg $0xFFFFFFFF  }
0xc8: {  	_ =	task.clear_ibuf [dreg:s7], $0x2FFFF;
	_ =	strace $0x9FFFFFFF  }
0xc9: {  	(tm) =	ssettm $0x7FFFFFFF  }
tec
execute0_lowered:
.L_overlay_start_1:
0x0: {  	(tag) =	ssettag $0x1  }
0x1: {  	s4 =	rddreg [dreg:$0x0]  }
0x2: {  	s7 =	rddreg [dreg:$0x1]  }
0x3: {  	s2 =	rddreg [dreg:$0x2]  }
0x4: {  	s0 =	rddreg [dreg:$0x3];
	s1 =	stileid.u32  }
0x5: {  	s3 =	simm.s32 $0x0;
	s5 =	srdreg.scid;
	s15 =	simm.s32 $0x2  }
0x6: {  	s16 =	simm.s32 $0x80;
	s17 =	simm.s32 $0x200;
	s18 =	simm.s32 $0xA00  }
0x7: {  	s19 =	simm.s32 $0x100;
	s20 =	simm.s32 $0x180;
	s21 =	simm.s32 $0x1  }
0x8: {  	s25 =	simm.s32 $0x1FC2;
	s26 =	simm.s32 $0x0;
	s6 =	smul.u32 $0xC380, s1  }
0x9: {  	[smem:$0x7FF] =	sst s3;
	s8 =	sand.u32 $0x1, s5;
	s12 =	smul.u32 $0x6B80, s1  }
0xa: {  	s11 =	sadd.s32 $0x4200, s4;
	p4 =	sne.s32 s1, $0xF;
	s13 =	smul.u32 $0x31000, s1  }
0xb: {  	p0 =	seq.s32 s1, $0xF;
	s24 =	sadd.s32 $0xB7480, s2;
	s14 =	smul.u32 $0xE60, s1  }
0xc: {  	_ =	strace $0x80000047;
	s9 =	ssub.s32 $0x2, s8;
	p2 =	seq.s32 s8, $0x0  }
0xd: {  	s29 =	sshll.u32 s8, $0x4;
	p3 =	seq.s32 s8, $0x1;
	s31 =	smul.u32 $0xE600, s8  }
0xe: {  	s8 =	sadd.s32 $0x64C80, s2;
	s24 =	sshrl.u32 s24, $0x3;
	s28 =	sshrl.u32 s6, $0x3  }
0xf: {  	s10 =	sshrl.u32 s9, $0x1;
	p1 =	por !p2, !p4;
	p2 =	por !p2, !p0  }
0x10: {  	s22 =	sadd.s32 s6, s2;
	p4 =	por !p4, !p3;
	s30 =	sshrl.u32 s12, $0x3  }
0x11: {  	s23 =	sadd.s32 s12, s2;
	s13 =	sshrl.u32 s13, $0x2;
	s5 =	sadd.s32 s28, s4  }
0x12: {  	s9 =	ssub.s32 s9, s10;
	s10 =	sor.u32 s1, s29;
	p1 =	por !p1, !p1  }
0x13: {  	p2 =	por !p2, !p2;
	s4 =	sadd.s32 $0x54890, s4;
	p4 =	por !p4, !p4  }
.Ltmp0:
0x14: {  	s6 =	sadd.s32 s7, s30;
	s7 =	sadd.s32 $0xC990, s7;
	(pc) =	sbr.rel .LBB2_1-.Ltmp0, $4  }
0x15: {  	s12 =	sadd.s32 s31, s11;
	s22 =	sshrl.u32 s22, $0x3;
	s10 =	smul.u32 $0xE60, s10  }
0x16: {  	s5 =	sadd.s32 $0x3DA00, s5;
	s9 =	smax.u32 s9, $0x1;
	s14 =	sadd.s32 s14, s12  }
0x17: {  	s12 =	sadd.s32 s13, s2;
	s23 =	sshrl.u32 @p4 s23, $0x3;
	s10 =	sadd.s32 s11, s10  }
0x18: {  	v0 =	vimm.f32 $0.0e+00;
	v1 =	vimm.f32 $1.000000000e+00;
	s13 =	sadd.s32 $0x40, s14;
	s14 =	simm.s32 $0xD600;
	s11 =	sadd.s32 $0x20, s10  }
.LBB2_13:
0x19: {  	[hbm:s4], [sflag:s25] =	dma.local [spmem:s24], $0x1810  }
0x1a: {  	_ =	swait.ge [sflag:s15], $0x1810  }
0x1b: {  	[sflag:s15] =	ssyncset.done $0x0  }
0x1c: {  	[sflag:s15] =	ssyncadd.s32 $0xFFFFE7F0  }
.LBB2_14:
0x1d: {  	s26 =	sadd.s32 $0x1, s26  }
0x1e: {  	p5 =	sne.s32 s26, s9  }
.Ltmp1:
0x1f: {  	_ = 	snop;
	(pc) =	sbr.rel @!p5 .LBB2_15-.Ltmp1, $1  }
0x20: {  	_ =	sdelay $0x3  }
.LBB2_1:
0x21: {  	s28 =	simm.s32 $0x40;
	s29 =	simm.s32 $0x0  }
.LBB2_2:
0x22: {  	p5 =	sne.s32 s28, $0xDC0;
	[tilespmem:s29+$0xD600] =	vst v0;
	s29 =	smov.u32 s28;
	s28 =	sadd.s32 $0x40, s28  }
.Ltmp2:
0x23: {  	(pc) =	sbr.rel @p5 .LBB2_2-.Ltmp2, $2  }
0x24: {  	_ =	sdelay $0x2  }
0x25: {  	s29 =	sshra.s32 s29, $0x2  }
0x26: {  	s28 =	simm.s32 $0x0  }
0x27: {  	s30 =	sand.u32 $0x2000, s28  }
0x28: {  	s31 =	sand.u32 $0x7F0, s28;
	s30 =	sshrl.u32 s30, $0x2  }
0x29: {  	[tilespmem:s29+$0xD600] =	vst v0;
	s29 =	simm.s32 $0x40;
	s30 =	sor.u32 s31, s30  }
.LBB2_4:
0x2a: {  	p5 =	sne.s32 s29, $0x3FC0  }
0x2b: {  	[tilespmem:s30+$0x200] =	vst v1;
	s28 =	sadd.s32 $0x10, s28;
	s30 =	smov.u32 s29;
	s29 =	sadd.s32 $0x40, s29  }
.Ltmp3:
0x2c: {  	(pc) =	sbr.rel @p5 .LBB2_4-.Ltmp3, $4  }
0x2d: {  	_ = 	snop  }
0x2e: {  	s30 =	sand.u32 $0x2000, s30  }
0x2f: {  	s31 =	sand.u32 $0x7F0, s28;
	s30 =	sshrl.u32 s30, $0x2  }
0x30: {  	s30 =	sor.u32 s31, s30  }
0x31: {  	[tilespmem:s30+$0x200] =	vst v1;
	s28 =	sadd.s32 $0x0, s12  }
0x32: {  	[spmem:s28] =	stream.linear.scatter [tilespmem:s14], [sflag:$0x2], $0x380, $0x38;
	[tilespmem:$0xD980] =	vst v63  }
0x33: {  	s28 =	simm.s32 $0xE00;
	_ =	swait.ge [sflag:s15], $0x380  }
.LBB2_6:
0x34: {  	s29 =	sshra.s32 s28, $0x2;
	[sflag:s15] =	ssyncset.done $0x0;
	p5 =	sne.s32 s28, $0x30200  }
.Ltmp4:
0x35: {  	s29 =	sadd.s32 s29, s12;
	[sflag:s15] =	ssyncadd.s32 $0xFFFFFC80;
	(pc) =	sbr.rel @p5 .LBB2_6-.Ltmp4, $3  }
0x36: {  	[spmem:s29] =	stream.linear.scatter [tilespmem:s14], [sflag:$0x2], $0x380, $0x38;
	[tilespmem:$0xD980] =	vst v63  }
0x37: {  	s28 =	sadd.s32 $0xE00, s28;
	_ =	sdelay $0x1  }
0x38: {  	_ =	swait.ge [sflag:s15], $0x380  }
0x39: {  	[sflag:s15] =	ssyncset.done $0x0  }
0x3a: {  	[sflag:s15] =	ssyncadd.s32 $0xFFFFFC80  }
0x3b: {  	s28 =	simm.s32 $0x2;
	[bflag:$0x0] =	sbarrier.arrive $0xFFFF  }
0x3c: {  	[tilespmem:s3], [sflag:$0x2] =	stream.linear.gather [hbm4b:s10+s3], $0x100, $0x38;
	[tilespmem:$0xD980] =	vst v63  }
0x3d: {  	_ =	swait.ge [sflag:s28], $0x100  }
0x3e: {  	[sflag:s28] =	ssyncset.done $0x0  }
0x3f: {  	[sflag:s28] =	ssyncadd.s32 $0xFFFFFF00  }
0x40: {  	[spmem:s2] =	stream.indirect.scatter.add.f32 [tilespmem:s17], [sflag:$0x1], $0x10, s3, s16, $0xb8;
	[tilespmem:$0xD980] =	vst v63  }
0x41: {  	_ = 	snop  }
0x42: {  	[spmem:s2] =	stream.indirect.scatter.add.f32 [tilespmem:s18], [sflag:$0x1], $0x10, s16, s16, $0xb8;
	[tilespmem:$0xD980] =	vst v63  }
0x43: {  	_ = 	snop  }
0x44: {  	[tilespmem:s19], [sflag:$0x2] =	stream.linear.gather [hbm4b:s11+s3], $0x100, $0x38;
	[tilespmem:$0xD980] =	vst v63  }
0x45: {  	_ =	swait.ge [sflag:s28], $0x100  }
0x46: {  	[sflag:s28] =	ssyncset.done $0x0  }
0x47: {  	[sflag:s28] =	ssyncadd.s32 $0xFFFFFF00  }
0x48: {  	[spmem:s2] =	stream.indirect.scatter.add.f32 [tilespmem:s17], [sflag:$0x1], $0x10, s19, s16, $0xb8;
	[tilespmem:$0xD980] =	vst v63  }
0x49: {  	_ = 	snop  }
0x4a: {  	[spmem:s2] =	stream.indirect.scatter.add.f32 [tilespmem:s18], [sflag:$0x1], $0x10, s20, s16, $0xb8;
	[tilespmem:$0xD980] =	vst v63  }
0x4b: {  	s28 =	sand.u32 $0x1, s28;
	_ =	swait.ge [sflag:s21], $0x1000  }
0x4c: {  	p5 =	seq.s32 s28, $0x1;
	s28 =	simm.s32 $0x100;
	[sflag:s21] =	ssyncset.done $0x0  }
0x4d: {  	s28 =	simm.s32 @!p5 $0x0;
	[sflag:s21] =	ssyncadd.s32 $0xFFFFF000  }
0x4e: {  	[tilespmem:s28], [sflag:$0x2] =	stream.linear.gather [hbm4b:s13+s3], $0x100, $0x38;
	[tilespmem:$0xD980] =	vst v63  }
0x4f: {  	_ =	swait.ge [sflag:s15], $0x100  }
0x50: {  	[sflag:s15] =	ssyncset.done $0x0  }
0x51: {  	s30 =	simm.s32 $0x180;
	[sflag:s15] =	ssyncadd.s32 $0xFFFFFF00  }
0x52: {  	[spmem:s2] =	stream.indirect.scatter.add.f32 [tilespmem:s17], [sflag:$0x1], $0x10, s28, s16, $0xb8;
	[tilespmem:$0xD980] =	vst v63  }
0x53: {  	s29 =	sadd.s32 $0x20, s13;
	s30 =	simm.s32 @!p5 $0x80;
	s28 =	simm.s32 $0x3  }
.LBB2_8:
0x54: {  	[spmem:s2] =	stream.indirect.scatter.add.f32 [tilespmem:s18], [sflag:$0x1], $0x10, s30, s16, $0xb8;
	[tilespmem:$0xD980] =	vst v63  }
0x55: {  	s30 =	sand.u32 $0x1, s28  }
0x56: {  	p5 =	sne.s32 s28, $0x72;
	s28 =	sadd.s32 $0x1, s28;
	_ =	swait.ge [sflag:s21], $0x1000  }
0x57: {  	p6 =	seq.s32 s30, $0x1;
	s30 =	simm.s32 $0x100;
	[sflag:s21] =	ssyncset.done $0x0  }
0x58: {  	s30 =	simm.s32 @!p6 $0x0;
	[sflag:s21] =	ssyncadd.s32 $0xFFFFF000  }
0x59: {  	[tilespmem:s30], [sflag:$0x2] =	stream.linear.gather [hbm4b:s29+s3], $0x100, $0x38;
	[tilespmem:$0xD980] =	vst v63  }
0x5a: {  	_ =	swait.ge [sflag:s15], $0x100  }
.Ltmp5:
0x5b: {  	[sflag:s15] =	ssyncset.done $0x0;
	(pc) =	sbr.rel @p5 .LBB2_8-.Ltmp5, $4  }
0x5c: {  	[sflag:s15] =	ssyncadd.s32 $0xFFFFFF00  }
0x5d: {  	[spmem:s2] =	stream.indirect.scatter.add.f32 [tilespmem:s17], [sflag:$0x1], $0x10, s30, s16, $0xb8;
	[tilespmem:$0xD980] =	vst v63  }
0x5e: {  	s30 =	simm.s32 $0x180  }
0x5f: {  	s29 =	sadd.s32 $0x20, s29;
	s30 =	simm.s32 @!p6 $0x80  }
0x60: {  	[spmem:s2] =	stream.indirect.scatter.add.f32 [tilespmem:s18], [sflag:$0x1], $0x10, s30, s16, $0xb8;
	[tilespmem:$0xD980] =	vst v63  }
0x61: {  	_ =	swait.ge [sflag:s21], $0x1000  }
0x62: {  	[sflag:s21] =	ssyncset.done $0x0  }
0x63: {  	[sflag:s21] =	ssyncadd.s32 $0xFFFFF000  }
.Ltmp6:
0x64: {  	_ =	swait.ge [sflag:s21], $0x1000;
	(pc) =	sbr.rel @!p1 .LBB2_12-.Ltmp6, $3  }
0x65: {  	[sflag:s21] =	ssyncset.done $0x0  }
0x66: {  	[sflag:s21] =	ssyncadd.s32 $0xFFFFF000  }
0x67: {  	[bflag:$0x0] =	sbarrier.arrive $0xFFFF;
	_ =	sdelay $0x1  }
0x68: {  	s28 =	sshll.u32 s1, $0x6  }
.Ltmp7:
0x69: {  	s28 =	sor.u32 $0x1C02, s28;
	(pc) =	sbr.rel .LBB2_11-.Ltmp7, $4  }
0x6a: {  	[hbm:s5], [sflag:s28] =	dma.local [spmem:s22], $0x1870  }
0x6b: {  	_ =	swait.ge [sflag:s15], $0x1870  }
0x6c: {  	[sflag:s15] =	ssyncset.done $0x0  }
0x6d: {  	p5 =	por $0x0, $0x0;
	[sflag:s15] =	ssyncadd.s32 $0xFFFFE790  }
.LBB2_12:
.Ltmp8:
0x6e: {  	(pc) =	sbr.rel @p2 .LBB2_13-.Ltmp8, $2  }
0x6f: {  	_ =	sdelay $0x2  }
0x70: {  	p5 =	por p0, p0  }
.LBB2_11:
0x71: {  	s28 =	sshll.u32 @p4 s1, $0x6;
	p6 =	por @p4 $0x1, $0x1  }
0x72: {  	s28 =	sor.u32 @p4 $0x1C02, s28;
	p6 =	por @!p4 p3, p3  }
0x73: {  	[hbm:s6], [sflag:s28] =	dma.local @p4 [spmem:s23], $0xD70  }
0x74: {  	s28 =	simm.s32 @p4 $0x2;
	p5 =	por !p6, !p5  }
0x75: {  	_ =	swait.ge @p4 [sflag:s28], $0xD70;
	p5 =	por !p5, !p5  }
0x76: {  	[sflag:s28] =	ssyncset.done @p4 $0x0;
	s29 =	sshll.u32 @p5 s1, $0x6  }
0x77: {  	[sflag:s28] =	ssyncadd.s32 @p4 $0xFFFFF290;
	s28 =	sor.u32 @p5 $0x1C02, s29;
	s29 =	sshrl.u32 @p5 s8, $0x3  }
0x78: {  	[hbm:s7], [sflag:s28] =	dma.local @p5 [spmem:s29], $0xD50  }
.Ltmp9:
0x79: {  	_ = 	snop;
	(pc) =	sbr.rel .LBB2_14-.Ltmp9, $4  }
0x7a: {  	s28 =	simm.s32 @p5 $0x2  }
0x7b: {  	_ =	swait.ge @p5 [sflag:s28], $0xD50  }
0x7c: {  	[sflag:s28] =	ssyncset.done @p5 $0x0  }
0x7d: {  	[sflag:s28] =	ssyncadd.s32 @p5 $0xFFFFF2B0  }
.LBB2_15:
0x7e: {  	_ =	sfence.sel $0x180000  }
0x7f: {  	[bflag:$0x0] =	sbarrier.arrive $0xFFFF  }
0x80: {  	p0 =	sne.s32 s1, $0x0;
	_ =	strace $0x90000047  }
0x81: {  	s0 =	sadd.s32 @!p0 $0x100000, s0;
	[bflag:$0x2] =	sbarrier.arrive $0xFFFF  }
0x82: {  	[sflag:s0] =	ssyncadd.tile.s32 @!p0 $0x1;
	_ =	shalt  }
.Lfunc_end2:
_tile_overlayer_lowered:
.L_overlay_start_2:
0x83: {  	(tag) =	ssettag $0x2  }
0x84: {  	s0 =	rddreg [dreg:$0x0];
	s2 =	stileid.u32  }
0x85: {  	s1 =	rddreg [dreg:$0x1];
	p0 =	sne.s32 s2, $0x0  }
0x86: {  	s3 =	rddreg [dreg:$0x2];
	[bflag:$0x3] =	sbarrier.arrive $0xFFFF;
	s2 =	simm.s32 @!p0 $0x1C02  }
0x87: {  	[timem:s3], [sflag:s2] =	dma.local @!p0 [hbm:s0], s1  }
0x88: {  	s0 =	simm.s32 @!p0 $0x2  }
0x89: {  	_ =	swait.ge @!p0 [sflag:s0], s1  }
0x8a: {  	s1 =	ssub.s32 @!p0 $0x0, s1;
	[sflag:s0] =	ssyncset.done @!p0 $0x0  }
0x8b: {  	[sflag:s0] =	ssyncadd.s32 @!p0 s1  }
0x8c: {  	[bflag:$0x3] =	sbarrier.arrive $0xFFFF  }
0x8d: {  	_ =	shalt  }

// kernel: kernel.16.cloned.1.call-start
scs
__scs_entry_jumppad:
0x0: {  	(pc) =	sbr.rel $0x88, $3  }
0x1: {  	(tag) =	ssettag $0x0;
	lr =	simm.s32 $0x1  }
0x2: {  	[smem:$0x3F90] =	sst lr;
	_ =	strace $0xD0000000  }
0x3: {  	_ = 	snop  }
0x4: {  	_ = 	snop  }
0x5: {  	_ = 	snop  }
0x6: {  	_ = 	snop  }
0x7: {  	_ = 	snop  }
__scs_overlays_trampoline_lowered:
0x8: {  	[smem:$0x3F9F] =	sst s0  }
0x9: {  	[smem:$0x3FA0] =	sst s1  }
0xa: {  	[smem:$0x3FA1] =	sst s2  }
0xb: {  	[smem:$0x3FA2] =	sst s3  }
0xc: {  	[smem:$0x3FA3] =	sst s4  }
0xd: {  	[smem:$0x3FA4] =	sst s5  }
0xe: {  	[smem:$0x3FA5] =	sst s6  }
0xf: {  	[smem:$0x3FA6] =	sst s7  }
0x10: {  	[smem:$0x3FA7] =	sst s8  }
0x11: {  	[smem:$0x3FA8] =	sst s9;
	s0 =	simm.s32 @!p0 $0x0  }
0x12: {  	s1 =	sld [smem:$0x3F8E];
	s0 =	simm.s32 @p0 $0x1  }
0x13: {  	[smem:$0x3FA9] =	sst s0;
	s0 =	simm.s32 @!p1 $0x0  }
0x14: {  	s2 =	sld [smem:$0x3F8D];
	s0 =	simm.s32 @p1 $0x1  }
0x15: {  	[smem:$0x3FAA] =	sst s0;
	s0 =	simm.s32 @!p2 $0x0  }
0x16: {  	s3 =	sld [smem:$0x3FDB];
	s0 =	simm.s32 @p2 $0x1  }
0x17: {  	s4 =	simm.s32 $0x1BF5;
	[smem:$0x3FAC] =	sst s0  }
0x18: {  	s0 =	sld [smem:$0x3F8F];
	_ =	swait.ge [sflag:s4], $0x0  }
0x19: {  	s7 =	sld [smem:$0x3F90]  }
0x1a: {  	s8 =	sadd.s32 $0xFFFFE003, lr  }
0x1b: {  	s9 =	sadd.s32 $0xFFFFFEF7, lr;
	s5 =	simm.s32 $0xFFFFFFFF;
	p2 =	slt.u32 s8, $0xFFFFF086  }
0x1c: {  	p1 =	slt.u32 s9, $0xF7A;
	s5 =	simm.s32 @!p2 $0x0  }
0x1d: {  	s5 =	simm.s32 @p1 $0x1;
	p0 =	seq.s32 s7, s2  }
0x1e: {  	s7 =	smul.u32 @!p0 $0xF7A, s2;
	p2 =	seq.s32 @!p0 s5, $0x0  }
0x1f: {  	s9 =	smul.u32 $0xF7A, s1;
	s8 =	simm.s32 @!p0 $0x1BF5;
	p2 =	por !p2, p0  }
0x20: {  	[sflag:s8] =	ssyncset.s32 @!p0 $0xFFFFF086;
	s6 =	sadd.s32 @!p0 s3, s7;
	s7 =	simm.s32 @!p0 $0x108  }
0x21: {  	s3 =	sadd.s32 s3, s9;
	s6 =	sadd.s32 @!p0 $0x88, s6;
	s7 =	simm.s32 @p2 $0x1082  }
0x22: {  	[simem:s7], [sflag:s8] =	dma.local @!p0 [hbm:s6], $0xF7A  }
0x23: {  	s9 =	sor.u32 $0xD0000000, s2;
	s6 =	simm.s32 $0x108;
	_ =	swait.ge @!p0 [sflag:s8], $0x0  }
0x24: {  	s3 =	sadd.s32 $0x88, s3;
	s6 =	simm.s32 @!p1 $0x1082;
	[sflag:s4] =	ssyncset.s32 $0xFFFFF086  }
0x25: {  	[simem:s6], [sflag:s4] =	dma.local [hbm:s3], $0xF7A  }
0x26: {  	[smem:$0x3F90] =	sst s1;
	(tag) =	ssettag s2;
	_ =	strace s9  }
0x27: {  	s1 =	sld [smem:$0x3FA0]  }
0x28: {  	s2 =	sld [smem:$0x3FA1]  }
0x29: {  	s4 =	sld [smem:$0x3FA3]  }
0x2a: {  	p0 =	seq.s32 s5, $0x0;
	s5 =	sld [smem:$0x3FA4]  }
0x2b: {  	s6 =	sld [smem:$0x3FA5]  }
0x2c: {  	s7 =	sld [smem:$0x3FA6]  }
0x2d: {  	s3 =	simm.s32 $0x108;
	s8 =	sld [smem:$0x3FA7]  }
0x2e: {  	s3 =	simm.s32 @!p0 $0x1082;
	s9 =	sld [smem:$0x3FA8]  }
0x2f: {  	lr =	sadd.s32 s0, s3;
	s0 =	sld [smem:$0x3F9F]  }
0x30: {  	s3 =	sld [smem:$0x3FA2]  }
0x31: {  	[smem:$0x3FAB] =	sst s10  }
0x32: {  	s10 =	sld [smem:$0x3FA9];
	_ =	sdelay $0x3  }
0x33: {  	p0 =	seq.s32 s10, $0x1;
	s10 =	sld [smem:$0x3FAB];
	_ =	sdelay $0x3  }
0x34: {  	[smem:$0x3FAB] =	sst s10  }
0x35: {  	s10 =	sld [smem:$0x3FAA];
	_ =	sdelay $0x3  }
0x36: {  	p1 =	seq.s32 s10, $0x1;
	s10 =	sld [smem:$0x3FAB];
	_ =	sdelay $0x3  }
0x37: {  	[smem:$0x3FAB] =	sst s10  }
0x38: {  	s10 =	sld [smem:$0x3FAC]  }
0x39: {  	_ = 	snop;
	(pc) =	sbr.ind lr, $3  }
0x3a: {  	_ = 	snop  }
0x3b: {  	_ = 	snop  }
0x3c: {  	p2 =	seq.s32 s10, $0x1;
	s10 =	sld [smem:$0x3FAB]  }
0x3d: {  	_ =	shalt  }
0x3e: {  	_ =	shalt  }
0x3f: {  	_ =	shalt  }
0x40: {  	_ =	shalt  }
0x41: {  	_ =	shalt  }
0x42: {  	_ =	shalt  }
0x43: {  	_ =	shalt  }
0x44: {  	_ =	shalt  }
0x45: {  	_ =	shalt  }
0x46: {  	_ =	shalt  }
0x47: {  	_ =	shalt  }
0x48: {  	_ =	shalt  }
0x49: {  	_ =	shalt  }
0x4a: {  	_ =	shalt  }
0x4b: {  	_ =	shalt  }
0x4c: {  	_ =	shalt  }
0x4d: {  	_ =	shalt  }
0x4e: {  	_ =	shalt  }
0x4f: {  	_ =	shalt  }
0x50: {  	_ =	shalt  }
0x51: {  	_ =	shalt  }
0x52: {  	_ =	shalt  }
0x53: {  	_ =	shalt  }
0x54: {  	_ =	shalt  }
0x55: {  	_ =	shalt  }
0x56: {  	_ =	shalt  }
0x57: {  	_ =	shalt  }
0x58: {  	_ =	shalt  }
0x59: {  	_ =	shalt  }
0x5a: {  	_ =	shalt  }
0x5b: {  	_ =	shalt  }
0x5c: {  	_ =	shalt  }
0x5d: {  	_ =	shalt  }
0x5e: {  	_ =	shalt  }
0x5f: {  	_ =	shalt  }
0x60: {  	_ =	shalt  }
0x61: {  	_ =	shalt  }
0x62: {  	_ =	shalt  }
0x63: {  	_ =	shalt  }
0x64: {  	_ =	shalt  }
0x65: {  	_ =	shalt  }
0x66: {  	_ =	shalt  }
0x67: {  	_ =	shalt  }
0x68: {  	_ =	shalt  }
0x69: {  	_ =	shalt  }
0x6a: {  	_ =	shalt  }
0x6b: {  	_ =	shalt  }
0x6c: {  	_ =	shalt  }
0x6d: {  	_ =	shalt  }
0x6e: {  	_ =	shalt  }
0x6f: {  	_ =	shalt  }
0x70: {  	_ =	shalt  }
0x71: {  	_ =	shalt  }
0x72: {  	_ =	shalt  }
0x73: {  	_ =	shalt  }
0x74: {  	_ =	shalt  }
0x75: {  	_ =	shalt  }
0x76: {  	_ =	shalt  }
0x77: {  	_ =	shalt  }
0x78: {  	_ =	shalt  }
0x79: {  	_ =	shalt  }
0x7a: {  	_ =	shalt  }
0x7b: {  	_ =	shalt  }
0x7c: {  	_ =	shalt  }
0x7d: {  	_ =	shalt  }
0x7e: {  	_ =	shalt  }
0x7f: {  	_ =	shalt  }
0x80: {  	_ =	shalt  }
0x81: {  	_ =	shalt  }
0x82: {  	_ =	shalt  }
0x83: {  	_ =	shalt  }
0x84: {  	_ =	shalt  }
0x85: {  	_ =	shalt  }
0x86: {  	_ =	shalt  }
0x87: {  	_ =	shalt  }
.Lfunc_end0:
.L_simem_size_0:
called_computation.1_lowered:
.L_overlay_start_0:
0x88: {  	s2 =	sld [smem:$0x3FD9]  }
0x89: {  	s3 =	sld [smem:$0x3FFE];
	_ =	sdelay $0x1  }
0x8a: {  	s1 =	srdreg.scid  }
0x8b: {  	s0 =	sand.u32 $0x1, s1  }
0x8c: {  	s14 =	sshll.u32 s0, $0xA;
	s2 =	sadd.s32 s3, s2  }
0x8d: {  	s2 =	sadd.s32 s2, s14  }
0x8e: {  	[smem:$0x3FB7] =	sst s2  }
0x8f: {  	_ = 	snop  }
0x90: {  	s2 =	sld [smem:$0x3FD0];
	_ =	sdelay $0x2  }
0x91: {  	s15 =	simm.s32 $0xB;
	s4 =	simm.s32 $0x10  }
0x92: {  	[smem:s4], [sflag:s15] =	dma.local [hbm:s2], $0x1  }
0x93: {  	_ =	swait.eq [sflag:s15], $0x1  }
0x94: {  	[sflag:s15] =	ssyncset.done $0x0  }
0x95: {  	[sflag:s15] =	ssyncadd.s32 $0xFFFFFFFF  }
0x96: {  	s16 =	sld [smem:$0x10];
	(tm) =	ssettm $0x1  }
0x97: {  	s17 =	sld [smem:$0x3FFB];
	_ =	sdelay $0x3  }
0x98: {  	_ =	strace s17  }
0x99: {  	s3 =	sld [smem:$0x3FFC];
	_ =	sdelay $0x3  }
0x9a: {  	_ =	strace s3  }
0x9b: {  	s3 =	sld [smem:$0x3FFD];
	_ =	sdelay $0x3  }
0x9c: {  	_ =	strace s3  }
0x9d: {  	_ =	strace $0x8FFFFFFF  }
0x9e: {  	s18 =	sld [smem:$0x3FDB];
	_ =	sdelay $0x1  }
0x9f: {  	s19 =	simm.s32 $_scs_section_size  }
0xa0: {  	s5 =	simm.s32 $_size__tile_overlayer_lowered;
	s6 =	simm.s32 $_tile_overlayer_lowered  }
0xa1: {  	s22 =	simm.s32 $0x1BFF;
	s21 =	sshll.u32 s6, $0x1;
	s3 =	sadd.s32 s19, s18  }
0xa2: {  	s7 =	simm.s32 $0x0;
	s20 =	sshll.u32 s5, $0x1;
	s5 =	sadd.s32 s21, s3  }
0xa3: {  	[timem:s7], [sflag:s22] =	dma.local [hbm:s5], s20  }
0xa4: {  	_ =	swait.ge [sflag:s22], s20  }
0xa5: {  	s4 =	ssub.s32 $0x0, s20;
	[sflag:s22] =	ssyncset.done $0x0  }
0xa6: {  	[sflag:s22] =	ssyncadd.s32 s4;
	_ =	sdelay $0x1  }
0xa7: {  	s23 =	simm.s32 $0x1B8B  }
0xa8: {  	_ =	swait.ge [sflag:s23], $0x1  }
0xa9: {  	[sflag:s23] =	ssyncset.done $0x0  }
0xaa: {  	s25 =	simm.s32 $0x1B8E;
	s24 =	sld [smem:$0x3FFE];
	[sflag:s23] =	ssyncadd.s32 $0xFFFFFFFF  }
0xab: {  	s26 =	simm.s32 $execute0_lowered;
	[smem:$0x3FD2] =	sst s25  }
0xac: {  	s5 =	sshll.u32 s26, $0x1;
	_ =	strace $0x80000049;
	[dreg:$0x1] =	wrdreg $0xFFFFFFFF  }
0xad: {  	s28 =	simm.s32 $_size_execute0_lowered;
	s3 =	sadd.s32 s3, s5;
	[dreg:$0x0] =	wrdreg $0x0  }
0xae: {  	s5 =	sshll.u32 s28, $0x1;
	[dreg:$0x2] =	wrdreg s3  }
0xaf: {  	[dreg:$0x3] =	wrdreg s5  }
0xb0: {  	[dreg:$0x4] =	wrdreg $0xC0  }
0xb1: {  	_ =	task [dreg:s7], $0x5FFFF  }
0xb2: {  	[dreg:$0x1] =	wrdreg $0xFFFFFFFF  }
0xb3: {  	[dreg:$0x0] =	wrdreg $0x60  }
0xb4: {  	[dreg:$0x2] =	wrdreg s16  }
0xb5: {  	[dreg:$0x3] =	wrdreg s24  }
0xb6: {  	[dreg:$0x4] =	wrdreg $0x66000  }
0xb7: {  	[dreg:$0x5] =	wrdreg $0x9  }
0xb8: {  	_ =	task.clear_ibuf [dreg:s7], $0x6FFFF;
	_ =	strace $0x90000049  }
0xb9: {  	s29 =	simm.s32 $0x9;
	_ =	strace $0x8000004B  }
0xba: {  	_ =	swait.ge [sflag:s29], $0x1  }
0xbb: {  	[sflag:s29] =	ssyncadd.s32 $0xFFFFFFFF  }
0xbc: {  	_ =	strace $0x9000004B  }
0xbd: {  	_ =	sfence  }
0xbe: {  	s30 =	sld [smem:$0x0];
	_ =	sdelay $0x2  }
0xbf: {  	s31 =	sshll.u32 s1, $0xD;
	s1 =	sshrl.u32 s1, $0x2  }
0xc0: {  	s3 =	sand.u32 $0x4000, s31;
	s1 =	sadd.s32 s1, s30  }
0xc1: {  	s0 =	sor.u32 s3, s0;
	s1 =	sshll.u32 s1, $0x11  }
0xc2: {  	s0 =	sor.u32 s1, s0  }
0xc3: {  	s0 =	sadd.s32 $0x8F2B, s0  }
0xc4: {  	[sflag:s0] =	ssyncadd.remote.s32 $0x1  }
0xc5: {  	_ =	sfence.sel $0xFFFF  }
0xc6: {  	[dreg:$0x0] =	wrdreg $0xFFFFFFFF;
	(pc) =	sbr.abs _section_cstart, $3  }
0xc7: {  	[dreg:$0x1] =	wrdreg $0xFFFFFFFF  }
0xc8: {  	_ =	task.clear_ibuf [dreg:s7], $0x2FFFF;
	_ =	strace $0x9FFFFFFF  }
0xc9: {  	(tm) =	ssettm $0x7FFFFFFF  }
tec
execute0_lowered:
.L_overlay_start_1:
0x0: {  	(tag) =	ssettag $0x1  }
0x1: {  	s0 =	rddreg [dreg:$0x0]  }
0x2: {  	s2 =	rddreg [dreg:$0x1]  }
0x3: {  	s1 =	rddreg [dreg:$0x2];
	s3 =	simm.s32 $0x0;
	s15 =	stileid.u32  }
0x4: {  	s5 =	srdreg.scid;
	s16 =	simm.s32 $0x1EE00;
	s28 =	simm.s32 $0x480  }
0x5: {  	s29 =	simm.s32 $0x5600;
	s30 =	simm.s32 $0x2;
	s31 =	simm.s32 $0x300  }
0x6: {  	[smem:$0x7FF] =	sst s3;
	s4 =	sadd.s32 $0x56200, s2;
	s6 =	sadd.s32 $0x20E00, s2  }
0x7: {  	s7 =	smul.u32 $0x18700, s15;
	s5 =	sand.u32 $0x1, s5;
	s8 =	sadd.s32 $0x4200, s2  }
0x8: {  	s9 =	smul.u32 $0xD700, s15;
	p4 =	sne.s32 s15, $0xF;
	p0 =	seq.s32 s15, $0xF  }
0x9: {  	s25 =	sadd.s32 $0xB9B20, s2;
	s26 =	sadd.s32 $0x16E900, s1;
	s18 =	smul.u32 $0x62000, s15  }
0xa: {  	s20 =	sadd.s32 $0xC9900, s1;
	s22 =	smul.u32 $0xE60, s15;
	_ =	strace $0x8000004A  }
0xb: {  	s10 =	sshll.u32 s5, $0x4;
	s12 =	ssub.s32 $0x2, s5;
	p3 =	seq.s32 s5, $0x0  }
0xc: {  	p1 =	seq.s32 s5, $0x1;
	[dreg:$0x6] =	wrdreg s25;
	s19 =	smul.u32 $0xE600, s5  }
0xd: {  	[dreg:$0xa] =	wrdreg s20;
	s20 =	simm.s32 $0x1;
	s26 =	sshrl.u32 s26, $0x3  }
0xe: {  	s11 =	sshrl.u32 s7, $0x3;
	s10 =	sor.u32 s15, s10;
	s13 =	sshrl.u32 s9, $0x3  }
0xf: {  	s14 =	sshrl.u32 s12, $0x1;
	p2 =	por !p3, !p4;
	p3 =	por !p3, !p0  }
0x10: {  	s7 =	sadd.s32 s7, s1;
	p4 =	por !p4, !p1;
	s9 =	sadd.s32 s9, s1  }
0x11: {  	s4 =	smov.u32 @p1 s0;
	[dreg:$0xe] =	wrdreg s26;
	s26 =	simm.s32 $0x4600  }
0x12: {  	s10 =	smul.u32 $0xE60, s10;
	s11 =	sadd.s32 s11, s2;
	s13 =	sadd.s32 s13, s2  }
0x13: {  	s12 =	ssub.s32 s12, s14;
	p2 =	por !p2, !p2;
	p3 =	por !p3, !p3  }
0x14: {  	p4 =	por !p4, !p4;
	s2 =	sadd.s32 $0x8A320, s2;
	s23 =	sadd.s32 s19, s6  }
0x15: {  	s25 =	sshrl.u32 s7, $0x3;
	s7 =	simm.s32 $0x380;
	s11 =	sadd.s32 $0x8BE00, s11  }
0x16: {  	s17 =	sadd.s32 $0x71000, s13;
	[dreg:$0x9] =	wrdreg s2;
	s21 =	smax.u32 s12, $0x1  }
0x17: {  	s2 =	sadd.s32 s19, s8;
	s0 =	sadd.s32 s22, s23;
	[dreg:$0xc] =	wrdreg s25  }
0x18: {  	s19 =	simm.s32 $0x3;
	s25 =	simm.s32 $0x3600;
	[dreg:$0x7] =	wrdreg s11  }
0x19: {  	s23 =	simm.s32 $0x180;
	s24 =	sadd.s32 s6, s10;
	[dreg:$0x8] =	wrdreg s17  }
0x1a: {  	s10 =	sadd.s32 s8, s10;
	[dreg:$0xb] =	wrdreg s21;
	s2 =	sadd.s32 s22, s2  }
0x1b: {  	s14 =	sadd.s32 $0x20, s0;
	s17 =	simm.s32 $0x4;
	s21 =	simm.s32 $0x80  }
.Ltmp0:
0x1c: {  	s0 =	sshrl.u32 @p4 s9, $0x3;
	s8 =	simm.s32 $0x600;
	(pc) =	sbr.rel .LBB2_1-.Ltmp0, $4  }
0x1d: {  	s9 =	simm.s32 $0x1600;
	s11 =	simm.s32 $0x280;
	[dreg:$0x4] =	wrdreg s24  }
0x1e: {  	s6 =	simm.s32 $0x0;
	[dreg:$0x5] =	wrdreg s10;
	s24 =	sshrl.u32 s18, $0x2  }
0x1f: {  	s15 =	sadd.s32 $0x20, s2;
	s18 =	simm.s32 $0x100;
	[dreg:$0xd] =	wrdreg s0  }
0x20: {  	v0 =	vimm.f32 $0.0e+00;
	s0 =	simm.s32 $0x2600;
	s10 =	simm.s32 $0x200;
	s13 =	sadd.s32 s24, s1  }
.LBB2_23:
0x21: {  	s2 =	rddreg [dreg:$0x6]  }
0x22: {  	s5 =	rddreg [dreg:$0xe];
	s12 =	simm.s32 $0x1FC4  }
0x23: {  	[hbm:s2], [sflag:s12] =	dma.local [spmem:s5], $0x3020  }
0x24: {  	_ =	swait.ge [sflag:s17], $0x3020  }
0x25: {  	[sflag:s17] =	ssyncset.done $0x0  }
0x26: {  	[sflag:s17] =	ssyncadd.s32 $0xFFFFCFE0  }
.LBB2_24:
0x27: {  	s6 =	sadd.s32 $0x1, s6;
	s2 =	rddreg [dreg:$0xb]  }
0x28: {  	p5 =	sne.s32 s6, s2  }
.Ltmp1:
0x29: {  	_ = 	snop;
	(pc) =	sbr.rel @!p5 .LBB2_25-.Ltmp1, $1  }
0x2a: {  	_ =	sdelay $0x3  }
.LBB2_1:
0x2b: {  	s2 =	simm.s32 $0x0  }
.LBB2_2:
0x2c: {  	p5 =	sne.s32 s2, $0x1B80  }
.Ltmp2:
0x2d: {  	_ = 	snop;
	(pc) =	sbr.rel @p5 .LBB2_2-.Ltmp2, $4  }
0x2e: {  	_ = 	snop  }
0x2f: {  	s12 =	sshra.s32 s2, $0x2  }
0x30: {  	[tilespmem:s12+$0x1EE00] =	vst v0  }
0x31: {  	s2 =	sadd.s32 $0x80, s2;
	[tilespmem:s12+$0x1EE10] =	vst v0  }
0x32: {  	s2 =	sadd.s32 $0x0, s13  }
0x33: {  	[spmem:s2] =	stream.linear.scatter [tilespmem:s16], [sflag:$0x4], $0x700, $0x38;
	[tilespmem:$0x1F500] =	vst v63  }
0x34: {  	s2 =	simm.s32 $0x1C00;
	_ =	swait.ge [sflag:s17], $0x700  }
.LBB2_4:
0x35: {  	s12 =	sshra.s32 s2, $0x2;
	[sflag:s17] =	ssyncset.done $0x0;
	p5 =	sne.s32 s2, $0x60400  }
.Ltmp3:
0x36: {  	s12 =	sadd.s32 s12, s13;
	[sflag:s17] =	ssyncadd.s32 $0xFFFFF900;
	(pc) =	sbr.rel @p5 .LBB2_4-.Ltmp3, $3  }
0x37: {  	[spmem:s12] =	stream.linear.scatter [tilespmem:s16], [sflag:$0x4], $0x700, $0x38;
	[tilespmem:$0x1F500] =	vst v63  }
0x38: {  	s2 =	sadd.s32 $0x1C00, s2;
	_ =	sdelay $0x1  }
0x39: {  	_ =	swait.ge [sflag:s17], $0x700  }
0x3a: {  	[sflag:s17] =	ssyncset.done $0x0  }
0x3b: {  	[sflag:s17] =	ssyncadd.s32 $0xFFFFF900  }
0x3c: {  	[bflag:$0x0] =	sbarrier.arrive $0xFFFF  }
0x3d: {  	s2 =	simm.s32 $0x0;
	s5 =	rddreg [dreg:$0x4]  }
0x3e: {  	[tilespmem:s2], [sflag:$0x4] =	stream.linear.gather [hbm4b:s5+s2], $0x100, $0x38;
	[tilespmem:$0x1F500] =	vst v63  }
0x3f: {  	_ =	swait.ge [sflag:s17], $0x100  }
0x40: {  	[sflag:s17] =	ssyncset.done $0x0  }
.Ltmp4:
0x41: {  	s24 =	rddreg [dreg:$0x5];
	[sflag:s17] =	ssyncadd.s32 $0xFFFFFF00;
	(pc) =	sbr.rel .LBB2_6-.Ltmp4, $4  }
0x42: {  	[tilespmem:s18], [sflag:$0x4] =	stream.linear.gather [hbm4b:s24+s2], $0x100, $0x38;
	[tilespmem:$0x1F500] =	vst v63  }
0x43: {  	_ =	swait.ge [sflag:s17], $0x100  }
0x44: {  	[sflag:s17] =	ssyncset.done $0x0  }
0x45: {  	s12 =	simm.s32 $0x0;
	[sflag:s17] =	ssyncadd.s32 $0xFFFFFF00  }
.LBB2_17:
0x46: {  	_ =	swait.ge [sflag:s19], $0x2000  }
0x47: {  	[sflag:s19] =	ssyncset.done $0x0  }
0x48: {  	[sflag:s19] =	ssyncadd.s32 $0xFFFFE000  }
0x49: {  	_ =	swait.ge [sflag:s20], $0x100  }
0x4a: {  	[sflag:s20] =	ssyncset.done $0x0  }
0x4b: {  	[sflag:s20] =	ssyncadd.s32 $0xFFFFFF00  }
0x4c: {  	_ =	swait.ge [sflag:s20], $0x100  }
0x4d: {  	p5 =	seq.s32 s2, $0xE40;
	[sflag:s20] =	ssyncset.done $0x0  }
0x4e: {  	s5 =	sadd.s32 @!p5 s2, s14;
	s22 =	simm.s32 @!p5 $0x0;
	[sflag:s20] =	ssyncadd.s32 $0xFFFFFF00  }
0x4f: {  	[tilespmem:s22], [sflag:$0x1] =	stream.linear.gather @!p5 [hbm4b:s5+s22], $0x100, $0x38;
	[tilespmem:$0x1F500] =	vst v63  }
0x50: {  	s24 =	simm.s32 @!p5 $0x100;
	s5 =	sadd.s32 @!p5 s2, s15  }
0x51: {  	[tilespmem:s24], [sflag:$0x1] =	stream.linear.gather @!p5 [hbm4b:s5+s22], $0x100, $0x38;
	[tilespmem:$0x1F500] =	vst v63  }
0x52: {  	s24 =	simm.s32 $0x400  }
0x53: {  	[tilespmem:s26], [sflag:$0x2] =	stream.indirect.gather [hbm4b:s4+s21], $0x20, s24, s21, $0xb8;
	[tilespmem:$0x1F500] =	vst v63  }
0x54: {  	_ = 	snop  }
0x55: {  	[tilespmem:s29], [sflag:$0x2] =	stream.indirect.gather [hbm4b:s4+s21], $0x20, s28, s21, $0xb8;
	[tilespmem:$0x1F500] =	vst v63  }
0x56: {  	_ =	swait.ge [sflag:s30], $0x2000  }
0x57: {  	[sflag:s30] =	ssyncset.done $0x0  }
0x58: {  	[sflag:s30] =	ssyncadd.s32 $0xFFFFE000  }
0x59: {  	[spmem:s1] =	stream.indirect.scatter.add.f32 [tilespmem:s0], [sflag:$0x3], $0x20, s31, s21, $0xb8;
	[tilespmem:$0x1F500] =	vst v63  }
0x5a: {  	_ = 	snop  }
0x5b: {  	[spmem:s1] =	stream.indirect.scatter.add.f32 [tilespmem:s25], [sflag:$0x3], $0x20, s7, s21, $0xb8;
	[tilespmem:$0x1F500] =	vst v63  }
.LBB2_18:
0x5c: {  	s2 =	sadd.s32 $0x20, s2  }
0x5d: {  	p5 =	sne.s32 s2, $0xE60  }
.Ltmp5:
0x5e: {  	_ = 	snop;
	(pc) =	sbr.rel @!p5 .LBB2_19-.Ltmp5, $2  }
0x5f: {  	_ =	sdelay $0x2  }
0x60: {  	s12 =	sadd.s32 $0x1, s12  }
.LBB2_6:
0x61: {  	s24 =	smul.u32 $0xAB, s12;
	_ =	sdelay $0x1  }
0x62: {  	s24 =	sshrl.u32 s24, $0x9  }
0x63: {  	s24 =	sand.u32 $0x7F, s24  }
0x64: {  	s24 =	smul.u32 $0x3, s24;
	_ =	sdelay $0x1  }
0x65: {  	s24 =	ssub.s32 s12, s24  }
0x66: {  	s24 =	sand.u32 $0xFF, s24  }
0x67: {  	p5 =	seq.s32 s24, $0x2  }
.Ltmp6:
0x68: {  	_ = 	snop;
	(pc) =	sbr.rel @p5 .LBB2_17-.Ltmp6, $1  }
0x69: {  	_ =	sdelay $0x3  }
0x6a: {  	p5 =	seq.s32 s24, $0x1  }
.Ltmp7:
0x6b: {  	_ = 	snop;
	(pc) =	sbr.rel @!p5 .LBB2_8-.Ltmp7, $1  }
0x6c: {  	_ =	sdelay $0x3  }
0x6d: {  	p5 =	slt.u32 s12, $0x2  }
0x6e: {  	s24 =	simm.s32 @!p5 $0x3  }
0x6f: {  	_ =	swait.ge @!p5 [sflag:s24], $0x2000  }
0x70: {  	[sflag:s24] =	ssyncset.done @!p5 $0x0  }
0x71: {  	[sflag:s24] =	ssyncadd.s32 @!p5 $0xFFFFE000  }
0x72: {  	_ =	swait.ge [sflag:s20], $0x100  }
0x73: {  	[sflag:s20] =	ssyncset.done $0x0  }
0x74: {  	[sflag:s20] =	ssyncadd.s32 $0xFFFFFF00  }
0x75: {  	p5 =	seq.s32 s2, $0xE40;
	_ =	swait.ge [sflag:s20], $0x100  }
0x76: {  	s24 =	sadd.s32 @!p5 s2, s14;
	[sflag:s20] =	ssyncset.done $0x0  }
0x77: {  	s5 =	simm.s32 @!p5 $0x0;
	s22 =	simm.s32 @!p5 $0x400;
	[sflag:s20] =	ssyncadd.s32 $0xFFFFFF00  }
0x78: {  	[tilespmem:s22], [sflag:$0x1] =	stream.linear.gather @!p5 [hbm4b:s24+s5], $0x100, $0x38;
	[tilespmem:$0x1F500] =	vst v63  }
0x79: {  	s22 =	sadd.s32 @!p5 s2, s15;
	s24 =	simm.s32 @!p5 $0x500  }
0x7a: {  	[tilespmem:s24], [sflag:$0x1] =	stream.linear.gather @!p5 [hbm4b:s22+s5], $0x100, $0x38;
	[tilespmem:$0x1F500] =	vst v63  }
0x7b: {  	_ = 	snop  }
0x7c: {  	[tilespmem:s0], [sflag:$0x2] =	stream.indirect.gather [hbm4b:s4+s21], $0x20, s10, s21, $0xb8;
	[tilespmem:$0x1F500] =	vst v63  }
0x7d: {  	_ = 	snop  }
0x7e: {  	[tilespmem:s25], [sflag:$0x2] =	stream.indirect.gather [hbm4b:s4+s21], $0x20, s11, s21, $0xb8;
	[tilespmem:$0x1F500] =	vst v63  }
0x7f: {  	_ =	swait.ge [sflag:s30], $0x2000  }
.Ltmp8:
0x80: {  	[sflag:s30] =	ssyncset.done $0x0;
	(pc) =	sbr.rel .LBB2_18-.Ltmp8, $4  }
0x81: {  	[sflag:s30] =	ssyncadd.s32 $0xFFFFE000  }
0x82: {  	[spmem:s1] =	stream.indirect.scatter.add.f32 [tilespmem:s8], [sflag:$0x3], $0x20, s18, s21, $0xb8;
	[tilespmem:$0x1F500] =	vst v63  }
0x83: {  	_ = 	snop  }
0x84: {  	[spmem:s1] =	stream.indirect.scatter.add.f32 [tilespmem:s9], [sflag:$0x3], $0x20, s23, s21, $0xb8;
	[tilespmem:$0x1F500] =	vst v63  }
.LBB2_8:
0x85: {  	p5 =	slt.u32 s12, $0x2  }
.Ltmp9:
0x86: {  	_ = 	snop;
	(pc) =	sbr.rel @p5 .LBB2_12-.Ltmp9, $1  }
0x87: {  	_ =	sdelay $0x3  }
.Ltmp10:
0x88: {  	(pc) =	sbr.rel .LBB2_10-.Ltmp10, $4  }
0x89: {  	_ = 	snop  }
0x8a: {  	_ =	swait.ge [sflag:s19], $0x2000  }
0x8b: {  	[sflag:s19] =	ssyncset.done $0x0  }
0x8c: {  	[sflag:s19] =	ssyncadd.s32 $0xFFFFE000  }
.LBB2_12:
0x8d: {  	p5 =	seq.s32 s2, $0x0  }
.Ltmp11:
0x8e: {  	_ = 	snop;
	(pc) =	sbr.rel @p5 .LBB2_13-.Ltmp11, $1  }
0x8f: {  	_ =	sdelay $0x3  }
.LBB2_10:
0x90: {  	_ =	swait.ge [sflag:s20], $0x100;
	p6 =	seq.s32 s2, $0xE40  }
.Ltmp12:
0x91: {  	[sflag:s20] =	ssyncset.done $0x0;
	(pc) =	sbr.rel @!p6 .LBB2_14-.Ltmp12, $4  }
0x92: {  	[sflag:s20] =	ssyncadd.s32 $0xFFFFFF00  }
0x93: {  	_ =	swait.ge [sflag:s20], $0x100  }
0x94: {  	[sflag:s20] =	ssyncset.done $0x0  }
0x95: {  	p5 =	por $0x0, $0x0;
	[sflag:s20] =	ssyncadd.s32 $0xFFFFFF00  }
.Ltmp13:
0x96: {  	(pc) =	sbr.rel .LBB2_15-.Ltmp13, $4  }
0x97: {  	_ = 	snop  }
0x98: {  	[tilespmem:s8], [sflag:$0x2] =	stream.indirect.gather [hbm4b:s4+s21], $0x20, s3, s21, $0xb8;
	[tilespmem:$0x1F500] =	vst v63  }
0x99: {  	_ = 	snop  }
0x9a: {  	[tilespmem:s9], [sflag:$0x2] =	stream.indirect.gather [hbm4b:s4+s21], $0x20, s21, s21, $0xb8;
	[tilespmem:$0x1F500] =	vst v63  }
.LBB2_13:
0x9b: {  	p5 =	por $0x1, $0x1  }
.LBB2_14:
0x9c: {  	s24 =	sadd.s32 s2, s14  }
0x9d: {  	[tilespmem:s10], [sflag:$0x1] =	stream.linear.gather [hbm4b:s24+s3], $0x100, $0x38;
	[tilespmem:$0x1F500] =	vst v63  }
0x9e: {  	s22 =	sadd.s32 s2, s15  }
0x9f: {  	[tilespmem:s31], [sflag:$0x1] =	stream.linear.gather [hbm4b:s22+s3], $0x100, $0x38;
	[tilespmem:$0x1F500] =	vst v63  }
.Ltmp14:
0xa0: {  	_ = 	snop;
	(pc) =	sbr.rel @p5 .LBB2_18-.Ltmp14, $4  }
0xa1: {  	_ = 	snop  }
0xa2: {  	[tilespmem:s8], [sflag:$0x2] =	stream.indirect.gather [hbm4b:s4+s21], $0x20, s3, s21, $0xb8;
	[tilespmem:$0x1F500] =	vst v63  }
0xa3: {  	_ = 	snop  }
0xa4: {  	[tilespmem:s9], [sflag:$0x2] =	stream.indirect.gather [hbm4b:s4+s21], $0x20, s21, s21, $0xb8;
	[tilespmem:$0x1F500] =	vst v63  }
.LBB2_15:
0xa5: {  	_ =	swait.ge [sflag:s30], $0x2000  }
.Ltmp15:
0xa6: {  	[sflag:s30] =	ssyncset.done $0x0;
	(pc) =	sbr.rel .LBB2_18-.Ltmp15, $4  }
0xa7: {  	s5 =	simm.s32 $0x500;
	[sflag:s30] =	ssyncadd.s32 $0xFFFFE000  }
0xa8: {  	[spmem:s1] =	stream.indirect.scatter.add.f32 [tilespmem:s26], [sflag:$0x3], $0x20, s5, s21, $0xb8;
	[tilespmem:$0x1F500] =	vst v63  }
0xa9: {  	s24 =	simm.s32 $0x580  }
0xaa: {  	[spmem:s1] =	stream.indirect.scatter.add.f32 [tilespmem:s29], [sflag:$0x3], $0x20, s24, s21, $0xb8;
	[tilespmem:$0x1F500] =	vst v63  }
.LBB2_19:
0xab: {  	_ =	swait.ge [sflag:s30], $0x2000  }
0xac: {  	[sflag:s30] =	ssyncset.done $0x0  }
0xad: {  	[sflag:s30] =	ssyncadd.s32 $0xFFFFE000  }
0xae: {  	[spmem:s1] =	stream.indirect.scatter.add.f32 [tilespmem:s8], [sflag:$0x3], $0x20, s18, s21, $0xb8;
	[tilespmem:$0x1F500] =	vst v63  }
0xaf: {  	_ = 	snop  }
0xb0: {  	[spmem:s1] =	stream.indirect.scatter.add.f32 [tilespmem:s9], [sflag:$0x3], $0x20, s23, s21, $0xb8;
	[tilespmem:$0x1F500] =	vst v63  }
0xb1: {  	_ =	swait.ge [sflag:s19], $0x2000  }
0xb2: {  	[sflag:s19] =	ssyncset.done $0x0  }
0xb3: {  	[sflag:s19] =	ssyncadd.s32 $0xFFFFE000  }
.Ltmp16:
0xb4: {  	_ =	swait.ge [sflag:s19], $0x2000;
	(pc) =	sbr.rel @!p2 .LBB2_22-.Ltmp16, $3  }
0xb5: {  	[sflag:s19] =	ssyncset.done $0x0  }
0xb6: {  	[sflag:s19] =	ssyncadd.s32 $0xFFFFE000  }
0xb7: {  	[bflag:$0x0] =	sbarrier.arrive $0xFFFF;
	_ =	sdelay $0x1  }
0xb8: {  	s2 =	stileid.u32  }
0xb9: {  	s5 =	rddreg [dreg:$0x7];
	s2 =	sshll.u32 s2, $0x6  }
.Ltmp17:
0xba: {  	s12 =	rddreg [dreg:$0xc];
	s2 =	sor.u32 $0x1C04, s2;
	(pc) =	sbr.rel .LBB2_21-.Ltmp17, $4  }
0xbb: {  	[hbm:s5], [sflag:s2] =	dma.local [spmem:s12], $0x30E0  }
0xbc: {  	_ =	swait.ge [sflag:s17], $0x30E0  }
0xbd: {  	[sflag:s17] =	ssyncset.done $0x0  }
0xbe: {  	p5 =	por $0x0, $0x0;
	[sflag:s17] =	ssyncadd.s32 $0xFFFFCF20  }
.LBB2_22:
.Ltmp18:
0xbf: {  	(pc) =	sbr.rel @p3 .LBB2_23-.Ltmp18, $2  }
0xc0: {  	_ =	sdelay $0x2  }
0xc1: {  	p5 =	por p0, p0  }
.LBB2_21:
0xc2: {  	s5 =	stileid.u32  }
0xc3: {  	s12 =	rddreg [dreg:$0x8];
	p6 =	por @p4 $0x1, $0x1;
	s2 =	sshll.u32 @p4 s5, $0x6  }
0xc4: {  	s22 =	rddreg [dreg:$0xd];
	p6 =	por @!p4 p1, p1;
	s2 =	sor.u32 @p4 $0x1C04, s2  }
0xc5: {  	[hbm:s12], [sflag:s2] =	dma.local @p4 [spmem:s22], $0x1AE0  }
0xc6: {  	p5 =	por !p6, !p5;
	s2 =	simm.s32 @p4 $0x4  }
0xc7: {  	p5 =	por !p5, !p5;
	_ =	swait.ge @p4 [sflag:s2], $0x1AE0  }
0xc8: {  	s5 =	sshll.u32 @p5 s5, $0x6;
	[sflag:s2] =	ssyncset.done @p4 $0x0  }
0xc9: {  	[sflag:s2] =	ssyncadd.s32 @p4 $0xFFFFE520;
	s2 =	sor.u32 @p5 $0x1C04, s5;
	s5 =	rddreg [dreg:$0xa]  }
0xca: {  	s12 =	rddreg [dreg:$0x9];
	s5 =	sshrl.u32 @p5 s5, $0x3  }
0xcb: {  	[hbm:s12], [sflag:s2] =	dma.local @p5 [spmem:s5], $0x1AA0  }
.Ltmp19:
0xcc: {  	_ = 	snop;
	(pc) =	sbr.rel .LBB2_24-.Ltmp19, $4  }
0xcd: {  	s2 =	simm.s32 @p5 $0x4  }
0xce: {  	_ =	swait.ge @p5 [sflag:s2], $0x1AA0  }
0xcf: {  	[sflag:s2] =	ssyncset.done @p5 $0x0  }
0xd0: {  	[sflag:s2] =	ssyncadd.s32 @p5 $0xFFFFE560  }
.LBB2_25:
0xd1: {  	_ =	sfence.sel $0x180000  }
0xd2: {  	[bflag:$0x0] =	sbarrier.arrive $0xFFFF  }
0xd3: {  	_ =	strace $0x9000004A  }
0xd4: {  	s0 =	stileid.u32;
	[bflag:$0x2] =	sbarrier.arrive $0xFFFF  }
0xd5: {  	p0 =	sne.s32 s0, $0x0;
	s0 =	rddreg [dreg:$0x3]  }
0xd6: {  	s0 =	sadd.s32 @!p0 $0x100000, s0  }
0xd7: {  	[sflag:s0] =	ssyncadd.tile.s32 @!p0 $0x1;
	_ =	shalt  }
.Lfunc_end2:
_tile_overlayer_lowered:
.L_overlay_start_2:
0xd8: {  	(tag) =	ssettag $0x2  }
0xd9: {  	s0 =	rddreg [dreg:$0x0];
	s2 =	stileid.u32  }
0xda: {  	s1 =	rddreg [dreg:$0x1];
	p0 =	sne.s32 s2, $0x0  }
0xdb: {  	s3 =	rddreg [dreg:$0x2];
	[bflag:$0x3] =	sbarrier.arrive $0xFFFF;
	s2 =	simm.s32 @!p0 $0x1C04  }
0xdc: {  	[timem:s3], [sflag:s2] =	dma.local @!p0 [hbm:s0], s1  }
0xdd: {  	s0 =	simm.s32 @!p0 $0x4  }
0xde: {  	_ =	swait.ge @!p0 [sflag:s0], s1  }
0xdf: {  	s1 =	ssub.s32 @!p0 $0x0, s1;
	[sflag:s0] =	ssyncset.done @!p0 $0x0  }
0xe0: {  	[sflag:s0] =	ssyncadd.s32 @!p0 s1  }
0xe1: {  	[bflag:$0x3] =	sbarrier.arrive $0xFFFF  }
0xe2: {  	_ =	shalt  }

// kernel: kernel.19.cloned.1.call-start
scs
__scs_entry_jumppad:
0x0: {  	(pc) =	sbr.rel $0x88, $3  }
0x1: {  	(tag) =	ssettag $0x0;
	lr =	simm.s32 $0x1  }
0x2: {  	[smem:$0x3F90] =	sst lr;
	_ =	strace $0xD0000000  }
0x3: {  	_ = 	snop  }
0x4: {  	_ = 	snop  }
0x5: {  	_ = 	snop  }
0x6: {  	_ = 	snop  }
0x7: {  	_ = 	snop  }
__scs_overlays_trampoline_lowered:
0x8: {  	[smem:$0x3F9F] =	sst s0  }
0x9: {  	[smem:$0x3FA0] =	sst s1  }
0xa: {  	[smem:$0x3FA1] =	sst s2  }
0xb: {  	[smem:$0x3FA2] =	sst s3  }
0xc: {  	[smem:$0x3FA3] =	sst s4  }
0xd: {  	[smem:$0x3FA4] =	sst s5  }
0xe: {  	[smem:$0x3FA5] =	sst s6  }
0xf: {  	[smem:$0x3FA6] =	sst s7  }
0x10: {  	[smem:$0x3FA7] =	sst s8  }
0x11: {  	[smem:$0x3FA8] =	sst s9;
	s0 =	simm.s32 @!p0 $0x0  }
0x12: {  	s1 =	sld [smem:$0x3F8E];
	s0 =	simm.s32 @p0 $0x1  }
0x13: {  	[smem:$0x3FA9] =	sst s0;
	s0 =	simm.s32 @!p1 $0x0  }
0x14: {  	s2 =	sld [smem:$0x3F8D];
	s0 =	simm.s32 @p1 $0x1  }
0x15: {  	[smem:$0x3FAA] =	sst s0;
	s0 =	simm.s32 @!p2 $0x0  }
0x16: {  	s3 =	sld [smem:$0x3FDB];
	s0 =	simm.s32 @p2 $0x1  }
0x17: {  	s4 =	simm.s32 $0x1BF5;
	[smem:$0x3FAC] =	sst s0  }
0x18: {  	s0 =	sld [smem:$0x3F8F];
	_ =	swait.ge [sflag:s4], $0x0  }
0x19: {  	s7 =	sld [smem:$0x3F90]  }
0x1a: {  	s8 =	sadd.s32 $0xFFFFE003, lr  }
0x1b: {  	s9 =	sadd.s32 $0xFFFFFEF7, lr;
	s5 =	simm.s32 $0xFFFFFFFF;
	p2 =	slt.u32 s8, $0xFFFFF086  }
0x1c: {  	p1 =	slt.u32 s9, $0xF7A;
	s5 =	simm.s32 @!p2 $0x0  }
0x1d: {  	s5 =	simm.s32 @p1 $0x1;
	p0 =	seq.s32 s7, s2  }
0x1e: {  	s7 =	smul.u32 @!p0 $0xF7A, s2;
	p2 =	seq.s32 @!p0 s5, $0x0  }
0x1f: {  	s9 =	smul.u32 $0xF7A, s1;
	s8 =	simm.s32 @!p0 $0x1BF5;
	p2 =	por !p2, p0  }
0x20: {  	[sflag:s8] =	ssyncset.s32 @!p0 $0xFFFFF086;
	s6 =	sadd.s32 @!p0 s3, s7;
	s7 =	simm.s32 @!p0 $0x108  }
0x21: {  	s3 =	sadd.s32 s3, s9;
	s6 =	sadd.s32 @!p0 $0x88, s6;
	s7 =	simm.s32 @p2 $0x1082  }
0x22: {  	[simem:s7], [sflag:s8] =	dma.local @!p0 [hbm:s6], $0xF7A  }
0x23: {  	s9 =	sor.u32 $0xD0000000, s2;
	s6 =	simm.s32 $0x108;
	_ =	swait.ge @!p0 [sflag:s8], $0x0  }
0x24: {  	s3 =	sadd.s32 $0x88, s3;
	s6 =	simm.s32 @!p1 $0x1082;
	[sflag:s4] =	ssyncset.s32 $0xFFFFF086  }
0x25: {  	[simem:s6], [sflag:s4] =	dma.local [hbm:s3], $0xF7A  }
0x26: {  	[smem:$0x3F90] =	sst s1;
	(tag) =	ssettag s2;
	_ =	strace s9  }
0x27: {  	s1 =	sld [smem:$0x3FA0]  }
0x28: {  	s2 =	sld [smem:$0x3FA1]  }
0x29: {  	s4 =	sld [smem:$0x3FA3]  }
0x2a: {  	p0 =	seq.s32 s5, $0x0;
	s5 =	sld [smem:$0x3FA4]  }
0x2b: {  	s6 =	sld [smem:$0x3FA5]  }
0x2c: {  	s7 =	sld [smem:$0x3FA6]  }
0x2d: {  	s3 =	simm.s32 $0x108;
	s8 =	sld [smem:$0x3FA7]  }
0x2e: {  	s3 =	simm.s32 @!p0 $0x1082;
	s9 =	sld [smem:$0x3FA8]  }
0x2f: {  	lr =	sadd.s32 s0, s3;
	s0 =	sld [smem:$0x3F9F]  }
0x30: {  	s3 =	sld [smem:$0x3FA2]  }
0x31: {  	[smem:$0x3FAB] =	sst s10  }
0x32: {  	s10 =	sld [smem:$0x3FA9];
	_ =	sdelay $0x3  }
0x33: {  	p0 =	seq.s32 s10, $0x1;
	s10 =	sld [smem:$0x3FAB];
	_ =	sdelay $0x3  }
0x34: {  	[smem:$0x3FAB] =	sst s10  }
0x35: {  	s10 =	sld [smem:$0x3FAA];
	_ =	sdelay $0x3  }
0x36: {  	p1 =	seq.s32 s10, $0x1;
	s10 =	sld [smem:$0x3FAB];
	_ =	sdelay $0x3  }
0x37: {  	[smem:$0x3FAB] =	sst s10  }
0x38: {  	s10 =	sld [smem:$0x3FAC]  }
0x39: {  	_ = 	snop;
	(pc) =	sbr.ind lr, $3  }
0x3a: {  	_ = 	snop  }
0x3b: {  	_ = 	snop  }
0x3c: {  	p2 =	seq.s32 s10, $0x1;
	s10 =	sld [smem:$0x3FAB]  }
0x3d: {  	_ =	shalt  }
0x3e: {  	_ =	shalt  }
0x3f: {  	_ =	shalt  }
0x40: {  	_ =	shalt  }
0x41: {  	_ =	shalt  }
0x42: {  	_ =	shalt  }
0x43: {  	_ =	shalt  }
0x44: {  	_ =	shalt  }
0x45: {  	_ =	shalt  }
0x46: {  	_ =	shalt  }
0x47: {  	_ =	shalt  }
0x48: {  	_ =	shalt  }
0x49: {  	_ =	shalt  }
0x4a: {  	_ =	shalt  }
0x4b: {  	_ =	shalt  }
0x4c: {  	_ =	shalt  }
0x4d: {  	_ =	shalt  }
0x4e: {  	_ =	shalt  }
0x4f: {  	_ =	shalt  }
0x50: {  	_ =	shalt  }
0x51: {  	_ =	shalt  }
0x52: {  	_ =	shalt  }
0x53: {  	_ =	shalt  }
0x54: {  	_ =	shalt  }
0x55: {  	_ =	shalt  }
0x56: {  	_ =	shalt  }
0x57: {  	_ =	shalt  }
0x58: {  	_ =	shalt  }
0x59: {  	_ =	shalt  }
0x5a: {  	_ =	shalt  }
0x5b: {  	_ =	shalt  }
0x5c: {  	_ =	shalt  }
0x5d: {  	_ =	shalt  }
0x5e: {  	_ =	shalt  }
0x5f: {  	_ =	shalt  }
0x60: {  	_ =	shalt  }
0x61: {  	_ =	shalt  }
0x62: {  	_ =	shalt  }
0x63: {  	_ =	shalt  }
0x64: {  	_ =	shalt  }
0x65: {  	_ =	shalt  }
0x66: {  	_ =	shalt  }
0x67: {  	_ =	shalt  }
0x68: {  	_ =	shalt  }
0x69: {  	_ =	shalt  }
0x6a: {  	_ =	shalt  }
0x6b: {  	_ =	shalt  }
0x6c: {  	_ =	shalt  }
0x6d: {  	_ =	shalt  }
0x6e: {  	_ =	shalt  }
0x6f: {  	_ =	shalt  }
0x70: {  	_ =	shalt  }
0x71: {  	_ =	shalt  }
0x72: {  	_ =	shalt  }
0x73: {  	_ =	shalt  }
0x74: {  	_ =	shalt  }
0x75: {  	_ =	shalt  }
0x76: {  	_ =	shalt  }
0x77: {  	_ =	shalt  }
0x78: {  	_ =	shalt  }
0x79: {  	_ =	shalt  }
0x7a: {  	_ =	shalt  }
0x7b: {  	_ =	shalt  }
0x7c: {  	_ =	shalt  }
0x7d: {  	_ =	shalt  }
0x7e: {  	_ =	shalt  }
0x7f: {  	_ =	shalt  }
0x80: {  	_ =	shalt  }
0x81: {  	_ =	shalt  }
0x82: {  	_ =	shalt  }
0x83: {  	_ =	shalt  }
0x84: {  	_ =	shalt  }
0x85: {  	_ =	shalt  }
0x86: {  	_ =	shalt  }
0x87: {  	_ =	shalt  }
.Lfunc_end0:
.L_simem_size_0:
called_computation.2_lowered:
.L_overlay_start_0:
0x88: {  	s2 =	sld [smem:$0x3FD9]  }
0x89: {  	s3 =	sld [smem:$0x3FFE];
	_ =	sdelay $0x1  }
0x8a: {  	s1 =	srdreg.scid  }
0x8b: {  	s0 =	sand.u32 $0x1, s1  }
0x8c: {  	s17 =	sshll.u32 s0, $0xA;
	s2 =	sadd.s32 s3, s2  }
0x8d: {  	s2 =	sadd.s32 s2, s17  }
0x8e: {  	[smem:$0x3FB7] =	sst s2  }
0x8f: {  	_ = 	snop  }
0x90: {  	(tm) =	ssettm $0x1  }
0x91: {  	s18 =	sld [smem:$0x3FFB];
	_ =	sdelay $0x3  }
0x92: {  	_ =	strace s18  }
0x93: {  	s2 =	sld [smem:$0x3FFC];
	_ =	sdelay $0x3  }
0x94: {  	_ =	strace s2  }
0x95: {  	s2 =	sld [smem:$0x3FFD];
	_ =	sdelay $0x3  }
0x96: {  	_ =	strace s2  }
0x97: {  	_ =	strace $0x8FFFFFFF  }
0x98: {  	s19 =	sld [smem:$0x3FDB];
	_ =	sdelay $0x1  }
0x99: {  	s20 =	simm.s32 $_scs_section_size  }
0x9a: {  	s4 =	simm.s32 $_size__tile_overlayer_lowered;
	s5 =	simm.s32 $_tile_overlayer_lowered  }
0x9b: {  	s6 =	simm.s32 $0x1BFF;
	s21 =	sshll.u32 s5, $0x1;
	s3 =	sadd.s32 s20, s19  }
0x9c: {  	s22 =	simm.s32 $0x0;
	s4 =	sshll.u32 s4, $0x1;
	s5 =	sadd.s32 s21, s3  }
0x9d: {  	[timem:s22], [sflag:s6] =	dma.local [hbm:s5], s4  }
0x9e: {  	_ =	swait.ge [sflag:s6], s4  }
0x9f: {  	s4 =	ssub.s32 $0x0, s4;
	[sflag:s6] =	ssyncset.done $0x0  }
0xa0: {  	[sflag:s6] =	ssyncadd.s32 s4;
	_ =	sdelay $0x1  }
0xa1: {  	s23 =	simm.s32 $0x1B8B  }
0xa2: {  	_ =	swait.ge [sflag:s23], $0x1  }
0xa3: {  	[sflag:s23] =	ssyncset.done $0x0  }
0xa4: {  	[sflag:s23] =	ssyncadd.s32 $0xFFFFFFFF  }
0xa5: {  	s4 =	sld [smem:$0x0]  }
0xa6: {  	s5 =	sand.u32 $0xFFFFFFFE, s1  }
0xa7: {  	p0 =	sne.s32 s1, s5  }
0xa8: {  	s5 =	sshll.u32 @p0 s5, $0xE  }
0xa9: {  	s5 =	sadd.s32 @p0 $0x11B8D, s5;
	s6 =	sshll.u32 @p0 s4, $0x11  }
0xaa: {  	s5 =	sor.u32 @p0 s6, s5  }
0xab: {  	[sflag:s5] =	ssyncadd.remote.s32 @p0 $0x1;
	_ =	sdelay $0x1  }
0xac: {  	s5 =	simm.s32 @p0 $0x1B8D  }
0xad: {  	_ =	swait.eq @p0 [sflag:s5], $0x1  }
0xae: {  	[sflag:s5] =	ssyncadd.s32 @p0 $0xFFFFFFFF  }
0xaf: {  	s6 =	sshll.u32 @!p0 s1, $0xE  }
0xb0: {  	s6 =	sor.u32 @!p0 $0x4000, s6;
	s5 =	simm.s32 @!p0 $0x1B8D  }
0xb1: {  	s4 =	sshll.u32 @!p0 s4, $0x11;
	s6 =	sadd.s32 @!p0 $0x11B8D, s6;
	_ =	swait.eq @!p0 [sflag:s5], $0x1  }
0xb2: {  	s4 =	sor.u32 @!p0 s4, s6;
	[sflag:s5] =	ssyncadd.s32 @!p0 $0xFFFFFFFF  }
0xb3: {  	s25 =	simm.s32 $0x1B8E;
	s24 =	sld [smem:$0x3FFE];
	[sflag:s4] =	ssyncadd.remote.s32 @!p0 $0x1  }
0xb4: {  	s26 =	simm.s32 $execute0_lowered;
	[smem:$0x3FD2] =	sst s25  }
0xb5: {  	s5 =	sshll.u32 s26, $0x1;
	_ =	strace $0x8000004C;
	[dreg:$0x1] =	wrdreg $0xFFFFFFFF  }
0xb6: {  	s28 =	simm.s32 $_size_execute0_lowered;
	s3 =	sadd.s32 s3, s5;
	[dreg:$0x0] =	wrdreg $0x0  }
0xb7: {  	s5 =	sshll.u32 s28, $0x1;
	[dreg:$0x2] =	wrdreg s3  }
0xb8: {  	[dreg:$0x3] =	wrdreg s5  }
0xb9: {  	[dreg:$0x4] =	wrdreg $0xC0  }
0xba: {  	_ =	task [dreg:s22], $0x5FFFF  }
0xbb: {  	[dreg:$0x1] =	wrdreg $0xFFFFFFFF  }
0xbc: {  	[dreg:$0x0] =	wrdreg $0x60  }
0xbd: {  	[dreg:$0x2] =	wrdreg s24  }
0xbe: {  	[dreg:$0x3] =	wrdreg $0x66000  }
0xbf: {  	[dreg:$0x4] =	wrdreg $0xA  }
0xc0: {  	_ =	task.clear_ibuf [dreg:s22], $0x5FFFF;
	_ =	strace $0x9000004C  }
0xc1: {  	s29 =	simm.s32 $0xA;
	_ =	strace $0x8000004E  }
0xc2: {  	_ =	swait.ge [sflag:s29], $0x1  }
0xc3: {  	[sflag:s29] =	ssyncadd.s32 $0xFFFFFFFF  }
0xc4: {  	_ =	strace $0x9000004E  }
0xc5: {  	_ =	sfence  }
0xc6: {  	s30 =	sld [smem:$0x0];
	_ =	sdelay $0x2  }
0xc7: {  	s31 =	sshll.u32 s1, $0xD;
	s1 =	sshrl.u32 s1, $0x2  }
0xc8: {  	s4 =	sand.u32 $0x4000, s31;
	s1 =	sadd.s32 s1, s30  }
0xc9: {  	s0 =	sor.u32 s4, s0;
	s1 =	sshll.u32 s1, $0x11  }
0xca: {  	s0 =	sor.u32 s1, s0  }
0xcb: {  	s0 =	sadd.s32 $0x8F2B, s0  }
0xcc: {  	[sflag:s0] =	ssyncadd.remote.s32 $0x1  }
0xcd: {  	_ =	sfence.sel $0xFFFF  }
0xce: {  	[dreg:$0x0] =	wrdreg $0xFFFFFFFF;
	(pc) =	sbr.abs _section_cstart, $3  }
0xcf: {  	[dreg:$0x1] =	wrdreg $0xFFFFFFFF  }
0xd0: {  	_ =	task.clear_ibuf [dreg:s22], $0x2FFFF;
	_ =	strace $0x9FFFFFFF  }
0xd1: {  	(tm) =	ssettm $0x7FFFFFFF  }
tec
execute0_lowered:
.L_overlay_start_1:
0x0: {  	(tag) =	ssettag $0x1  }
0x1: {  	s0 =	rddreg [dreg:$0x0]  }
0x2: {  	s1 =	rddreg [dreg:$0x1]  }
0x3: {  	s2 =	simm.s32 $0x0;
	s15 =	stileid.u32;
	s5 =	srdreg.scid  }
0x4: {  	s16 =	simm.s32 $0x1EE00;
	s28 =	simm.s32 $0x480;
	s29 =	simm.s32 $0x5600  }
0x5: {  	s30 =	simm.s32 $0x2;
	s31 =	simm.s32 $0x300;
	[smem:$0x7FF] =	sst s2  }
0x6: {  	s3 =	sadd.s32 $0xBCC00, s0;
	s4 =	sadd.s32 $0x2C7800, s0;
	s6 =	sadd.s32 $0x20E00, s0  }
0x7: {  	s7 =	smul.u32 $0x18700, s15;
	s5 =	sand.u32 $0x1, s5;
	s8 =	sadd.s32 $0x4200, s0  }
0x8: {  	s9 =	smul.u32 $0xD700, s15;
	p4 =	sne.s32 s15, $0xF;
	s25 =	sadd.s32 $0x310320, s0  }
0x9: {  	p0 =	seq.s32 s15, $0xF;
	s26 =	sadd.s32 $0x16E900, s1;
	s18 =	smul.u32 $0x62000, s15  }
0xa: {  	s20 =	sadd.s32 $0xC9900, s1;
	s22 =	smul.u32 $0xE60, s15;
	_ =	strace $0x8000004D  }
0xb: {  	s10 =	sshll.u32 s5, $0x4;
	s12 =	ssub.s32 $0x2, s5;
	p3 =	seq.s32 s5, $0x0  }
0xc: {  	p1 =	seq.s32 s5, $0x1;
	[dreg:$0x5] =	wrdreg s25;
	s19 =	smul.u32 $0xE600, s5  }
0xd: {  	[dreg:$0x9] =	wrdreg s20;
	s20 =	simm.s32 $0x1;
	s26 =	sshrl.u32 s26, $0x3  }
0xe: {  	s11 =	sshrl.u32 s7, $0x3;
	s10 =	sor.u32 s15, s10;
	s13 =	sshrl.u32 s9, $0x3  }
0xf: {  	s14 =	sshrl.u32 s12, $0x1;
	p2 =	por !p3, !p4;
	p3 =	por !p3, !p0  }
0x10: {  	s7 =	sadd.s32 s7, s1;
	p4 =	por !p4, !p1;
	s9 =	sadd.s32 s9, s1  }
0x11: {  	s4 =	smov.u32 @p1 s3;
	[dreg:$0xd] =	wrdreg s26;
	s26 =	simm.s32 $0x4600  }
0x12: {  	s10 =	smul.u32 $0xE60, s10;
	s11 =	sadd.s32 s11, s0;
	s13 =	sadd.s32 s13, s0  }
0x13: {  	s12 =	ssub.s32 s12, s14;
	p2 =	por !p2, !p2;
	p3 =	por !p3, !p3  }
0x14: {  	p4 =	por !p4, !p4;
	s0 =	sadd.s32 $0x106D20, s0;
	s23 =	sadd.s32 s19, s6  }
0x15: {  	s25 =	sshrl.u32 s7, $0x3;
	s7 =	simm.s32 $0x380;
	s11 =	sadd.s32 $0x2E2600, s11  }
0x16: {  	s17 =	sadd.s32 $0xEDA00, s13;
	[dreg:$0x8] =	wrdreg s0;
	s21 =	smax.u32 s12, $0x1  }
0x17: {  	s0 =	sadd.s32 s19, s8;
	s3 =	sadd.s32 s22, s23;
	[dreg:$0xb] =	wrdreg s25  }
0x18: {  	s19 =	simm.s32 $0x3;
	s25 =	simm.s32 $0x3600;
	[dreg:$0x6] =	wrdreg s11  }
0x19: {  	s23 =	simm.s32 $0x180;
	s24 =	sadd.s32 s6, s10;
	[dreg:$0x7] =	wrdreg s17  }
0x1a: {  	s10 =	sadd.s32 s8, s10;
	[dreg:$0xa] =	wrdreg s21;
	s0 =	sadd.s32 s22, s0  }
0x1b: {  	s14 =	sadd.s32 $0x20, s3;
	s17 =	simm.s32 $0x4;
	s21 =	simm.s32 $0x80  }
.Ltmp0:
0x1c: {  	s8 =	simm.s32 $0x600;
	[dreg:$0x3] =	wrdreg s24;
	(pc) =	sbr.rel .LBB2_1-.Ltmp0, $4  }
0x1d: {  	s11 =	simm.s32 $0x280;
	s6 =	simm.s32 $0x0;
	[dreg:$0x4] =	wrdreg s10  }
0x1e: {  	s24 =	sshrl.u32 s18, $0x2;
	s15 =	sadd.s32 $0x20, s0;
	s18 =	simm.s32 $0x100  }
0x1f: {  	s0 =	sshrl.u32 @p4 s9, $0x3;
	s9 =	simm.s32 $0x1600;
	s10 =	simm.s32 $0x200  }
0x20: {  	v0 =	vimm.f32 $0.0e+00;
	s13 =	sadd.s32 s24, s1;
	[dreg:$0xc] =	wrdreg s0;
	s0 =	simm.s32 $0x2600  }
.LBB2_23:
0x21: {  	s3 =	rddreg [dreg:$0x5]  }
0x22: {  	s5 =	rddreg [dreg:$0xd];
	s12 =	simm.s32 $0x1FC4  }
0x23: {  	[hbm:s3], [sflag:s12] =	dma.local [spmem:s5], $0x3020  }
0x24: {  	_ =	swait.ge [sflag:s17], $0x3020  }
0x25: {  	[sflag:s17] =	ssyncset.done $0x0  }
0x26: {  	[sflag:s17] =	ssyncadd.s32 $0xFFFFCFE0  }
.LBB2_24:
0x27: {  	s6 =	sadd.s32 $0x1, s6;
	s3 =	rddreg [dreg:$0xa]  }
0x28: {  	p5 =	sne.s32 s6, s3  }
.Ltmp1:
0x29: {  	_ = 	snop;
	(pc) =	sbr.rel @!p5 .LBB2_25-.Ltmp1, $1  }
0x2a: {  	_ =	sdelay $0x3  }
.LBB2_1:
0x2b: {  	s3 =	simm.s32 $0x0  }
.LBB2_2:
0x2c: {  	p5 =	sne.s32 s3, $0x1B80  }
.Ltmp2:
0x2d: {  	_ = 	snop;
	(pc) =	sbr.rel @p5 .LBB2_2-.Ltmp2, $4  }
0x2e: {  	_ = 	snop  }
0x2f: {  	s12 =	sshra.s32 s3, $0x2  }
0x30: {  	[tilespmem:s12+$0x1EE00] =	vst v0  }
0x31: {  	s3 =	sadd.s32 $0x80, s3;
	[tilespmem:s12+$0x1EE10] =	vst v0  }
0x32: {  	s3 =	sadd.s32 $0x0, s13  }
0x33: {  	[spmem:s3] =	stream.linear.scatter [tilespmem:s16], [sflag:$0x4], $0x700, $0x38;
	[tilespmem:$0x1F500] =	vst v63  }
0x34: {  	s3 =	simm.s32 $0x1C00;
	_ =	swait.ge [sflag:s17], $0x700  }
.LBB2_4:
0x35: {  	s12 =	sshra.s32 s3, $0x2;
	[sflag:s17] =	ssyncset.done $0x0;
	p5 =	sne.s32 s3, $0x60400  }
.Ltmp3:
0x36: {  	s12 =	sadd.s32 s12, s13;
	[sflag:s17] =	ssyncadd.s32 $0xFFFFF900;
	(pc) =	sbr.rel @p5 .LBB2_4-.Ltmp3, $3  }
0x37: {  	[spmem:s12] =	stream.linear.scatter [tilespmem:s16], [sflag:$0x4], $0x700, $0x38;
	[tilespmem:$0x1F500] =	vst v63  }
0x38: {  	s3 =	sadd.s32 $0x1C00, s3;
	_ =	sdelay $0x1  }
0x39: {  	_ =	swait.ge [sflag:s17], $0x700  }
0x3a: {  	[sflag:s17] =	ssyncset.done $0x0  }
0x3b: {  	[sflag:s17] =	ssyncadd.s32 $0xFFFFF900  }
0x3c: {  	[bflag:$0x0] =	sbarrier.arrive $0xFFFF  }
0x3d: {  	s3 =	simm.s32 $0x0;
	s5 =	rddreg [dreg:$0x3]  }
0x3e: {  	[tilespmem:s3], [sflag:$0x4] =	stream.linear.gather [hbm4b:s5+s3], $0x100, $0x38;
	[tilespmem:$0x1F500] =	vst v63  }
0x3f: {  	_ =	swait.ge [sflag:s17], $0x100  }
0x40: {  	[sflag:s17] =	ssyncset.done $0x0  }
.Ltmp4:
0x41: {  	s24 =	rddreg [dreg:$0x4];
	[sflag:s17] =	ssyncadd.s32 $0xFFFFFF00;
	(pc) =	sbr.rel .LBB2_6-.Ltmp4, $4  }
0x42: {  	[tilespmem:s18], [sflag:$0x4] =	stream.linear.gather [hbm4b:s24+s3], $0x100, $0x38;
	[tilespmem:$0x1F500] =	vst v63  }
0x43: {  	_ =	swait.ge [sflag:s17], $0x100  }
0x44: {  	[sflag:s17] =	ssyncset.done $0x0  }
0x45: {  	s12 =	simm.s32 $0x0;
	[sflag:s17] =	ssyncadd.s32 $0xFFFFFF00  }
.LBB2_17:
0x46: {  	_ =	swait.ge [sflag:s19], $0x2000  }
0x47: {  	[sflag:s19] =	ssyncset.done $0x0  }
0x48: {  	[sflag:s19] =	ssyncadd.s32 $0xFFFFE000  }
0x49: {  	_ =	swait.ge [sflag:s20], $0x100  }
0x4a: {  	[sflag:s20] =	ssyncset.done $0x0  }
0x4b: {  	[sflag:s20] =	ssyncadd.s32 $0xFFFFFF00  }
0x4c: {  	_ =	swait.ge [sflag:s20], $0x100  }
0x4d: {  	p5 =	seq.s32 s3, $0xE40;
	[sflag:s20] =	ssyncset.done $0x0  }
0x4e: {  	s5 =	sadd.s32 @!p5 s3, s14;
	s22 =	simm.s32 @!p5 $0x0;
	[sflag:s20] =	ssyncadd.s32 $0xFFFFFF00  }
0x4f: {  	[tilespmem:s22], [sflag:$0x1] =	stream.linear.gather @!p5 [hbm4b:s5+s22], $0x100, $0x38;
	[tilespmem:$0x1F500] =	vst v63  }
0x50: {  	s24 =	simm.s32 @!p5 $0x100;
	s5 =	sadd.s32 @!p5 s3, s15  }
0x51: {  	[tilespmem:s24], [sflag:$0x1] =	stream.linear.gather @!p5 [hbm4b:s5+s22], $0x100, $0x38;
	[tilespmem:$0x1F500] =	vst v63  }
0x52: {  	s24 =	simm.s32 $0x400  }
0x53: {  	[tilespmem:s26], [sflag:$0x2] =	stream.indirect.gather [hbm4b:s4+s21], $0x20, s24, s21, $0xb8;
	[tilespmem:$0x1F500] =	vst v63  }
0x54: {  	_ = 	snop  }
0x55: {  	[tilespmem:s29], [sflag:$0x2] =	stream.indirect.gather [hbm4b:s4+s21], $0x20, s28, s21, $0xb8;
	[tilespmem:$0x1F500] =	vst v63  }
0x56: {  	_ =	swait.ge [sflag:s30], $0x2000  }
0x57: {  	[sflag:s30] =	ssyncset.done $0x0  }
0x58: {  	[sflag:s30] =	ssyncadd.s32 $0xFFFFE000  }
0x59: {  	[spmem:s1] =	stream.indirect.scatter.add.f32 [tilespmem:s0], [sflag:$0x3], $0x20, s31, s21, $0xb8;
	[tilespmem:$0x1F500] =	vst v63  }
0x5a: {  	_ = 	snop  }
0x5b: {  	[spmem:s1] =	stream.indirect.scatter.add.f32 [tilespmem:s25], [sflag:$0x3], $0x20, s7, s21, $0xb8;
	[tilespmem:$0x1F500] =	vst v63  }
.LBB2_18:
0x5c: {  	s3 =	sadd.s32 $0x20, s3  }
0x5d: {  	p5 =	sne.s32 s3, $0xE60  }
.Ltmp5:
0x5e: {  	_ = 	snop;
	(pc) =	sbr.rel @!p5 .LBB2_19-.Ltmp5, $2  }
0x5f: {  	_ =	sdelay $0x2  }
0x60: {  	s12 =	sadd.s32 $0x1, s12  }
.LBB2_6:
0x61: {  	s24 =	smul.u32 $0xAB, s12;
	_ =	sdelay $0x1  }
0x62: {  	s24 =	sshrl.u32 s24, $0x9  }
0x63: {  	s24 =	sand.u32 $0x7F, s24  }
0x64: {  	s24 =	smul.u32 $0x3, s24;
	_ =	sdelay $0x1  }
0x65: {  	s24 =	ssub.s32 s12, s24  }
0x66: {  	s24 =	sand.u32 $0xFF, s24  }
0x67: {  	p5 =	seq.s32 s24, $0x2  }
.Ltmp6:
0x68: {  	_ = 	snop;
	(pc) =	sbr.rel @p5 .LBB2_17-.Ltmp6, $1  }
0x69: {  	_ =	sdelay $0x3  }
0x6a: {  	p5 =	seq.s32 s24, $0x1  }
.Ltmp7:
0x6b: {  	_ = 	snop;
	(pc) =	sbr.rel @!p5 .LBB2_8-.Ltmp7, $1  }
0x6c: {  	_ =	sdelay $0x3  }
0x6d: {  	p5 =	slt.u32 s12, $0x2  }
0x6e: {  	s24 =	simm.s32 @!p5 $0x3  }
0x6f: {  	_ =	swait.ge @!p5 [sflag:s24], $0x2000  }
0x70: {  	[sflag:s24] =	ssyncset.done @!p5 $0x0  }
0x71: {  	[sflag:s24] =	ssyncadd.s32 @!p5 $0xFFFFE000  }
0x72: {  	_ =	swait.ge [sflag:s20], $0x100  }
0x73: {  	[sflag:s20] =	ssyncset.done $0x0  }
0x74: {  	[sflag:s20] =	ssyncadd.s32 $0xFFFFFF00  }
0x75: {  	p5 =	seq.s32 s3, $0xE40;
	_ =	swait.ge [sflag:s20], $0x100  }
0x76: {  	s24 =	sadd.s32 @!p5 s3, s14;
	[sflag:s20] =	ssyncset.done $0x0  }
0x77: {  	s5 =	simm.s32 @!p5 $0x0;
	s22 =	simm.s32 @!p5 $0x400;
	[sflag:s20] =	ssyncadd.s32 $0xFFFFFF00  }
0x78: {  	[tilespmem:s22], [sflag:$0x1] =	stream.linear.gather @!p5 [hbm4b:s24+s5], $0x100, $0x38;
	[tilespmem:$0x1F500] =	vst v63  }
0x79: {  	s22 =	sadd.s32 @!p5 s3, s15;
	s24 =	simm.s32 @!p5 $0x500  }
0x7a: {  	[tilespmem:s24], [sflag:$0x1] =	stream.linear.gather @!p5 [hbm4b:s22+s5], $0x100, $0x38;
	[tilespmem:$0x1F500] =	vst v63  }
0x7b: {  	_ = 	snop  }
0x7c: {  	[tilespmem:s0], [sflag:$0x2] =	stream.indirect.gather [hbm4b:s4+s21], $0x20, s10, s21, $0xb8;
	[tilespmem:$0x1F500] =	vst v63  }
0x7d: {  	_ = 	snop  }
0x7e: {  	[tilespmem:s25], [sflag:$0x2] =	stream.indirect.gather [hbm4b:s4+s21], $0x20, s11, s21, $0xb8;
	[tilespmem:$0x1F500] =	vst v63  }
0x7f: {  	_ =	swait.ge [sflag:s30], $0x2000  }
.Ltmp8:
0x80: {  	[sflag:s30] =	ssyncset.done $0x0;
	(pc) =	sbr.rel .LBB2_18-.Ltmp8, $4  }
0x81: {  	[sflag:s30] =	ssyncadd.s32 $0xFFFFE000  }
0x82: {  	[spmem:s1] =	stream.indirect.scatter.add.f32 [tilespmem:s8], [sflag:$0x3], $0x20, s18, s21, $0xb8;
	[tilespmem:$0x1F500] =	vst v63  }
0x83: {  	_ = 	snop  }
0x84: {  	[spmem:s1] =	stream.indirect.scatter.add.f32 [tilespmem:s9], [sflag:$0x3], $0x20, s23, s21, $0xb8;
	[tilespmem:$0x1F500] =	vst v63  }
.LBB2_8:
0x85: {  	p5 =	slt.u32 s12, $0x2  }
.Ltmp9:
0x86: {  	_ = 	snop;
	(pc) =	sbr.rel @p5 .LBB2_12-.Ltmp9, $1  }
0x87: {  	_ =	sdelay $0x3  }
.Ltmp10:
0x88: {  	(pc) =	sbr.rel .LBB2_10-.Ltmp10, $4  }
0x89: {  	_ = 	snop  }
0x8a: {  	_ =	swait.ge [sflag:s19], $0x2000  }
0x8b: {  	[sflag:s19] =	ssyncset.done $0x0  }
0x8c: {  	[sflag:s19] =	ssyncadd.s32 $0xFFFFE000  }
.LBB2_12:
0x8d: {  	p5 =	seq.s32 s3, $0x0  }
.Ltmp11:
0x8e: {  	_ = 	snop;
	(pc) =	sbr.rel @p5 .LBB2_13-.Ltmp11, $1  }
0x8f: {  	_ =	sdelay $0x3  }
.LBB2_10:
0x90: {  	_ =	swait.ge [sflag:s20], $0x100;
	p6 =	seq.s32 s3, $0xE40  }
.Ltmp12:
0x91: {  	[sflag:s20] =	ssyncset.done $0x0;
	(pc) =	sbr.rel @!p6 .LBB2_14-.Ltmp12, $4  }
0x92: {  	[sflag:s20] =	ssyncadd.s32 $0xFFFFFF00  }
0x93: {  	_ =	swait.ge [sflag:s20], $0x100  }
0x94: {  	[sflag:s20] =	ssyncset.done $0x0  }
0x95: {  	p5 =	por $0x0, $0x0;
	[sflag:s20] =	ssyncadd.s32 $0xFFFFFF00  }
.Ltmp13:
0x96: {  	(pc) =	sbr.rel .LBB2_15-.Ltmp13, $4  }
0x97: {  	_ = 	snop  }
0x98: {  	[tilespmem:s8], [sflag:$0x2] =	stream.indirect.gather [hbm4b:s4+s21], $0x20, s2, s21, $0xb8;
	[tilespmem:$0x1F500] =	vst v63  }
0x99: {  	_ = 	snop  }
0x9a: {  	[tilespmem:s9], [sflag:$0x2] =	stream.indirect.gather [hbm4b:s4+s21], $0x20, s21, s21, $0xb8;
	[tilespmem:$0x1F500] =	vst v63  }
.LBB2_13:
0x9b: {  	p5 =	por $0x1, $0x1  }
.LBB2_14:
0x9c: {  	s24 =	sadd.s32 s3, s14  }
0x9d: {  	[tilespmem:s10], [sflag:$0x1] =	stream.linear.gather [hbm4b:s24+s2], $0x100, $0x38;
	[tilespmem:$0x1F500] =	vst v63  }
0x9e: {  	s22 =	sadd.s32 s3, s15  }
0x9f: {  	[tilespmem:s31], [sflag:$0x1] =	stream.linear.gather [hbm4b:s22+s2], $0x100, $0x38;
	[tilespmem:$0x1F500] =	vst v63  }
.Ltmp14:
0xa0: {  	_ = 	snop;
	(pc) =	sbr.rel @p5 .LBB2_18-.Ltmp14, $4  }
0xa1: {  	_ = 	snop  }
0xa2: {  	[tilespmem:s8], [sflag:$0x2] =	stream.indirect.gather [hbm4b:s4+s21], $0x20, s2, s21, $0xb8;
	[tilespmem:$0x1F500] =	vst v63  }
0xa3: {  	_ = 	snop  }
0xa4: {  	[tilespmem:s9], [sflag:$0x2] =	stream.indirect.gather [hbm4b:s4+s21], $0x20, s21, s21, $0xb8;
	[tilespmem:$0x1F500] =	vst v63  }
.LBB2_15:
0xa5: {  	_ =	swait.ge [sflag:s30], $0x2000  }
.Ltmp15:
0xa6: {  	[sflag:s30] =	ssyncset.done $0x0;
	(pc) =	sbr.rel .LBB2_18-.Ltmp15, $4  }
0xa7: {  	s5 =	simm.s32 $0x500;
	[sflag:s30] =	ssyncadd.s32 $0xFFFFE000  }
0xa8: {  	[spmem:s1] =	stream.indirect.scatter.add.f32 [tilespmem:s26], [sflag:$0x3], $0x20, s5, s21, $0xb8;
	[tilespmem:$0x1F500] =	vst v63  }
0xa9: {  	s24 =	simm.s32 $0x580  }
0xaa: {  	[spmem:s1] =	stream.indirect.scatter.add.f32 [tilespmem:s29], [sflag:$0x3], $0x20, s24, s21, $0xb8;
	[tilespmem:$0x1F500] =	vst v63  }
.LBB2_19:
0xab: {  	_ =	swait.ge [sflag:s30], $0x2000  }
0xac: {  	[sflag:s30] =	ssyncset.done $0x0  }
0xad: {  	[sflag:s30] =	ssyncadd.s32 $0xFFFFE000  }
0xae: {  	[spmem:s1] =	stream.indirect.scatter.add.f32 [tilespmem:s8], [sflag:$0x3], $0x20, s18, s21, $0xb8;
	[tilespmem:$0x1F500] =	vst v63  }
0xaf: {  	_ = 	snop  }
0xb0: {  	[spmem:s1] =	stream.indirect.scatter.add.f32 [tilespmem:s9], [sflag:$0x3], $0x20, s23, s21, $0xb8;
	[tilespmem:$0x1F500] =	vst v63  }
0xb1: {  	_ =	swait.ge [sflag:s19], $0x2000  }
0xb2: {  	[sflag:s19] =	ssyncset.done $0x0  }
0xb3: {  	[sflag:s19] =	ssyncadd.s32 $0xFFFFE000  }
.Ltmp16:
0xb4: {  	_ =	swait.ge [sflag:s19], $0x2000;
	(pc) =	sbr.rel @!p2 .LBB2_22-.Ltmp16, $3  }
0xb5: {  	[sflag:s19] =	ssyncset.done $0x0  }
0xb6: {  	[sflag:s19] =	ssyncadd.s32 $0xFFFFE000  }
0xb7: {  	[bflag:$0x0] =	sbarrier.arrive $0xFFFF;
	_ =	sdelay $0x1  }
0xb8: {  	s3 =	stileid.u32  }
0xb9: {  	s5 =	rddreg [dreg:$0x6];
	s3 =	sshll.u32 s3, $0x6  }
.Ltmp17:
0xba: {  	s12 =	rddreg [dreg:$0xb];
	s3 =	sor.u32 $0x1C04, s3;
	(pc) =	sbr.rel .LBB2_21-.Ltmp17, $4  }
0xbb: {  	[hbm:s5], [sflag:s3] =	dma.local [spmem:s12], $0x30E0  }
0xbc: {  	_ =	swait.ge [sflag:s17], $0x30E0  }
0xbd: {  	[sflag:s17] =	ssyncset.done $0x0  }
0xbe: {  	p5 =	por $0x0, $0x0;
	[sflag:s17] =	ssyncadd.s32 $0xFFFFCF20  }
.LBB2_22:
.Ltmp18:
0xbf: {  	(pc) =	sbr.rel @p3 .LBB2_23-.Ltmp18, $2  }
0xc0: {  	_ =	sdelay $0x2  }
0xc1: {  	p5 =	por p0, p0  }
.LBB2_21:
0xc2: {  	s5 =	stileid.u32  }
0xc3: {  	s12 =	rddreg [dreg:$0x7];
	p6 =	por @p4 $0x1, $0x1;
	s3 =	sshll.u32 @p4 s5, $0x6  }
0xc4: {  	s22 =	rddreg [dreg:$0xc];
	p6 =	por @!p4 p1, p1;
	s3 =	sor.u32 @p4 $0x1C04, s3  }
0xc5: {  	[hbm:s12], [sflag:s3] =	dma.local @p4 [spmem:s22], $0x1AE0  }
0xc6: {  	p5 =	por !p6, !p5;
	s3 =	simm.s32 @p4 $0x4  }
0xc7: {  	p5 =	por !p5, !p5;
	_ =	swait.ge @p4 [sflag:s3], $0x1AE0  }
0xc8: {  	s5 =	sshll.u32 @p5 s5, $0x6;
	[sflag:s3] =	ssyncset.done @p4 $0x0  }
0xc9: {  	[sflag:s3] =	ssyncadd.s32 @p4 $0xFFFFE520;
	s3 =	sor.u32 @p5 $0x1C04, s5;
	s5 =	rddreg [dreg:$0x9]  }
0xca: {  	s12 =	rddreg [dreg:$0x8];
	s5 =	sshrl.u32 @p5 s5, $0x3  }
0xcb: {  	[hbm:s12], [sflag:s3] =	dma.local @p5 [spmem:s5], $0x1AA0  }
.Ltmp19:
0xcc: {  	_ = 	snop;
	(pc) =	sbr.rel .LBB2_24-.Ltmp19, $4  }
0xcd: {  	s3 =	simm.s32 @p5 $0x4  }
0xce: {  	_ =	swait.ge @p5 [sflag:s3], $0x1AA0  }
0xcf: {  	[sflag:s3] =	ssyncset.done @p5 $0x0  }
0xd0: {  	[sflag:s3] =	ssyncadd.s32 @p5 $0xFFFFE560  }
.LBB2_25:
0xd1: {  	_ =	sfence.sel $0x180000  }
0xd2: {  	[bflag:$0x0] =	sbarrier.arrive $0xFFFF  }
0xd3: {  	_ =	strace $0x9000004D  }
0xd4: {  	s0 =	stileid.u32;
	[bflag:$0x2] =	sbarrier.arrive $0xFFFF  }
0xd5: {  	p0 =	sne.s32 s0, $0x0;
	s0 =	rddreg [dreg:$0x2]  }
0xd6: {  	s0 =	sadd.s32 @!p0 $0x100000, s0  }
0xd7: {  	[sflag:s0] =	ssyncadd.tile.s32 @!p0 $0x1;
	_ =	shalt  }
.Lfunc_end2:
_tile_overlayer_lowered:
.L_overlay_start_2:
0xd8: {  	(tag) =	ssettag $0x2  }
0xd9: {  	s0 =	rddreg [dreg:$0x0];
	s2 =	stileid.u32  }
0xda: {  	s1 =	rddreg [dreg:$0x1];
	p0 =	sne.s32 s2, $0x0  }
0xdb: {  	s3 =	rddreg [dreg:$0x2];
	[bflag:$0x3] =	sbarrier.arrive $0xFFFF;
	s2 =	simm.s32 @!p0 $0x1C04  }
0xdc: {  	[timem:s3], [sflag:s2] =	dma.local @!p0 [hbm:s0], s1  }
0xdd: {  	s0 =	simm.s32 @!p0 $0x4  }
0xde: {  	_ =	swait.ge @!p0 [sflag:s0], s1  }
0xdf: {  	s1 =	ssub.s32 @!p0 $0x0, s1;
	[sflag:s0] =	ssyncset.done @!p0 $0x0  }
0xe0: {  	[sflag:s0] =	ssyncadd.s32 @!p0 s1  }
0xe1: {  	[bflag:$0x3] =	sbarrier.arrive $0xFFFF  }
0xe2: {  	_ =	shalt  }

// kernel: kernel.22.cloned.1.call-start
scs
__scs_entry_jumppad:
0x0: {  	(pc) =	sbr.rel $0x88, $3  }
0x1: {  	(tag) =	ssettag $0x0;
	lr =	simm.s32 $0x1  }
0x2: {  	[smem:$0x3F90] =	sst lr;
	_ =	strace $0xD0000000  }
0x3: {  	_ = 	snop  }
0x4: {  	_ = 	snop  }
0x5: {  	_ = 	snop  }
0x6: {  	_ = 	snop  }
0x7: {  	_ = 	snop  }
__scs_overlays_trampoline_lowered:
0x8: {  	[smem:$0x3F9F] =	sst s0  }
0x9: {  	[smem:$0x3FA0] =	sst s1  }
0xa: {  	[smem:$0x3FA1] =	sst s2  }
0xb: {  	[smem:$0x3FA2] =	sst s3  }
0xc: {  	[smem:$0x3FA3] =	sst s4  }
0xd: {  	[smem:$0x3FA4] =	sst s5  }
0xe: {  	[smem:$0x3FA5] =	sst s6  }
0xf: {  	[smem:$0x3FA6] =	sst s7  }
0x10: {  	[smem:$0x3FA7] =	sst s8  }
0x11: {  	[smem:$0x3FA8] =	sst s9;
	s0 =	simm.s32 @!p0 $0x0  }
0x12: {  	s1 =	sld [smem:$0x3F8E];
	s0 =	simm.s32 @p0 $0x1  }
0x13: {  	[smem:$0x3FA9] =	sst s0;
	s0 =	simm.s32 @!p1 $0x0  }
0x14: {  	s2 =	sld [smem:$0x3F8D];
	s0 =	simm.s32 @p1 $0x1  }
0x15: {  	[smem:$0x3FAA] =	sst s0;
	s0 =	simm.s32 @!p2 $0x0  }
0x16: {  	s3 =	sld [smem:$0x3FDB];
	s0 =	simm.s32 @p2 $0x1  }
0x17: {  	s4 =	simm.s32 $0x1BF5;
	[smem:$0x3FAC] =	sst s0  }
0x18: {  	s0 =	sld [smem:$0x3F8F];
	_ =	swait.ge [sflag:s4], $0x0  }
0x19: {  	s7 =	sld [smem:$0x3F90]  }
0x1a: {  	s8 =	sadd.s32 $0xFFFFE003, lr  }
0x1b: {  	s9 =	sadd.s32 $0xFFFFFEF7, lr;
	s5 =	simm.s32 $0xFFFFFFFF;
	p2 =	slt.u32 s8, $0xFFFFF086  }
0x1c: {  	p1 =	slt.u32 s9, $0xF7A;
	s5 =	simm.s32 @!p2 $0x0  }
0x1d: {  	s5 =	simm.s32 @p1 $0x1;
	p0 =	seq.s32 s7, s2  }
0x1e: {  	s7 =	smul.u32 @!p0 $0xF7A, s2;
	p2 =	seq.s32 @!p0 s5, $0x0  }
0x1f: {  	s9 =	smul.u32 $0xF7A, s1;
	s8 =	simm.s32 @!p0 $0x1BF5;
	p2 =	por !p2, p0  }
0x20: {  	[sflag:s8] =	ssyncset.s32 @!p0 $0xFFFFF086;
	s6 =	sadd.s32 @!p0 s3, s7;
	s7 =	simm.s32 @!p0 $0x108  }
0x21: {  	s3 =	sadd.s32 s3, s9;
	s6 =	sadd.s32 @!p0 $0x88, s6;
	s7 =	simm.s32 @p2 $0x1082  }
0x22: {  	[simem:s7], [sflag:s8] =	dma.local @!p0 [hbm:s6], $0xF7A  }
0x23: {  	s9 =	sor.u32 $0xD0000000, s2;
	s6 =	simm.s32 $0x108;
	_ =	swait.ge @!p0 [sflag:s8], $0x0  }
0x24: {  	s3 =	sadd.s32 $0x88, s3;
	s6 =	simm.s32 @!p1 $0x1082;
	[sflag:s4] =	ssyncset.s32 $0xFFFFF086  }
0x25: {  	[simem:s6], [sflag:s4] =	dma.local [hbm:s3], $0xF7A  }
0x26: {  	[smem:$0x3F90] =	sst s1;
	(tag) =	ssettag s2;
	_ =	strace s9  }
0x27: {  	s1 =	sld [smem:$0x3FA0]  }
0x28: {  	s2 =	sld [smem:$0x3FA1]  }
0x29: {  	s4 =	sld [smem:$0x3FA3]  }
0x2a: {  	p0 =	seq.s32 s5, $0x0;
	s5 =	sld [smem:$0x3FA4]  }
0x2b: {  	s6 =	sld [smem:$0x3FA5]  }
0x2c: {  	s7 =	sld [smem:$0x3FA6]  }
0x2d: {  	s3 =	simm.s32 $0x108;
	s8 =	sld [smem:$0x3FA7]  }
0x2e: {  	s3 =	simm.s32 @!p0 $0x1082;
	s9 =	sld [smem:$0x3FA8]  }
0x2f: {  	lr =	sadd.s32 s0, s3;
	s0 =	sld [smem:$0x3F9F]  }
0x30: {  	s3 =	sld [smem:$0x3FA2]  }
0x31: {  	[smem:$0x3FAB] =	sst s10  }
0x32: {  	s10 =	sld [smem:$0x3FA9];
	_ =	sdelay $0x3  }
0x33: {  	p0 =	seq.s32 s10, $0x1;
	s10 =	sld [smem:$0x3FAB];
	_ =	sdelay $0x3  }
0x34: {  	[smem:$0x3FAB] =	sst s10  }
0x35: {  	s10 =	sld [smem:$0x3FAA];
	_ =	sdelay $0x3  }
0x36: {  	p1 =	seq.s32 s10, $0x1;
	s10 =	sld [smem:$0x3FAB];
	_ =	sdelay $0x3  }
0x37: {  	[smem:$0x3FAB] =	sst s10  }
0x38: {  	s10 =	sld [smem:$0x3FAC]  }
0x39: {  	_ = 	snop;
	(pc) =	sbr.ind lr, $3  }
0x3a: {  	_ = 	snop  }
0x3b: {  	_ = 	snop  }
0x3c: {  	p2 =	seq.s32 s10, $0x1;
	s10 =	sld [smem:$0x3FAB]  }
0x3d: {  	_ =	shalt  }
0x3e: {  	_ =	shalt  }
0x3f: {  	_ =	shalt  }
0x40: {  	_ =	shalt  }
0x41: {  	_ =	shalt  }
0x42: {  	_ =	shalt  }
0x43: {  	_ =	shalt  }
0x44: {  	_ =	shalt  }
0x45: {  	_ =	shalt  }
0x46: {  	_ =	shalt  }
0x47: {  	_ =	shalt  }
0x48: {  	_ =	shalt  }
0x49: {  	_ =	shalt  }
0x4a: {  	_ =	shalt  }
0x4b: {  	_ =	shalt  }
0x4c: {  	_ =	shalt  }
0x4d: {  	_ =	shalt  }
0x4e: {  	_ =	shalt  }
0x4f: {  	_ =	shalt  }
0x50: {  	_ =	shalt  }
0x51: {  	_ =	shalt  }
0x52: {  	_ =	shalt  }
0x53: {  	_ =	shalt  }
0x54: {  	_ =	shalt  }
0x55: {  	_ =	shalt  }
0x56: {  	_ =	shalt  }
0x57: {  	_ =	shalt  }
0x58: {  	_ =	shalt  }
0x59: {  	_ =	shalt  }
0x5a: {  	_ =	shalt  }
0x5b: {  	_ =	shalt  }
0x5c: {  	_ =	shalt  }
0x5d: {  	_ =	shalt  }
0x5e: {  	_ =	shalt  }
0x5f: {  	_ =	shalt  }
0x60: {  	_ =	shalt  }
0x61: {  	_ =	shalt  }
0x62: {  	_ =	shalt  }
0x63: {  	_ =	shalt  }
0x64: {  	_ =	shalt  }
0x65: {  	_ =	shalt  }
0x66: {  	_ =	shalt  }
0x67: {  	_ =	shalt  }
0x68: {  	_ =	shalt  }
0x69: {  	_ =	shalt  }
0x6a: {  	_ =	shalt  }
0x6b: {  	_ =	shalt  }
0x6c: {  	_ =	shalt  }
0x6d: {  	_ =	shalt  }
0x6e: {  	_ =	shalt  }
0x6f: {  	_ =	shalt  }
0x70: {  	_ =	shalt  }
0x71: {  	_ =	shalt  }
0x72: {  	_ =	shalt  }
0x73: {  	_ =	shalt  }
0x74: {  	_ =	shalt  }
0x75: {  	_ =	shalt  }
0x76: {  	_ =	shalt  }
0x77: {  	_ =	shalt  }
0x78: {  	_ =	shalt  }
0x79: {  	_ =	shalt  }
0x7a: {  	_ =	shalt  }
0x7b: {  	_ =	shalt  }
0x7c: {  	_ =	shalt  }
0x7d: {  	_ =	shalt  }
0x7e: {  	_ =	shalt  }
0x7f: {  	_ =	shalt  }
0x80: {  	_ =	shalt  }
0x81: {  	_ =	shalt  }
0x82: {  	_ =	shalt  }
0x83: {  	_ =	shalt  }
0x84: {  	_ =	shalt  }
0x85: {  	_ =	shalt  }
0x86: {  	_ =	shalt  }
0x87: {  	_ =	shalt  }
.Lfunc_end0:
.L_simem_size_0:
called_computation.3_lowered:
.L_overlay_start_0:
0x88: {  	s2 =	sld [smem:$0x3FD9]  }
0x89: {  	s3 =	sld [smem:$0x3FFE];
	_ =	sdelay $0x1  }
0x8a: {  	s1 =	srdreg.scid  }
0x8b: {  	s0 =	sand.u32 $0x1, s1  }
0x8c: {  	s14 =	sshll.u32 s0, $0xA;
	s2 =	sadd.s32 s3, s2  }
0x8d: {  	s2 =	sadd.s32 s2, s14  }
0x8e: {  	[smem:$0x3FB7] =	sst s2  }
0x8f: {  	_ = 	snop  }
0x90: {  	s2 =	sld [smem:$0x3FD0];
	_ =	sdelay $0x2  }
0x91: {  	s15 =	simm.s32 $0xB;
	s4 =	simm.s32 $0x10  }
0x92: {  	[smem:s4], [sflag:s15] =	dma.local [hbm:s2], $0x1  }
0x93: {  	_ =	swait.eq [sflag:s15], $0x1  }
0x94: {  	[sflag:s15] =	ssyncset.done $0x0  }
0x95: {  	[sflag:s15] =	ssyncadd.s32 $0xFFFFFFFF  }
0x96: {  	s16 =	sld [smem:$0x10];
	(tm) =	ssettm $0x1  }
0x97: {  	s17 =	sld [smem:$0x3FFB];
	_ =	sdelay $0x3  }
0x98: {  	_ =	strace s17  }
0x99: {  	s3 =	sld [smem:$0x3FFC];
	_ =	sdelay $0x3  }
0x9a: {  	_ =	strace s3  }
0x9b: {  	s3 =	sld [smem:$0x3FFD];
	_ =	sdelay $0x3  }
0x9c: {  	_ =	strace s3  }
0x9d: {  	_ =	strace $0x8FFFFFFF  }
0x9e: {  	s18 =	sld [smem:$0x3FDB];
	_ =	sdelay $0x1  }
0x9f: {  	s19 =	simm.s32 $_scs_section_size  }
0xa0: {  	s5 =	simm.s32 $_size__tile_overlayer_lowered;
	s6 =	simm.s32 $_tile_overlayer_lowered  }
0xa1: {  	s22 =	simm.s32 $0x1BFF;
	s21 =	sshll.u32 s6, $0x1;
	s3 =	sadd.s32 s19, s18  }
0xa2: {  	s7 =	simm.s32 $0x0;
	s20 =	sshll.u32 s5, $0x1;
	s5 =	sadd.s32 s21, s3  }
0xa3: {  	[timem:s7], [sflag:s22] =	dma.local [hbm:s5], s20  }
0xa4: {  	_ =	swait.ge [sflag:s22], s20  }
0xa5: {  	s4 =	ssub.s32 $0x0, s20;
	[sflag:s22] =	ssyncset.done $0x0  }
0xa6: {  	[sflag:s22] =	ssyncadd.s32 s4;
	_ =	sdelay $0x1  }
0xa7: {  	s23 =	simm.s32 $0x1B8B  }
0xa8: {  	_ =	swait.ge [sflag:s23], $0x1  }
0xa9: {  	[sflag:s23] =	ssyncset.done $0x0  }
0xaa: {  	s25 =	simm.s32 $0x1B8E;
	s24 =	sld [smem:$0x3FFE];
	[sflag:s23] =	ssyncadd.s32 $0xFFFFFFFF  }
0xab: {  	s26 =	simm.s32 $execute0_lowered;
	[smem:$0x3FD2] =	sst s25  }
0xac: {  	s5 =	sshll.u32 s26, $0x1;
	_ =	strace $0x8000004F;
	[dreg:$0x1] =	wrdreg $0xFFFFFFFF  }
0xad: {  	s28 =	simm.s32 $_size_execute0_lowered;
	s3 =	sadd.s32 s3, s5;
	[dreg:$0x0] =	wrdreg $0x0  }
0xae: {  	s5 =	sshll.u32 s28, $0x1;
	[dreg:$0x2] =	wrdreg s3  }
0xaf: {  	[dreg:$0x3] =	wrdreg s5  }
0xb0: {  	[dreg:$0x4] =	wrdreg $0xC0  }
0xb1: {  	_ =	task [dreg:s7], $0x5FFFF  }
0xb2: {  	[dreg:$0x1] =	wrdreg $0xFFFFFFFF  }
0xb3: {  	[dreg:$0x0] =	wrdreg $0x60  }
0xb4: {  	[dreg:$0x2] =	wrdreg s16  }
0xb5: {  	[dreg:$0x3] =	wrdreg s24  }
0xb6: {  	[dreg:$0x4] =	wrdreg $0x66000  }
0xb7: {  	[dreg:$0x5] =	wrdreg $0x9  }
0xb8: {  	_ =	task.clear_ibuf [dreg:s7], $0x6FFFF;
	_ =	strace $0x9000004F  }
0xb9: {  	s29 =	simm.s32 $0x9;
	_ =	strace $0x80000051  }
0xba: {  	_ =	swait.ge [sflag:s29], $0x1  }
0xbb: {  	[sflag:s29] =	ssyncadd.s32 $0xFFFFFFFF  }
0xbc: {  	_ =	strace $0x90000051  }
0xbd: {  	_ =	sfence  }
0xbe: {  	s30 =	sld [smem:$0x0];
	_ =	sdelay $0x2  }
0xbf: {  	s31 =	sshll.u32 s1, $0xD;
	s1 =	sshrl.u32 s1, $0x2  }
0xc0: {  	s3 =	sand.u32 $0x4000, s31;
	s1 =	sadd.s32 s1, s30  }
0xc1: {  	s0 =	sor.u32 s3, s0;
	s1 =	sshll.u32 s1, $0x11  }
0xc2: {  	s0 =	sor.u32 s1, s0  }
0xc3: {  	s0 =	sadd.s32 $0x8F2B, s0  }
0xc4: {  	[sflag:s0] =	ssyncadd.remote.s32 $0x1  }
0xc5: {  	_ =	sfence.sel $0xFFFF  }
0xc6: {  	[dreg:$0x0] =	wrdreg $0xFFFFFFFF;
	(pc) =	sbr.abs _section_cstart, $3  }
0xc7: {  	[dreg:$0x1] =	wrdreg $0xFFFFFFFF  }
0xc8: {  	_ =	task.clear_ibuf [dreg:s7], $0x2FFFF;
	_ =	strace $0x9FFFFFFF  }
0xc9: {  	(tm) =	ssettm $0x7FFFFFFF  }
tec
execute0_lowered:
.L_overlay_start_1:
0x0: {  	(tag) =	ssettag $0x1  }
0x1: {  	s0 =	rddreg [dreg:$0x0]  }
0x2: {  	s2 =	rddreg [dreg:$0x1]  }
0x3: {  	s1 =	rddreg [dreg:$0x2];
	s3 =	simm.s32 $0x0;
	s15 =	stileid.u32  }
0x4: {  	s5 =	srdreg.scid;
	s16 =	simm.s32 $0x1EE00;
	s28 =	simm.s32 $0x480  }
0x5: {  	s29 =	simm.s32 $0x5600;
	s30 =	simm.s32 $0x2;
	s31 =	simm.s32 $0x300  }
0x6: {  	[smem:$0x7FF] =	sst s3;
	s4 =	sadd.s32 $0x2C7800, s2;
	s6 =	sadd.s32 $0x20E00, s2  }
0x7: {  	s7 =	smul.u32 $0x18700, s15;
	s5 =	sand.u32 $0x1, s5;
	s8 =	sadd.s32 $0x4200, s2  }
0x8: {  	s9 =	smul.u32 $0xD700, s15;
	p4 =	sne.s32 s15, $0xF;
	s25 =	sadd.s32 $0x170F20, s2  }
0x9: {  	p0 =	seq.s32 s15, $0xF;
	s26 =	sadd.s32 $0x16E900, s1;
	s18 =	smul.u32 $0x62000, s15  }
0xa: {  	s20 =	sadd.s32 $0xC9900, s1;
	s22 =	smul.u32 $0xE60, s15;
	_ =	strace $0x80000050  }
0xb: {  	s10 =	sshll.u32 s5, $0x4;
	s12 =	ssub.s32 $0x2, s5;
	p3 =	seq.s32 s5, $0x0  }
0xc: {  	p1 =	seq.s32 s5, $0x1;
	[dreg:$0x6] =	wrdreg s25;
	s19 =	smul.u32 $0xE600, s5  }
0xd: {  	[dreg:$0xa] =	wrdreg s20;
	s20 =	simm.s32 $0x1;
	s26 =	sshrl.u32 s26, $0x3  }
0xe: {  	s11 =	sshrl.u32 s7, $0x3;
	s10 =	sor.u32 s15, s10;
	s13 =	sshrl.u32 s9, $0x3  }
0xf: {  	s14 =	sshrl.u32 s12, $0x1;
	p2 =	por !p3, !p4;
	p3 =	por !p3, !p0  }
0x10: {  	s7 =	sadd.s32 s7, s1;
	p4 =	por !p4, !p1;
	s9 =	sadd.s32 s9, s1  }
0x11: {  	s4 =	smov.u32 @p1 s0;
	[dreg:$0xe] =	wrdreg s26;
	s26 =	simm.s32 $0x4600  }
0x12: {  	s10 =	smul.u32 $0xE60, s10;
	s11 =	sadd.s32 s11, s2;
	s13 =	sadd.s32 s13, s2  }
0x13: {  	s12 =	ssub.s32 s12, s14;
	p2 =	por !p2, !p2;
	p3 =	por !p3, !p3  }
0x14: {  	p4 =	por !p4, !p4;
	s2 =	sadd.s32 $0x141720, s2;
	s23 =	sadd.s32 s19, s6  }
0x15: {  	s25 =	sshrl.u32 s7, $0x3;
	s7 =	simm.s32 $0x380;
	s11 =	sadd.s32 $0x143200, s11  }
0x16: {  	s17 =	sadd.s32 $0x128400, s13;
	[dreg:$0x9] =	wrdreg s2;
	s21 =	smax.u32 s12, $0x1  }
0x17: {  	s2 =	sadd.s32 s19, s8;
	s0 =	sadd.s32 s22, s23;
	[dreg:$0xc] =	wrdreg s25  }
0x18: {  	s19 =	simm.s32 $0x3;
	s25 =	simm.s32 $0x3600;
	[dreg:$0x7] =	wrdreg s11  }
0x19: {  	s23 =	simm.s32 $0x180;
	s24 =	sadd.s32 s6, s10;
	[dreg:$0x8] =	wrdreg s17  }
0x1a: {  	s10 =	sadd.s32 s8, s10;
	[dreg:$0xb] =	wrdreg s21;
	s2 =	sadd.s32 s22, s2  }
0x1b: {  	s14 =	sadd.s32 $0x20, s0;
	s17 =	simm.s32 $0x4;
	s21 =	simm.s32 $0x80  }
.Ltmp0:
0x1c: {  	s0 =	sshrl.u32 @p4 s9, $0x3;
	s8 =	simm.s32 $0x600;
	(pc) =	sbr.rel .LBB2_1-.Ltmp0, $4  }
0x1d: {  	s9 =	simm.s32 $0x1600;
	s11 =	simm.s32 $0x280;
	[dreg:$0x4] =	wrdreg s24  }
0x1e: {  	s6 =	simm.s32 $0x0;
	[dreg:$0x5] =	wrdreg s10;
	s24 =	sshrl.u32 s18, $0x2  }
0x1f: {  	s15 =	sadd.s32 $0x20, s2;
	s18 =	simm.s32 $0x100;
	[dreg:$0xd] =	wrdreg s0  }
0x20: {  	v0 =	vimm.f32 $0.0e+00;
	s0 =	simm.s32 $0x2600;
	s10 =	simm.s32 $0x200;
	s13 =	sadd.s32 s24, s1  }
.LBB2_23:
0x21: {  	s2 =	rddreg [dreg:$0x6]  }
0x22: {  	s5 =	rddreg [dreg:$0xe];
	s12 =	simm.s32 $0x1FC4  }
0x23: {  	[hbm:s2], [sflag:s12] =	dma.local [spmem:s5], $0x3020  }
0x24: {  	_ =	swait.ge [sflag:s17], $0x3020  }
0x25: {  	[sflag:s17] =	ssyncset.done $0x0  }
0x26: {  	[sflag:s17] =	ssyncadd.s32 $0xFFFFCFE0  }
.LBB2_24:
0x27: {  	s6 =	sadd.s32 $0x1, s6;
	s2 =	rddreg [dreg:$0xb]  }
0x28: {  	p5 =	sne.s32 s6, s2  }
.Ltmp1:
0x29: {  	_ = 	snop;
	(pc) =	sbr.rel @!p5 .LBB2_25-.Ltmp1, $1  }
0x2a: {  	_ =	sdelay $0x3  }
.LBB2_1:
0x2b: {  	s2 =	simm.s32 $0x0  }
.LBB2_2:
0x2c: {  	p5 =	sne.s32 s2, $0x1B80  }
.Ltmp2:
0x2d: {  	_ = 	snop;
	(pc) =	sbr.rel @p5 .LBB2_2-.Ltmp2, $4  }
0x2e: {  	_ = 	snop  }
0x2f: {  	s12 =	sshra.s32 s2, $0x2  }
0x30: {  	[tilespmem:s12+$0x1EE00] =	vst v0  }
0x31: {  	s2 =	sadd.s32 $0x80, s2;
	[tilespmem:s12+$0x1EE10] =	vst v0  }
0x32: {  	s2 =	sadd.s32 $0x0, s13  }
0x33: {  	[spmem:s2] =	stream.linear.scatter [tilespmem:s16], [sflag:$0x4], $0x700, $0x38;
	[tilespmem:$0x1F500] =	vst v63  }
0x34: {  	s2 =	simm.s32 $0x1C00;
	_ =	swait.ge [sflag:s17], $0x700  }
.LBB2_4:
0x35: {  	s12 =	sshra.s32 s2, $0x2;
	[sflag:s17] =	ssyncset.done $0x0;
	p5 =	sne.s32 s2, $0x60400  }
.Ltmp3:
0x36: {  	s12 =	sadd.s32 s12, s13;
	[sflag:s17] =	ssyncadd.s32 $0xFFFFF900;
	(pc) =	sbr.rel @p5 .LBB2_4-.Ltmp3, $3  }
0x37: {  	[spmem:s12] =	stream.linear.scatter [tilespmem:s16], [sflag:$0x4], $0x700, $0x38;
	[tilespmem:$0x1F500] =	vst v63  }
0x38: {  	s2 =	sadd.s32 $0x1C00, s2;
	_ =	sdelay $0x1  }
0x39: {  	_ =	swait.ge [sflag:s17], $0x700  }
0x3a: {  	[sflag:s17] =	ssyncset.done $0x0  }
0x3b: {  	[sflag:s17] =	ssyncadd.s32 $0xFFFFF900  }
0x3c: {  	[bflag:$0x0] =	sbarrier.arrive $0xFFFF  }
0x3d: {  	s2 =	simm.s32 $0x0;
	s5 =	rddreg [dreg:$0x4]  }
0x3e: {  	[tilespmem:s2], [sflag:$0x4] =	stream.linear.gather [hbm4b:s5+s2], $0x100, $0x38;
	[tilespmem:$0x1F500] =	vst v63  }
0x3f: {  	_ =	swait.ge [sflag:s17], $0x100  }
0x40: {  	[sflag:s17] =	ssyncset.done $0x0  }
.Ltmp4:
0x41: {  	s24 =	rddreg [dreg:$0x5];
	[sflag:s17] =	ssyncadd.s32 $0xFFFFFF00;
	(pc) =	sbr.rel .LBB2_6-.Ltmp4, $4  }
0x42: {  	[tilespmem:s18], [sflag:$0x4] =	stream.linear.gather [hbm4b:s24+s2], $0x100, $0x38;
	[tilespmem:$0x1F500] =	vst v63  }
0x43: {  	_ =	swait.ge [sflag:s17], $0x100  }
0x44: {  	[sflag:s17] =	ssyncset.done $0x0  }
0x45: {  	s12 =	simm.s32 $0x0;
	[sflag:s17] =	ssyncadd.s32 $0xFFFFFF00  }
.LBB2_17:
0x46: {  	_ =	swait.ge [sflag:s19], $0x2000  }
0x47: {  	[sflag:s19] =	ssyncset.done $0x0  }
0x48: {  	[sflag:s19] =	ssyncadd.s32 $0xFFFFE000  }
0x49: {  	_ =	swait.ge [sflag:s20], $0x100  }
0x4a: {  	[sflag:s20] =	ssyncset.done $0x0  }
0x4b: {  	[sflag:s20] =	ssyncadd.s32 $0xFFFFFF00  }
0x4c: {  	_ =	swait.ge [sflag:s20], $0x100  }
0x4d: {  	p5 =	seq.s32 s2, $0xE40;
	[sflag:s20] =	ssyncset.done $0x0  }
0x4e: {  	s5 =	sadd.s32 @!p5 s2, s14;
	s22 =	simm.s32 @!p5 $0x0;
	[sflag:s20] =	ssyncadd.s32 $0xFFFFFF00  }
0x4f: {  	[tilespmem:s22], [sflag:$0x1] =	stream.linear.gather @!p5 [hbm4b:s5+s22], $0x100, $0x38;
	[tilespmem:$0x1F500] =	vst v63  }
0x50: {  	s24 =	simm.s32 @!p5 $0x100;
	s5 =	sadd.s32 @!p5 s2, s15  }
0x51: {  	[tilespmem:s24], [sflag:$0x1] =	stream.linear.gather @!p5 [hbm4b:s5+s22], $0x100, $0x38;
	[tilespmem:$0x1F500] =	vst v63  }
0x52: {  	s24 =	simm.s32 $0x400  }
0x53: {  	[tilespmem:s26], [sflag:$0x2] =	stream.indirect.gather [hbm4b:s4+s21], $0x20, s24, s21, $0xb8;
	[tilespmem:$0x1F500] =	vst v63  }
0x54: {  	_ = 	snop  }
0x55: {  	[tilespmem:s29], [sflag:$0x2] =	stream.indirect.gather [hbm4b:s4+s21], $0x20, s28, s21, $0xb8;
	[tilespmem:$0x1F500] =	vst v63  }
0x56: {  	_ =	swait.ge [sflag:s30], $0x2000  }
0x57: {  	[sflag:s30] =	ssyncset.done $0x0  }
0x58: {  	[sflag:s30] =	ssyncadd.s32 $0xFFFFE000  }
0x59: {  	[spmem:s1] =	stream.indirect.scatter.add.f32 [tilespmem:s0], [sflag:$0x3], $0x20, s31, s21, $0xb8;
	[tilespmem:$0x1F500] =	vst v63  }
0x5a: {  	_ = 	snop  }
0x5b: {  	[spmem:s1] =	stream.indirect.scatter.add.f32 [tilespmem:s25], [sflag:$0x3], $0x20, s7, s21, $0xb8;
	[tilespmem:$0x1F500] =	vst v63  }
.LBB2_18:
0x5c: {  	s2 =	sadd.s32 $0x20, s2  }
0x5d: {  	p5 =	sne.s32 s2, $0xE60  }
.Ltmp5:
0x5e: {  	_ = 	snop;
	(pc) =	sbr.rel @!p5 .LBB2_19-.Ltmp5, $2  }
0x5f: {  	_ =	sdelay $0x2  }
0x60: {  	s12 =	sadd.s32 $0x1, s12  }
.LBB2_6:
0x61: {  	s24 =	smul.u32 $0xAB, s12;
	_ =	sdelay $0x1  }
0x62: {  	s24 =	sshrl.u32 s24, $0x9  }
0x63: {  	s24 =	sand.u32 $0x7F, s24  }
0x64: {  	s24 =	smul.u32 $0x3, s24;
	_ =	sdelay $0x1  }
0x65: {  	s24 =	ssub.s32 s12, s24  }
0x66: {  	s24 =	sand.u32 $0xFF, s24  }
0x67: {  	p5 =	seq.s32 s24, $0x2  }
.Ltmp6:
0x68: {  	_ = 	snop;
	(pc) =	sbr.rel @p5 .LBB2_17-.Ltmp6, $1  }
0x69: {  	_ =	sdelay $0x3  }
0x6a: {  	p5 =	seq.s32 s24, $0x1  }
.Ltmp7:
0x6b: {  	_ = 	snop;
	(pc) =	sbr.rel @!p5 .LBB2_8-.Ltmp7, $1  }
0x6c: {  	_ =	sdelay $0x3  }
0x6d: {  	p5 =	slt.u32 s12, $0x2  }
0x6e: {  	s24 =	simm.s32 @!p5 $0x3  }
0x6f: {  	_ =	swait.ge @!p5 [sflag:s24], $0x2000  }
0x70: {  	[sflag:s24] =	ssyncset.done @!p5 $0x0  }
0x71: {  	[sflag:s24] =	ssyncadd.s32 @!p5 $0xFFFFE000  }
0x72: {  	_ =	swait.ge [sflag:s20], $0x100  }
0x73: {  	[sflag:s20] =	ssyncset.done $0x0  }
0x74: {  	[sflag:s20] =	ssyncadd.s32 $0xFFFFFF00  }
0x75: {  	p5 =	seq.s32 s2, $0xE40;
	_ =	swait.ge [sflag:s20], $0x100  }
0x76: {  	s24 =	sadd.s32 @!p5 s2, s14;
	[sflag:s20] =	ssyncset.done $0x0  }
0x77: {  	s5 =	simm.s32 @!p5 $0x0;
	s22 =	simm.s32 @!p5 $0x400;
	[sflag:s20] =	ssyncadd.s32 $0xFFFFFF00  }
0x78: {  	[tilespmem:s22], [sflag:$0x1] =	stream.linear.gather @!p5 [hbm4b:s24+s5], $0x100, $0x38;
	[tilespmem:$0x1F500] =	vst v63  }
0x79: {  	s22 =	sadd.s32 @!p5 s2, s15;
	s24 =	simm.s32 @!p5 $0x500  }
0x7a: {  	[tilespmem:s24], [sflag:$0x1] =	stream.linear.gather @!p5 [hbm4b:s22+s5], $0x100, $0x38;
	[tilespmem:$0x1F500] =	vst v63  }
0x7b: {  	_ = 	snop  }
0x7c: {  	[tilespmem:s0], [sflag:$0x2] =	stream.indirect.gather [hbm4b:s4+s21], $0x20, s10, s21, $0xb8;
	[tilespmem:$0x1F500] =	vst v63  }
0x7d: {  	_ = 	snop  }
0x7e: {  	[tilespmem:s25], [sflag:$0x2] =	stream.indirect.gather [hbm4b:s4+s21], $0x20, s11, s21, $0xb8;
	[tilespmem:$0x1F500] =	vst v63  }
0x7f: {  	_ =	swait.ge [sflag:s30], $0x2000  }
.Ltmp8:
0x80: {  	[sflag:s30] =	ssyncset.done $0x0;
	(pc) =	sbr.rel .LBB2_18-.Ltmp8, $4  }
0x81: {  	[sflag:s30] =	ssyncadd.s32 $0xFFFFE000  }
0x82: {  	[spmem:s1] =	stream.indirect.scatter.add.f32 [tilespmem:s8], [sflag:$0x3], $0x20, s18, s21, $0xb8;
	[tilespmem:$0x1F500] =	vst v63  }
0x83: {  	_ = 	snop  }
0x84: {  	[spmem:s1] =	stream.indirect.scatter.add.f32 [tilespmem:s9], [sflag:$0x3], $0x20, s23, s21, $0xb8;
	[tilespmem:$0x1F500] =	vst v63  }
.LBB2_8:
0x85: {  	p5 =	slt.u32 s12, $0x2  }
.Ltmp9:
0x86: {  	_ = 	snop;
	(pc) =	sbr.rel @p5 .LBB2_12-.Ltmp9, $1  }
0x87: {  	_ =	sdelay $0x3  }
.Ltmp10:
0x88: {  	(pc) =	sbr.rel .LBB2_10-.Ltmp10, $4  }
0x89: {  	_ = 	snop  }
0x8a: {  	_ =	swait.ge [sflag:s19], $0x2000  }
0x8b: {  	[sflag:s19] =	ssyncset.done $0x0  }
0x8c: {  	[sflag:s19] =	ssyncadd.s32 $0xFFFFE000  }
.LBB2_12:
0x8d: {  	p5 =	seq.s32 s2, $0x0  }
.Ltmp11:
0x8e: {  	_ = 	snop;
	(pc) =	sbr.rel @p5 .LBB2_13-.Ltmp11, $1  }
0x8f: {  	_ =	sdelay $0x3  }
.LBB2_10:
0x90: {  	_ =	swait.ge [sflag:s20], $0x100;
	p6 =	seq.s32 s2, $0xE40  }
.Ltmp12:
0x91: {  	[sflag:s20] =	ssyncset.done $0x0;
	(pc) =	sbr.rel @!p6 .LBB2_14-.Ltmp12, $4  }
0x92: {  	[sflag:s20] =	ssyncadd.s32 $0xFFFFFF00  }
0x93: {  	_ =	swait.ge [sflag:s20], $0x100  }
0x94: {  	[sflag:s20] =	ssyncset.done $0x0  }
0x95: {  	p5 =	por $0x0, $0x0;
	[sflag:s20] =	ssyncadd.s32 $0xFFFFFF00  }
.Ltmp13:
0x96: {  	(pc) =	sbr.rel .LBB2_15-.Ltmp13, $4  }
0x97: {  	_ = 	snop  }
0x98: {  	[tilespmem:s8], [sflag:$0x2] =	stream.indirect.gather [hbm4b:s4+s21], $0x20, s3, s21, $0xb8;
	[tilespmem:$0x1F500] =	vst v63  }
0x99: {  	_ = 	snop  }
0x9a: {  	[tilespmem:s9], [sflag:$0x2] =	stream.indirect.gather [hbm4b:s4+s21], $0x20, s21, s21, $0xb8;
	[tilespmem:$0x1F500] =	vst v63  }
.LBB2_13:
0x9b: {  	p5 =	por $0x1, $0x1  }
.LBB2_14:
0x9c: {  	s24 =	sadd.s32 s2, s14  }
0x9d: {  	[tilespmem:s10], [sflag:$0x1] =	stream.linear.gather [hbm4b:s24+s3], $0x100, $0x38;
	[tilespmem:$0x1F500] =	vst v63  }
0x9e: {  	s22 =	sadd.s32 s2, s15  }
0x9f: {  	[tilespmem:s31], [sflag:$0x1] =	stream.linear.gather [hbm4b:s22+s3], $0x100, $0x38;
	[tilespmem:$0x1F500] =	vst v63  }
.Ltmp14:
0xa0: {  	_ = 	snop;
	(pc) =	sbr.rel @p5 .LBB2_18-.Ltmp14, $4  }
0xa1: {  	_ = 	snop  }
0xa2: {  	[tilespmem:s8], [sflag:$0x2] =	stream.indirect.gather [hbm4b:s4+s21], $0x20, s3, s21, $0xb8;
	[tilespmem:$0x1F500] =	vst v63  }
0xa3: {  	_ = 	snop  }
0xa4: {  	[tilespmem:s9], [sflag:$0x2] =	stream.indirect.gather [hbm4b:s4+s21], $0x20, s21, s21, $0xb8;
	[tilespmem:$0x1F500] =	vst v63  }
.LBB2_15:
0xa5: {  	_ =	swait.ge [sflag:s30], $0x2000  }
.Ltmp15:
0xa6: {  	[sflag:s30] =	ssyncset.done $0x0;
	(pc) =	sbr.rel .LBB2_18-.Ltmp15, $4  }
0xa7: {  	s5 =	simm.s32 $0x500;
	[sflag:s30] =	ssyncadd.s32 $0xFFFFE000  }
0xa8: {  	[spmem:s1] =	stream.indirect.scatter.add.f32 [tilespmem:s26], [sflag:$0x3], $0x20, s5, s21, $0xb8;
	[tilespmem:$0x1F500] =	vst v63  }
0xa9: {  	s24 =	simm.s32 $0x580  }
0xaa: {  	[spmem:s1] =	stream.indirect.scatter.add.f32 [tilespmem:s29], [sflag:$0x3], $0x20, s24, s21, $0xb8;
	[tilespmem:$0x1F500] =	vst v63  }
.LBB2_19:
0xab: {  	_ =	swait.ge [sflag:s30], $0x2000  }
0xac: {  	[sflag:s30] =	ssyncset.done $0x0  }
0xad: {  	[sflag:s30] =	ssyncadd.s32 $0xFFFFE000  }
0xae: {  	[spmem:s1] =	stream.indirect.scatter.add.f32 [tilespmem:s8], [sflag:$0x3], $0x20, s18, s21, $0xb8;
	[tilespmem:$0x1F500] =	vst v63  }
0xaf: {  	_ = 	snop  }
0xb0: {  	[spmem:s1] =	stream.indirect.scatter.add.f32 [tilespmem:s9], [sflag:$0x3], $0x20, s23, s21, $0xb8;
	[tilespmem:$0x1F500] =	vst v63  }
0xb1: {  	_ =	swait.ge [sflag:s19], $0x2000  }
0xb2: {  	[sflag:s19] =	ssyncset.done $0x0  }
0xb3: {  	[sflag:s19] =	ssyncadd.s32 $0xFFFFE000  }
.Ltmp16:
0xb4: {  	_ =	swait.ge [sflag:s19], $0x2000;
	(pc) =	sbr.rel @!p2 .LBB2_22-.Ltmp16, $3  }
0xb5: {  	[sflag:s19] =	ssyncset.done $0x0  }
0xb6: {  	[sflag:s19] =	ssyncadd.s32 $0xFFFFE000  }
0xb7: {  	[bflag:$0x0] =	sbarrier.arrive $0xFFFF;
	_ =	sdelay $0x1  }
0xb8: {  	s2 =	stileid.u32  }
0xb9: {  	s5 =	rddreg [dreg:$0x7];
	s2 =	sshll.u32 s2, $0x6  }
.Ltmp17:
0xba: {  	s12 =	rddreg [dreg:$0xc];
	s2 =	sor.u32 $0x1C04, s2;
	(pc) =	sbr.rel .LBB2_21-.Ltmp17, $4  }
0xbb: {  	[hbm:s5], [sflag:s2] =	dma.local [spmem:s12], $0x30E0  }
0xbc: {  	_ =	swait.ge [sflag:s17], $0x30E0  }
0xbd: {  	[sflag:s17] =	ssyncset.done $0x0  }
0xbe: {  	p5 =	por $0x0, $0x0;
	[sflag:s17] =	ssyncadd.s32 $0xFFFFCF20  }
.LBB2_22:
.Ltmp18:
0xbf: {  	(pc) =	sbr.rel @p3 .LBB2_23-.Ltmp18, $2  }
0xc0: {  	_ =	sdelay $0x2  }
0xc1: {  	p5 =	por p0, p0  }
.LBB2_21:
0xc2: {  	s5 =	stileid.u32  }
0xc3: {  	s12 =	rddreg [dreg:$0x8];
	p6 =	por @p4 $0x1, $0x1;
	s2 =	sshll.u32 @p4 s5, $0x6  }
0xc4: {  	s22 =	rddreg [dreg:$0xd];
	p6 =	por @!p4 p1, p1;
	s2 =	sor.u32 @p4 $0x1C04, s2  }
0xc5: {  	[hbm:s12], [sflag:s2] =	dma.local @p4 [spmem:s22], $0x1AE0  }
0xc6: {  	p5 =	por !p6, !p5;
	s2 =	simm.s32 @p4 $0x4  }
0xc7: {  	p5 =	por !p5, !p5;
	_ =	swait.ge @p4 [sflag:s2], $0x1AE0  }
0xc8: {  	s5 =	sshll.u32 @p5 s5, $0x6;
	[sflag:s2] =	ssyncset.done @p4 $0x0  }
0xc9: {  	[sflag:s2] =	ssyncadd.s32 @p4 $0xFFFFE520;
	s2 =	sor.u32 @p5 $0x1C04, s5;
	s5 =	rddreg [dreg:$0xa]  }
0xca: {  	s12 =	rddreg [dreg:$0x9];
	s5 =	sshrl.u32 @p5 s5, $0x3  }
0xcb: {  	[hbm:s12], [sflag:s2] =	dma.local @p5 [spmem:s5], $0x1AA0  }
.Ltmp19:
0xcc: {  	_ = 	snop;
	(pc) =	sbr.rel .LBB2_24-.Ltmp19, $4  }
0xcd: {  	s2 =	simm.s32 @p5 $0x4  }
0xce: {  	_ =	swait.ge @p5 [sflag:s2], $0x1AA0  }
0xcf: {  	[sflag:s2] =	ssyncset.done @p5 $0x0  }
0xd0: {  	[sflag:s2] =	ssyncadd.s32 @p5 $0xFFFFE560  }
.LBB2_25:
0xd1: {  	_ =	sfence.sel $0x180000  }
0xd2: {  	[bflag:$0x0] =	sbarrier.arrive $0xFFFF  }
0xd3: {  	_ =	strace $0x90000050  }
0xd4: {  	s0 =	stileid.u32;
	[bflag:$0x2] =	sbarrier.arrive $0xFFFF  }
0xd5: {  	p0 =	sne.s32 s0, $0x0;
	s0 =	rddreg [dreg:$0x3]  }
0xd6: {  	s0 =	sadd.s32 @!p0 $0x100000, s0  }
0xd7: {  	[sflag:s0] =	ssyncadd.tile.s32 @!p0 $0x1;
	_ =	shalt  }
.Lfunc_end2:
_tile_overlayer_lowered:
.L_overlay_start_2:
0xd8: {  	(tag) =	ssettag $0x2  }
0xd9: {  	s0 =	rddreg [dreg:$0x0];
	s2 =	stileid.u32  }
0xda: {  	s1 =	rddreg [dreg:$0x1];
	p0 =	sne.s32 s2, $0x0  }
0xdb: {  	s3 =	rddreg [dreg:$0x2];
	[bflag:$0x3] =	sbarrier.arrive $0xFFFF;
	s2 =	simm.s32 @!p0 $0x1C04  }
0xdc: {  	[timem:s3], [sflag:s2] =	dma.local @!p0 [hbm:s0], s1  }
0xdd: {  	s0 =	simm.s32 @!p0 $0x4  }
0xde: {  	_ =	swait.ge @!p0 [sflag:s0], s1  }
0xdf: {  	s1 =	ssub.s32 @!p0 $0x0, s1;
	[sflag:s0] =	ssyncset.done @!p0 $0x0  }
0xe0: {  	[sflag:s0] =	ssyncadd.s32 @!p0 s1  }
0xe1: {  	[bflag:$0x3] =	sbarrier.arrive $0xFFFF  }
0xe2: {  	_ =	shalt  }

</sc_bundles>
